<compile_context>
chip_gen: v7x
topology: tpu7x:2x2x1
jax: 0.10.2.dev20260603
libtpu: 0.0.44.dev20260713+nightly
codegen_flags: <defaults>
</compile_context>

<pallas_src>
import functools

import jax
import jax.numpy as jnp
from jax import lax
from jax.experimental import pallas as pl
from jax.experimental.pallas import tpu as pltpu
from jax.experimental.pallas import tpu_sc as plsc

N = 10000
E = 320000
D = 128
G = 64

NC = 2
NS = 16
NW = NC * NS

EDGE_CHUNK = 125
KDEPTH = 8
E_PER_TILE = E // NW
CHUNKS_PER_TILE = E_PER_TILE // EDGE_CHUNK
GROUPS_PER_TILE = CHUNKS_PER_TILE // KDEPTH
ROWS_T = 624
ROWS_TAIL = N - NS * ROWS_T


def _seg_sum_body(h_hbm, srcr_hbm, dstr_hbm, zeros_hbm, out_hbm,
                  src_v, dst_v, rows_bufs, acc, sems, ssems):
  c = lax.axis_index("c")
  s = lax.axis_index("s")
  w = c * NS + s

  zbase = pl.multiple_of(s * ROWS_T, 8)
  pltpu.async_copy(zeros_hbm.at[pl.ds(zbase, ROWS_T)],
                   acc.at[pl.ds(zbase, ROWS_T)], sems[0])
  pltpu.async_copy(srcr_hbm.at[w], src_v, sems[1])
  pltpu.async_copy(dstr_hbm.at[w], dst_v, sems[2])

  @pl.when(s == NS - 1)
  def _():
    pltpu.async_copy(zeros_hbm.at[pl.ds(NS * ROWS_T, ROWS_TAIL)],
                     acc.at[pl.ds(NS * ROWS_T, ROWS_TAIL)], sems[3]).wait()

  pltpu.make_async_copy(zeros_hbm.at[pl.ds(zbase, ROWS_T)],
                        acc.at[pl.ds(zbase, ROWS_T)], sems[0]).wait()
  pltpu.make_async_copy(srcr_hbm.at[w], src_v, sems[1]).wait()
  pltpu.make_async_copy(dstr_hbm.at[w], dst_v, sems[2]).wait()
  plsc.subcore_barrier()

  for b in range(KDEPTH):
    pltpu.async_copy(h_hbm.at[src_v.at[b]], rows_bufs.at[b], sems[b])

  def group(i, carry):
    g0 = i * KDEPTH
    for b in range(KDEPTH):
      pltpu.make_async_copy(h_hbm.at[src_v.at[g0 + b]], rows_bufs.at[b],
                            sems[b]).wait()
      pltpu.async_copy(rows_bufs.at[b], acc.at[dst_v.at[g0 + b]], ssems[b],
                       add=True)
    for b in range(KDEPTH):
      pltpu.make_async_copy(rows_bufs.at[b], acc.at[dst_v.at[g0 + b]],
                            ssems[b]).wait()

      @pl.when(i + 1 < GROUPS_PER_TILE)
      def _():
        pltpu.async_copy(h_hbm.at[src_v.at[g0 + KDEPTH + b]],
                         rows_bufs.at[b], sems[b])
    return carry

  lax.fori_loop(0, GROUPS_PER_TILE, group, 0, unroll=False)

  plsc.subcore_barrier()
  pltpu.sync_copy(acc.at[pl.ds(zbase, ROWS_T)],
                  out_hbm.at[c, pl.ds(zbase, ROWS_T)])

  @pl.when(s == NS - 1)
  def _():
    pltpu.sync_copy(acc.at[pl.ds(NS * ROWS_T, ROWS_TAIL)],
                    out_hbm.at[c, pl.ds(NS * ROWS_T, ROWS_TAIL)])


def _seg_sum_sc(h, src_r, dst_r, zeros):
  mesh = plsc.VectorSubcoreMesh(core_axis_name="c", subcore_axis_name="s")
  return pl.kernel(
      _seg_sum_body,
      out_type=jax.ShapeDtypeStruct((NC, N, D), jnp.bfloat16),
      mesh=mesh,
      scratch_types=[
          pltpu.VMEM((CHUNKS_PER_TILE, EDGE_CHUNK), jnp.int32),
          pltpu.VMEM((CHUNKS_PER_TILE, EDGE_CHUNK), jnp.int32),
          pltpu.VMEM((KDEPTH, EDGE_CHUNK, D), jnp.bfloat16),
          pltpu.VMEM_SHARED((N, D), jnp.bfloat16),
          [pltpu.SemaphoreType.DMA] * KDEPTH,
          [pltpu.SemaphoreType.DMA] * KDEPTH,
      ],
      compiler_params=pltpu.CompilerParams(use_tc_tiling_on_sc=False),
  )(h, src_r, dst_r, zeros)


BN = 1000


def _dense_body(relu, p0_ref, p1_ref, h_ref, wr_ref, wroot_ref, b_ref,
                out_ref):
  agg = (p0_ref[...].astype(jnp.float32) + p1_ref[...].astype(jnp.float32))
  r = (jnp.dot(agg, wr_ref[...], preferred_element_type=jnp.float32)
       + jnp.dot(h_ref[...].astype(jnp.float32), wroot_ref[...],
                 preferred_element_type=jnp.float32)
       + b_ref[...])
  r = jnp.maximum(r, 0.0) if relu else r
  out_ref[...] = r.astype(out_ref.dtype)


def _dense_layer(parts, h, wr, wroot, b, relu, out_dtype):
  p0 = parts[0]
  p1 = parts[1]
  b2 = b.reshape(1, D)
  grid = (N // BN,)
  return pl.pallas_call(
      functools.partial(_dense_body, relu),
      grid=grid,
      in_specs=[
          pl.BlockSpec((BN, D), lambda i: (i, 0)),
          pl.BlockSpec((BN, D), lambda i: (i, 0)),
          pl.BlockSpec((BN, D), lambda i: (i, 0)),
          pl.BlockSpec((D, D), lambda i: (0, 0)),
          pl.BlockSpec((D, D), lambda i: (0, 0)),
          pl.BlockSpec((1, D), lambda i: (0, 0)),
      ],
      out_specs=pl.BlockSpec((BN, D), lambda i: (i, 0)),
      out_shape=jax.ShapeDtypeStruct((N, D), out_dtype),
  )(p0, p1, h, wr, wroot, b2)


def _tail_body(p0_ref, p1_ref, h_ref, wr_ref, wroot_ref, b_ref,
               batch_ref, wl_ref, bl_ref, out_ref, sum_s, cnt_s):
  i = pl.program_id(0)
  agg = (p0_ref[...].astype(jnp.float32) + p1_ref[...].astype(jnp.float32))
  r = (jnp.dot(agg, wr_ref[...], preferred_element_type=jnp.float32)
       + jnp.dot(h_ref[...].astype(jnp.float32), wroot_ref[...],
                 preferred_element_type=jnp.float32)
       + b_ref[...])

  bb = batch_ref[0, 0, :]
  onehot = (bb[None, :] == lax.broadcasted_iota(jnp.int32, (G, BN), 0)
            ).astype(jnp.float32)
  psum = jnp.dot(onehot, r, preferred_element_type=jnp.float32)
  pcnt = jnp.dot(onehot, jnp.ones((BN, D), jnp.float32),
                 preferred_element_type=jnp.float32)

  @pl.when(i == 0)
  def _():
    sum_s[...] = jnp.zeros((G, D), jnp.float32)
    cnt_s[...] = jnp.zeros((G, D), jnp.float32)

  sum_s[...] += psum
  cnt_s[...] += pcnt

  @pl.when(i == pl.num_programs(0) - 1)
  def _():
    pooled = sum_s[...] / jnp.maximum(cnt_s[...], 1.0)
    out_ref[...] = (jnp.dot(pooled, wl_ref[...],
                            preferred_element_type=jnp.float32)
                    + bl_ref[...])


def _tail(parts, h, wr, wroot, b, batch3, w_lin, b_lin):
  return pl.pallas_call(
      _tail_body,
      grid=(N // BN,),
      in_specs=[
          pl.BlockSpec((BN, D), lambda i: (i, 0)),
          pl.BlockSpec((BN, D), lambda i: (i, 0)),
          pl.BlockSpec((BN, D), lambda i: (i, 0)),
          pl.BlockSpec((D, D), lambda i: (0, 0)),
          pl.BlockSpec((D, D), lambda i: (0, 0)),
          pl.BlockSpec((1, D), lambda i: (0, 0)),
          pl.BlockSpec((1, 1, BN), lambda i: (i, 0, 0)),
          pl.BlockSpec((D, 2), lambda i: (0, 0)),
          pl.BlockSpec((1, 2), lambda i: (0, 0)),
      ],
      out_specs=pl.BlockSpec((G, 2), lambda i: (0, 0)),
      out_shape=jax.ShapeDtypeStruct((G, 2), jnp.float32),
      scratch_shapes=[
          pltpu.VMEM((G, D), jnp.float32),
          pltpu.VMEM((G, D), jnp.float32),
      ],
  )(parts[0], parts[1], h, wr, wroot, b.reshape(1, D), batch3,
    w_lin, b_lin.reshape(1, 2))


def kernel(x, edge_index, batch, W1_rel, b1, W1_root, W2_rel, b2, W2_root,
           W3_rel, b3, W3_root, W_lin, b_lin):
  src_r = edge_index[0].reshape(NW, CHUNKS_PER_TILE, EDGE_CHUNK)
  dst_r = edge_index[1].reshape(NW, CHUNKS_PER_TILE, EDGE_CHUNK)
  batch3 = batch.reshape(N // BN, 1, BN)
  zeros_n = jnp.zeros((N, D), jnp.bfloat16)

  h = x.astype(jnp.bfloat16)
  p = _seg_sum_sc(h, src_r, dst_r, zeros_n)
  h = _dense_layer(p, h, W1_rel, W1_root, b1, relu=True,
                   out_dtype=jnp.bfloat16)
  p = _seg_sum_sc(h, src_r, dst_r, zeros_n)
  h = _dense_layer(p, h, W2_rel, W2_root, b2, relu=True,
                   out_dtype=jnp.bfloat16)
  p = _seg_sum_sc(h, src_r, dst_r, zeros_n)
  return _tail(p, h, W3_rel, W3_root, b3, batch3, W_lin, b_lin)

# --- scband reference (transcript-rebuilt; emitter-appended) ---
"""Pipeline reference for scband-gnn-82583631167933 (READ-ONLY COPY).

The authoritative reference and input builder live on the scoring server;
editing this copy changes nothing except your own understanding.
"""

import jax, jax.numpy as jnp
import numpy as np

N = 10000
E = 320000
D = 128
H = 128
G = 64

def setup_inputs(seed: int = 0):
    key = jax.random.key(seed)
    ks = jax.random.split(key, 16)
    inp = {}
    inp["x"] = jax.random.normal(ks[0], (N, D), dtype=jnp.float32)
    inp["edge_index"] = jax.random.randint(ks[1], (2, E), 0, N, dtype=jnp.int32)
    inp["batch"] = jnp.sort(jax.random.randint(ks[2], (N,), 0, G, dtype=jnp.int32))
    def glorot(k, fan_in, fan_out):
        return jax.random.normal(k, (fan_in, fan_out), dtype=jnp.float32) * (1.0 / np.sqrt(fan_in))
    # GraphConv 1 (lazy in_channels resolved to D)
    inp["W1_rel"] = glorot(ks[3], D, H)
    inp["b1"] = jnp.zeros((H,), dtype=jnp.float32)
    inp["W1_root"] = glorot(ks[4], D, H)
    # GraphConv 2
    inp["W2_rel"] = glorot(ks[5], H, H)
    inp["b2"] = jnp.zeros((H,), dtype=jnp.float32)
    inp["W2_root"] = glorot(ks[6], H, H)
    # GraphConv 3
    inp["W3_rel"] = glorot(ks[7], H, H)
    inp["b3"] = jnp.zeros((H,), dtype=jnp.float32)
    inp["W3_root"] = glorot(ks[8], H, H)
    # final linear
    inp["W_lin"] = glorot(ks[9], H, 2)
    inp["b_lin"] = jnp.zeros((2,), dtype=jnp.float32)
    return inp

def reference(x, edge_index, batch, W1_rel, b1, W1_root, W2_rel, b2, W2_root, W3_rel, b3, W3_root, W_lin, b_lin):
    src = edge_index[0]
    dst = edge_index[1]

    def graph_conv(h, Wr, br, Wroot):
        # PyG GraphConv: out = lin_rel(sum_{j->i} x_j) + lin_root(x_i)
        msg = jnp.take(h, src, axis=0)
        agg = jax.ops.segment_sum(msg, dst, num_segments=N)
        return agg @ Wr + br + h @ Wroot

    h = jax.nn.relu(graph_conv(x, W1_rel, b1, W1_root))
    h = jax.nn.relu(graph_conv(h, W2_rel, b2, W2_root))
    h = graph_conv(h, W3_rel, b3, W3_root)
    # global_mean_pool over batch segment ids
    sums = jax.ops.segment_sum(h, batch, num_segments=G)
    counts = jax.ops.segment_sum(jnp.ones((N,), dtype=jnp.float32), batch, num_segments=G)
    pooled = sums / jnp.clip(counts, 1.0)[:, None]
    # dropout is identity in eval mode
    out = pooled @ W_lin + b_lin
    return out

if __name__ == "__main__":
    import jax
    _d = setup_inputs()
    print(jax.jit(kernel)(*tuple(_d.values())))

</pallas_src>

<mosaic_0001>
#map = affine_map<(d0, d1) -> (0, 0)>
#map1 = affine_map<(d0, d1) -> (0, 0, 0)>
module attributes {stable_mosaic.version = 14 : i64} {
  func.func @_seg_sum_body(%arg0: i32, %arg1: i32, %arg2: memref<10000x128xbf16, #tpu.memory_space<hbm>>, %arg3: memref<32x80x125xi32, #tpu.memory_space<hbm>>, %arg4: memref<32x80x125xi32, #tpu.memory_space<hbm>>, %arg5: memref<10000x128xbf16, #tpu.memory_space<hbm>>, %arg6: memref<2x10000x128xbf16, #tpu.memory_space<hbm>>, %arg7: memref<80x125xi32, #tpu.memory_space<vmem>>, %arg8: memref<80x125xi32, #tpu.memory_space<vmem>>, %arg9: memref<8x125x128xbf16, #tpu.memory_space<vmem>>, %arg10: memref<10000x128xbf16, #tpu.memory_space<vmem_shared>>, %arg11: memref<!tpu.dma_semaphore, #tpu.memory_space<semaphore_mem>>, %arg12: memref<!tpu.dma_semaphore, #tpu.memory_space<semaphore_mem>>, %arg13: memref<!tpu.dma_semaphore, #tpu.memory_space<semaphore_mem>>, %arg14: memref<!tpu.dma_semaphore, #tpu.memory_space<semaphore_mem>>, %arg15: memref<!tpu.dma_semaphore, #tpu.memory_space<semaphore_mem>>, %arg16: memref<!tpu.dma_semaphore, #tpu.memory_space<semaphore_mem>>, %arg17: memref<!tpu.dma_semaphore, #tpu.memory_space<semaphore_mem>>, %arg18: memref<!tpu.dma_semaphore, #tpu.memory_space<semaphore_mem>>, %arg19: memref<!tpu.dma_semaphore, #tpu.memory_space<semaphore_mem>>, %arg20: memref<!tpu.dma_semaphore, #tpu.memory_space<semaphore_mem>>, %arg21: memref<!tpu.dma_semaphore, #tpu.memory_space<semaphore_mem>>, %arg22: memref<!tpu.dma_semaphore, #tpu.memory_space<semaphore_mem>>, %arg23: memref<!tpu.dma_semaphore, #tpu.memory_space<semaphore_mem>>, %arg24: memref<!tpu.dma_semaphore, #tpu.memory_space<semaphore_mem>>, %arg25: memref<!tpu.dma_semaphore, #tpu.memory_space<semaphore_mem>>, %arg26: memref<!tpu.dma_semaphore, #tpu.memory_space<semaphore_mem>>) attributes {dimension_semantics = [#tpu.dimension_semantics<core_parallel>, #tpu.dimension_semantics<subcore_parallel>], iteration_bounds = array<i64: 2, 16>, scalar_prefetch = 0 : i64, scratch_operands = 20 : i64, tpu.core_type = #tpu.core_type<sc_vector_subcore>, window_params = [{transform_indices = #map}, {transform_indices = #map1}, {transform_indices = #map1}, {transform_indices = #map}, {transform_indices = #map1}]} {
    %mul3A = arith.constant 16 : i32
    %mul3A_0 = arith.muli %arg0, %mul3A : i32
    %add3A = arith.addi %mul3A_0, %arg1 : i32
    %mul3A_1 = arith.constant 624 : i32
    %mul3A_2 = arith.muli %arg1, %mul3A_1 : i32
    %multiple_of3A = tpu.assume_multiple %mul3A_2, 8 : i32
    %dma_start3A = arith.constant 0 : i32
    %dma_start3A_3 = tpu.memref_slice %arg10[%multiple_of3A, %dma_start3A] : memref<10000x128xbf16, #tpu.memory_space<vmem_shared>> -> memref<624x128xbf16, #tpu.memory_space<vmem_shared>>
    %dma_start3A_4 = arith.constant 0 : i32
    %dma_start3A_5 = tpu.memref_slice %arg5[%multiple_of3A, %dma_start3A_4] : memref<10000x128xbf16, #tpu.memory_space<hbm>> -> memref<624x128xbf16, #tpu.memory_space<hbm>>
    tpu.enqueue_dma source(%dma_start3A_5 : memref<624x128xbf16, #tpu.memory_space<hbm>>) target(%dma_start3A_3 : memref<624x128xbf16, #tpu.memory_space<vmem_shared>>) target_semaphore(%arg11 : memref<!tpu.dma_semaphore, #tpu.memory_space<semaphore_mem>>)
    %dma_start3A_6 = arith.constant 0 : i32
    %dma_start3A_7 = arith.constant 0 : i32
    %dma_start3A_8 = tpu.memref_slice %arg3[%add3A, %dma_start3A_6, %dma_start3A_7] : memref<32x80x125xi32, #tpu.memory_space<hbm>> -> memref<1x80x125xi32, #tpu.memory_space<hbm>>
    %dma_start3A_9 = tpu.memref_squeeze %dma_start3A_8 : memref<1x80x125xi32, #tpu.memory_space<hbm>> -> memref<80x125xi32, #tpu.memory_space<hbm>>
    %dma_start3A_10 = arith.constant 0 : i32
    %dma_start3A_11 = arith.constant 0 : i32
    %dma_start3A_12 = tpu.memref_slice %arg3[%add3A, %dma_start3A_10, %dma_start3A_11] : memref<32x80x125xi32, #tpu.memory_space<hbm>> -> memref<1x80x125xi32, #tpu.memory_space<hbm>>
    %dma_start3A_13 = tpu.memref_squeeze %dma_start3A_12 : memref<1x80x125xi32, #tpu.memory_space<hbm>> -> memref<80x125xi32, #tpu.memory_space<hbm>>
    tpu.enqueue_dma source(%dma_start3A_13 : memref<80x125xi32, #tpu.memory_space<hbm>>) target(%arg7 : memref<80x125xi32, #tpu.memory_space<vmem>>) target_semaphore(%arg12 : memref<!tpu.dma_semaphore, #tpu.memory_space<semaphore_mem>>)
    %dma_start3A_14 = arith.constant 0 : i32
    %dma_start3A_15 = arith.constant 0 : i32
    %dma_start3A_16 = tpu.memref_slice %arg4[%add3A, %dma_start3A_14, %dma_start3A_15] : memref<32x80x125xi32, #tpu.memory_space<hbm>> -> memref<1x80x125xi32, #tpu.memory_space<hbm>>
    %dma_start3A_17 = tpu.memref_squeeze %dma_start3A_16 : memref<1x80x125xi32, #tpu.memory_space<hbm>> -> memref<80x125xi32, #tpu.memory_space<hbm>>
    %dma_start3A_18 = arith.constant 0 : i32
    %dma_start3A_19 = arith.constant 0 : i32
    %dma_start3A_20 = tpu.memref_slice %arg4[%add3A, %dma_start3A_18, %dma_start3A_19] : memref<32x80x125xi32, #tpu.memory_space<hbm>> -> memref<1x80x125xi32, #tpu.memory_space<hbm>>
    %dma_start3A_21 = tpu.memref_squeeze %dma_start3A_20 : memref<1x80x125xi32, #tpu.memory_space<hbm>> -> memref<80x125xi32, #tpu.memory_space<hbm>>
    tpu.enqueue_dma source(%dma_start3A_21 : memref<80x125xi32, #tpu.memory_space<hbm>>) target(%arg8 : memref<80x125xi32, #tpu.memory_space<vmem>>) target_semaphore(%arg13 : memref<!tpu.dma_semaphore, #tpu.memory_space<semaphore_mem>>)
    %eq3A = arith.constant 15 : i32
    %eq3A_22 = arith.cmpi eq, %arg1, %eq3A : i32
    %convert_element_type3A = arith.extui %eq3A_22 : i1 to i32
    %cond3A = arith.constant 0 : i32
    %cond3A_23 = arith.cmpi ne, %convert_element_type3A, %cond3A : i32
    scf.if %cond3A_23 {
      %dma_start3A_150 = arith.constant 9984 : i32
      %dma_start3A_151 = arith.constant 0 : i32
      %dma_start3A_152 = tpu.memref_slice %arg10[%dma_start3A_150, %dma_start3A_151] : memref<10000x128xbf16, #tpu.memory_space<vmem_shared>> -> memref<16x128xbf16, #tpu.memory_space<vmem_shared>>
      %dma_start3A_153 = arith.constant 9984 : i32
      %dma_start3A_154 = arith.constant 0 : i32
      %dma_start3A_155 = tpu.memref_slice %arg5[%dma_start3A_153, %dma_start3A_154] : memref<10000x128xbf16, #tpu.memory_space<hbm>> -> memref<16x128xbf16, #tpu.memory_space<hbm>>
      tpu.enqueue_dma source(%dma_start3A_155 : memref<16x128xbf16, #tpu.memory_space<hbm>>) target(%dma_start3A_152 : memref<16x128xbf16, #tpu.memory_space<vmem_shared>>) target_semaphore(%arg14 : memref<!tpu.dma_semaphore, #tpu.memory_space<semaphore_mem>>)
      %dma_wait3A_156 = arith.constant 9984 : i32
      %dma_wait3A_157 = arith.constant 0 : i32
      %dma_wait3A_158 = tpu.memref_slice %arg10[%dma_wait3A_156, %dma_wait3A_157] : memref<10000x128xbf16, #tpu.memory_space<vmem_shared>> -> memref<16x128xbf16, #tpu.memory_space<vmem_shared>>
      %dma_wait3A_159 = arith.constant 9984 : i32
      %dma_wait3A_160 = arith.constant 0 : i32
      %dma_wait3A_161 = tpu.memref_slice %arg5[%dma_wait3A_159, %dma_wait3A_160] : memref<10000x128xbf16, #tpu.memory_space<hbm>> -> memref<16x128xbf16, #tpu.memory_space<hbm>>
      tpu.wait_dma2 semaphore(%arg14 : memref<!tpu.dma_semaphore, #tpu.memory_space<semaphore_mem>>) src(%dma_wait3A_161 : memref<16x128xbf16, #tpu.memory_space<hbm>>) dst(%dma_wait3A_158 : memref<16x128xbf16, #tpu.memory_space<vmem_shared>>)
    } else {
    }
    %dma_wait3A = arith.constant 0 : i32
    %dma_wait3A_24 = tpu.memref_slice %arg10[%multiple_of3A, %dma_wait3A] : memref<10000x128xbf16, #tpu.memory_space<vmem_shared>> -> memref<624x128xbf16, #tpu.memory_space<vmem_shared>>
    %dma_wait3A_25 = arith.constant 0 : i32
    %dma_wait3A_26 = tpu.memref_slice %arg5[%multiple_of3A, %dma_wait3A_25] : memref<10000x128xbf16, #tpu.memory_space<hbm>> -> memref<624x128xbf16, #tpu.memory_space<hbm>>
    tpu.wait_dma2 semaphore(%arg11 : memref<!tpu.dma_semaphore, #tpu.memory_space<semaphore_mem>>) src(%dma_wait3A_26 : memref<624x128xbf16, #tpu.memory_space<hbm>>) dst(%dma_wait3A_24 : memref<624x128xbf16, #tpu.memory_space<vmem_shared>>)
    %dma_wait3A_27 = arith.constant 0 : i32
    %dma_wait3A_28 = arith.constant 0 : i32
    %dma_wait3A_29 = tpu.memref_slice %arg3[%add3A, %dma_wait3A_27, %dma_wait3A_28] : memref<32x80x125xi32, #tpu.memory_space<hbm>> -> memref<1x80x125xi32, #tpu.memory_space<hbm>>
    %dma_wait3A_30 = tpu.memref_squeeze %dma_wait3A_29 : memref<1x80x125xi32, #tpu.memory_space<hbm>> -> memref<80x125xi32, #tpu.memory_space<hbm>>
    %dma_wait3A_31 = arith.constant 0 : i32
    %dma_wait3A_32 = arith.constant 0 : i32
    %dma_wait3A_33 = tpu.memref_slice %arg3[%add3A, %dma_wait3A_31, %dma_wait3A_32] : memref<32x80x125xi32, #tpu.memory_space<hbm>> -> memref<1x80x125xi32, #tpu.memory_space<hbm>>
    %dma_wait3A_34 = tpu.memref_squeeze %dma_wait3A_33 : memref<1x80x125xi32, #tpu.memory_space<hbm>> -> memref<80x125xi32, #tpu.memory_space<hbm>>
    tpu.wait_dma2 semaphore(%arg12 : memref<!tpu.dma_semaphore, #tpu.memory_space<semaphore_mem>>) src(%dma_wait3A_34 : memref<80x125xi32, #tpu.memory_space<hbm>>) dst(%arg7 : memref<80x125xi32, #tpu.memory_space<vmem>>)
    %dma_wait3A_35 = arith.constant 0 : i32
    %dma_wait3A_36 = arith.constant 0 : i32
    %dma_wait3A_37 = tpu.memref_slice %arg4[%add3A, %dma_wait3A_35, %dma_wait3A_36] : memref<32x80x125xi32, #tpu.memory_space<hbm>> -> memref<1x80x125xi32, #tpu.memory_space<hbm>>
    %dma_wait3A_38 = tpu.memref_squeeze %dma_wait3A_37 : memref<1x80x125xi32, #tpu.memory_space<hbm>> -> memref<80x125xi32, #tpu.memory_space<hbm>>
    %dma_wait3A_39 = arith.constant 0 : i32
    %dma_wait3A_40 = arith.constant 0 : i32
    %dma_wait3A_41 = tpu.memref_slice %arg4[%add3A, %dma_wait3A_39, %dma_wait3A_40] : memref<32x80x125xi32, #tpu.memory_space<hbm>> -> memref<1x80x125xi32, #tpu.memory_space<hbm>>
    %dma_wait3A_42 = tpu.memref_squeeze %dma_wait3A_41 : memref<1x80x125xi32, #tpu.memory_space<hbm>> -> memref<80x125xi32, #tpu.memory_space<hbm>>
    tpu.wait_dma2 semaphore(%arg13 : memref<!tpu.dma_semaphore, #tpu.memory_space<semaphore_mem>>) src(%dma_wait3A_42 : memref<80x125xi32, #tpu.memory_space<hbm>>) dst(%arg8 : memref<80x125xi32, #tpu.memory_space<vmem>>)
    %barrier3A = arith.constant 0 : index
    tpu.barrier barrier_id(%barrier3A)
    %dma_start3A_43 = arith.constant 0 : i32
    %dma_start3A_44 = arith.constant 0 : i32
    %dma_start3A_45 = arith.constant 0 : i32
    %dma_start3A_46 = arith.constant 0 : i32
    %dma_start3A_47 = tpu.memref_slice %arg9[%dma_start3A_44, %dma_start3A_45, %dma_start3A_46] : memref<8x125x128xbf16, #tpu.memory_space<vmem>> -> memref<1x125x128xbf16, #tpu.memory_space<vmem>>
    %dma_start3A_48 = tpu.memref_squeeze %dma_start3A_47 : memref<1x125x128xbf16, #tpu.memory_space<vmem>> -> memref<125x128xbf16, #tpu.memory_space<vmem>>
    %dma_start3A_49 = arith.constant 0 : i32
    %dma_start3A_50 = tpu.memref_slice %arg7[%dma_start3A_43, %dma_start3A_49] : memref<80x125xi32, #tpu.memory_space<vmem>> -> memref<1x125xi32, #tpu.memory_space<vmem>>
    %dma_start3A_51 = tpu.memref_squeeze %dma_start3A_50 : memref<1x125xi32, #tpu.memory_space<vmem>> -> memref<125xi32, #tpu.memory_space<vmem>>
    %dma_start3A_52 = arith.constant 0 : i32
    %dma_start3A_53 = arith.constant 0 : i32
    %dma_start3A_54 = tpu.memref_slice %arg2[%dma_start3A_52, %dma_start3A_53] : memref<10000x128xbf16, #tpu.memory_space<hbm>> -> memref<10000x128xbf16, #tpu.memory_space<hbm>>
    tpu.enqueue_indirect_dma source(%dma_start3A_54 : memref<10000x128xbf16, #tpu.memory_space<hbm>>) target(%dma_start3A_48 : memref<125x128xbf16, #tpu.memory_space<vmem>>) offsets(%dma_start3A_51 : memref<125xi32, #tpu.memory_space<vmem>>) semaphore(%arg11 : memref<!tpu.dma_semaphore, #tpu.memory_space<semaphore_mem>>)
    %dma_start3A_55 = arith.constant 1 : i32
    %dma_start3A_56 = arith.constant 1 : i32
    %dma_start3A_57 = arith.constant 0 : i32
    %dma_start3A_58 = arith.constant 0 : i32
    %dma_start3A_59 = tpu.memref_slice %arg9[%dma_start3A_56, %dma_start3A_57, %dma_start3A_58] : memref<8x125x128xbf16, #tpu.memory_space<vmem>> -> memref<1x125x128xbf16, #tpu.memory_space<vmem>>
    %dma_start3A_60 = tpu.memref_squeeze %dma_start3A_59 : memref<1x125x128xbf16, #tpu.memory_space<vmem>> -> memref<125x128xbf16, #tpu.memory_space<vmem>>
    %dma_start3A_61 = arith.constant 0 : i32
    %dma_start3A_62 = tpu.memref_slice %arg7[%dma_start3A_55, %dma_start3A_61] : memref<80x125xi32, #tpu.memory_space<vmem>> -> memref<1x125xi32, #tpu.memory_space<vmem>>
    %dma_start3A_63 = tpu.memref_squeeze %dma_start3A_62 : memref<1x125xi32, #tpu.memory_space<vmem>> -> memref<125xi32, #tpu.memory_space<vmem>>
    %dma_start3A_64 = arith.constant 0 : i32
    %dma_start3A_65 = arith.constant 0 : i32
    %dma_start3A_66 = tpu.memref_slice %arg2[%dma_start3A_64, %dma_start3A_65] : memref<10000x128xbf16, #tpu.memory_space<hbm>> -> memref<10000x128xbf16, #tpu.memory_space<hbm>>
    tpu.enqueue_indirect_dma source(%dma_start3A_66 : memref<10000x128xbf16, #tpu.memory_space<hbm>>) target(%dma_start3A_60 : memref<125x128xbf16, #tpu.memory_space<vmem>>) offsets(%dma_start3A_63 : memref<125xi32, #tpu.memory_space<vmem>>) semaphore(%arg12 : memref<!tpu.dma_semaphore, #tpu.memory_space<semaphore_mem>>)
    %dma_start3A_67 = arith.constant 2 : i32
    %dma_start3A_68 = arith.constant 2 : i32
    %dma_start3A_69 = arith.constant 0 : i32
    %dma_start3A_70 = arith.constant 0 : i32
    %dma_start3A_71 = tpu.memref_slice %arg9[%dma_start3A_68, %dma_start3A_69, %dma_start3A_70] : memref<8x125x128xbf16, #tpu.memory_space<vmem>> -> memref<1x125x128xbf16, #tpu.memory_space<vmem>>
    %dma_start3A_72 = tpu.memref_squeeze %dma_start3A_71 : memref<1x125x128xbf16, #tpu.memory_space<vmem>> -> memref<125x128xbf16, #tpu.memory_space<vmem>>
    %dma_start3A_73 = arith.constant 0 : i32
    %dma_start3A_74 = tpu.memref_slice %arg7[%dma_start3A_67, %dma_start3A_73] : memref<80x125xi32, #tpu.memory_space<vmem>> -> memref<1x125xi32, #tpu.memory_space<vmem>>
    %dma_start3A_75 = tpu.memref_squeeze %dma_start3A_74 : memref<1x125xi32, #tpu.memory_space<vmem>> -> memref<125xi32, #tpu.memory_space<vmem>>
    %dma_start3A_76 = arith.constant 0 : i32
    %dma_start3A_77 = arith.constant 0 : i32
    %dma_start3A_78 = tpu.memref_slice %arg2[%dma_start3A_76, %dma_start3A_77] : memref<10000x128xbf16, #tpu.memory_space<hbm>> -> memref<10000x128xbf16, #tpu.memory_space<hbm>>
    tpu.enqueue_indirect_dma source(%dma_start3A_78 : memref<10000x128xbf16, #tpu.memory_space<hbm>>) target(%dma_start3A_72 : memref<125x128xbf16, #tpu.memory_space<vmem>>) offsets(%dma_start3A_75 : memref<125xi32, #tpu.memory_space<vmem>>) semaphore(%arg13 : memref<!tpu.dma_semaphore, #tpu.memory_space<semaphore_mem>>)
    %dma_start3A_79 = arith.constant 3 : i32
    %dma_start3A_80 = arith.constant 3 : i32
    %dma_start3A_81 = arith.constant 0 : i32
    %dma_start3A_82 = arith.constant 0 : i32
    %dma_start3A_83 = tpu.memref_slice %arg9[%dma_start3A_80, %dma_start3A_81, %dma_start3A_82] : memref<8x125x128xbf16, #tpu.memory_space<vmem>> -> memref<1x125x128xbf16, #tpu.memory_space<vmem>>
    %dma_start3A_84 = tpu.memref_squeeze %dma_start3A_83 : memref<1x125x128xbf16, #tpu.memory_space<vmem>> -> memref<125x128xbf16, #tpu.memory_space<vmem>>
    %dma_start3A_85 = arith.constant 0 : i32
    %dma_start3A_86 = tpu.memref_slice %arg7[%dma_start3A_79, %dma_start3A_85] : memref<80x125xi32, #tpu.memory_space<vmem>> -> memref<1x125xi32, #tpu.memory_space<vmem>>
    %dma_start3A_87 = tpu.memref_squeeze %dma_start3A_86 : memref<1x125xi32, #tpu.memory_space<vmem>> -> memref<125xi32, #tpu.memory_space<vmem>>
    %dma_start3A_88 = arith.constant 0 : i32
    %dma_start3A_89 = arith.constant 0 : i32
    %dma_start3A_90 = tpu.memref_slice %arg2[%dma_start3A_88, %dma_start3A_89] : memref<10000x128xbf16, #tpu.memory_space<hbm>> -> memref<10000x128xbf16, #tpu.memory_space<hbm>>
    tpu.enqueue_indirect_dma source(%dma_start3A_90 : memref<10000x128xbf16, #tpu.memory_space<hbm>>) target(%dma_start3A_84 : memref<125x128xbf16, #tpu.memory_space<vmem>>) offsets(%dma_start3A_87 : memref<125xi32, #tpu.memory_space<vmem>>) semaphore(%arg14 : memref<!tpu.dma_semaphore, #tpu.memory_space<semaphore_mem>>)
    %dma_start3A_91 = arith.constant 4 : i32
    %dma_start3A_92 = arith.constant 4 : i32
    %dma_start3A_93 = arith.constant 0 : i32
    %dma_start3A_94 = arith.constant 0 : i32
    %dma_start3A_95 = tpu.memref_slice %arg9[%dma_start3A_92, %dma_start3A_93, %dma_start3A_94] : memref<8x125x128xbf16, #tpu.memory_space<vmem>> -> memref<1x125x128xbf16, #tpu.memory_space<vmem>>
    %dma_start3A_96 = tpu.memref_squeeze %dma_start3A_95 : memref<1x125x128xbf16, #tpu.memory_space<vmem>> -> memref<125x128xbf16, #tpu.memory_space<vmem>>
    %dma_start3A_97 = arith.constant 0 : i32
    %dma_start3A_98 = tpu.memref_slice %arg7[%dma_start3A_91, %dma_start3A_97] : memref<80x125xi32, #tpu.memory_space<vmem>> -> memref<1x125xi32, #tpu.memory_space<vmem>>
    %dma_start3A_99 = tpu.memref_squeeze %dma_start3A_98 : memref<1x125xi32, #tpu.memory_space<vmem>> -> memref<125xi32, #tpu.memory_space<vmem>>
    %dma_start3A_100 = arith.constant 0 : i32
    %dma_start3A_101 = arith.constant 0 : i32
    %dma_start3A_102 = tpu.memref_slice %arg2[%dma_start3A_100, %dma_start3A_101] : memref<10000x128xbf16, #tpu.memory_space<hbm>> -> memref<10000x128xbf16, #tpu.memory_space<hbm>>
    tpu.enqueue_indirect_dma source(%dma_start3A_102 : memref<10000x128xbf16, #tpu.memory_space<hbm>>) target(%dma_start3A_96 : memref<125x128xbf16, #tpu.memory_space<vmem>>) offsets(%dma_start3A_99 : memref<125xi32, #tpu.memory_space<vmem>>) semaphore(%arg15 : memref<!tpu.dma_semaphore, #tpu.memory_space<semaphore_mem>>)
    %dma_start3A_103 = arith.constant 5 : i32
    %dma_start3A_104 = arith.constant 5 : i32
    %dma_start3A_105 = arith.constant 0 : i32
    %dma_start3A_106 = arith.constant 0 : i32
    %dma_start3A_107 = tpu.memref_slice %arg9[%dma_start3A_104, %dma_start3A_105, %dma_start3A_106] : memref<8x125x128xbf16, #tpu.memory_space<vmem>> -> memref<1x125x128xbf16, #tpu.memory_space<vmem>>
    %dma_start3A_108 = tpu.memref_squeeze %dma_start3A_107 : memref<1x125x128xbf16, #tpu.memory_space<vmem>> -> memref<125x128xbf16, #tpu.memory_space<vmem>>
    %dma_start3A_109 = arith.constant 0 : i32
    %dma_start3A_110 = tpu.memref_slice %arg7[%dma_start3A_103, %dma_start3A_109] : memref<80x125xi32, #tpu.memory_space<vmem>> -> memref<1x125xi32, #tpu.memory_space<vmem>>
    %dma_start3A_111 = tpu.memref_squeeze %dma_start3A_110 : memref<1x125xi32, #tpu.memory_space<vmem>> -> memref<125xi32, #tpu.memory_space<vmem>>
    %dma_start3A_112 = arith.constant 0 : i32
    %dma_start3A_113 = arith.constant 0 : i32
    %dma_start3A_114 = tpu.memref_slice %arg2[%dma_start3A_112, %dma_start3A_113] : memref<10000x128xbf16, #tpu.memory_space<hbm>> -> memref<10000x128xbf16, #tpu.memory_space<hbm>>
    tpu.enqueue_indirect_dma source(%dma_start3A_114 : memref<10000x128xbf16, #tpu.memory_space<hbm>>) target(%dma_start3A_108 : memref<125x128xbf16, #tpu.memory_space<vmem>>) offsets(%dma_start3A_111 : memref<125xi32, #tpu.memory_space<vmem>>) semaphore(%arg16 : memref<!tpu.dma_semaphore, #tpu.memory_space<semaphore_mem>>)
    %dma_start3A_115 = arith.constant 6 : i32
    %dma_start3A_116 = arith.constant 6 : i32
    %dma_start3A_117 = arith.constant 0 : i32
    %dma_start3A_118 = arith.constant 0 : i32
    %dma_start3A_119 = tpu.memref_slice %arg9[%dma_start3A_116, %dma_start3A_117, %dma_start3A_118] : memref<8x125x128xbf16, #tpu.memory_space<vmem>> -> memref<1x125x128xbf16, #tpu.memory_space<vmem>>
    %dma_start3A_120 = tpu.memref_squeeze %dma_start3A_119 : memref<1x125x128xbf16, #tpu.memory_space<vmem>> -> memref<125x128xbf16, #tpu.memory_space<vmem>>
    %dma_start3A_121 = arith.constant 0 : i32
    %dma_start3A_122 = tpu.memref_slice %arg7[%dma_start3A_115, %dma_start3A_121] : memref<80x125xi32, #tpu.memory_space<vmem>> -> memref<1x125xi32, #tpu.memory_space<vmem>>
    %dma_start3A_123 = tpu.memref_squeeze %dma_start3A_122 : memref<1x125xi32, #tpu.memory_space<vmem>> -> memref<125xi32, #tpu.memory_space<vmem>>
    %dma_start3A_124 = arith.constant 0 : i32
    %dma_start3A_125 = arith.constant 0 : i32
    %dma_start3A_126 = tpu.memref_slice %arg2[%dma_start3A_124, %dma_start3A_125] : memref<10000x128xbf16, #tpu.memory_space<hbm>> -> memref<10000x128xbf16, #tpu.memory_space<hbm>>
    tpu.enqueue_indirect_dma source(%dma_start3A_126 : memref<10000x128xbf16, #tpu.memory_space<hbm>>) target(%dma_start3A_120 : memref<125x128xbf16, #tpu.memory_space<vmem>>) offsets(%dma_start3A_123 : memref<125xi32, #tpu.memory_space<vmem>>) semaphore(%arg17 : memref<!tpu.dma_semaphore, #tpu.memory_space<semaphore_mem>>)
    %dma_start3A_127 = arith.constant 7 : i32
    %dma_start3A_128 = arith.constant 7 : i32
    %dma_start3A_129 = arith.constant 0 : i32
    %dma_start3A_130 = arith.constant 0 : i32
    %dma_start3A_131 = tpu.memref_slice %arg9[%dma_start3A_128, %dma_start3A_129, %dma_start3A_130] : memref<8x125x128xbf16, #tpu.memory_space<vmem>> -> memref<1x125x128xbf16, #tpu.memory_space<vmem>>
    %dma_start3A_132 = tpu.memref_squeeze %dma_start3A_131 : memref<1x125x128xbf16, #tpu.memory_space<vmem>> -> memref<125x128xbf16, #tpu.memory_space<vmem>>
    %dma_start3A_133 = arith.constant 0 : i32
    %dma_start3A_134 = tpu.memref_slice %arg7[%dma_start3A_127, %dma_start3A_133] : memref<80x125xi32, #tpu.memory_space<vmem>> -> memref<1x125xi32, #tpu.memory_space<vmem>>
    %dma_start3A_135 = tpu.memref_squeeze %dma_start3A_134 : memref<1x125xi32, #tpu.memory_space<vmem>> -> memref<125xi32, #tpu.memory_space<vmem>>
    %dma_start3A_136 = arith.constant 0 : i32
    %dma_start3A_137 = arith.constant 0 : i32
    %dma_start3A_138 = tpu.memref_slice %arg2[%dma_start3A_136, %dma_start3A_137] : memref<10000x128xbf16, #tpu.memory_space<hbm>> -> memref<10000x128xbf16, #tpu.memory_space<hbm>>
    tpu.enqueue_indirect_dma source(%dma_start3A_138 : memref<10000x128xbf16, #tpu.memory_space<hbm>>) target(%dma_start3A_132 : memref<125x128xbf16, #tpu.memory_space<vmem>>) offsets(%dma_start3A_135 : memref<125xi32, #tpu.memory_space<vmem>>) semaphore(%arg18 : memref<!tpu.dma_semaphore, #tpu.memory_space<semaphore_mem>>)
    %scan3A = arith.constant 0 : i32
    %scan3A_139 = arith.constant 0 : i32
    %scan3A_140 = arith.constant 10 : i32
    %scan3A_141 = arith.addi %scan3A_139, %scan3A_140 : i32
    %scan3A_142 = arith.constant 1 : i32
    scf.for %scan3A_150 = %scan3A_139 to %scan3A_141 step %scan3A_142  : i32 {
      %mul3A_151 = arith.constant 8 : i32
      %mul3A_152 = arith.muli %scan3A_150, %mul3A_151 : i32
      %add3A_153 = arith.constant 0 : i32
      %add3A_154 = arith.addi %mul3A_152, %add3A_153 : i32
      %dma_wait3A_155 = arith.constant 0 : i32
      %dma_wait3A_156 = arith.constant 0 : i32
      %dma_wait3A_157 = arith.constant 0 : i32
      %dma_wait3A_158 = tpu.memref_slice %arg9[%dma_wait3A_155, %dma_wait3A_156, %dma_wait3A_157] : memref<8x125x128xbf16, #tpu.memory_space<vmem>> -> memref<1x125x128xbf16, #tpu.memory_space<vmem>>
      %dma_wait3A_159 = tpu.memref_squeeze %dma_wait3A_158 : memref<1x125x128xbf16, #tpu.memory_space<vmem>> -> memref<125x128xbf16, #tpu.memory_space<vmem>>
      %dma_wait3A_160 = arith.constant 0 : i32
      %dma_wait3A_161 = tpu.memref_slice %arg7[%add3A_154, %dma_wait3A_160] : memref<80x125xi32, #tpu.memory_space<vmem>> -> memref<1x125xi32, #tpu.memory_space<vmem>>
      %dma_wait3A_162 = tpu.memref_squeeze %dma_wait3A_161 : memref<1x125xi32, #tpu.memory_space<vmem>> -> memref<125xi32, #tpu.memory_space<vmem>>
      %dma_wait3A_163 = arith.constant 0 : i32
      %dma_wait3A_164 = arith.constant 0 : i32
      %dma_wait3A_165 = tpu.memref_slice %arg2[%dma_wait3A_163, %dma_wait3A_164] : memref<10000x128xbf16, #tpu.memory_space<hbm>> -> memref<10000x128xbf16, #tpu.memory_space<hbm>>
      tpu.wait_indirect_dma semaphore(%arg11 : memref<!tpu.dma_semaphore, #tpu.memory_space<semaphore_mem>>) src(%dma_wait3A_165 : memref<10000x128xbf16, #tpu.memory_space<hbm>>) dst(%dma_wait3A_159 : memref<125x128xbf16, #tpu.memory_space<vmem>>)
      %add3A_166 = arith.constant 0 : i32
      %add3A_167 = arith.addi %mul3A_152, %add3A_166 : i32
      %dma_start3A_168 = arith.constant 0 : i32
      %dma_start3A_169 = arith.constant 0 : i32
      %dma_start3A_170 = arith.constant 0 : i32
      %dma_start3A_171 = tpu.memref_slice %arg9[%dma_start3A_168, %dma_start3A_169, %dma_start3A_170] : memref<8x125x128xbf16, #tpu.memory_space<vmem>> -> memref<1x125x128xbf16, #tpu.memory_space<vmem>>
      %dma_start3A_172 = tpu.memref_squeeze %dma_start3A_171 : memref<1x125x128xbf16, #tpu.memory_space<vmem>> -> memref<125x128xbf16, #tpu.memory_space<vmem>>
      %dma_start3A_173 = arith.constant 0 : i32
      %dma_start3A_174 = tpu.memref_slice %arg8[%add3A_167, %dma_start3A_173] : memref<80x125xi32, #tpu.memory_space<vmem>> -> memref<1x125xi32, #tpu.memory_space<vmem>>
      %dma_start3A_175 = tpu.memref_squeeze %dma_start3A_174 : memref<1x125xi32, #tpu.memory_space<vmem>> -> memref<125xi32, #tpu.memory_space<vmem>>
      %dma_start3A_176 = arith.constant 0 : i32
      %dma_start3A_177 = arith.constant 0 : i32
      %dma_start3A_178 = tpu.memref_slice %arg10[%dma_start3A_176, %dma_start3A_177] : memref<10000x128xbf16, #tpu.memory_space<vmem_shared>> -> memref<10000x128xbf16, #tpu.memory_space<vmem_shared>>
      tpu.enqueue_indirect_dma source(%dma_start3A_172 : memref<125x128xbf16, #tpu.memory_space<vmem>>) target(%dma_start3A_178 : memref<10000x128xbf16, #tpu.memory_space<vmem_shared>>) offsets(%dma_start3A_175 : memref<125xi32, #tpu.memory_space<vmem>>) semaphore(%arg19 : memref<!tpu.dma_semaphore, #tpu.memory_space<semaphore_mem>>) {add = true}
      %add3A_179 = arith.constant 1 : i32
      %add3A_180 = arith.addi %mul3A_152, %add3A_179 : i32
      %dma_wait3A_181 = arith.constant 1 : i32
      %dma_wait3A_182 = arith.constant 0 : i32
      %dma_wait3A_183 = arith.constant 0 : i32
      %dma_wait3A_184 = tpu.memref_slice %arg9[%dma_wait3A_181, %dma_wait3A_182, %dma_wait3A_183] : memref<8x125x128xbf16, #tpu.memory_space<vmem>> -> memref<1x125x128xbf16, #tpu.memory_space<vmem>>
      %dma_wait3A_185 = tpu.memref_squeeze %dma_wait3A_184 : memref<1x125x128xbf16, #tpu.memory_space<vmem>> -> memref<125x128xbf16, #tpu.memory_space<vmem>>
      %dma_wait3A_186 = arith.constant 0 : i32
      %dma_wait3A_187 = tpu.memref_slice %arg7[%add3A_180, %dma_wait3A_186] : memref<80x125xi32, #tpu.memory_space<vmem>> -> memref<1x125xi32, #tpu.memory_space<vmem>>
      %dma_wait3A_188 = tpu.memref_squeeze %dma_wait3A_187 : memref<1x125xi32, #tpu.memory_space<vmem>> -> memref<125xi32, #tpu.memory_space<vmem>>
      %dma_wait3A_189 = arith.constant 0 : i32
      %dma_wait3A_190 = arith.constant 0 : i32
      %dma_wait3A_191 = tpu.memref_slice %arg2[%dma_wait3A_189, %dma_wait3A_190] : memref<10000x128xbf16, #tpu.memory_space<hbm>> -> memref<10000x128xbf16, #tpu.memory_space<hbm>>
      tpu.wait_indirect_dma semaphore(%arg12 : memref<!tpu.dma_semaphore, #tpu.memory_space<semaphore_mem>>) src(%dma_wait3A_191 : memref<10000x128xbf16, #tpu.memory_space<hbm>>) dst(%dma_wait3A_185 : memref<125x128xbf16, #tpu.memory_space<vmem>>)
      %add3A_192 = arith.constant 1 : i32
      %add3A_193 = arith.addi %mul3A_152, %add3A_192 : i32
      %dma_start3A_194 = arith.constant 1 : i32
      %dma_start3A_195 = arith.constant 0 : i32
      %dma_start3A_196 = arith.constant 0 : i32
      %dma_start3A_197 = tpu.memref_slice %arg9[%dma_start3A_194, %dma_start3A_195, %dma_start3A_196] : memref<8x125x128xbf16, #tpu.memory_space<vmem>> -> memref<1x125x128xbf16, #tpu.memory_space<vmem>>
      %dma_start3A_198 = tpu.memref_squeeze %dma_start3A_197 : memref<1x125x128xbf16, #tpu.memory_space<vmem>> -> memref<125x128xbf16, #tpu.memory_space<vmem>>
      %dma_start3A_199 = arith.constant 0 : i32
      %dma_start3A_200 = tpu.memref_slice %arg8[%add3A_193, %dma_start3A_199] : memref<80x125xi32, #tpu.memory_space<vmem>> -> memref<1x125xi32, #tpu.memory_space<vmem>>
      %dma_start3A_201 = tpu.memref_squeeze %dma_start3A_200 : memref<1x125xi32, #tpu.memory_space<vmem>> -> memref<125xi32, #tpu.memory_space<vmem>>
      %dma_start3A_202 = arith.constant 0 : i32
      %dma_start3A_203 = arith.constant 0 : i32
      %dma_start3A_204 = tpu.memref_slice %arg10[%dma_start3A_202, %dma_start3A_203] : memref<10000x128xbf16, #tpu.memory_space<vmem_shared>> -> memref<10000x128xbf16, #tpu.memory_space<vmem_shared>>
      tpu.enqueue_indirect_dma source(%dma_start3A_198 : memref<125x128xbf16, #tpu.memory_space<vmem>>) target(%dma_start3A_204 : memref<10000x128xbf16, #tpu.memory_space<vmem_shared>>) offsets(%dma_start3A_201 : memref<125xi32, #tpu.memory_space<vmem>>) semaphore(%arg20 : memref<!tpu.dma_semaphore, #tpu.memory_space<semaphore_mem>>) {add = true}
      %add3A_205 = arith.constant 2 : i32
      %add3A_206 = arith.addi %mul3A_152, %add3A_205 : i32
      %dma_wait3A_207 = arith.constant 2 : i32
      %dma_wait3A_208 = arith.constant 0 : i32
      %dma_wait3A_209 = arith.constant 0 : i32
      %dma_wait3A_210 = tpu.memref_slice %arg9[%dma_wait3A_207, %dma_wait3A_208, %dma_wait3A_209] : memref<8x125x128xbf16, #tpu.memory_space<vmem>> -> memref<1x125x128xbf16, #tpu.memory_space<vmem>>
      %dma_wait3A_211 = tpu.memref_squeeze %dma_wait3A_210 : memref<1x125x128xbf16, #tpu.memory_space<vmem>> -> memref<125x128xbf16, #tpu.memory_space<vmem>>
      %dma_wait3A_212 = arith.constant 0 : i32
      %dma_wait3A_213 = tpu.memref_slice %arg7[%add3A_206, %dma_wait3A_212] : memref<80x125xi32, #tpu.memory_space<vmem>> -> memref<1x125xi32, #tpu.memory_space<vmem>>
      %dma_wait3A_214 = tpu.memref_squeeze %dma_wait3A_213 : memref<1x125xi32, #tpu.memory_space<vmem>> -> memref<125xi32, #tpu.memory_space<vmem>>
      %dma_wait3A_215 = arith.constant 0 : i32
      %dma_wait3A_216 = arith.constant 0 : i32
      %dma_wait3A_217 = tpu.memref_slice %arg2[%dma_wait3A_215, %dma_wait3A_216] : memref<10000x128xbf16, #tpu.memory_space<hbm>> -> memref<10000x128xbf16, #tpu.memory_space<hbm>>
      tpu.wait_indirect_dma semaphore(%arg13 : memref<!tpu.dma_semaphore, #tpu.memory_space<semaphore_mem>>) src(%dma_wait3A_217 : memref<10000x128xbf16, #tpu.memory_space<hbm>>) dst(%dma_wait3A_211 : memref<125x128xbf16, #tpu.memory_space<vmem>>)
      %add3A_218 = arith.constant 2 : i32
      %add3A_219 = arith.addi %mul3A_152, %add3A_218 : i32
      %dma_start3A_220 = arith.constant 2 : i32
      %dma_start3A_221 = arith.constant 0 : i32
      %dma_start3A_222 = arith.constant 0 : i32
      %dma_start3A_223 = tpu.memref_slice %arg9[%dma_start3A_220, %dma_start3A_221, %dma_start3A_222] : memref<8x125x128xbf16, #tpu.memory_space<vmem>> -> memref<1x125x128xbf16, #tpu.memory_space<vmem>>
      %dma_start3A_224 = tpu.memref_squeeze %dma_start3A_223 : memref<1x125x128xbf16, #tpu.memory_space<vmem>> -> memref<125x128xbf16, #tpu.memory_space<vmem>>
      %dma_start3A_225 = arith.constant 0 : i32
      %dma_start3A_226 = tpu.memref_slice %arg8[%add3A_219, %dma_start3A_225] : memref<80x125xi32, #tpu.memory_space<vmem>> -> memref<1x125xi32, #tpu.memory_space<vmem>>
      %dma_start3A_227 = tpu.memref_squeeze %dma_start3A_226 : memref<1x125xi32, #tpu.memory_space<vmem>> -> memref<125xi32, #tpu.memory_space<vmem>>
      %dma_start3A_228 = arith.constant 0 : i32
      %dma_start3A_229 = arith.constant 0 : i32
      %dma_start3A_230 = tpu.memref_slice %arg10[%dma_start3A_228, %dma_start3A_229] : memref<10000x128xbf16, #tpu.memory_space<vmem_shared>> -> memref<10000x128xbf16, #tpu.memory_space<vmem_shared>>
      tpu.enqueue_indirect_dma source(%dma_start3A_224 : memref<125x128xbf16, #tpu.memory_space<vmem>>) target(%dma_start3A_230 : memref<10000x128xbf16, #tpu.memory_space<vmem_shared>>) offsets(%dma_start3A_227 : memref<125xi32, #tpu.memory_space<vmem>>) semaphore(%arg21 : memref<!tpu.dma_semaphore, #tpu.memory_space<semaphore_mem>>) {add = true}
      %add3A_231 = arith.constant 3 : i32
      %add3A_232 = arith.addi %mul3A_152, %add3A_231 : i32
      %dma_wait3A_233 = arith.constant 3 : i32
      %dma_wait3A_234 = arith.constant 0 : i32
      %dma_wait3A_235 = arith.constant 0 : i32
      %dma_wait3A_236 = tpu.memref_slice %arg9[%dma_wait3A_233, %dma_wait3A_234, %dma_wait3A_235] : memref<8x125x128xbf16, #tpu.memory_space<vmem>> -> memref<1x125x128xbf16, #tpu.memory_space<vmem>>
      %dma_wait3A_237 = tpu.memref_squeeze %dma_wait3A_236 : memref<1x125x128xbf16, #tpu.memory_space<vmem>> -> memref<125x128xbf16, #tpu.memory_space<vmem>>
      %dma_wait3A_238 = arith.constant 0 : i32
      %dma_wait3A_239 = tpu.memref_slice %arg7[%add3A_232, %dma_wait3A_238] : memref<80x125xi32, #tpu.memory_space<vmem>> -> memref<1x125xi32, #tpu.memory_space<vmem>>
      %dma_wait3A_240 = tpu.memref_squeeze %dma_wait3A_239 : memref<1x125xi32, #tpu.memory_space<vmem>> -> memref<125xi32, #tpu.memory_space<vmem>>
      %dma_wait3A_241 = arith.constant 0 : i32
      %dma_wait3A_242 = arith.constant 0 : i32
      %dma_wait3A_243 = tpu.memref_slice %arg2[%dma_wait3A_241, %dma_wait3A_242] : memref<10000x128xbf16, #tpu.memory_space<hbm>> -> memref<10000x128xbf16, #tpu.memory_space<hbm>>
      tpu.wait_indirect_dma semaphore(%arg14 : memref<!tpu.dma_semaphore, #tpu.memory_space<semaphore_mem>>) src(%dma_wait3A_243 : memref<10000x128xbf16, #tpu.memory_space<hbm>>) dst(%dma_wait3A_237 : memref<125x128xbf16, #tpu.memory_space<vmem>>)
      %add3A_244 = arith.constant 3 : i32
      %add3A_245 = arith.addi %mul3A_152, %add3A_244 : i32
      %dma_start3A_246 = arith.constant 3 : i32
      %dma_start3A_247 = arith.constant 0 : i32
      %dma_start3A_248 = arith.constant 0 : i32
      %dma_start3A_249 = tpu.memref_slice %arg9[%dma_start3A_246, %dma_start3A_247, %dma_start3A_248] : memref<8x125x128xbf16, #tpu.memory_space<vmem>> -> memref<1x125x128xbf16, #tpu.memory_space<vmem>>
      %dma_start3A_250 = tpu.memref_squeeze %dma_start3A_249 : memref<1x125x128xbf16, #tpu.memory_space<vmem>> -> memref<125x128xbf16, #tpu.memory_space<vmem>>
      %dma_start3A_251 = arith.constant 0 : i32
      %dma_start3A_252 = tpu.memref_slice %arg8[%add3A_245, %dma_start3A_251] : memref<80x125xi32, #tpu.memory_space<vmem>> -> memref<1x125xi32, #tpu.memory_space<vmem>>
      %dma_start3A_253 = tpu.memref_squeeze %dma_start3A_252 : memref<1x125xi32, #tpu.memory_space<vmem>> -> memref<125xi32, #tpu.memory_space<vmem>>
      %dma_start3A_254 = arith.constant 0 : i32
      %dma_start3A_255 = arith.constant 0 : i32
      %dma_start3A_256 = tpu.memref_slice %arg10[%dma_start3A_254, %dma_start3A_255] : memref<10000x128xbf16, #tpu.memory_space<vmem_shared>> -> memref<10000x128xbf16, #tpu.memory_space<vmem_shared>>
      tpu.enqueue_indirect_dma source(%dma_start3A_250 : memref<125x128xbf16, #tpu.memory_space<vmem>>) target(%dma_start3A_256 : memref<10000x128xbf16, #tpu.memory_space<vmem_shared>>) offsets(%dma_start3A_253 : memref<125xi32, #tpu.memory_space<vmem>>) semaphore(%arg22 : memref<!tpu.dma_semaphore, #tpu.memory_space<semaphore_mem>>) {add = true}
      %add3A_257 = arith.constant 4 : i32
      %add3A_258 = arith.addi %mul3A_152, %add3A_257 : i32
      %dma_wait3A_259 = arith.constant 4 : i32
      %dma_wait3A_260 = arith.constant 0 : i32
      %dma_wait3A_261 = arith.constant 0 : i32
      %dma_wait3A_262 = tpu.memref_slice %arg9[%dma_wait3A_259, %dma_wait3A_260, %dma_wait3A_261] : memref<8x125x128xbf16, #tpu.memory_space<vmem>> -> memref<1x125x128xbf16, #tpu.memory_space<vmem>>
      %dma_wait3A_263 = tpu.memref_squeeze %dma_wait3A_262 : memref<1x125x128xbf16, #tpu.memory_space<vmem>> -> memref<125x128xbf16, #tpu.memory_space<vmem>>
      %dma_wait3A_264 = arith.constant 0 : i32
      %dma_wait3A_265 = tpu.memref_slice %arg7[%add3A_258, %dma_wait3A_264] : memref<80x125xi32, #tpu.memory_space<vmem>> -> memref<1x125xi32, #tpu.memory_space<vmem>>
      %dma_wait3A_266 = tpu.memref_squeeze %dma_wait3A_265 : memref<1x125xi32, #tpu.memory_space<vmem>> -> memref<125xi32, #tpu.memory_space<vmem>>
      %dma_wait3A_267 = arith.constant 0 : i32
      %dma_wait3A_268 = arith.constant 0 : i32
      %dma_wait3A_269 = tpu.memref_slice %arg2[%dma_wait3A_267, %dma_wait3A_268] : memref<10000x128xbf16, #tpu.memory_space<hbm>> -> memref<10000x128xbf16, #tpu.memory_space<hbm>>
      tpu.wait_indirect_dma semaphore(%arg15 : memref<!tpu.dma_semaphore, #tpu.memory_space<semaphore_mem>>) src(%dma_wait3A_269 : memref<10000x128xbf16, #tpu.memory_space<hbm>>) dst(%dma_wait3A_263 : memref<125x128xbf16, #tpu.memory_space<vmem>>)
      %add3A_270 = arith.constant 4 : i32
      %add3A_271 = arith.addi %mul3A_152, %add3A_270 : i32
      %dma_start3A_272 = arith.constant 4 : i32
      %dma_start3A_273 = arith.constant 0 : i32
      %dma_start3A_274 = arith.constant 0 : i32
      %dma_start3A_275 = tpu.memref_slice %arg9[%dma_start3A_272, %dma_start3A_273, %dma_start3A_274] : memref<8x125x128xbf16, #tpu.memory_space<vmem>> -> memref<1x125x128xbf16, #tpu.memory_space<vmem>>
      %dma_start3A_276 = tpu.memref_squeeze %dma_start3A_275 : memref<1x125x128xbf16, #tpu.memory_space<vmem>> -> memref<125x128xbf16, #tpu.memory_space<vmem>>
      %dma_start3A_277 = arith.constant 0 : i32
      %dma_start3A_278 = tpu.memref_slice %arg8[%add3A_271, %dma_start3A_277] : memref<80x125xi32, #tpu.memory_space<vmem>> -> memref<1x125xi32, #tpu.memory_space<vmem>>
      %dma_start3A_279 = tpu.memref_squeeze %dma_start3A_278 : memref<1x125xi32, #tpu.memory_space<vmem>> -> memref<125xi32, #tpu.memory_space<vmem>>
      %dma_start3A_280 = arith.constant 0 : i32
      %dma_start3A_281 = arith.constant 0 : i32
      %dma_start3A_282 = tpu.memref_slice %arg10[%dma_start3A_280, %dma_start3A_281] : memref<10000x128xbf16, #tpu.memory_space<vmem_shared>> -> memref<10000x128xbf16, #tpu.memory_space<vmem_shared>>
      tpu.enqueue_indirect_dma source(%dma_start3A_276 : memref<125x128xbf16, #tpu.memory_space<vmem>>) target(%dma_start3A_282 : memref<10000x128xbf16, #tpu.memory_space<vmem_shared>>) offsets(%dma_start3A_279 : memref<125xi32, #tpu.memory_space<vmem>>) semaphore(%arg23 : memref<!tpu.dma_semaphore, #tpu.memory_space<semaphore_mem>>) {add = true}
      %add3A_283 = arith.constant 5 : i32
      %add3A_284 = arith.addi %mul3A_152, %add3A_283 : i32
      %dma_wait3A_285 = arith.constant 5 : i32
      %dma_wait3A_286 = arith.constant 0 : i32
      %dma_wait3A_287 = arith.constant 0 : i32
      %dma_wait3A_288 = tpu.memref_slice %arg9[%dma_wait3A_285, %dma_wait3A_286, %dma_wait3A_287] : memref<8x125x128xbf16, #tpu.memory_space<vmem>> -> memref<1x125x128xbf16, #tpu.memory_space<vmem>>
      %dma_wait3A_289 = tpu.memref_squeeze %dma_wait3A_288 : memref<1x125x128xbf16, #tpu.memory_space<vmem>> -> memref<125x128xbf16, #tpu.memory_space<vmem>>
      %dma_wait3A_290 = arith.constant 0 : i32
      %dma_wait3A_291 = tpu.memref_slice %arg7[%add3A_284, %dma_wait3A_290] : memref<80x125xi32, #tpu.memory_space<vmem>> -> memref<1x125xi32, #tpu.memory_space<vmem>>
      %dma_wait3A_292 = tpu.memref_squeeze %dma_wait3A_291 : memref<1x125xi32, #tpu.memory_space<vmem>> -> memref<125xi32, #tpu.memory_space<vmem>>
      %dma_wait3A_293 = arith.constant 0 : i32
      %dma_wait3A_294 = arith.constant 0 : i32
      %dma_wait3A_295 = tpu.memref_slice %arg2[%dma_wait3A_293, %dma_wait3A_294] : memref<10000x128xbf16, #tpu.memory_space<hbm>> -> memref<10000x128xbf16, #tpu.memory_space<hbm>>
      tpu.wait_indirect_dma semaphore(%arg16 : memref<!tpu.dma_semaphore, #tpu.memory_space<semaphore_mem>>) src(%dma_wait3A_295 : memref<10000x128xbf16, #tpu.memory_space<hbm>>) dst(%dma_wait3A_289 : memref<125x128xbf16, #tpu.memory_space<vmem>>)
      %add3A_296 = arith.constant 5 : i32
      %add3A_297 = arith.addi %mul3A_152, %add3A_296 : i32
      %dma_start3A_298 = arith.constant 5 : i32
      %dma_start3A_299 = arith.constant 0 : i32
      %dma_start3A_300 = arith.constant 0 : i32
      %dma_start3A_301 = tpu.memref_slice %arg9[%dma_start3A_298, %dma_start3A_299, %dma_start3A_300] : memref<8x125x128xbf16, #tpu.memory_space<vmem>> -> memref<1x125x128xbf16, #tpu.memory_space<vmem>>
      %dma_start3A_302 = tpu.memref_squeeze %dma_start3A_301 : memref<1x125x128xbf16, #tpu.memory_space<vmem>> -> memref<125x128xbf16, #tpu.memory_space<vmem>>
      %dma_start3A_303 = arith.constant 0 : i32
      %dma_start3A_304 = tpu.memref_slice %arg8[%add3A_297, %dma_start3A_303] : memref<80x125xi32, #tpu.memory_space<vmem>> -> memref<1x125xi32, #tpu.memory_space<vmem>>
      %dma_start3A_305 = tpu.memref_squeeze %dma_start3A_304 : memref<1x125xi32, #tpu.memory_space<vmem>> -> memref<125xi32, #tpu.memory_space<vmem>>
      %dma_start3A_306 = arith.constant 0 : i32
      %dma_start3A_307 = arith.constant 0 : i32
      %dma_start3A_308 = tpu.memref_slice %arg10[%dma_start3A_306, %dma_start3A_307] : memref<10000x128xbf16, #tpu.memory_space<vmem_shared>> -> memref<10000x128xbf16, #tpu.memory_space<vmem_shared>>
      tpu.enqueue_indirect_dma source(%dma_start3A_302 : memref<125x128xbf16, #tpu.memory_space<vmem>>) target(%dma_start3A_308 : memref<10000x128xbf16, #tpu.memory_space<vmem_shared>>) offsets(%dma_start3A_305 : memref<125xi32, #tpu.memory_space<vmem>>) semaphore(%arg24 : memref<!tpu.dma_semaphore, #tpu.memory_space<semaphore_mem>>) {add = true}
      %add3A_309 = arith.constant 6 : i32
      %add3A_310 = arith.addi %mul3A_152, %add3A_309 : i32
      %dma_wait3A_311 = arith.constant 6 : i32
      %dma_wait3A_312 = arith.constant 0 : i32
      %dma_wait3A_313 = arith.constant 0 : i32
      %dma_wait3A_314 = tpu.memref_slice %arg9[%dma_wait3A_311, %dma_wait3A_312, %dma_wait3A_313] : memref<8x125x128xbf16, #tpu.memory_space<vmem>> -> memref<1x125x128xbf16, #tpu.memory_space<vmem>>
      %dma_wait3A_315 = tpu.memref_squeeze %dma_wait3A_314 : memref<1x125x128xbf16, #tpu.memory_space<vmem>> -> memref<125x128xbf16, #tpu.memory_space<vmem>>
      %dma_wait3A_316 = arith.constant 0 : i32
      %dma_wait3A_317 = tpu.memref_slice %arg7[%add3A_310, %dma_wait3A_316] : memref<80x125xi32, #tpu.memory_space<vmem>> -> memref<1x125xi32, #tpu.memory_space<vmem>>
      %dma_wait3A_318 = tpu.memref_squeeze %dma_wait3A_317 : memref<1x125xi32, #tpu.memory_space<vmem>> -> memref<125xi32, #tpu.memory_space<vmem>>
      %dma_wait3A_319 = arith.constant 0 : i32
      %dma_wait3A_320 = arith.constant 0 : i32
      %dma_wait3A_321 = tpu.memref_slice %arg2[%dma_wait3A_319, %dma_wait3A_320] : memref<10000x128xbf16, #tpu.memory_space<hbm>> -> memref<10000x128xbf16, #tpu.memory_space<hbm>>
      tpu.wait_indirect_dma semaphore(%arg17 : memref<!tpu.dma_semaphore, #tpu.memory_space<semaphore_mem>>) src(%dma_wait3A_321 : memref<10000x128xbf16, #tpu.memory_space<hbm>>) dst(%dma_wait3A_315 : memref<125x128xbf16, #tpu.memory_space<vmem>>)
      %add3A_322 = arith.constant 6 : i32
      %add3A_323 = arith.addi %mul3A_152, %add3A_322 : i32
      %dma_start3A_324 = arith.constant 6 : i32
      %dma_start3A_325 = arith.constant 0 : i32
      %dma_start3A_326 = arith.constant 0 : i32
      %dma_start3A_327 = tpu.memref_slice %arg9[%dma_start3A_324, %dma_start3A_325, %dma_start3A_326] : memref<8x125x128xbf16, #tpu.memory_space<vmem>> -> memref<1x125x128xbf16, #tpu.memory_space<vmem>>
      %dma_start3A_328 = tpu.memref_squeeze %dma_start3A_327 : memref<1x125x128xbf16, #tpu.memory_space<vmem>> -> memref<125x128xbf16, #tpu.memory_space<vmem>>
      %dma_start3A_329 = arith.constant 0 : i32
      %dma_start3A_330 = tpu.memref_slice %arg8[%add3A_323, %dma_start3A_329] : memref<80x125xi32, #tpu.memory_space<vmem>> -> memref<1x125xi32, #tpu.memory_space<vmem>>
      %dma_start3A_331 = tpu.memref_squeeze %dma_start3A_330 : memref<1x125xi32, #tpu.memory_space<vmem>> -> memref<125xi32, #tpu.memory_space<vmem>>
      %dma_start3A_332 = arith.constant 0 : i32
      %dma_start3A_333 = arith.constant 0 : i32
      %dma_start3A_334 = tpu.memref_slice %arg10[%dma_start3A_332, %dma_start3A_333] : memref<10000x128xbf16, #tpu.memory_space<vmem_shared>> -> memref<10000x128xbf16, #tpu.memory_space<vmem_shared>>
      tpu.enqueue_indirect_dma source(%dma_start3A_328 : memref<125x128xbf16, #tpu.memory_space<vmem>>) target(%dma_start3A_334 : memref<10000x128xbf16, #tpu.memory_space<vmem_shared>>) offsets(%dma_start3A_331 : memref<125xi32, #tpu.memory_space<vmem>>) semaphore(%arg25 : memref<!tpu.dma_semaphore, #tpu.memory_space<semaphore_mem>>) {add = true}
      %add3A_335 = arith.constant 7 : i32
      %add3A_336 = arith.addi %mul3A_152, %add3A_335 : i32
      %dma_wait3A_337 = arith.constant 7 : i32
      %dma_wait3A_338 = arith.constant 0 : i32
      %dma_wait3A_339 = arith.constant 0 : i32
      %dma_wait3A_340 = tpu.memref_slice %arg9[%dma_wait3A_337, %dma_wait3A_338, %dma_wait3A_339] : memref<8x125x128xbf16, #tpu.memory_space<vmem>> -> memref<1x125x128xbf16, #tpu.memory_space<vmem>>
      %dma_wait3A_341 = tpu.memref_squeeze %dma_wait3A_340 : memref<1x125x128xbf16, #tpu.memory_space<vmem>> -> memref<125x128xbf16, #tpu.memory_space<vmem>>
      %dma_wait3A_342 = arith.constant 0 : i32
      %dma_wait3A_343 = tpu.memref_slice %arg7[%add3A_336, %dma_wait3A_342] : memref<80x125xi32, #tpu.memory_space<vmem>> -> memref<1x125xi32, #tpu.memory_space<vmem>>
      %dma_wait3A_344 = tpu.memref_squeeze %dma_wait3A_343 : memref<1x125xi32, #tpu.memory_space<vmem>> -> memref<125xi32, #tpu.memory_space<vmem>>
      %dma_wait3A_345 = arith.constant 0 : i32
      %dma_wait3A_346 = arith.constant 0 : i32
      %dma_wait3A_347 = tpu.memref_slice %arg2[%dma_wait3A_345, %dma_wait3A_346] : memref<10000x128xbf16, #tpu.memory_space<hbm>> -> memref<10000x128xbf16, #tpu.memory_space<hbm>>
      tpu.wait_indirect_dma semaphore(%arg18 : memref<!tpu.dma_semaphore, #tpu.memory_space<semaphore_mem>>) src(%dma_wait3A_347 : memref<10000x128xbf16, #tpu.memory_space<hbm>>) dst(%dma_wait3A_341 : memref<125x128xbf16, #tpu.memory_space<vmem>>)
      %add3A_348 = arith.constant 7 : i32
      %add3A_349 = arith.addi %mul3A_152, %add3A_348 : i32
      %dma_start3A_350 = arith.constant 7 : i32
      %dma_start3A_351 = arith.constant 0 : i32
      %dma_start3A_352 = arith.constant 0 : i32
      %dma_start3A_353 = tpu.memref_slice %arg9[%dma_start3A_350, %dma_start3A_351, %dma_start3A_352] : memref<8x125x128xbf16, #tpu.memory_space<vmem>> -> memref<1x125x128xbf16, #tpu.memory_space<vmem>>
      %dma_start3A_354 = tpu.memref_squeeze %dma_start3A_353 : memref<1x125x128xbf16, #tpu.memory_space<vmem>> -> memref<125x128xbf16, #tpu.memory_space<vmem>>
      %dma_start3A_355 = arith.constant 0 : i32
      %dma_start3A_356 = tpu.memref_slice %arg8[%add3A_349, %dma_start3A_355] : memref<80x125xi32, #tpu.memory_space<vmem>> -> memref<1x125xi32, #tpu.memory_space<vmem>>
      %dma_start3A_357 = tpu.memref_squeeze %dma_start3A_356 : memref<1x125xi32, #tpu.memory_space<vmem>> -> memref<125xi32, #tpu.memory_space<vmem>>
      %dma_start3A_358 = arith.constant 0 : i32
      %dma_start3A_359 = arith.constant 0 : i32
      %dma_start3A_360 = tpu.memref_slice %arg10[%dma_start3A_358, %dma_start3A_359] : memref<10000x128xbf16, #tpu.memory_space<vmem_shared>> -> memref<10000x128xbf16, #tpu.memory_space<vmem_shared>>
      tpu.enqueue_indirect_dma source(%dma_start3A_354 : memref<125x128xbf16, #tpu.memory_space<vmem>>) target(%dma_start3A_360 : memref<10000x128xbf16, #tpu.memory_space<vmem_shared>>) offsets(%dma_start3A_357 : memref<125xi32, #tpu.memory_space<vmem>>) semaphore(%arg26 : memref<!tpu.dma_semaphore, #tpu.memory_space<semaphore_mem>>) {add = true}
      %add3A_361 = arith.constant 0 : i32
      %add3A_362 = arith.addi %mul3A_152, %add3A_361 : i32
      %dma_wait3A_363 = arith.constant 0 : i32
      %dma_wait3A_364 = arith.constant 0 : i32
      %dma_wait3A_365 = arith.constant 0 : i32
      %dma_wait3A_366 = tpu.memref_slice %arg9[%dma_wait3A_363, %dma_wait3A_364, %dma_wait3A_365] : memref<8x125x128xbf16, #tpu.memory_space<vmem>> -> memref<1x125x128xbf16, #tpu.memory_space<vmem>>
      %dma_wait3A_367 = tpu.memref_squeeze %dma_wait3A_366 : memref<1x125x128xbf16, #tpu.memory_space<vmem>> -> memref<125x128xbf16, #tpu.memory_space<vmem>>
      %dma_wait3A_368 = arith.constant 0 : i32
      %dma_wait3A_369 = tpu.memref_slice %arg8[%add3A_362, %dma_wait3A_368] : memref<80x125xi32, #tpu.memory_space<vmem>> -> memref<1x125xi32, #tpu.memory_space<vmem>>
      %dma_wait3A_370 = tpu.memref_squeeze %dma_wait3A_369 : memref<1x125xi32, #tpu.memory_space<vmem>> -> memref<125xi32, #tpu.memory_space<vmem>>
      %dma_wait3A_371 = arith.constant 0 : i32
      %dma_wait3A_372 = arith.constant 0 : i32
      %dma_wait3A_373 = tpu.memref_slice %arg10[%dma_wait3A_371, %dma_wait3A_372] : memref<10000x128xbf16, #tpu.memory_space<vmem_shared>> -> memref<10000x128xbf16, #tpu.memory_space<vmem_shared>>
      tpu.wait_indirect_dma semaphore(%arg19 : memref<!tpu.dma_semaphore, #tpu.memory_space<semaphore_mem>>) src(%dma_wait3A_367 : memref<125x128xbf16, #tpu.memory_space<vmem>>) dst(%dma_wait3A_373 : memref<10000x128xbf16, #tpu.memory_space<vmem_shared>>)
      %add3A_374 = arith.constant 1 : i32
      %add3A_375 = arith.addi %scan3A_150, %add3A_374 : i32
      %lt3A = arith.constant 10 : i32
      %lt3A_376 = arith.cmpi slt, %add3A_375, %lt3A : i32
      %convert_element_type3A_377 = arith.extui %lt3A_376 : i1 to i32
      %cond3A_378 = arith.constant 0 : i32
      %cond3A_379 = arith.cmpi ne, %convert_element_type3A_377, %cond3A_378 : i32
      scf.if %cond3A_379 {
        %add3A_520 = arith.constant 8 : i32
        %add3A_521 = arith.addi %mul3A_152, %add3A_520 : i32
        %add3A_522 = arith.constant 0 : i32
        %add3A_523 = arith.addi %add3A_521, %add3A_522 : i32
        %dma_start3A_524 = arith.constant 0 : i32
        %dma_start3A_525 = arith.constant 0 : i32
        %dma_start3A_526 = arith.constant 0 : i32
        %dma_start3A_527 = tpu.memref_slice %arg9[%dma_start3A_524, %dma_start3A_525, %dma_start3A_526] : memref<8x125x128xbf16, #tpu.memory_space<vmem>> -> memref<1x125x128xbf16, #tpu.memory_space<vmem>>
        %dma_start3A_528 = tpu.memref_squeeze %dma_start3A_527 : memref<1x125x128xbf16, #tpu.memory_space<vmem>> -> memref<125x128xbf16, #tpu.memory_space<vmem>>
        %dma_start3A_529 = arith.constant 0 : i32
        %dma_start3A_530 = tpu.memref_slice %arg7[%add3A_523, %dma_start3A_529] : memref<80x125xi32, #tpu.memory_space<vmem>> -> memref<1x125xi32, #tpu.memory_space<vmem>>
        %dma_start3A_531 = tpu.memref_squeeze %dma_start3A_530 : memref<1x125xi32, #tpu.memory_space<vmem>> -> memref<125xi32, #tpu.memory_space<vmem>>
        %dma_start3A_532 = arith.constant 0 : i32
        %dma_start3A_533 = arith.constant 0 : i32
        %dma_start3A_534 = tpu.memref_slice %arg2[%dma_start3A_532, %dma_start3A_533] : memref<10000x128xbf16, #tpu.memory_space<hbm>> -> memref<10000x128xbf16, #tpu.memory_space<hbm>>
        tpu.enqueue_indirect_dma source(%dma_start3A_534 : memref<10000x128xbf16, #tpu.memory_space<hbm>>) target(%dma_start3A_528 : memref<125x128xbf16, #tpu.memory_space<vmem>>) offsets(%dma_start3A_531 : memref<125xi32, #tpu.memory_space<vmem>>) semaphore(%arg11 : memref<!tpu.dma_semaphore, #tpu.memory_space<semaphore_mem>>)
      } else {
      }
      %add3A_380 = arith.constant 1 : i32
      %add3A_381 = arith.addi %mul3A_152, %add3A_380 : i32
      %dma_wait3A_382 = arith.constant 1 : i32
      %dma_wait3A_383 = arith.constant 0 : i32
      %dma_wait3A_384 = arith.constant 0 : i32
      %dma_wait3A_385 = tpu.memref_slice %arg9[%dma_wait3A_382, %dma_wait3A_383, %dma_wait3A_384] : memref<8x125x128xbf16, #tpu.memory_space<vmem>> -> memref<1x125x128xbf16, #tpu.memory_space<vmem>>
      %dma_wait3A_386 = tpu.memref_squeeze %dma_wait3A_385 : memref<1x125x128xbf16, #tpu.memory_space<vmem>> -> memref<125x128xbf16, #tpu.memory_space<vmem>>
      %dma_wait3A_387 = arith.constant 0 : i32
      %dma_wait3A_388 = tpu.memref_slice %arg8[%add3A_381, %dma_wait3A_387] : memref<80x125xi32, #tpu.memory_space<vmem>> -> memref<1x125xi32, #tpu.memory_space<vmem>>
      %dma_wait3A_389 = tpu.memref_squeeze %dma_wait3A_388 : memref<1x125xi32, #tpu.memory_space<vmem>> -> memref<125xi32, #tpu.memory_space<vmem>>
      %dma_wait3A_390 = arith.constant 0 : i32
      %dma_wait3A_391 = arith.constant 0 : i32
      %dma_wait3A_392 = tpu.memref_slice %arg10[%dma_wait3A_390, %dma_wait3A_391] : memref<10000x128xbf16, #tpu.memory_space<vmem_shared>> -> memref<10000x128xbf16, #tpu.memory_space<vmem_shared>>
      tpu.wait_indirect_dma semaphore(%arg20 : memref<!tpu.dma_semaphore, #tpu.memory_space<semaphore_mem>>) src(%dma_wait3A_386 : memref<125x128xbf16, #tpu.memory_space<vmem>>) dst(%dma_wait3A_392 : memref<10000x128xbf16, #tpu.memory_space<vmem_shared>>)
      %add3A_393 = arith.constant 1 : i32
      %add3A_394 = arith.addi %scan3A_150, %add3A_393 : i32
      %lt3A_395 = arith.constant 10 : i32
      %lt3A_396 = arith.cmpi slt, %add3A_394, %lt3A_395 : i32
      %convert_element_type3A_397 = arith.extui %lt3A_396 : i1 to i32
      %cond3A_398 = arith.constant 0 : i32
      %cond3A_399 = arith.cmpi ne, %convert_element_type3A_397, %cond3A_398 : i32
      scf.if %cond3A_399 {
        %add3A_520 = arith.constant 8 : i32
        %add3A_521 = arith.addi %mul3A_152, %add3A_520 : i32
        %add3A_522 = arith.constant 1 : i32
        %add3A_523 = arith.addi %add3A_521, %add3A_522 : i32
        %dma_start3A_524 = arith.constant 1 : i32
        %dma_start3A_525 = arith.constant 0 : i32
        %dma_start3A_526 = arith.constant 0 : i32
        %dma_start3A_527 = tpu.memref_slice %arg9[%dma_start3A_524, %dma_start3A_525, %dma_start3A_526] : memref<8x125x128xbf16, #tpu.memory_space<vmem>> -> memref<1x125x128xbf16, #tpu.memory_space<vmem>>
        %dma_start3A_528 = tpu.memref_squeeze %dma_start3A_527 : memref<1x125x128xbf16, #tpu.memory_space<vmem>> -> memref<125x128xbf16, #tpu.memory_space<vmem>>
        %dma_start3A_529 = arith.constant 0 : i32
        %dma_start3A_530 = tpu.memref_slice %arg7[%add3A_523, %dma_start3A_529] : memref<80x125xi32, #tpu.memory_space<vmem>> -> memref<1x125xi32, #tpu.memory_space<vmem>>
        %dma_start3A_531 = tpu.memref_squeeze %dma_start3A_530 : memref<1x125xi32, #tpu.memory_space<vmem>> -> memref<125xi32, #tpu.memory_space<vmem>>
        %dma_start3A_532 = arith.constant 0 : i32
        %dma_start3A_533 = arith.constant 0 : i32
        %dma_start3A_534 = tpu.memref_slice %arg2[%dma_start3A_532, %dma_start3A_533] : memref<10000x128xbf16, #tpu.memory_space<hbm>> -> memref<10000x128xbf16, #tpu.memory_space<hbm>>
        tpu.enqueue_indirect_dma source(%dma_start3A_534 : memref<10000x128xbf16, #tpu.memory_space<hbm>>) target(%dma_start3A_528 : memref<125x128xbf16, #tpu.memory_space<vmem>>) offsets(%dma_start3A_531 : memref<125xi32, #tpu.memory_space<vmem>>) semaphore(%arg12 : memref<!tpu.dma_semaphore, #tpu.memory_space<semaphore_mem>>)
      } else {
      }
      %add3A_400 = arith.constant 2 : i32
      %add3A_401 = arith.addi %mul3A_152, %add3A_400 : i32
      %dma_wait3A_402 = arith.constant 2 : i32
      %dma_wait3A_403 = arith.constant 0 : i32
      %dma_wait3A_404 = arith.constant 0 : i32
      %dma_wait3A_405 = tpu.memref_slice %arg9[%dma_wait3A_402, %dma_wait3A_403, %dma_wait3A_404] : memref<8x125x128xbf16, #tpu.memory_space<vmem>> -> memref<1x125x128xbf16, #tpu.memory_space<vmem>>
      %dma_wait3A_406 = tpu.memref_squeeze %dma_wait3A_405 : memref<1x125x128xbf16, #tpu.memory_space<vmem>> -> memref<125x128xbf16, #tpu.memory_space<vmem>>
      %dma_wait3A_407 = arith.constant 0 : i32
      %dma_wait3A_408 = tpu.memref_slice %arg8[%add3A_401, %dma_wait3A_407] : memref<80x125xi32, #tpu.memory_space<vmem>> -> memref<1x125xi32, #tpu.memory_space<vmem>>
      %dma_wait3A_409 = tpu.memref_squeeze %dma_wait3A_408 : memref<1x125xi32, #tpu.memory_space<vmem>> -> memref<125xi32, #tpu.memory_space<vmem>>
      %dma_wait3A_410 = arith.constant 0 : i32
      %dma_wait3A_411 = arith.constant 0 : i32
      %dma_wait3A_412 = tpu.memref_slice %arg10[%dma_wait3A_410, %dma_wait3A_411] : memref<10000x128xbf16, #tpu.memory_space<vmem_shared>> -> memref<10000x128xbf16, #tpu.memory_space<vmem_shared>>
      tpu.wait_indirect_dma semaphore(%arg21 : memref<!tpu.dma_semaphore, #tpu.memory_space<semaphore_mem>>) src(%dma_wait3A_406 : memref<125x128xbf16, #tpu.memory_space<vmem>>) dst(%dma_wait3A_412 : memref<10000x128xbf16, #tpu.memory_space<vmem_shared>>)
      %add3A_413 = arith.constant 1 : i32
      %add3A_414 = arith.addi %scan3A_150, %add3A_413 : i32
      %lt3A_415 = arith.constant 10 : i32
      %lt3A_416 = arith.cmpi slt, %add3A_414, %lt3A_415 : i32
      %convert_element_type3A_417 = arith.extui %lt3A_416 : i1 to i32
      %cond3A_418 = arith.constant 0 : i32
      %cond3A_419 = arith.cmpi ne, %convert_element_type3A_417, %cond3A_418 : i32
      scf.if %cond3A_419 {
        %add3A_520 = arith.constant 8 : i32
        %add3A_521 = arith.addi %mul3A_152, %add3A_520 : i32
        %add3A_522 = arith.constant 2 : i32
        %add3A_523 = arith.addi %add3A_521, %add3A_522 : i32
        %dma_start3A_524 = arith.constant 2 : i32
        %dma_start3A_525 = arith.constant 0 : i32
        %dma_start3A_526 = arith.constant 0 : i32
        %dma_start3A_527 = tpu.memref_slice %arg9[%dma_start3A_524, %dma_start3A_525, %dma_start3A_526] : memref<8x125x128xbf16, #tpu.memory_space<vmem>> -> memref<1x125x128xbf16, #tpu.memory_space<vmem>>
        %dma_start3A_528 = tpu.memref_squeeze %dma_start3A_527 : memref<1x125x128xbf16, #tpu.memory_space<vmem>> -> memref<125x128xbf16, #tpu.memory_space<vmem>>
        %dma_start3A_529 = arith.constant 0 : i32
        %dma_start3A_530 = tpu.memref_slice %arg7[%add3A_523, %dma_start3A_529] : memref<80x125xi32, #tpu.memory_space<vmem>> -> memref<1x125xi32, #tpu.memory_space<vmem>>
        %dma_start3A_531 = tpu.memref_squeeze %dma_start3A_530 : memref<1x125xi32, #tpu.memory_space<vmem>> -> memref<125xi32, #tpu.memory_space<vmem>>
        %dma_start3A_532 = arith.constant 0 : i32
        %dma_start3A_533 = arith.constant 0 : i32
        %dma_start3A_534 = tpu.memref_slice %arg2[%dma_start3A_532, %dma_start3A_533] : memref<10000x128xbf16, #tpu.memory_space<hbm>> -> memref<10000x128xbf16, #tpu.memory_space<hbm>>
        tpu.enqueue_indirect_dma source(%dma_start3A_534 : memref<10000x128xbf16, #tpu.memory_space<hbm>>) target(%dma_start3A_528 : memref<125x128xbf16, #tpu.memory_space<vmem>>) offsets(%dma_start3A_531 : memref<125xi32, #tpu.memory_space<vmem>>) semaphore(%arg13 : memref<!tpu.dma_semaphore, #tpu.memory_space<semaphore_mem>>)
      } else {
      }
      %add3A_420 = arith.constant 3 : i32
      %add3A_421 = arith.addi %mul3A_152, %add3A_420 : i32
      %dma_wait3A_422 = arith.constant 3 : i32
      %dma_wait3A_423 = arith.constant 0 : i32
      %dma_wait3A_424 = arith.constant 0 : i32
      %dma_wait3A_425 = tpu.memref_slice %arg9[%dma_wait3A_422, %dma_wait3A_423, %dma_wait3A_424] : memref<8x125x128xbf16, #tpu.memory_space<vmem>> -> memref<1x125x128xbf16, #tpu.memory_space<vmem>>
      %dma_wait3A_426 = tpu.memref_squeeze %dma_wait3A_425 : memref<1x125x128xbf16, #tpu.memory_space<vmem>> -> memref<125x128xbf16, #tpu.memory_space<vmem>>
      %dma_wait3A_427 = arith.constant 0 : i32
      %dma_wait3A_428 = tpu.memref_slice %arg8[%add3A_421, %dma_wait3A_427] : memref<80x125xi32, #tpu.memory_space<vmem>> -> memref<1x125xi32, #tpu.memory_space<vmem>>
      %dma_wait3A_429 = tpu.memref_squeeze %dma_wait3A_428 : memref<1x125xi32, #tpu.memory_space<vmem>> -> memref<125xi32, #tpu.memory_space<vmem>>
      %dma_wait3A_430 = arith.constant 0 : i32
      %dma_wait3A_431 = arith.constant 0 : i32
      %dma_wait3A_432 = tpu.memref_slice %arg10[%dma_wait3A_430, %dma_wait3A_431] : memref<10000x128xbf16, #tpu.memory_space<vmem_shared>> -> memref<10000x128xbf16, #tpu.memory_space<vmem_shared>>
      tpu.wait_indirect_dma semaphore(%arg22 : memref<!tpu.dma_semaphore, #tpu.memory_space<semaphore_mem>>) src(%dma_wait3A_426 : memref<125x128xbf16, #tpu.memory_space<vmem>>) dst(%dma_wait3A_432 : memref<10000x128xbf16, #tpu.memory_space<vmem_shared>>)
      %add3A_433 = arith.constant 1 : i32
      %add3A_434 = arith.addi %scan3A_150, %add3A_433 : i32
      %lt3A_435 = arith.constant 10 : i32
      %lt3A_436 = arith.cmpi slt, %add3A_434, %lt3A_435 : i32
      %convert_element_type3A_437 = arith.extui %lt3A_436 : i1 to i32
      %cond3A_438 = arith.constant 0 : i32
      %cond3A_439 = arith.cmpi ne, %convert_element_type3A_437, %cond3A_438 : i32
      scf.if %cond3A_439 {
        %add3A_520 = arith.constant 8 : i32
        %add3A_521 = arith.addi %mul3A_152, %add3A_520 : i32
        %add3A_522 = arith.constant 3 : i32
        %add3A_523 = arith.addi %add3A_521, %add3A_522 : i32
        %dma_start3A_524 = arith.constant 3 : i32
        %dma_start3A_525 = arith.constant 0 : i32
        %dma_start3A_526 = arith.constant 0 : i32
        %dma_start3A_527 = tpu.memref_slice %arg9[%dma_start3A_524, %dma_start3A_525, %dma_start3A_526] : memref<8x125x128xbf16, #tpu.memory_space<vmem>> -> memref<1x125x128xbf16, #tpu.memory_space<vmem>>
        %dma_start3A_528 = tpu.memref_squeeze %dma_start3A_527 : memref<1x125x128xbf16, #tpu.memory_space<vmem>> -> memref<125x128xbf16, #tpu.memory_space<vmem>>
        %dma_start3A_529 = arith.constant 0 : i32
        %dma_start3A_530 = tpu.memref_slice %arg7[%add3A_523, %dma_start3A_529] : memref<80x125xi32, #tpu.memory_space<vmem>> -> memref<1x125xi32, #tpu.memory_space<vmem>>
        %dma_start3A_531 = tpu.memref_squeeze %dma_start3A_530 : memref<1x125xi32, #tpu.memory_space<vmem>> -> memref<125xi32, #tpu.memory_space<vmem>>
        %dma_start3A_532 = arith.constant 0 : i32
        %dma_start3A_533 = arith.constant 0 : i32
        %dma_start3A_534 = tpu.memref_slice %arg2[%dma_start3A_532, %dma_start3A_533] : memref<10000x128xbf16, #tpu.memory_space<hbm>> -> memref<10000x128xbf16, #tpu.memory_space<hbm>>
        tpu.enqueue_indirect_dma source(%dma_start3A_534 : memref<10000x128xbf16, #tpu.memory_space<hbm>>) target(%dma_start3A_528 : memref<125x128xbf16, #tpu.memory_space<vmem>>) offsets(%dma_start3A_531 : memref<125xi32, #tpu.memory_space<vmem>>) semaphore(%arg14 : memref<!tpu.dma_semaphore, #tpu.memory_space<semaphore_mem>>)
      } else {
      }
      %add3A_440 = arith.constant 4 : i32
      %add3A_441 = arith.addi %mul3A_152, %add3A_440 : i32
      %dma_wait3A_442 = arith.constant 4 : i32
      %dma_wait3A_443 = arith.constant 0 : i32
      %dma_wait3A_444 = arith.constant 0 : i32
      %dma_wait3A_445 = tpu.memref_slice %arg9[%dma_wait3A_442, %dma_wait3A_443, %dma_wait3A_444] : memref<8x125x128xbf16, #tpu.memory_space<vmem>> -> memref<1x125x128xbf16, #tpu.memory_space<vmem>>
      %dma_wait3A_446 = tpu.memref_squeeze %dma_wait3A_445 : memref<1x125x128xbf16, #tpu.memory_space<vmem>> -> memref<125x128xbf16, #tpu.memory_space<vmem>>
      %dma_wait3A_447 = arith.constant 0 : i32
      %dma_wait3A_448 = tpu.memref_slice %arg8[%add3A_441, %dma_wait3A_447] : memref<80x125xi32, #tpu.memory_space<vmem>> -> memref<1x125xi32, #tpu.memory_space<vmem>>
      %dma_wait3A_449 = tpu.memref_squeeze %dma_wait3A_448 : memref<1x125xi32, #tpu.memory_space<vmem>> -> memref<125xi32, #tpu.memory_space<vmem>>
      %dma_wait3A_450 = arith.constant 0 : i32
      %dma_wait3A_451 = arith.constant 0 : i32
      %dma_wait3A_452 = tpu.memref_slice %arg10[%dma_wait3A_450, %dma_wait3A_451] : memref<10000x128xbf16, #tpu.memory_space<vmem_shared>> -> memref<10000x128xbf16, #tpu.memory_space<vmem_shared>>
      tpu.wait_indirect_dma semaphore(%arg23 : memref<!tpu.dma_semaphore, #tpu.memory_space<semaphore_mem>>) src(%dma_wait3A_446 : memref<125x128xbf16, #tpu.memory_space<vmem>>) dst(%dma_wait3A_452 : memref<10000x128xbf16, #tpu.memory_space<vmem_shared>>)
      %add3A_453 = arith.constant 1 : i32
      %add3A_454 = arith.addi %scan3A_150, %add3A_453 : i32
      %lt3A_455 = arith.constant 10 : i32
      %lt3A_456 = arith.cmpi slt, %add3A_454, %lt3A_455 : i32
      %convert_element_type3A_457 = arith.extui %lt3A_456 : i1 to i32
      %cond3A_458 = arith.constant 0 : i32
      %cond3A_459 = arith.cmpi ne, %convert_element_type3A_457, %cond3A_458 : i32
      scf.if %cond3A_459 {
        %add3A_520 = arith.constant 8 : i32
        %add3A_521 = arith.addi %mul3A_152, %add3A_520 : i32
        %add3A_522 = arith.constant 4 : i32
        %add3A_523 = arith.addi %add3A_521, %add3A_522 : i32
        %dma_start3A_524 = arith.constant 4 : i32
        %dma_start3A_525 = arith.constant 0 : i32
        %dma_start3A_526 = arith.constant 0 : i32
        %dma_start3A_527 = tpu.memref_slice %arg9[%dma_start3A_524, %dma_start3A_525, %dma_start3A_526] : memref<8x125x128xbf16, #tpu.memory_space<vmem>> -> memref<1x125x128xbf16, #tpu.memory_space<vmem>>
        %dma_start3A_528 = tpu.memref_squeeze %dma_start3A_527 : memref<1x125x128xbf16, #tpu.memory_space<vmem>> -> memref<125x128xbf16, #tpu.memory_space<vmem>>
        %dma_start3A_529 = arith.constant 0 : i32
        %dma_start3A_530 = tpu.memref_slice %arg7[%add3A_523, %dma_start3A_529] : memref<80x125xi32, #tpu.memory_space<vmem>> -> memref<1x125xi32, #tpu.memory_space<vmem>>
        %dma_start3A_531 = tpu.memref_squeeze %dma_start3A_530 : memref<1x125xi32, #tpu.memory_space<vmem>> -> memref<125xi32, #tpu.memory_space<vmem>>
        %dma_start3A_532 = arith.constant 0 : i32
        %dma_start3A_533 = arith.constant 0 : i32
        %dma_start3A_534 = tpu.memref_slice %arg2[%dma_start3A_532, %dma_start3A_533] : memref<10000x128xbf16, #tpu.memory_space<hbm>> -> memref<10000x128xbf16, #tpu.memory_space<hbm>>
        tpu.enqueue_indirect_dma source(%dma_start3A_534 : memref<10000x128xbf16, #tpu.memory_space<hbm>>) target(%dma_start3A_528 : memref<125x128xbf16, #tpu.memory_space<vmem>>) offsets(%dma_start3A_531 : memref<125xi32, #tpu.memory_space<vmem>>) semaphore(%arg15 : memref<!tpu.dma_semaphore, #tpu.memory_space<semaphore_mem>>)
      } else {
      }
      %add3A_460 = arith.constant 5 : i32
      %add3A_461 = arith.addi %mul3A_152, %add3A_460 : i32
      %dma_wait3A_462 = arith.constant 5 : i32
      %dma_wait3A_463 = arith.constant 0 : i32
      %dma_wait3A_464 = arith.constant 0 : i32
      %dma_wait3A_465 = tpu.memref_slice %arg9[%dma_wait3A_462, %dma_wait3A_463, %dma_wait3A_464] : memref<8x125x128xbf16, #tpu.memory_space<vmem>> -> memref<1x125x128xbf16, #tpu.memory_space<vmem>>
      %dma_wait3A_466 = tpu.memref_squeeze %dma_wait3A_465 : memref<1x125x128xbf16, #tpu.memory_space<vmem>> -> memref<125x128xbf16, #tpu.memory_space<vmem>>
      %dma_wait3A_467 = arith.constant 0 : i32
      %dma_wait3A_468 = tpu.memref_slice %arg8[%add3A_461, %dma_wait3A_467] : memref<80x125xi32, #tpu.memory_space<vmem>> -> memref<1x125xi32, #tpu.memory_space<vmem>>
      %dma_wait3A_469 = tpu.memref_squeeze %dma_wait3A_468 : memref<1x125xi32, #tpu.memory_space<vmem>> -> memref<125xi32, #tpu.memory_space<vmem>>
      %dma_wait3A_470 = arith.constant 0 : i32
      %dma_wait3A_471 = arith.constant 0 : i32
      %dma_wait3A_472 = tpu.memref_slice %arg10[%dma_wait3A_470, %dma_wait3A_471] : memref<10000x128xbf16, #tpu.memory_space<vmem_shared>> -> memref<10000x128xbf16, #tpu.memory_space<vmem_shared>>
      tpu.wait_indirect_dma semaphore(%arg24 : memref<!tpu.dma_semaphore, #tpu.memory_space<semaphore_mem>>) src(%dma_wait3A_466 : memref<125x128xbf16, #tpu.memory_space<vmem>>) dst(%dma_wait3A_472 : memref<10000x128xbf16, #tpu.memory_space<vmem_shared>>)
      %add3A_473 = arith.constant 1 : i32
      %add3A_474 = arith.addi %scan3A_150, %add3A_473 : i32
      %lt3A_475 = arith.constant 10 : i32
      %lt3A_476 = arith.cmpi slt, %add3A_474, %lt3A_475 : i32
      %convert_element_type3A_477 = arith.extui %lt3A_476 : i1 to i32
      %cond3A_478 = arith.constant 0 : i32
      %cond3A_479 = arith.cmpi ne, %convert_element_type3A_477, %cond3A_478 : i32
      scf.if %cond3A_479 {
        %add3A_520 = arith.constant 8 : i32
        %add3A_521 = arith.addi %mul3A_152, %add3A_520 : i32
        %add3A_522 = arith.constant 5 : i32
        %add3A_523 = arith.addi %add3A_521, %add3A_522 : i32
        %dma_start3A_524 = arith.constant 5 : i32
        %dma_start3A_525 = arith.constant 0 : i32
        %dma_start3A_526 = arith.constant 0 : i32
        %dma_start3A_527 = tpu.memref_slice %arg9[%dma_start3A_524, %dma_start3A_525, %dma_start3A_526] : memref<8x125x128xbf16, #tpu.memory_space<vmem>> -> memref<1x125x128xbf16, #tpu.memory_space<vmem>>
        %dma_start3A_528 = tpu.memref_squeeze %dma_start3A_527 : memref<1x125x128xbf16, #tpu.memory_space<vmem>> -> memref<125x128xbf16, #tpu.memory_space<vmem>>
        %dma_start3A_529 = arith.constant 0 : i32
        %dma_start3A_530 = tpu.memref_slice %arg7[%add3A_523, %dma_start3A_529] : memref<80x125xi32, #tpu.memory_space<vmem>> -> memref<1x125xi32, #tpu.memory_space<vmem>>
        %dma_start3A_531 = tpu.memref_squeeze %dma_start3A_530 : memref<1x125xi32, #tpu.memory_space<vmem>> -> memref<125xi32, #tpu.memory_space<vmem>>
        %dma_start3A_532 = arith.constant 0 : i32
        %dma_start3A_533 = arith.constant 0 : i32
        %dma_start3A_534 = tpu.memref_slice %arg2[%dma_start3A_532, %dma_start3A_533] : memref<10000x128xbf16, #tpu.memory_space<hbm>> -> memref<10000x128xbf16, #tpu.memory_space<hbm>>
        tpu.enqueue_indirect_dma source(%dma_start3A_534 : memref<10000x128xbf16, #tpu.memory_space<hbm>>) target(%dma_start3A_528 : memref<125x128xbf16, #tpu.memory_space<vmem>>) offsets(%dma_start3A_531 : memref<125xi32, #tpu.memory_space<vmem>>) semaphore(%arg16 : memref<!tpu.dma_semaphore, #tpu.memory_space<semaphore_mem>>)
      } else {
      }
      %add3A_480 = arith.constant 6 : i32
      %add3A_481 = arith.addi %mul3A_152, %add3A_480 : i32
      %dma_wait3A_482 = arith.constant 6 : i32
      %dma_wait3A_483 = arith.constant 0 : i32
      %dma_wait3A_484 = arith.constant 0 : i32
      %dma_wait3A_485 = tpu.memref_slice %arg9[%dma_wait3A_482, %dma_wait3A_483, %dma_wait3A_484] : memref<8x125x128xbf16, #tpu.memory_space<vmem>> -> memref<1x125x128xbf16, #tpu.memory_space<vmem>>
      %dma_wait3A_486 = tpu.memref_squeeze %dma_wait3A_485 : memref<1x125x128xbf16, #tpu.memory_space<vmem>> -> memref<125x128xbf16, #tpu.memory_space<vmem>>
      %dma_wait3A_487 = arith.constant 0 : i32
      %dma_wait3A_488 = tpu.memref_slice %arg8[%add3A_481, %dma_wait3A_487] : memref<80x125xi32, #tpu.memory_space<vmem>> -> memref<1x125xi32, #tpu.memory_space<vmem>>
      %dma_wait3A_489 = tpu.memref_squeeze %dma_wait3A_488 : memref<1x125xi32, #tpu.memory_space<vmem>> -> memref<125xi32, #tpu.memory_space<vmem>>
      %dma_wait3A_490 = arith.constant 0 : i32
      %dma_wait3A_491 = arith.constant 0 : i32
      %dma_wait3A_492 = tpu.memref_slice %arg10[%dma_wait3A_490, %dma_wait3A_491] : memref<10000x128xbf16, #tpu.memory_space<vmem_shared>> -> memref<10000x128xbf16, #tpu.memory_space<vmem_shared>>
      tpu.wait_indirect_dma semaphore(%arg25 : memref<!tpu.dma_semaphore, #tpu.memory_space<semaphore_mem>>) src(%dma_wait3A_486 : memref<125x128xbf16, #tpu.memory_space<vmem>>) dst(%dma_wait3A_492 : memref<10000x128xbf16, #tpu.memory_space<vmem_shared>>)
      %add3A_493 = arith.constant 1 : i32
      %add3A_494 = arith.addi %scan3A_150, %add3A_493 : i32
      %lt3A_495 = arith.constant 10 : i32
      %lt3A_496 = arith.cmpi slt, %add3A_494, %lt3A_495 : i32
      %convert_element_type3A_497 = arith.extui %lt3A_496 : i1 to i32
      %cond3A_498 = arith.constant 0 : i32
      %cond3A_499 = arith.cmpi ne, %convert_element_type3A_497, %cond3A_498 : i32
      scf.if %cond3A_499 {
        %add3A_520 = arith.constant 8 : i32
        %add3A_521 = arith.addi %mul3A_152, %add3A_520 : i32
        %add3A_522 = arith.constant 6 : i32
        %add3A_523 = arith.addi %add3A_521, %add3A_522 : i32
        %dma_start3A_524 = arith.constant 6 : i32
        %dma_start3A_525 = arith.constant 0 : i32
        %dma_start3A_526 = arith.constant 0 : i32
        %dma_start3A_527 = tpu.memref_slice %arg9[%dma_start3A_524, %dma_start3A_525, %dma_start3A_526] : memref<8x125x128xbf16, #tpu.memory_space<vmem>> -> memref<1x125x128xbf16, #tpu.memory_space<vmem>>
        %dma_start3A_528 = tpu.memref_squeeze %dma_start3A_527 : memref<1x125x128xbf16, #tpu.memory_space<vmem>> -> memref<125x128xbf16, #tpu.memory_space<vmem>>
        %dma_start3A_529 = arith.constant 0 : i32
        %dma_start3A_530 = tpu.memref_slice %arg7[%add3A_523, %dma_start3A_529] : memref<80x125xi32, #tpu.memory_space<vmem>> -> memref<1x125xi32, #tpu.memory_space<vmem>>
        %dma_start3A_531 = tpu.memref_squeeze %dma_start3A_530 : memref<1x125xi32, #tpu.memory_space<vmem>> -> memref<125xi32, #tpu.memory_space<vmem>>
        %dma_start3A_532 = arith.constant 0 : i32
        %dma_start3A_533 = arith.constant 0 : i32
        %dma_start3A_534 = tpu.memref_slice %arg2[%dma_start3A_532, %dma_start3A_533] : memref<10000x128xbf16, #tpu.memory_space<hbm>> -> memref<10000x128xbf16, #tpu.memory_space<hbm>>
        tpu.enqueue_indirect_dma source(%dma_start3A_534 : memref<10000x128xbf16, #tpu.memory_space<hbm>>) target(%dma_start3A_528 : memref<125x128xbf16, #tpu.memory_space<vmem>>) offsets(%dma_start3A_531 : memref<125xi32, #tpu.memory_space<vmem>>) semaphore(%arg17 : memref<!tpu.dma_semaphore, #tpu.memory_space<semaphore_mem>>)
      } else {
      }
      %add3A_500 = arith.constant 7 : i32
      %add3A_501 = arith.addi %mul3A_152, %add3A_500 : i32
      %dma_wait3A_502 = arith.constant 7 : i32
      %dma_wait3A_503 = arith.constant 0 : i32
      %dma_wait3A_504 = arith.constant 0 : i32
      %dma_wait3A_505 = tpu.memref_slice %arg9[%dma_wait3A_502, %dma_wait3A_503, %dma_wait3A_504] : memref<8x125x128xbf16, #tpu.memory_space<vmem>> -> memref<1x125x128xbf16, #tpu.memory_space<vmem>>
      %dma_wait3A_506 = tpu.memref_squeeze %dma_wait3A_505 : memref<1x125x128xbf16, #tpu.memory_space<vmem>> -> memref<125x128xbf16, #tpu.memory_space<vmem>>
      %dma_wait3A_507 = arith.constant 0 : i32
      %dma_wait3A_508 = tpu.memref_slice %arg8[%add3A_501, %dma_wait3A_507] : memref<80x125xi32, #tpu.memory_space<vmem>> -> memref<1x125xi32, #tpu.memory_space<vmem>>
      %dma_wait3A_509 = tpu.memref_squeeze %dma_wait3A_508 : memref<1x125xi32, #tpu.memory_space<vmem>> -> memref<125xi32, #tpu.memory_space<vmem>>
      %dma_wait3A_510 = arith.constant 0 : i32
      %dma_wait3A_511 = arith.constant 0 : i32
      %dma_wait3A_512 = tpu.memref_slice %arg10[%dma_wait3A_510, %dma_wait3A_511] : memref<10000x128xbf16, #tpu.memory_space<vmem_shared>> -> memref<10000x128xbf16, #tpu.memory_space<vmem_shared>>
      tpu.wait_indirect_dma semaphore(%arg26 : memref<!tpu.dma_semaphore, #tpu.memory_space<semaphore_mem>>) src(%dma_wait3A_506 : memref<125x128xbf16, #tpu.memory_space<vmem>>) dst(%dma_wait3A_512 : memref<10000x128xbf16, #tpu.memory_space<vmem_shared>>)
      %add3A_513 = arith.constant 1 : i32
      %add3A_514 = arith.addi %scan3A_150, %add3A_513 : i32
      %lt3A_515 = arith.constant 10 : i32
      %lt3A_516 = arith.cmpi slt, %add3A_514, %lt3A_515 : i32
      %convert_element_type3A_517 = arith.extui %lt3A_516 : i1 to i32
      %cond3A_518 = arith.constant 0 : i32
      %cond3A_519 = arith.cmpi ne, %convert_element_type3A_517, %cond3A_518 : i32
      scf.if %cond3A_519 {
        %add3A_520 = arith.constant 8 : i32
        %add3A_521 = arith.addi %mul3A_152, %add3A_520 : i32
        %add3A_522 = arith.constant 7 : i32
        %add3A_523 = arith.addi %add3A_521, %add3A_522 : i32
        %dma_start3A_524 = arith.constant 7 : i32
        %dma_start3A_525 = arith.constant 0 : i32
        %dma_start3A_526 = arith.constant 0 : i32
        %dma_start3A_527 = tpu.memref_slice %arg9[%dma_start3A_524, %dma_start3A_525, %dma_start3A_526] : memref<8x125x128xbf16, #tpu.memory_space<vmem>> -> memref<1x125x128xbf16, #tpu.memory_space<vmem>>
        %dma_start3A_528 = tpu.memref_squeeze %dma_start3A_527 : memref<1x125x128xbf16, #tpu.memory_space<vmem>> -> memref<125x128xbf16, #tpu.memory_space<vmem>>
        %dma_start3A_529 = arith.constant 0 : i32
        %dma_start3A_530 = tpu.memref_slice %arg7[%add3A_523, %dma_start3A_529] : memref<80x125xi32, #tpu.memory_space<vmem>> -> memref<1x125xi32, #tpu.memory_space<vmem>>
        %dma_start3A_531 = tpu.memref_squeeze %dma_start3A_530 : memref<1x125xi32, #tpu.memory_space<vmem>> -> memref<125xi32, #tpu.memory_space<vmem>>
        %dma_start3A_532 = arith.constant 0 : i32
        %dma_start3A_533 = arith.constant 0 : i32
        %dma_start3A_534 = tpu.memref_slice %arg2[%dma_start3A_532, %dma_start3A_533] : memref<10000x128xbf16, #tpu.memory_space<hbm>> -> memref<10000x128xbf16, #tpu.memory_space<hbm>>
        tpu.enqueue_indirect_dma source(%dma_start3A_534 : memref<10000x128xbf16, #tpu.memory_space<hbm>>) target(%dma_start3A_528 : memref<125x128xbf16, #tpu.memory_space<vmem>>) offsets(%dma_start3A_531 : memref<125xi32, #tpu.memory_space<vmem>>) semaphore(%arg18 : memref<!tpu.dma_semaphore, #tpu.memory_space<semaphore_mem>>)
      } else {
      }
    }
    %scan3A_143 = arith.constant 10 : i32
    %barrier3A_144 = arith.constant 0 : index
    tpu.barrier barrier_id(%barrier3A_144)
    "tpu.region"() ({
      %run_scoped3A = tpu.sem_alloc : memref<!tpu.dma_semaphore, #tpu.memory_space<semaphore_mem>>
      %dma_start3A_150 = arith.constant 0 : i32
      %dma_start3A_151 = tpu.memref_slice %arg6[%arg0, %multiple_of3A, %dma_start3A_150] : memref<2x10000x128xbf16, #tpu.memory_space<hbm>> -> memref<1x624x128xbf16, #tpu.memory_space<hbm>>
      %dma_start3A_152 = tpu.memref_squeeze %dma_start3A_151 : memref<1x624x128xbf16, #tpu.memory_space<hbm>> -> memref<624x128xbf16, #tpu.memory_space<hbm>>
      %dma_start3A_153 = arith.constant 0 : i32
      %dma_start3A_154 = tpu.memref_slice %arg10[%multiple_of3A, %dma_start3A_153] : memref<10000x128xbf16, #tpu.memory_space<vmem_shared>> -> memref<624x128xbf16, #tpu.memory_space<vmem_shared>>
      tpu.enqueue_dma source(%dma_start3A_154 : memref<624x128xbf16, #tpu.memory_space<vmem_shared>>) target(%dma_start3A_152 : memref<624x128xbf16, #tpu.memory_space<hbm>>) target_semaphore(%run_scoped3A : memref<!tpu.dma_semaphore, #tpu.memory_space<semaphore_mem>>)
      %dma_wait3A_155 = arith.constant 0 : i32
      %dma_wait3A_156 = tpu.memref_slice %arg6[%arg0, %multiple_of3A, %dma_wait3A_155] : memref<2x10000x128xbf16, #tpu.memory_space<hbm>> -> memref<1x624x128xbf16, #tpu.memory_space<hbm>>
      %dma_wait3A_157 = tpu.memref_squeeze %dma_wait3A_156 : memref<1x624x128xbf16, #tpu.memory_space<hbm>> -> memref<624x128xbf16, #tpu.memory_space<hbm>>
      %dma_wait3A_158 = arith.constant 0 : i32
      %dma_wait3A_159 = tpu.memref_slice %arg10[%multiple_of3A, %dma_wait3A_158] : memref<10000x128xbf16, #tpu.memory_space<vmem_shared>> -> memref<624x128xbf16, #tpu.memory_space<vmem_shared>>
      tpu.wait_dma2 semaphore(%run_scoped3A : memref<!tpu.dma_semaphore, #tpu.memory_space<semaphore_mem>>) src(%dma_wait3A_159 : memref<624x128xbf16, #tpu.memory_space<vmem_shared>>) dst(%dma_wait3A_157 : memref<624x128xbf16, #tpu.memory_space<hbm>>)
      tpu.yield
    }) : () -> ()
    %eq3A_145 = arith.constant 15 : i32
    %eq3A_146 = arith.cmpi eq, %arg1, %eq3A_145 : i32
    %convert_element_type3A_147 = arith.extui %eq3A_146 : i1 to i32
    %cond3A_148 = arith.constant 0 : i32
    %cond3A_149 = arith.cmpi ne, %convert_element_type3A_147, %cond3A_148 : i32
    scf.if %cond3A_149 {
      "tpu.region"() ({
        %run_scoped3A = tpu.sem_alloc : memref<!tpu.dma_semaphore, #tpu.memory_space<semaphore_mem>>
        %dma_start3A_150 = arith.constant 9984 : i32
        %dma_start3A_151 = arith.constant 0 : i32
        %dma_start3A_152 = tpu.memref_slice %arg6[%arg0, %dma_start3A_150, %dma_start3A_151] : memref<2x10000x128xbf16, #tpu.memory_space<hbm>> -> memref<1x16x128xbf16, #tpu.memory_space<hbm>>
        %dma_start3A_153 = tpu.memref_squeeze %dma_start3A_152 : memref<1x16x128xbf16, #tpu.memory_space<hbm>> -> memref<16x128xbf16, #tpu.memory_space<hbm>>
        %dma_start3A_154 = arith.constant 9984 : i32
        %dma_start3A_155 = arith.constant 0 : i32
        %dma_start3A_156 = tpu.memref_slice %arg10[%dma_start3A_154, %dma_start3A_155] : memref<10000x128xbf16, #tpu.memory_space<vmem_shared>> -> memref<16x128xbf16, #tpu.memory_space<vmem_shared>>
        tpu.enqueue_dma source(%dma_start3A_156 : memref<16x128xbf16, #tpu.memory_space<vmem_shared>>) target(%dma_start3A_153 : memref<16x128xbf16, #tpu.memory_space<hbm>>) target_semaphore(%run_scoped3A : memref<!tpu.dma_semaphore, #tpu.memory_space<semaphore_mem>>)
        %dma_wait3A_157 = arith.constant 9984 : i32
        %dma_wait3A_158 = arith.constant 0 : i32
        %dma_wait3A_159 = tpu.memref_slice %arg6[%arg0, %dma_wait3A_157, %dma_wait3A_158] : memref<2x10000x128xbf16, #tpu.memory_space<hbm>> -> memref<1x16x128xbf16, #tpu.memory_space<hbm>>
        %dma_wait3A_160 = tpu.memref_squeeze %dma_wait3A_159 : memref<1x16x128xbf16, #tpu.memory_space<hbm>> -> memref<16x128xbf16, #tpu.memory_space<hbm>>
        %dma_wait3A_161 = arith.constant 9984 : i32
        %dma_wait3A_162 = arith.constant 0 : i32
        %dma_wait3A_163 = tpu.memref_slice %arg10[%dma_wait3A_161, %dma_wait3A_162] : memref<10000x128xbf16, #tpu.memory_space<vmem_shared>> -> memref<16x128xbf16, #tpu.memory_space<vmem_shared>>
        tpu.wait_dma2 semaphore(%run_scoped3A : memref<!tpu.dma_semaphore, #tpu.memory_space<semaphore_mem>>) src(%dma_wait3A_163 : memref<16x128xbf16, #tpu.memory_space<vmem_shared>>) dst(%dma_wait3A_160 : memref<16x128xbf16, #tpu.memory_space<hbm>>)
        tpu.yield
      }) : () -> ()
    } else {
    }
    return
  }
}

#map = affine_map<(d0, d1) -> (0, 0)>
#map1 = affine_map<(d0, d1) -> (0, 0, 0)>
module attributes {stable_mosaic.version = 14 : i64} {
  func.func @_seg_sum_body(%arg0: i32, %arg1: i32, %arg2: memref<10000x128xbf16, #tpu.memory_space<hbm>>, %arg3: memref<32x80x125xi32, #tpu.memory_space<hbm>>, %arg4: memref<32x80x125xi32, #tpu.memory_space<hbm>>, %arg5: memref<10000x128xbf16, #tpu.memory_space<hbm>>, %arg6: memref<2x10000x128xbf16, #tpu.memory_space<hbm>>, %arg7: memref<80x125xi32, #tpu.memory_space<vmem>>, %arg8: memref<80x125xi32, #tpu.memory_space<vmem>>, %arg9: memref<8x125x128xbf16, #tpu.memory_space<vmem>>, %arg10: memref<10000x128xbf16, #tpu.memory_space<vmem_shared>>, %arg11: memref<!tpu.dma_semaphore, #tpu.memory_space<semaphore_mem>>, %arg12: memref<!tpu.dma_semaphore, #tpu.memory_space<semaphore_mem>>, %arg13: memref<!tpu.dma_semaphore, #tpu.memory_space<semaphore_mem>>, %arg14: memref<!tpu.dma_semaphore, #tpu.memory_space<semaphore_mem>>, %arg15: memref<!tpu.dma_semaphore, #tpu.memory_space<semaphore_mem>>, %arg16: memref<!tpu.dma_semaphore, #tpu.memory_space<semaphore_mem>>, %arg17: memref<!tpu.dma_semaphore, #tpu.memory_space<semaphore_mem>>, %arg18: memref<!tpu.dma_semaphore, #tpu.memory_space<semaphore_mem>>, %arg19: memref<!tpu.dma_semaphore, #tpu.memory_space<semaphore_mem>>, %arg20: memref<!tpu.dma_semaphore, #tpu.memory_space<semaphore_mem>>, %arg21: memref<!tpu.dma_semaphore, #tpu.memory_space<semaphore_mem>>, %arg22: memref<!tpu.dma_semaphore, #tpu.memory_space<semaphore_mem>>, %arg23: memref<!tpu.dma_semaphore, #tpu.memory_space<semaphore_mem>>, %arg24: memref<!tpu.dma_semaphore, #tpu.memory_space<semaphore_mem>>, %arg25: memref<!tpu.dma_semaphore, #tpu.memory_space<semaphore_mem>>, %arg26: memref<!tpu.dma_semaphore, #tpu.memory_space<semaphore_mem>>) attributes {dimension_semantics = [#tpu.dimension_semantics<core_parallel>, #tpu.dimension_semantics<subcore_parallel>], iteration_bounds = array<i64: 2, 16>, scalar_prefetch = 0 : i64, scratch_operands = 20 : i64, tpu.core_type = #tpu.core_type<sc_vector_subcore>, window_params = [{transform_indices = #map}, {transform_indices = #map1}, {transform_indices = #map1}, {transform_indices = #map}, {transform_indices = #map1}]} {
    %mul3A = arith.constant 16 : i32
    %mul3A_0 = arith.muli %arg0, %mul3A : i32
    %add3A = arith.addi %mul3A_0, %arg1 : i32
    %mul3A_1 = arith.constant 624 : i32
    %mul3A_2 = arith.muli %arg1, %mul3A_1 : i32
    %multiple_of3A = tpu.assume_multiple %mul3A_2, 8 : i32
    %dma_start3A = arith.constant 0 : i32
    %dma_start3A_3 = tpu.memref_slice %arg10[%multiple_of3A, %dma_start3A] : memref<10000x128xbf16, #tpu.memory_space<vmem_shared>> -> memref<624x128xbf16, #tpu.memory_space<vmem_shared>>
    %dma_start3A_4 = arith.constant 0 : i32
    %dma_start3A_5 = tpu.memref_slice %arg5[%multiple_of3A, %dma_start3A_4] : memref<10000x128xbf16, #tpu.memory_space<hbm>> -> memref<624x128xbf16, #tpu.memory_space<hbm>>
    tpu.enqueue_dma source(%dma_start3A_5 : memref<624x128xbf16, #tpu.memory_space<hbm>>) target(%dma_start3A_3 : memref<624x128xbf16, #tpu.memory_space<vmem_shared>>) target_semaphore(%arg11 : memref<!tpu.dma_semaphore, #tpu.memory_space<semaphore_mem>>)
    %dma_start3A_6 = arith.constant 0 : i32
    %dma_start3A_7 = arith.constant 0 : i32
    %dma_start3A_8 = tpu.memref_slice %arg3[%add3A, %dma_start3A_6, %dma_start3A_7] : memref<32x80x125xi32, #tpu.memory_space<hbm>> -> memref<1x80x125xi32, #tpu.memory_space<hbm>>
    %dma_start3A_9 = tpu.memref_squeeze %dma_start3A_8 : memref<1x80x125xi32, #tpu.memory_space<hbm>> -> memref<80x125xi32, #tpu.memory_space<hbm>>
    %dma_start3A_10 = arith.constant 0 : i32
    %dma_start3A_11 = arith.constant 0 : i32
    %dma_start3A_12 = tpu.memref_slice %arg3[%add3A, %dma_start3A_10, %dma_start3A_11] : memref<32x80x125xi32, #tpu.memory_space<hbm>> -> memref<1x80x125xi32, #tpu.memory_space<hbm>>
    %dma_start3A_13 = tpu.memref_squeeze %dma_start3A_12 : memref<1x80x125xi32, #tpu.memory_space<hbm>> -> memref<80x125xi32, #tpu.memory_space<hbm>>
    tpu.enqueue_dma source(%dma_start3A_13 : memref<80x125xi32, #tpu.memory_space<hbm>>) target(%arg7 : memref<80x125xi32, #tpu.memory_space<vmem>>) target_semaphore(%arg12 : memref<!tpu.dma_semaphore, #tpu.memory_space<semaphore_mem>>)
    %dma_start3A_14 = arith.constant 0 : i32
    %dma_start3A_15 = arith.constant 0 : i32
    %dma_start3A_16 = tpu.memref_slice %arg4[%add3A, %dma_start3A_14, %dma_start3A_15] : memref<32x80x125xi32, #tpu.memory_space<hbm>> -> memref<1x80x125xi32, #tpu.memory_space<hbm>>
    %dma_start3A_17 = tpu.memref_squeeze %dma_start3A_16 : memref<1x80x125xi32, #tpu.memory_space<hbm>> -> memref<80x125xi32, #tpu.memory_space<hbm>>
    %dma_start3A_18 = arith.constant 0 : i32
    %dma_start3A_19 = arith.constant 0 : i32
    %dma_start3A_20 = tpu.memref_slice %arg4[%add3A, %dma_start3A_18, %dma_start3A_19] : memref<32x80x125xi32, #tpu.memory_space<hbm>> -> memref<1x80x125xi32, #tpu.memory_space<hbm>>
    %dma_start3A_21 = tpu.memref_squeeze %dma_start3A_20 : memref<1x80x125xi32, #tpu.memory_space<hbm>> -> memref<80x125xi32, #tpu.memory_space<hbm>>
    tpu.enqueue_dma source(%dma_start3A_21 : memref<80x125xi32, #tpu.memory_space<hbm>>) target(%arg8 : memref<80x125xi32, #tpu.memory_space<vmem>>) target_semaphore(%arg13 : memref<!tpu.dma_semaphore, #tpu.memory_space<semaphore_mem>>)
    %eq3A = arith.constant 15 : i32
    %eq3A_22 = arith.cmpi eq, %arg1, %eq3A : i32
    %convert_element_type3A = arith.extui %eq3A_22 : i1 to i32
    %cond3A = arith.constant 0 : i32
    %cond3A_23 = arith.cmpi ne, %convert_element_type3A, %cond3A : i32
    scf.if %cond3A_23 {
      %dma_start3A_150 = arith.constant 9984 : i32
      %dma_start3A_151 = arith.constant 0 : i32
      %dma_start3A_152 = tpu.memref_slice %arg10[%dma_start3A_150, %dma_start3A_151] : memref<10000x128xbf16, #tpu.memory_space<vmem_shared>> -> memref<16x128xbf16, #tpu.memory_space<vmem_shared>>
      %dma_start3A_153 = arith.constant 9984 : i32
      %dma_start3A_154 = arith.constant 0 : i32
      %dma_start3A_155 = tpu.memref_slice %arg5[%dma_start3A_153, %dma_start3A_154] : memref<10000x128xbf16, #tpu.memory_space<hbm>> -> memref<16x128xbf16, #tpu.memory_space<hbm>>
      tpu.enqueue_dma source(%dma_start3A_155 : memref<16x128xbf16, #tpu.memory_space<hbm>>) target(%dma_start3A_152 : memref<16x128xbf16, #tpu.memory_space<vmem_shared>>) target_semaphore(%arg14 : memref<!tpu.dma_semaphore, #tpu.memory_space<semaphore_mem>>)
      %dma_wait3A_156 = arith.constant 9984 : i32
      %dma_wait3A_157 = arith.constant 0 : i32
      %dma_wait3A_158 = tpu.memref_slice %arg10[%dma_wait3A_156, %dma_wait3A_157] : memref<10000x128xbf16, #tpu.memory_space<vmem_shared>> -> memref<16x128xbf16, #tpu.memory_space<vmem_shared>>
      %dma_wait3A_159 = arith.constant 9984 : i32
      %dma_wait3A_160 = arith.constant 0 : i32
      %dma_wait3A_161 = tpu.memref_slice %arg5[%dma_wait3A_159, %dma_wait3A_160] : memref<10000x128xbf16, #tpu.memory_space<hbm>> -> memref<16x128xbf16, #tpu.memory_space<hbm>>
      tpu.wait_dma2 semaphore(%arg14 : memref<!tpu.dma_semaphore, #tpu.memory_space<semaphore_mem>>) src(%dma_wait3A_161 : memref<16x128xbf16, #tpu.memory_space<hbm>>) dst(%dma_wait3A_158 : memref<16x128xbf16, #tpu.memory_space<vmem_shared>>)
    } else {
    }
    %dma_wait3A = arith.constant 0 : i32
    %dma_wait3A_24 = tpu.memref_slice %arg10[%multiple_of3A, %dma_wait3A] : memref<10000x128xbf16, #tpu.memory_space<vmem_shared>> -> memref<624x128xbf16, #tpu.memory_space<vmem_shared>>
    %dma_wait3A_25 = arith.constant 0 : i32
    %dma_wait3A_26 = tpu.memref_slice %arg5[%multiple_of3A, %dma_wait3A_25] : memref<10000x128xbf16, #tpu.memory_space<hbm>> -> memref<624x128xbf16, #tpu.memory_space<hbm>>
    tpu.wait_dma2 semaphore(%arg11 : memref<!tpu.dma_semaphore, #tpu.memory_space<semaphore_mem>>) src(%dma_wait3A_26 : memref<624x128xbf16, #tpu.memory_space<hbm>>) dst(%dma_wait3A_24 : memref<624x128xbf16, #tpu.memory_space<vmem_shared>>)
    %dma_wait3A_27 = arith.constant 0 : i32
    %dma_wait3A_28 = arith.constant 0 : i32
    %dma_wait3A_29 = tpu.memref_slice %arg3[%add3A, %dma_wait3A_27, %dma_wait3A_28] : memref<32x80x125xi32, #tpu.memory_space<hbm>> -> memref<1x80x125xi32, #tpu.memory_space<hbm>>
    %dma_wait3A_30 = tpu.memref_squeeze %dma_wait3A_29 : memref<1x80x125xi32, #tpu.memory_space<hbm>> -> memref<80x125xi32, #tpu.memory_space<hbm>>
    %dma_wait3A_31 = arith.constant 0 : i32
    %dma_wait3A_32 = arith.constant 0 : i32
    %dma_wait3A_33 = tpu.memref_slice %arg3[%add3A, %dma_wait3A_31, %dma_wait3A_32] : memref<32x80x125xi32, #tpu.memory_space<hbm>> -> memref<1x80x125xi32, #tpu.memory_space<hbm>>
    %dma_wait3A_34 = tpu.memref_squeeze %dma_wait3A_33 : memref<1x80x125xi32, #tpu.memory_space<hbm>> -> memref<80x125xi32, #tpu.memory_space<hbm>>
    tpu.wait_dma2 semaphore(%arg12 : memref<!tpu.dma_semaphore, #tpu.memory_space<semaphore_mem>>) src(%dma_wait3A_34 : memref<80x125xi32, #tpu.memory_space<hbm>>) dst(%arg7 : memref<80x125xi32, #tpu.memory_space<vmem>>)
    %dma_wait3A_35 = arith.constant 0 : i32
    %dma_wait3A_36 = arith.constant 0 : i32
    %dma_wait3A_37 = tpu.memref_slice %arg4[%add3A, %dma_wait3A_35, %dma_wait3A_36] : memref<32x80x125xi32, #tpu.memory_space<hbm>> -> memref<1x80x125xi32, #tpu.memory_space<hbm>>
    %dma_wait3A_38 = tpu.memref_squeeze %dma_wait3A_37 : memref<1x80x125xi32, #tpu.memory_space<hbm>> -> memref<80x125xi32, #tpu.memory_space<hbm>>
    %dma_wait3A_39 = arith.constant 0 : i32
    %dma_wait3A_40 = arith.constant 0 : i32
    %dma_wait3A_41 = tpu.memref_slice %arg4[%add3A, %dma_wait3A_39, %dma_wait3A_40] : memref<32x80x125xi32, #tpu.memory_space<hbm>> -> memref<1x80x125xi32, #tpu.memory_space<hbm>>
    %dma_wait3A_42 = tpu.memref_squeeze %dma_wait3A_41 : memref<1x80x125xi32, #tpu.memory_space<hbm>> -> memref<80x125xi32, #tpu.memory_space<hbm>>
    tpu.wait_dma2 semaphore(%arg13 : memref<!tpu.dma_semaphore, #tpu.memory_space<semaphore_mem>>) src(%dma_wait3A_42 : memref<80x125xi32, #tpu.memory_space<hbm>>) dst(%arg8 : memref<80x125xi32, #tpu.memory_space<vmem>>)
    %barrier3A = arith.constant 0 : index
    tpu.barrier barrier_id(%barrier3A)
    %dma_start3A_43 = arith.constant 0 : i32
    %dma_start3A_44 = arith.constant 0 : i32
    %dma_start3A_45 = arith.constant 0 : i32
    %dma_start3A_46 = arith.constant 0 : i32
    %dma_start3A_47 = tpu.memref_slice %arg9[%dma_start3A_44, %dma_start3A_45, %dma_start3A_46] : memref<8x125x128xbf16, #tpu.memory_space<vmem>> -> memref<1x125x128xbf16, #tpu.memory_space<vmem>>
    %dma_start3A_48 = tpu.memref_squeeze %dma_start3A_47 : memref<1x125x128xbf16, #tpu.memory_space<vmem>> -> memref<125x128xbf16, #tpu.memory_space<vmem>>
    %dma_start3A_49 = arith.constant 0 : i32
    %dma_start3A_50 = tpu.memref_slice %arg7[%dma_start3A_43, %dma_start3A_49] : memref<80x125xi32, #tpu.memory_space<vmem>> -> memref<1x125xi32, #tpu.memory_space<vmem>>
    %dma_start3A_51 = tpu.memref_squeeze %dma_start3A_50 : memref<1x125xi32, #tpu.memory_space<vmem>> -> memref<125xi32, #tpu.memory_space<vmem>>
    %dma_start3A_52 = arith.constant 0 : i32
    %dma_start3A_53 = arith.constant 0 : i32
    %dma_start3A_54 = tpu.memref_slice %arg2[%dma_start3A_52, %dma_start3A_53] : memref<10000x128xbf16, #tpu.memory_space<hbm>> -> memref<10000x128xbf16, #tpu.memory_space<hbm>>
    tpu.enqueue_indirect_dma source(%dma_start3A_54 : memref<10000x128xbf16, #tpu.memory_space<hbm>>) target(%dma_start3A_48 : memref<125x128xbf16, #tpu.memory_space<vmem>>) offsets(%dma_start3A_51 : memref<125xi32, #tpu.memory_space<vmem>>) semaphore(%arg11 : memref<!tpu.dma_semaphore, #tpu.memory_space<semaphore_mem>>)
    %dma_start3A_55 = arith.constant 1 : i32
    %dma_start3A_56 = arith.constant 1 : i32
    %dma_start3A_57 = arith.constant 0 : i32
    %dma_start3A_58 = arith.constant 0 : i32
    %dma_start3A_59 = tpu.memref_slice %arg9[%dma_start3A_56, %dma_start3A_57, %dma_start3A_58] : memref<8x125x128xbf16, #tpu.memory_space<vmem>> -> memref<1x125x128xbf16, #tpu.memory_space<vmem>>
    %dma_start3A_60 = tpu.memref_squeeze %dma_start3A_59 : memref<1x125x128xbf16, #tpu.memory_space<vmem>> -> memref<125x128xbf16, #tpu.memory_space<vmem>>
    %dma_start3A_61 = arith.constant 0 : i32
    %dma_start3A_62 = tpu.memref_slice %arg7[%dma_start3A_55, %dma_start3A_61] : memref<80x125xi32, #tpu.memory_space<vmem>> -> memref<1x125xi32, #tpu.memory_space<vmem>>
    %dma_start3A_63 = tpu.memref_squeeze %dma_start3A_62 : memref<1x125xi32, #tpu.memory_space<vmem>> -> memref<125xi32, #tpu.memory_space<vmem>>
    %dma_start3A_64 = arith.constant 0 : i32
    %dma_start3A_65 = arith.constant 0 : i32
    %dma_start3A_66 = tpu.memref_slice %arg2[%dma_start3A_64, %dma_start3A_65] : memref<10000x128xbf16, #tpu.memory_space<hbm>> -> memref<10000x128xbf16, #tpu.memory_space<hbm>>
    tpu.enqueue_indirect_dma source(%dma_start3A_66 : memref<10000x128xbf16, #tpu.memory_space<hbm>>) target(%dma_start3A_60 : memref<125x128xbf16, #tpu.memory_space<vmem>>) offsets(%dma_start3A_63 : memref<125xi32, #tpu.memory_space<vmem>>) semaphore(%arg12 : memref<!tpu.dma_semaphore, #tpu.memory_space<semaphore_mem>>)
    %dma_start3A_67 = arith.constant 2 : i32
    %dma_start3A_68 = arith.constant 2 : i32
    %dma_start3A_69 = arith.constant 0 : i32
    %dma_start3A_70 = arith.constant 0 : i32
    %dma_start3A_71 = tpu.memref_slice %arg9[%dma_start3A_68, %dma_start3A_69, %dma_start3A_70] : memref<8x125x128xbf16, #tpu.memory_space<vmem>> -> memref<1x125x128xbf16, #tpu.memory_space<vmem>>
    %dma_start3A_72 = tpu.memref_squeeze %dma_start3A_71 : memref<1x125x128xbf16, #tpu.memory_space<vmem>> -> memref<125x128xbf16, #tpu.memory_space<vmem>>
    %dma_start3A_73 = arith.constant 0 : i32
    %dma_start3A_74 = tpu.memref_slice %arg7[%dma_start3A_67, %dma_start3A_73] : memref<80x125xi32, #tpu.memory_space<vmem>> -> memref<1x125xi32, #tpu.memory_space<vmem>>
    %dma_start3A_75 = tpu.memref_squeeze %dma_start3A_74 : memref<1x125xi32, #tpu.memory_space<vmem>> -> memref<125xi32, #tpu.memory_space<vmem>>
    %dma_start3A_76 = arith.constant 0 : i32
    %dma_start3A_77 = arith.constant 0 : i32
    %dma_start3A_78 = tpu.memref_slice %arg2[%dma_start3A_76, %dma_start3A_77] : memref<10000x128xbf16, #tpu.memory_space<hbm>> -> memref<10000x128xbf16, #tpu.memory_space<hbm>>
    tpu.enqueue_indirect_dma source(%dma_start3A_78 : memref<10000x128xbf16, #tpu.memory_space<hbm>>) target(%dma_start3A_72 : memref<125x128xbf16, #tpu.memory_space<vmem>>) offsets(%dma_start3A_75 : memref<125xi32, #tpu.memory_space<vmem>>) semaphore(%arg13 : memref<!tpu.dma_semaphore, #tpu.memory_space<semaphore_mem>>)
    %dma_start3A_79 = arith.constant 3 : i32
    %dma_start3A_80 = arith.constant 3 : i32
    %dma_start3A_81 = arith.constant 0 : i32
    %dma_start3A_82 = arith.constant 0 : i32
    %dma_start3A_83 = tpu.memref_slice %arg9[%dma_start3A_80, %dma_start3A_81, %dma_start3A_82] : memref<8x125x128xbf16, #tpu.memory_space<vmem>> -> memref<1x125x128xbf16, #tpu.memory_space<vmem>>
    %dma_start3A_84 = tpu.memref_squeeze %dma_start3A_83 : memref<1x125x128xbf16, #tpu.memory_space<vmem>> -> memref<125x128xbf16, #tpu.memory_space<vmem>>
    %dma_start3A_85 = arith.constant 0 : i32
    %dma_start3A_86 = tpu.memref_slice %arg7[%dma_start3A_79, %dma_start3A_85] : memref<80x125xi32, #tpu.memory_space<vmem>> -> memref<1x125xi32, #tpu.memory_space<vmem>>
    %dma_start3A_87 = tpu.memref_squeeze %dma_start3A_86 : memref<1x125xi32, #tpu.memory_space<vmem>> -> memref<125xi32, #tpu.memory_space<vmem>>
    %dma_start3A_88 = arith.constant 0 : i32
    %dma_start3A_89 = arith.constant 0 : i32
    %dma_start3A_90 = tpu.memref_slice %arg2[%dma_start3A_88, %dma_start3A_89] : memref<10000x128xbf16, #tpu.memory_space<hbm>> -> memref<10000x128xbf16, #tpu.memory_space<hbm>>
    tpu.enqueue_indirect_dma source(%dma_start3A_90 : memref<10000x128xbf16, #tpu.memory_space<hbm>>) target(%dma_start3A_84 : memref<125x128xbf16, #tpu.memory_space<vmem>>) offsets(%dma_start3A_87 : memref<125xi32, #tpu.memory_space<vmem>>) semaphore(%arg14 : memref<!tpu.dma_semaphore, #tpu.memory_space<semaphore_mem>>)
    %dma_start3A_91 = arith.constant 4 : i32
    %dma_start3A_92 = arith.constant 4 : i32
    %dma_start3A_93 = arith.constant 0 : i32
    %dma_start3A_94 = arith.constant 0 : i32
    %dma_start3A_95 = tpu.memref_slice %arg9[%dma_start3A_92, %dma_start3A_93, %dma_start3A_94] : memref<8x125x128xbf16, #tpu.memory_space<vmem>> -> memref<1x125x128xbf16, #tpu.memory_space<vmem>>
    %dma_start3A_96 = tpu.memref_squeeze %dma_start3A_95 : memref<1x125x128xbf16, #tpu.memory_space<vmem>> -> memref<125x128xbf16, #tpu.memory_space<vmem>>
    %dma_start3A_97 = arith.constant 0 : i32
    %dma_start3A_98 = tpu.memref_slice %arg7[%dma_start3A_91, %dma_start3A_97] : memref<80x125xi32, #tpu.memory_space<vmem>> -> memref<1x125xi32, #tpu.memory_space<vmem>>
    %dma_start3A_99 = tpu.memref_squeeze %dma_start3A_98 : memref<1x125xi32, #tpu.memory_space<vmem>> -> memref<125xi32, #tpu.memory_space<vmem>>
    %dma_start3A_100 = arith.constant 0 : i32
    %dma_start3A_101 = arith.constant 0 : i32
    %dma_start3A_102 = tpu.memref_slice %arg2[%dma_start3A_100, %dma_start3A_101] : memref<10000x128xbf16, #tpu.memory_space<hbm>> -> memref<10000x128xbf16, #tpu.memory_space<hbm>>
    tpu.enqueue_indirect_dma source(%dma_start3A_102 : memref<10000x128xbf16, #tpu.memory_space<hbm>>) target(%dma_start3A_96 : memref<125x128xbf16, #tpu.memory_space<vmem>>) offsets(%dma_start3A_99 : memref<125xi32, #tpu.memory_space<vmem>>) semaphore(%arg15 : memref<!tpu.dma_semaphore, #tpu.memory_space<semaphore_mem>>)
    %dma_start3A_103 = arith.constant 5 : i32
    %dma_start3A_104 = arith.constant 5 : i32
    %dma_start3A_105 = arith.constant 0 : i32
    %dma_start3A_106 = arith.constant 0 : i32
    %dma_start3A_107 = tpu.memref_slice %arg9[%dma_start3A_104, %dma_start3A_105, %dma_start3A_106] : memref<8x125x128xbf16, #tpu.memory_space<vmem>> -> memref<1x125x128xbf16, #tpu.memory_space<vmem>>
    %dma_start3A_108 = tpu.memref_squeeze %dma_start3A_107 : memref<1x125x128xbf16, #tpu.memory_space<vmem>> -> memref<125x128xbf16, #tpu.memory_space<vmem>>
    %dma_start3A_109 = arith.constant 0 : i32
    %dma_start3A_110 = tpu.memref_slice %arg7[%dma_start3A_103, %dma_start3A_109] : memref<80x125xi32, #tpu.memory_space<vmem>> -> memref<1x125xi32, #tpu.memory_space<vmem>>
    %dma_start3A_111 = tpu.memref_squeeze %dma_start3A_110 : memref<1x125xi32, #tpu.memory_space<vmem>> -> memref<125xi32, #tpu.memory_space<vmem>>
    %dma_start3A_112 = arith.constant 0 : i32
    %dma_start3A_113 = arith.constant 0 : i32
    %dma_start3A_114 = tpu.memref_slice %arg2[%dma_start3A_112, %dma_start3A_113] : memref<10000x128xbf16, #tpu.memory_space<hbm>> -> memref<10000x128xbf16, #tpu.memory_space<hbm>>
    tpu.enqueue_indirect_dma source(%dma_start3A_114 : memref<10000x128xbf16, #tpu.memory_space<hbm>>) target(%dma_start3A_108 : memref<125x128xbf16, #tpu.memory_space<vmem>>) offsets(%dma_start3A_111 : memref<125xi32, #tpu.memory_space<vmem>>) semaphore(%arg16 : memref<!tpu.dma_semaphore, #tpu.memory_space<semaphore_mem>>)
    %dma_start3A_115 = arith.constant 6 : i32
    %dma_start3A_116 = arith.constant 6 : i32
    %dma_start3A_117 = arith.constant 0 : i32
    %dma_start3A_118 = arith.constant 0 : i32
    %dma_start3A_119 = tpu.memref_slice %arg9[%dma_start3A_116, %dma_start3A_117, %dma_start3A_118] : memref<8x125x128xbf16, #tpu.memory_space<vmem>> -> memref<1x125x128xbf16, #tpu.memory_space<vmem>>
    %dma_start3A_120 = tpu.memref_squeeze %dma_start3A_119 : memref<1x125x128xbf16, #tpu.memory_space<vmem>> -> memref<125x128xbf16, #tpu.memory_space<vmem>>
    %dma_start3A_121 = arith.constant 0 : i32
    %dma_start3A_122 = tpu.memref_slice %arg7[%dma_start3A_115, %dma_start3A_121] : memref<80x125xi32, #tpu.memory_space<vmem>> -> memref<1x125xi32, #tpu.memory_space<vmem>>
    %dma_start3A_123 = tpu.memref_squeeze %dma_start3A_122 : memref<1x125xi32, #tpu.memory_space<vmem>> -> memref<125xi32, #tpu.memory_space<vmem>>
    %dma_start3A_124 = arith.constant 0 : i32
    %dma_start3A_125 = arith.constant 0 : i32
    %dma_start3A_126 = tpu.memref_slice %arg2[%dma_start3A_124, %dma_start3A_125] : memref<10000x128xbf16, #tpu.memory_space<hbm>> -> memref<10000x128xbf16, #tpu.memory_space<hbm>>
    tpu.enqueue_indirect_dma source(%dma_start3A_126 : memref<10000x128xbf16, #tpu.memory_space<hbm>>) target(%dma_start3A_120 : memref<125x128xbf16, #tpu.memory_space<vmem>>) offsets(%dma_start3A_123 : memref<125xi32, #tpu.memory_space<vmem>>) semaphore(%arg17 : memref<!tpu.dma_semaphore, #tpu.memory_space<semaphore_mem>>)
    %dma_start3A_127 = arith.constant 7 : i32
    %dma_start3A_128 = arith.constant 7 : i32
    %dma_start3A_129 = arith.constant 0 : i32
    %dma_start3A_130 = arith.constant 0 : i32
    %dma_start3A_131 = tpu.memref_slice %arg9[%dma_start3A_128, %dma_start3A_129, %dma_start3A_130] : memref<8x125x128xbf16, #tpu.memory_space<vmem>> -> memref<1x125x128xbf16, #tpu.memory_space<vmem>>
    %dma_start3A_132 = tpu.memref_squeeze %dma_start3A_131 : memref<1x125x128xbf16, #tpu.memory_space<vmem>> -> memref<125x128xbf16, #tpu.memory_space<vmem>>
    %dma_start3A_133 = arith.constant 0 : i32
    %dma_start3A_134 = tpu.memref_slice %arg7[%dma_start3A_127, %dma_start3A_133] : memref<80x125xi32, #tpu.memory_space<vmem>> -> memref<1x125xi32, #tpu.memory_space<vmem>>
    %dma_start3A_135 = tpu.memref_squeeze %dma_start3A_134 : memref<1x125xi32, #tpu.memory_space<vmem>> -> memref<125xi32, #tpu.memory_space<vmem>>
    %dma_start3A_136 = arith.constant 0 : i32
    %dma_start3A_137 = arith.constant 0 : i32
    %dma_start3A_138 = tpu.memref_slice %arg2[%dma_start3A_136, %dma_start3A_137] : memref<10000x128xbf16, #tpu.memory_space<hbm>> -> memref<10000x128xbf16, #tpu.memory_space<hbm>>
    tpu.enqueue_indirect_dma source(%dma_start3A_138 : memref<10000x128xbf16, #tpu.memory_space<hbm>>) target(%dma_start3A_132 : memref<125x128xbf16, #tpu.memory_space<vmem>>) offsets(%dma_start3A_135 : memref<125xi32, #tpu.memory_space<vmem>>) semaphore(%arg18 : memref<!tpu.dma_semaphore, #tpu.memory_space<semaphore_mem>>)
    %scan3A = arith.constant 0 : i32
    %scan3A_139 = arith.constant 0 : i32
    %scan3A_140 = arith.constant 10 : i32
    %scan3A_141 = arith.addi %scan3A_139, %scan3A_140 : i32
    %scan3A_142 = arith.constant 1 : i32
    scf.for %scan3A_150 = %scan3A_139 to %scan3A_141 step %scan3A_142  : i32 {
      %mul3A_151 = arith.constant 8 : i32
      %mul3A_152 = arith.muli %scan3A_150, %mul3A_151 : i32
      %add3A_153 = arith.constant 0 : i32
      %add3A_154 = arith.addi %mul3A_152, %add3A_153 : i32
      %dma_wait3A_155 = arith.constant 0 : i32
      %dma_wait3A_156 = arith.constant 0 : i32
      %dma_wait3A_157 = arith.constant 0 : i32
      %dma_wait3A_158 = tpu.memref_slice %arg9[%dma_wait3A_155, %dma_wait3A_156, %dma_wait3A_157] : memref<8x125x128xbf16, #tpu.memory_space<vmem>> -> memref<1x125x128xbf16, #tpu.memory_space<vmem>>
      %dma_wait3A_159 = tpu.memref_squeeze %dma_wait3A_158 : memref<1x125x128xbf16, #tpu.memory_space<vmem>> -> memref<125x128xbf16, #tpu.memory_space<vmem>>
      %dma_wait3A_160 = arith.constant 0 : i32
      %dma_wait3A_161 = tpu.memref_slice %arg7[%add3A_154, %dma_wait3A_160] : memref<80x125xi32, #tpu.memory_space<vmem>> -> memref<1x125xi32, #tpu.memory_space<vmem>>
      %dma_wait3A_162 = tpu.memref_squeeze %dma_wait3A_161 : memref<1x125xi32, #tpu.memory_space<vmem>> -> memref<125xi32, #tpu.memory_space<vmem>>
      %dma_wait3A_163 = arith.constant 0 : i32
      %dma_wait3A_164 = arith.constant 0 : i32
      %dma_wait3A_165 = tpu.memref_slice %arg2[%dma_wait3A_163, %dma_wait3A_164] : memref<10000x128xbf16, #tpu.memory_space<hbm>> -> memref<10000x128xbf16, #tpu.memory_space<hbm>>
      tpu.wait_indirect_dma semaphore(%arg11 : memref<!tpu.dma_semaphore, #tpu.memory_space<semaphore_mem>>) src(%dma_wait3A_165 : memref<10000x128xbf16, #tpu.memory_space<hbm>>) dst(%dma_wait3A_159 : memref<125x128xbf16, #tpu.memory_space<vmem>>)
      %add3A_166 = arith.constant 0 : i32
      %add3A_167 = arith.addi %mul3A_152, %add3A_166 : i32
      %dma_start3A_168 = arith.constant 0 : i32
      %dma_start3A_169 = arith.constant 0 : i32
      %dma_start3A_170 = arith.constant 0 : i32
      %dma_start3A_171 = tpu.memref_slice %arg9[%dma_start3A_168, %dma_start3A_169, %dma_start3A_170] : memref<8x125x128xbf16, #tpu.memory_space<vmem>> -> memref<1x125x128xbf16, #tpu.memory_space<vmem>>
      %dma_start3A_172 = tpu.memref_squeeze %dma_start3A_171 : memref<1x125x128xbf16, #tpu.memory_space<vmem>> -> memref<125x128xbf16, #tpu.memory_space<vmem>>
      %dma_start3A_173 = arith.constant 0 : i32
      %dma_start3A_174 = tpu.memref_slice %arg8[%add3A_167, %dma_start3A_173] : memref<80x125xi32, #tpu.memory_space<vmem>> -> memref<1x125xi32, #tpu.memory_space<vmem>>
      %dma_start3A_175 = tpu.memref_squeeze %dma_start3A_174 : memref<1x125xi32, #tpu.memory_space<vmem>> -> memref<125xi32, #tpu.memory_space<vmem>>
      %dma_start3A_176 = arith.constant 0 : i32
      %dma_start3A_177 = arith.constant 0 : i32
      %dma_start3A_178 = tpu.memref_slice %arg10[%dma_start3A_176, %dma_start3A_177] : memref<10000x128xbf16, #tpu.memory_space<vmem_shared>> -> memref<10000x128xbf16, #tpu.memory_space<vmem_shared>>
      tpu.enqueue_indirect_dma source(%dma_start3A_172 : memref<125x128xbf16, #tpu.memory_space<vmem>>) target(%dma_start3A_178 : memref<10000x128xbf16, #tpu.memory_space<vmem_shared>>) offsets(%dma_start3A_175 : memref<125xi32, #tpu.memory_space<vmem>>) semaphore(%arg19 : memref<!tpu.dma_semaphore, #tpu.memory_space<semaphore_mem>>) {add = true}
      %add3A_179 = arith.constant 1 : i32
      %add3A_180 = arith.addi %mul3A_152, %add3A_179 : i32
      %dma_wait3A_181 = arith.constant 1 : i32
      %dma_wait3A_182 = arith.constant 0 : i32
      %dma_wait3A_183 = arith.constant 0 : i32
      %dma_wait3A_184 = tpu.memref_slice %arg9[%dma_wait3A_181, %dma_wait3A_182, %dma_wait3A_183] : memref<8x125x128xbf16, #tpu.memory_space<vmem>> -> memref<1x125x128xbf16, #tpu.memory_space<vmem>>
      %dma_wait3A_185 = tpu.memref_squeeze %dma_wait3A_184 : memref<1x125x128xbf16, #tpu.memory_space<vmem>> -> memref<125x128xbf16, #tpu.memory_space<vmem>>
      %dma_wait3A_186 = arith.constant 0 : i32
      %dma_wait3A_187 = tpu.memref_slice %arg7[%add3A_180, %dma_wait3A_186] : memref<80x125xi32, #tpu.memory_space<vmem>> -> memref<1x125xi32, #tpu.memory_space<vmem>>
      %dma_wait3A_188 = tpu.memref_squeeze %dma_wait3A_187 : memref<1x125xi32, #tpu.memory_space<vmem>> -> memref<125xi32, #tpu.memory_space<vmem>>
      %dma_wait3A_189 = arith.constant 0 : i32
      %dma_wait3A_190 = arith.constant 0 : i32
      %dma_wait3A_191 = tpu.memref_slice %arg2[%dma_wait3A_189, %dma_wait3A_190] : memref<10000x128xbf16, #tpu.memory_space<hbm>> -> memref<10000x128xbf16, #tpu.memory_space<hbm>>
      tpu.wait_indirect_dma semaphore(%arg12 : memref<!tpu.dma_semaphore, #tpu.memory_space<semaphore_mem>>) src(%dma_wait3A_191 : memref<10000x128xbf16, #tpu.memory_space<hbm>>) dst(%dma_wait3A_185 : memref<125x128xbf16, #tpu.memory_space<vmem>>)
      %add3A_192 = arith.constant 1 : i32
      %add3A_193 = arith.addi %mul3A_152, %add3A_192 : i32
      %dma_start3A_194 = arith.constant 1 : i32
      %dma_start3A_195 = arith.constant 0 : i32
      %dma_start3A_196 = arith.constant 0 : i32
      %dma_start3A_197 = tpu.memref_slice %arg9[%dma_start3A_194, %dma_start3A_195, %dma_start3A_196] : memref<8x125x128xbf16, #tpu.memory_space<vmem>> -> memref<1x125x128xbf16, #tpu.memory_space<vmem>>
      %dma_start3A_198 = tpu.memref_squeeze %dma_start3A_197 : memref<1x125x128xbf16, #tpu.memory_space<vmem>> -> memref<125x128xbf16, #tpu.memory_space<vmem>>
      %dma_start3A_199 = arith.constant 0 : i32
      %dma_start3A_200 = tpu.memref_slice %arg8[%add3A_193, %dma_start3A_199] : memref<80x125xi32, #tpu.memory_space<vmem>> -> memref<1x125xi32, #tpu.memory_space<vmem>>
      %dma_start3A_201 = tpu.memref_squeeze %dma_start3A_200 : memref<1x125xi32, #tpu.memory_space<vmem>> -> memref<125xi32, #tpu.memory_space<vmem>>
      %dma_start3A_202 = arith.constant 0 : i32
      %dma_start3A_203 = arith.constant 0 : i32
      %dma_start3A_204 = tpu.memref_slice %arg10[%dma_start3A_202, %dma_start3A_203] : memref<10000x128xbf16, #tpu.memory_space<vmem_shared>> -> memref<10000x128xbf16, #tpu.memory_space<vmem_shared>>
      tpu.enqueue_indirect_dma source(%dma_start3A_198 : memref<125x128xbf16, #tpu.memory_space<vmem>>) target(%dma_start3A_204 : memref<10000x128xbf16, #tpu.memory_space<vmem_shared>>) offsets(%dma_start3A_201 : memref<125xi32, #tpu.memory_space<vmem>>) semaphore(%arg20 : memref<!tpu.dma_semaphore, #tpu.memory_space<semaphore_mem>>) {add = true}
      %add3A_205 = arith.constant 2 : i32
      %add3A_206 = arith.addi %mul3A_152, %add3A_205 : i32
      %dma_wait3A_207 = arith.constant 2 : i32
      %dma_wait3A_208 = arith.constant 0 : i32
      %dma_wait3A_209 = arith.constant 0 : i32
      %dma_wait3A_210 = tpu.memref_slice %arg9[%dma_wait3A_207, %dma_wait3A_208, %dma_wait3A_209] : memref<8x125x128xbf16, #tpu.memory_space<vmem>> -> memref<1x125x128xbf16, #tpu.memory_space<vmem>>
      %dma_wait3A_211 = tpu.memref_squeeze %dma_wait3A_210 : memref<1x125x128xbf16, #tpu.memory_space<vmem>> -> memref<125x128xbf16, #tpu.memory_space<vmem>>
      %dma_wait3A_212 = arith.constant 0 : i32
      %dma_wait3A_213 = tpu.memref_slice %arg7[%add3A_206, %dma_wait3A_212] : memref<80x125xi32, #tpu.memory_space<vmem>> -> memref<1x125xi32, #tpu.memory_space<vmem>>
      %dma_wait3A_214 = tpu.memref_squeeze %dma_wait3A_213 : memref<1x125xi32, #tpu.memory_space<vmem>> -> memref<125xi32, #tpu.memory_space<vmem>>
      %dma_wait3A_215 = arith.constant 0 : i32
      %dma_wait3A_216 = arith.constant 0 : i32
      %dma_wait3A_217 = tpu.memref_slice %arg2[%dma_wait3A_215, %dma_wait3A_216] : memref<10000x128xbf16, #tpu.memory_space<hbm>> -> memref<10000x128xbf16, #tpu.memory_space<hbm>>
      tpu.wait_indirect_dma semaphore(%arg13 : memref<!tpu.dma_semaphore, #tpu.memory_space<semaphore_mem>>) src(%dma_wait3A_217 : memref<10000x128xbf16, #tpu.memory_space<hbm>>) dst(%dma_wait3A_211 : memref<125x128xbf16, #tpu.memory_space<vmem>>)
      %add3A_218 = arith.constant 2 : i32
      %add3A_219 = arith.addi %mul3A_152, %add3A_218 : i32
      %dma_start3A_220 = arith.constant 2 : i32
      %dma_start3A_221 = arith.constant 0 : i32
      %dma_start3A_222 = arith.constant 0 : i32
      %dma_start3A_223 = tpu.memref_slice %arg9[%dma_start3A_220, %dma_start3A_221, %dma_start3A_222] : memref<8x125x128xbf16, #tpu.memory_space<vmem>> -> memref<1x125x128xbf16, #tpu.memory_space<vmem>>
      %dma_start3A_224 = tpu.memref_squeeze %dma_start3A_223 : memref<1x125x128xbf16, #tpu.memory_space<vmem>> -> memref<125x128xbf16, #tpu.memory_space<vmem>>
      %dma_start3A_225 = arith.constant 0 : i32
      %dma_start3A_226 = tpu.memref_slice %arg8[%add3A_219, %dma_start3A_225] : memref<80x125xi32, #tpu.memory_space<vmem>> -> memref<1x125xi32, #tpu.memory_space<vmem>>
      %dma_start3A_227 = tpu.memref_squeeze %dma_start3A_226 : memref<1x125xi32, #tpu.memory_space<vmem>> -> memref<125xi32, #tpu.memory_space<vmem>>
      %dma_start3A_228 = arith.constant 0 : i32
      %dma_start3A_229 = arith.constant 0 : i32
      %dma_start3A_230 = tpu.memref_slice %arg10[%dma_start3A_228, %dma_start3A_229] : memref<10000x128xbf16, #tpu.memory_space<vmem_shared>> -> memref<10000x128xbf16, #tpu.memory_space<vmem_shared>>
      tpu.enqueue_indirect_dma source(%dma_start3A_224 : memref<125x128xbf16, #tpu.memory_space<vmem>>) target(%dma_start3A_230 : memref<10000x128xbf16, #tpu.memory_space<vmem_shared>>) offsets(%dma_start3A_227 : memref<125xi32, #tpu.memory_space<vmem>>) semaphore(%arg21 : memref<!tpu.dma_semaphore, #tpu.memory_space<semaphore_mem>>) {add = true}
      %add3A_231 = arith.constant 3 : i32
      %add3A_232 = arith.addi %mul3A_152, %add3A_231 : i32
      %dma_wait3A_233 = arith.constant 3 : i32
      %dma_wait3A_234 = arith.constant 0 : i32
      %dma_wait3A_235 = arith.constant 0 : i32
      %dma_wait3A_236 = tpu.memref_slice %arg9[%dma_wait3A_233, %dma_wait3A_234, %dma_wait3A_235] : memref<8x125x128xbf16, #tpu.memory_space<vmem>> -> memref<1x125x128xbf16, #tpu.memory_space<vmem>>
      %dma_wait3A_237 = tpu.memref_squeeze %dma_wait3A_236 : memref<1x125x128xbf16, #tpu.memory_space<vmem>> -> memref<125x128xbf16, #tpu.memory_space<vmem>>
      %dma_wait3A_238 = arith.constant 0 : i32
      %dma_wait3A_239 = tpu.memref_slice %arg7[%add3A_232, %dma_wait3A_238] : memref<80x125xi32, #tpu.memory_space<vmem>> -> memref<1x125xi32, #tpu.memory_space<vmem>>
      %dma_wait3A_240 = tpu.memref_squeeze %dma_wait3A_239 : memref<1x125xi32, #tpu.memory_space<vmem>> -> memref<125xi32, #tpu.memory_space<vmem>>
      %dma_wait3A_241 = arith.constant 0 : i32
      %dma_wait3A_242 = arith.constant 0 : i32
      %dma_wait3A_243 = tpu.memref_slice %arg2[%dma_wait3A_241, %dma_wait3A_242] : memref<10000x128xbf16, #tpu.memory_space<hbm>> -> memref<10000x128xbf16, #tpu.memory_space<hbm>>
      tpu.wait_indirect_dma semaphore(%arg14 : memref<!tpu.dma_semaphore, #tpu.memory_space<semaphore_mem>>) src(%dma_wait3A_243 : memref<10000x128xbf16, #tpu.memory_space<hbm>>) dst(%dma_wait3A_237 : memref<125x128xbf16, #tpu.memory_space<vmem>>)
      %add3A_244 = arith.constant 3 : i32
      %add3A_245 = arith.addi %mul3A_152, %add3A_244 : i32
      %dma_start3A_246 = arith.constant 3 : i32
      %dma_start3A_247 = arith.constant 0 : i32
      %dma_start3A_248 = arith.constant 0 : i32
      %dma_start3A_249 = tpu.memref_slice %arg9[%dma_start3A_246, %dma_start3A_247, %dma_start3A_248] : memref<8x125x128xbf16, #tpu.memory_space<vmem>> -> memref<1x125x128xbf16, #tpu.memory_space<vmem>>
      %dma_start3A_250 = tpu.memref_squeeze %dma_start3A_249 : memref<1x125x128xbf16, #tpu.memory_space<vmem>> -> memref<125x128xbf16, #tpu.memory_space<vmem>>
      %dma_start3A_251 = arith.constant 0 : i32
      %dma_start3A_252 = tpu.memref_slice %arg8[%add3A_245, %dma_start3A_251] : memref<80x125xi32, #tpu.memory_space<vmem>> -> memref<1x125xi32, #tpu.memory_space<vmem>>
      %dma_start3A_253 = tpu.memref_squeeze %dma_start3A_252 : memref<1x125xi32, #tpu.memory_space<vmem>> -> memref<125xi32, #tpu.memory_space<vmem>>
      %dma_start3A_254 = arith.constant 0 : i32
      %dma_start3A_255 = arith.constant 0 : i32
      %dma_start3A_256 = tpu.memref_slice %arg10[%dma_start3A_254, %dma_start3A_255] : memref<10000x128xbf16, #tpu.memory_space<vmem_shared>> -> memref<10000x128xbf16, #tpu.memory_space<vmem_shared>>
      tpu.enqueue_indirect_dma source(%dma_start3A_250 : memref<125x128xbf16, #tpu.memory_space<vmem>>) target(%dma_start3A_256 : memref<10000x128xbf16, #tpu.memory_space<vmem_shared>>) offsets(%dma_start3A_253 : memref<125xi32, #tpu.memory_space<vmem>>) semaphore(%arg22 : memref<!tpu.dma_semaphore, #tpu.memory_space<semaphore_mem>>) {add = true}
      %add3A_257 = arith.constant 4 : i32
      %add3A_258 = arith.addi %mul3A_152, %add3A_257 : i32
      %dma_wait3A_259 = arith.constant 4 : i32
      %dma_wait3A_260 = arith.constant 0 : i32
      %dma_wait3A_261 = arith.constant 0 : i32
      %dma_wait3A_262 = tpu.memref_slice %arg9[%dma_wait3A_259, %dma_wait3A_260, %dma_wait3A_261] : memref<8x125x128xbf16, #tpu.memory_space<vmem>> -> memref<1x125x128xbf16, #tpu.memory_space<vmem>>
      %dma_wait3A_263 = tpu.memref_squeeze %dma_wait3A_262 : memref<1x125x128xbf16, #tpu.memory_space<vmem>> -> memref<125x128xbf16, #tpu.memory_space<vmem>>
      %dma_wait3A_264 = arith.constant 0 : i32
      %dma_wait3A_265 = tpu.memref_slice %arg7[%add3A_258, %dma_wait3A_264] : memref<80x125xi32, #tpu.memory_space<vmem>> -> memref<1x125xi32, #tpu.memory_space<vmem>>
      %dma_wait3A_266 = tpu.memref_squeeze %dma_wait3A_265 : memref<1x125xi32, #tpu.memory_space<vmem>> -> memref<125xi32, #tpu.memory_space<vmem>>
      %dma_wait3A_267 = arith.constant 0 : i32
      %dma_wait3A_268 = arith.constant 0 : i32
      %dma_wait3A_269 = tpu.memref_slice %arg2[%dma_wait3A_267, %dma_wait3A_268] : memref<10000x128xbf16, #tpu.memory_space<hbm>> -> memref<10000x128xbf16, #tpu.memory_space<hbm>>
      tpu.wait_indirect_dma semaphore(%arg15 : memref<!tpu.dma_semaphore, #tpu.memory_space<semaphore_mem>>) src(%dma_wait3A_269 : memref<10000x128xbf16, #tpu.memory_space<hbm>>) dst(%dma_wait3A_263 : memref<125x128xbf16, #tpu.memory_space<vmem>>)
      %add3A_270 = arith.constant 4 : i32
      %add3A_271 = arith.addi %mul3A_152, %add3A_270 : i32
      %dma_start3A_272 = arith.constant 4 : i32
      %dma_start3A_273 = arith.constant 0 : i32
      %dma_start3A_274 = arith.constant 0 : i32
      %dma_start3A_275 = tpu.memref_slice %arg9[%dma_start3A_272, %dma_start3A_273, %dma_start3A_274] : memref<8x125x128xbf16, #tpu.memory_space<vmem>> -> memref<1x125x128xbf16, #tpu.memory_space<vmem>>
      %dma_start3A_276 = tpu.memref_squeeze %dma_start3A_275 : memref<1x125x128xbf16, #tpu.memory_space<vmem>> -> memref<125x128xbf16, #tpu.memory_space<vmem>>
      %dma_start3A_277 = arith.constant 0 : i32
      %dma_start3A_278 = tpu.memref_slice %arg8[%add3A_271, %dma_start3A_277] : memref<80x125xi32, #tpu.memory_space<vmem>> -> memref<1x125xi32, #tpu.memory_space<vmem>>
      %dma_start3A_279 = tpu.memref_squeeze %dma_start3A_278 : memref<1x125xi32, #tpu.memory_space<vmem>> -> memref<125xi32, #tpu.memory_space<vmem>>
      %dma_start3A_280 = arith.constant 0 : i32
      %dma_start3A_281 = arith.constant 0 : i32
      %dma_start3A_282 = tpu.memref_slice %arg10[%dma_start3A_280, %dma_start3A_281] : memref<10000x128xbf16, #tpu.memory_space<vmem_shared>> -> memref<10000x128xbf16, #tpu.memory_space<vmem_shared>>
      tpu.enqueue_indirect_dma source(%dma_start3A_276 : memref<125x128xbf16, #tpu.memory_space<vmem>>) target(%dma_start3A_282 : memref<10000x128xbf16, #tpu.memory_space<vmem_shared>>) offsets(%dma_start3A_279 : memref<125xi32, #tpu.memory_space<vmem>>) semaphore(%arg23 : memref<!tpu.dma_semaphore, #tpu.memory_space<semaphore_mem>>) {add = true}
      %add3A_283 = arith.constant 5 : i32
      %add3A_284 = arith.addi %mul3A_152, %add3A_283 : i32
      %dma_wait3A_285 = arith.constant 5 : i32
      %dma_wait3A_286 = arith.constant 0 : i32
      %dma_wait3A_287 = arith.constant 0 : i32
      %dma_wait3A_288 = tpu.memref_slice %arg9[%dma_wait3A_285, %dma_wait3A_286, %dma_wait3A_287] : memref<8x125x128xbf16, #tpu.memory_space<vmem>> -> memref<1x125x128xbf16, #tpu.memory_space<vmem>>
      %dma_wait3A_289 = tpu.memref_squeeze %dma_wait3A_288 : memref<1x125x128xbf16, #tpu.memory_space<vmem>> -> memref<125x128xbf16, #tpu.memory_space<vmem>>
      %dma_wait3A_290 = arith.constant 0 : i32
      %dma_wait3A_291 = tpu.memref_slice %arg7[%add3A_284, %dma_wait3A_290] : memref<80x125xi32, #tpu.memory_space<vmem>> -> memref<1x125xi32, #tpu.memory_space<vmem>>
      %dma_wait3A_292 = tpu.memref_squeeze %dma_wait3A_291 : memref<1x125xi32, #tpu.memory_space<vmem>> -> memref<125xi32, #tpu.memory_space<vmem>>
      %dma_wait3A_293 = arith.constant 0 : i32
      %dma_wait3A_294 = arith.constant 0 : i32
      %dma_wait3A_295 = tpu.memref_slice %arg2[%dma_wait3A_293, %dma_wait3A_294] : memref<10000x128xbf16, #tpu.memory_space<hbm>> -> memref<10000x128xbf16, #tpu.memory_space<hbm>>
      tpu.wait_indirect_dma semaphore(%arg16 : memref<!tpu.dma_semaphore, #tpu.memory_space<semaphore_mem>>) src(%dma_wait3A_295 : memref<10000x128xbf16, #tpu.memory_space<hbm>>) dst(%dma_wait3A_289 : memref<125x128xbf16, #tpu.memory_space<vmem>>)
      %add3A_296 = arith.constant 5 : i32
      %add3A_297 = arith.addi %mul3A_152, %add3A_296 : i32
      %dma_start3A_298 = arith.constant 5 : i32
      %dma_start3A_299 = arith.constant 0 : i32
      %dma_start3A_300 = arith.constant 0 : i32
      %dma_start3A_301 = tpu.memref_slice %arg9[%dma_start3A_298, %dma_start3A_299, %dma_start3A_300] : memref<8x125x128xbf16, #tpu.memory_space<vmem>> -> memref<1x125x128xbf16, #tpu.memory_space<vmem>>
      %dma_start3A_302 = tpu.memref_squeeze %dma_start3A_301 : memref<1x125x128xbf16, #tpu.memory_space<vmem>> -> memref<125x128xbf16, #tpu.memory_space<vmem>>
      %dma_start3A_303 = arith.constant 0 : i32
      %dma_start3A_304 = tpu.memref_slice %arg8[%add3A_297, %dma_start3A_303] : memref<80x125xi32, #tpu.memory_space<vmem>> -> memref<1x125xi32, #tpu.memory_space<vmem>>
      %dma_start3A_305 = tpu.memref_squeeze %dma_start3A_304 : memref<1x125xi32, #tpu.memory_space<vmem>> -> memref<125xi32, #tpu.memory_space<vmem>>
      %dma_start3A_306 = arith.constant 0 : i32
      %dma_start3A_307 = arith.constant 0 : i32
      %dma_start3A_308 = tpu.memref_slice %arg10[%dma_start3A_306, %dma_start3A_307] : memref<10000x128xbf16, #tpu.memory_space<vmem_shared>> -> memref<10000x128xbf16, #tpu.memory_space<vmem_shared>>
      tpu.enqueue_indirect_dma source(%dma_start3A_302 : memref<125x128xbf16, #tpu.memory_space<vmem>>) target(%dma_start3A_308 : memref<10000x128xbf16, #tpu.memory_space<vmem_shared>>) offsets(%dma_start3A_305 : memref<125xi32, #tpu.memory_space<vmem>>) semaphore(%arg24 : memref<!tpu.dma_semaphore, #tpu.memory_space<semaphore_mem>>) {add = true}
      %add3A_309 = arith.constant 6 : i32
      %add3A_310 = arith.addi %mul3A_152, %add3A_309 : i32
      %dma_wait3A_311 = arith.constant 6 : i32
      %dma_wait3A_312 = arith.constant 0 : i32
      %dma_wait3A_313 = arith.constant 0 : i32
      %dma_wait3A_314 = tpu.memref_slice %arg9[%dma_wait3A_311, %dma_wait3A_312, %dma_wait3A_313] : memref<8x125x128xbf16, #tpu.memory_space<vmem>> -> memref<1x125x128xbf16, #tpu.memory_space<vmem>>
      %dma_wait3A_315 = tpu.memref_squeeze %dma_wait3A_314 : memref<1x125x128xbf16, #tpu.memory_space<vmem>> -> memref<125x128xbf16, #tpu.memory_space<vmem>>
      %dma_wait3A_316 = arith.constant 0 : i32
      %dma_wait3A_317 = tpu.memref_slice %arg7[%add3A_310, %dma_wait3A_316] : memref<80x125xi32, #tpu.memory_space<vmem>> -> memref<1x125xi32, #tpu.memory_space<vmem>>
      %dma_wait3A_318 = tpu.memref_squeeze %dma_wait3A_317 : memref<1x125xi32, #tpu.memory_space<vmem>> -> memref<125xi32, #tpu.memory_space<vmem>>
      %dma_wait3A_319 = arith.constant 0 : i32
      %dma_wait3A_320 = arith.constant 0 : i32
      %dma_wait3A_321 = tpu.memref_slice %arg2[%dma_wait3A_319, %dma_wait3A_320] : memref<10000x128xbf16, #tpu.memory_space<hbm>> -> memref<10000x128xbf16, #tpu.memory_space<hbm>>
      tpu.wait_indirect_dma semaphore(%arg17 : memref<!tpu.dma_semaphore, #tpu.memory_space<semaphore_mem>>) src(%dma_wait3A_321 : memref<10000x128xbf16, #tpu.memory_space<hbm>>) dst(%dma_wait3A_315 : memref<125x128xbf16, #tpu.memory_space<vmem>>)
      %add3A_322 = arith.constant 6 : i32
      %add3A_323 = arith.addi %mul3A_152, %add3A_322 : i32
      %dma_start3A_324 = arith.constant 6 : i32
      %dma_start3A_325 = arith.constant 0 : i32
      %dma_start3A_326 = arith.constant 0 : i32
      %dma_start3A_327 = tpu.memref_slice %arg9[%dma_start3A_324, %dma_start3A_325, %dma_start3A_326] : memref<8x125x128xbf16, #tpu.memory_space<vmem>> -> memref<1x125x128xbf16, #tpu.memory_space<vmem>>
      %dma_start3A_328 = tpu.memref_squeeze %dma_start3A_327 : memref<1x125x128xbf16, #tpu.memory_space<vmem>> -> memref<125x128xbf16, #tpu.memory_space<vmem>>
      %dma_start3A_329 = arith.constant 0 : i32
      %dma_start3A_330 = tpu.memref_slice %arg8[%add3A_323, %dma_start3A_329] : memref<80x125xi32, #tpu.memory_space<vmem>> -> memref<1x125xi32, #tpu.memory_space<vmem>>
      %dma_start3A_331 = tpu.memref_squeeze %dma_start3A_330 : memref<1x125xi32, #tpu.memory_space<vmem>> -> memref<125xi32, #tpu.memory_space<vmem>>
      %dma_start3A_332 = arith.constant 0 : i32
      %dma_start3A_333 = arith.constant 0 : i32
      %dma_start3A_334 = tpu.memref_slice %arg10[%dma_start3A_332, %dma_start3A_333] : memref<10000x128xbf16, #tpu.memory_space<vmem_shared>> -> memref<10000x128xbf16, #tpu.memory_space<vmem_shared>>
      tpu.enqueue_indirect_dma source(%dma_start3A_328 : memref<125x128xbf16, #tpu.memory_space<vmem>>) target(%dma_start3A_334 : memref<10000x128xbf16, #tpu.memory_space<vmem_shared>>) offsets(%dma_start3A_331 : memref<125xi32, #tpu.memory_space<vmem>>) semaphore(%arg25 : memref<!tpu.dma_semaphore, #tpu.memory_space<semaphore_mem>>) {add = true}
      %add3A_335 = arith.constant 7 : i32
      %add3A_336 = arith.addi %mul3A_152, %add3A_335 : i32
      %dma_wait3A_337 = arith.constant 7 : i32
      %dma_wait3A_338 = arith.constant 0 : i32
      %dma_wait3A_339 = arith.constant 0 : i32
      %dma_wait3A_340 = tpu.memref_slice %arg9[%dma_wait3A_337, %dma_wait3A_338, %dma_wait3A_339] : memref<8x125x128xbf16, #tpu.memory_space<vmem>> -> memref<1x125x128xbf16, #tpu.memory_space<vmem>>
      %dma_wait3A_341 = tpu.memref_squeeze %dma_wait3A_340 : memref<1x125x128xbf16, #tpu.memory_space<vmem>> -> memref<125x128xbf16, #tpu.memory_space<vmem>>
      %dma_wait3A_342 = arith.constant 0 : i32
      %dma_wait3A_343 = tpu.memref_slice %arg7[%add3A_336, %dma_wait3A_342] : memref<80x125xi32, #tpu.memory_space<vmem>> -> memref<1x125xi32, #tpu.memory_space<vmem>>
      %dma_wait3A_344 = tpu.memref_squeeze %dma_wait3A_343 : memref<1x125xi32, #tpu.memory_space<vmem>> -> memref<125xi32, #tpu.memory_space<vmem>>
      %dma_wait3A_345 = arith.constant 0 : i32
      %dma_wait3A_346 = arith.constant 0 : i32
      %dma_wait3A_347 = tpu.memref_slice %arg2[%dma_wait3A_345, %dma_wait3A_346] : memref<10000x128xbf16, #tpu.memory_space<hbm>> -> memref<10000x128xbf16, #tpu.memory_space<hbm>>
      tpu.wait_indirect_dma semaphore(%arg18 : memref<!tpu.dma_semaphore, #tpu.memory_space<semaphore_mem>>) src(%dma_wait3A_347 : memref<10000x128xbf16, #tpu.memory_space<hbm>>) dst(%dma_wait3A_341 : memref<125x128xbf16, #tpu.memory_space<vmem>>)
      %add3A_348 = arith.constant 7 : i32
      %add3A_349 = arith.addi %mul3A_152, %add3A_348 : i32
      %dma_start3A_350 = arith.constant 7 : i32
      %dma_start3A_351 = arith.constant 0 : i32
      %dma_start3A_352 = arith.constant 0 : i32
      %dma_start3A_353 = tpu.memref_slice %arg9[%dma_start3A_350, %dma_start3A_351, %dma_start3A_352] : memref<8x125x128xbf16, #tpu.memory_space<vmem>> -> memref<1x125x128xbf16, #tpu.memory_space<vmem>>
      %dma_start3A_354 = tpu.memref_squeeze %dma_start3A_353 : memref<1x125x128xbf16, #tpu.memory_space<vmem>> -> memref<125x128xbf16, #tpu.memory_space<vmem>>
      %dma_start3A_355 = arith.constant 0 : i32
      %dma_start3A_356 = tpu.memref_slice %arg8[%add3A_349, %dma_start3A_355] : memref<80x125xi32, #tpu.memory_space<vmem>> -> memref<1x125xi32, #tpu.memory_space<vmem>>
      %dma_start3A_357 = tpu.memref_squeeze %dma_start3A_356 : memref<1x125xi32, #tpu.memory_space<vmem>> -> memref<125xi32, #tpu.memory_space<vmem>>
      %dma_start3A_358 = arith.constant 0 : i32
      %dma_start3A_359 = arith.constant 0 : i32
      %dma_start3A_360 = tpu.memref_slice %arg10[%dma_start3A_358, %dma_start3A_359] : memref<10000x128xbf16, #tpu.memory_space<vmem_shared>> -> memref<10000x128xbf16, #tpu.memory_space<vmem_shared>>
      tpu.enqueue_indirect_dma source(%dma_start3A_354 : memref<125x128xbf16, #tpu.memory_space<vmem>>) target(%dma_start3A_360 : memref<10000x128xbf16, #tpu.memory_space<vmem_shared>>) offsets(%dma_start3A_357 : memref<125xi32, #tpu.memory_space<vmem>>) semaphore(%arg26 : memref<!tpu.dma_semaphore, #tpu.memory_space<semaphore_mem>>) {add = true}
      %add3A_361 = arith.constant 0 : i32
      %add3A_362 = arith.addi %mul3A_152, %add3A_361 : i32
      %dma_wait3A_363 = arith.constant 0 : i32
      %dma_wait3A_364 = arith.constant 0 : i32
      %dma_wait3A_365 = arith.constant 0 : i32
      %dma_wait3A_366 = tpu.memref_slice %arg9[%dma_wait3A_363, %dma_wait3A_364, %dma_wait3A_365] : memref<8x125x128xbf16, #tpu.memory_space<vmem>> -> memref<1x125x128xbf16, #tpu.memory_space<vmem>>
      %dma_wait3A_367 = tpu.memref_squeeze %dma_wait3A_366 : memref<1x125x128xbf16, #tpu.memory_space<vmem>> -> memref<125x128xbf16, #tpu.memory_space<vmem>>
      %dma_wait3A_368 = arith.constant 0 : i32
      %dma_wait3A_369 = tpu.memref_slice %arg8[%add3A_362, %dma_wait3A_368] : memref<80x125xi32, #tpu.memory_space<vmem>> -> memref<1x125xi32, #tpu.memory_space<vmem>>
      %dma_wait3A_370 = tpu.memref_squeeze %dma_wait3A_369 : memref<1x125xi32, #tpu.memory_space<vmem>> -> memref<125xi32, #tpu.memory_space<vmem>>
      %dma_wait3A_371 = arith.constant 0 : i32
      %dma_wait3A_372 = arith.constant 0 : i32
      %dma_wait3A_373 = tpu.memref_slice %arg10[%dma_wait3A_371, %dma_wait3A_372] : memref<10000x128xbf16, #tpu.memory_space<vmem_shared>> -> memref<10000x128xbf16, #tpu.memory_space<vmem_shared>>
      tpu.wait_indirect_dma semaphore(%arg19 : memref<!tpu.dma_semaphore, #tpu.memory_space<semaphore_mem>>) src(%dma_wait3A_367 : memref<125x128xbf16, #tpu.memory_space<vmem>>) dst(%dma_wait3A_373 : memref<10000x128xbf16, #tpu.memory_space<vmem_shared>>)
      %add3A_374 = arith.constant 1 : i32
      %add3A_375 = arith.addi %scan3A_150, %add3A_374 : i32
      %lt3A = arith.constant 10 : i32
      %lt3A_376 = arith.cmpi slt, %add3A_375, %lt3A : i32
      %convert_element_type3A_377 = arith.extui %lt3A_376 : i1 to i32
      %cond3A_378 = arith.constant 0 : i32
      %cond3A_379 = arith.cmpi ne, %convert_element_type3A_377, %cond3A_378 : i32
      scf.if %cond3A_379 {
        %add3A_520 = arith.constant 8 : i32
        %add3A_521 = arith.addi %mul3A_152, %add3A_520 : i32
        %add3A_522 = arith.constant 0 : i32
        %add3A_523 = arith.addi %add3A_521, %add3A_522 : i32
        %dma_start3A_524 = arith.constant 0 : i32
        %dma_start3A_525 = arith.constant 0 : i32
        %dma_start3A_526 = arith.constant 0 : i32
        %dma_start3A_527 = tpu.memref_slice %arg9[%dma_start3A_524, %dma_start3A_525, %dma_start3A_526] : memref<8x125x128xbf16, #tpu.memory_space<vmem>> -> memref<1x125x128xbf16, #tpu.memory_space<vmem>>
        %dma_start3A_528 = tpu.memref_squeeze %dma_start3A_527 : memref<1x125x128xbf16, #tpu.memory_space<vmem>> -> memref<125x128xbf16, #tpu.memory_space<vmem>>
        %dma_start3A_529 = arith.constant 0 : i32
        %dma_start3A_530 = tpu.memref_slice %arg7[%add3A_523, %dma_start3A_529] : memref<80x125xi32, #tpu.memory_space<vmem>> -> memref<1x125xi32, #tpu.memory_space<vmem>>
        %dma_start3A_531 = tpu.memref_squeeze %dma_start3A_530 : memref<1x125xi32, #tpu.memory_space<vmem>> -> memref<125xi32, #tpu.memory_space<vmem>>
        %dma_start3A_532 = arith.constant 0 : i32
        %dma_start3A_533 = arith.constant 0 : i32
        %dma_start3A_534 = tpu.memref_slice %arg2[%dma_start3A_532, %dma_start3A_533] : memref<10000x128xbf16, #tpu.memory_space<hbm>> -> memref<10000x128xbf16, #tpu.memory_space<hbm>>
        tpu.enqueue_indirect_dma source(%dma_start3A_534 : memref<10000x128xbf16, #tpu.memory_space<hbm>>) target(%dma_start3A_528 : memref<125x128xbf16, #tpu.memory_space<vmem>>) offsets(%dma_start3A_531 : memref<125xi32, #tpu.memory_space<vmem>>) semaphore(%arg11 : memref<!tpu.dma_semaphore, #tpu.memory_space<semaphore_mem>>)
      } else {
      }
      %add3A_380 = arith.constant 1 : i32
      %add3A_381 = arith.addi %mul3A_152, %add3A_380 : i32
      %dma_wait3A_382 = arith.constant 1 : i32
      %dma_wait3A_383 = arith.constant 0 : i32
      %dma_wait3A_384 = arith.constant 0 : i32
      %dma_wait3A_385 = tpu.memref_slice %arg9[%dma_wait3A_382, %dma_wait3A_383, %dma_wait3A_384] : memref<8x125x128xbf16, #tpu.memory_space<vmem>> -> memref<1x125x128xbf16, #tpu.memory_space<vmem>>
      %dma_wait3A_386 = tpu.memref_squeeze %dma_wait3A_385 : memref<1x125x128xbf16, #tpu.memory_space<vmem>> -> memref<125x128xbf16, #tpu.memory_space<vmem>>
      %dma_wait3A_387 = arith.constant 0 : i32
      %dma_wait3A_388 = tpu.memref_slice %arg8[%add3A_381, %dma_wait3A_387] : memref<80x125xi32, #tpu.memory_space<vmem>> -> memref<1x125xi32, #tpu.memory_space<vmem>>
      %dma_wait3A_389 = tpu.memref_squeeze %dma_wait3A_388 : memref<1x125xi32, #tpu.memory_space<vmem>> -> memref<125xi32, #tpu.memory_space<vmem>>
      %dma_wait3A_390 = arith.constant 0 : i32
      %dma_wait3A_391 = arith.constant 0 : i32
      %dma_wait3A_392 = tpu.memref_slice %arg10[%dma_wait3A_390, %dma_wait3A_391] : memref<10000x128xbf16, #tpu.memory_space<vmem_shared>> -> memref<10000x128xbf16, #tpu.memory_space<vmem_shared>>
      tpu.wait_indirect_dma semaphore(%arg20 : memref<!tpu.dma_semaphore, #tpu.memory_space<semaphore_mem>>) src(%dma_wait3A_386 : memref<125x128xbf16, #tpu.memory_space<vmem>>) dst(%dma_wait3A_392 : memref<10000x128xbf16, #tpu.memory_space<vmem_shared>>)
      %add3A_393 = arith.constant 1 : i32
      %add3A_394 = arith.addi %scan3A_150, %add3A_393 : i32
      %lt3A_395 = arith.constant 10 : i32
      %lt3A_396 = arith.cmpi slt, %add3A_394, %lt3A_395 : i32
      %convert_element_type3A_397 = arith.extui %lt3A_396 : i1 to i32
      %cond3A_398 = arith.constant 0 : i32
      %cond3A_399 = arith.cmpi ne, %convert_element_type3A_397, %cond3A_398 : i32
      scf.if %cond3A_399 {
        %add3A_520 = arith.constant 8 : i32
        %add3A_521 = arith.addi %mul3A_152, %add3A_520 : i32
        %add3A_522 = arith.constant 1 : i32
        %add3A_523 = arith.addi %add3A_521, %add3A_522 : i32
        %dma_start3A_524 = arith.constant 1 : i32
        %dma_start3A_525 = arith.constant 0 : i32
        %dma_start3A_526 = arith.constant 0 : i32
        %dma_start3A_527 = tpu.memref_slice %arg9[%dma_start3A_524, %dma_start3A_525, %dma_start3A_526] : memref<8x125x128xbf16, #tpu.memory_space<vmem>> -> memref<1x125x128xbf16, #tpu.memory_space<vmem>>
        %dma_start3A_528 = tpu.memref_squeeze %dma_start3A_527 : memref<1x125x128xbf16, #tpu.memory_space<vmem>> -> memref<125x128xbf16, #tpu.memory_space<vmem>>
        %dma_start3A_529 = arith.constant 0 : i32
        %dma_start3A_530 = tpu.memref_slice %arg7[%add3A_523, %dma_start3A_529] : memref<80x125xi32, #tpu.memory_space<vmem>> -> memref<1x125xi32, #tpu.memory_space<vmem>>
        %dma_start3A_531 = tpu.memref_squeeze %dma_start3A_530 : memref<1x125xi32, #tpu.memory_space<vmem>> -> memref<125xi32, #tpu.memory_space<vmem>>
        %dma_start3A_532 = arith.constant 0 : i32
        %dma_start3A_533 = arith.constant 0 : i32
        %dma_start3A_534 = tpu.memref_slice %arg2[%dma_start3A_532, %dma_start3A_533] : memref<10000x128xbf16, #tpu.memory_space<hbm>> -> memref<10000x128xbf16, #tpu.memory_space<hbm>>
        tpu.enqueue_indirect_dma source(%dma_start3A_534 : memref<10000x128xbf16, #tpu.memory_space<hbm>>) target(%dma_start3A_528 : memref<125x128xbf16, #tpu.memory_space<vmem>>) offsets(%dma_start3A_531 : memref<125xi32, #tpu.memory_space<vmem>>) semaphore(%arg12 : memref<!tpu.dma_semaphore, #tpu.memory_space<semaphore_mem>>)
      } else {
      }
      %add3A_400 = arith.constant 2 : i32
      %add3A_401 = arith.addi %mul3A_152, %add3A_400 : i32
      %dma_wait3A_402 = arith.constant 2 : i32
      %dma_wait3A_403 = arith.constant 0 : i32
      %dma_wait3A_404 = arith.constant 0 : i32
      %dma_wait3A_405 = tpu.memref_slice %arg9[%dma_wait3A_402, %dma_wait3A_403, %dma_wait3A_404] : memref<8x125x128xbf16, #tpu.memory_space<vmem>> -> memref<1x125x128xbf16, #tpu.memory_space<vmem>>
      %dma_wait3A_406 = tpu.memref_squeeze %dma_wait3A_405 : memref<1x125x128xbf16, #tpu.memory_space<vmem>> -> memref<125x128xbf16, #tpu.memory_space<vmem>>
      %dma_wait3A_407 = arith.constant 0 : i32
      %dma_wait3A_408 = tpu.memref_slice %arg8[%add3A_401, %dma_wait3A_407] : memref<80x125xi32, #tpu.memory_space<vmem>> -> memref<1x125xi32, #tpu.memory_space<vmem>>
      %dma_wait3A_409 = tpu.memref_squeeze %dma_wait3A_408 : memref<1x125xi32, #tpu.memory_space<vmem>> -> memref<125xi32, #tpu.memory_space<vmem>>
      %dma_wait3A_410 = arith.constant 0 : i32
      %dma_wait3A_411 = arith.constant 0 : i32
      %dma_wait3A_412 = tpu.memref_slice %arg10[%dma_wait3A_410, %dma_wait3A_411] : memref<10000x128xbf16, #tpu.memory_space<vmem_shared>> -> memref<10000x128xbf16, #tpu.memory_space<vmem_shared>>
      tpu.wait_indirect_dma semaphore(%arg21 : memref<!tpu.dma_semaphore, #tpu.memory_space<semaphore_mem>>) src(%dma_wait3A_406 : memref<125x128xbf16, #tpu.memory_space<vmem>>) dst(%dma_wait3A_412 : memref<10000x128xbf16, #tpu.memory_space<vmem_shared>>)
      %add3A_413 = arith.constant 1 : i32
      %add3A_414 = arith.addi %scan3A_150, %add3A_413 : i32
      %lt3A_415 = arith.constant 10 : i32
      %lt3A_416 = arith.cmpi slt, %add3A_414, %lt3A_415 : i32
      %convert_element_type3A_417 = arith.extui %lt3A_416 : i1 to i32
      %cond3A_418 = arith.constant 0 : i32
      %cond3A_419 = arith.cmpi ne, %convert_element_type3A_417, %cond3A_418 : i32
      scf.if %cond3A_419 {
        %add3A_520 = arith.constant 8 : i32
        %add3A_521 = arith.addi %mul3A_152, %add3A_520 : i32
        %add3A_522 = arith.constant 2 : i32
        %add3A_523 = arith.addi %add3A_521, %add3A_522 : i32
        %dma_start3A_524 = arith.constant 2 : i32
        %dma_start3A_525 = arith.constant 0 : i32
        %dma_start3A_526 = arith.constant 0 : i32
        %dma_start3A_527 = tpu.memref_slice %arg9[%dma_start3A_524, %dma_start3A_525, %dma_start3A_526] : memref<8x125x128xbf16, #tpu.memory_space<vmem>> -> memref<1x125x128xbf16, #tpu.memory_space<vmem>>
        %dma_start3A_528 = tpu.memref_squeeze %dma_start3A_527 : memref<1x125x128xbf16, #tpu.memory_space<vmem>> -> memref<125x128xbf16, #tpu.memory_space<vmem>>
        %dma_start3A_529 = arith.constant 0 : i32
        %dma_start3A_530 = tpu.memref_slice %arg7[%add3A_523, %dma_start3A_529] : memref<80x125xi32, #tpu.memory_space<vmem>> -> memref<1x125xi32, #tpu.memory_space<vmem>>
        %dma_start3A_531 = tpu.memref_squeeze %dma_start3A_530 : memref<1x125xi32, #tpu.memory_space<vmem>> -> memref<125xi32, #tpu.memory_space<vmem>>
        %dma_start3A_532 = arith.constant 0 : i32
        %dma_start3A_533 = arith.constant 0 : i32
        %dma_start3A_534 = tpu.memref_slice %arg2[%dma_start3A_532, %dma_start3A_533] : memref<10000x128xbf16, #tpu.memory_space<hbm>> -> memref<10000x128xbf16, #tpu.memory_space<hbm>>
        tpu.enqueue_indirect_dma source(%dma_start3A_534 : memref<10000x128xbf16, #tpu.memory_space<hbm>>) target(%dma_start3A_528 : memref<125x128xbf16, #tpu.memory_space<vmem>>) offsets(%dma_start3A_531 : memref<125xi32, #tpu.memory_space<vmem>>) semaphore(%arg13 : memref<!tpu.dma_semaphore, #tpu.memory_space<semaphore_mem>>)
      } else {
      }
      %add3A_420 = arith.constant 3 : i32
      %add3A_421 = arith.addi %mul3A_152, %add3A_420 : i32
      %dma_wait3A_422 = arith.constant 3 : i32
      %dma_wait3A_423 = arith.constant 0 : i32
      %dma_wait3A_424 = arith.constant 0 : i32
      %dma_wait3A_425 = tpu.memref_slice %arg9[%dma_wait3A_422, %dma_wait3A_423, %dma_wait3A_424] : memref<8x125x128xbf16, #tpu.memory_space<vmem>> -> memref<1x125x128xbf16, #tpu.memory_space<vmem>>
      %dma_wait3A_426 = tpu.memref_squeeze %dma_wait3A_425 : memref<1x125x128xbf16, #tpu.memory_space<vmem>> -> memref<125x128xbf16, #tpu.memory_space<vmem>>
      %dma_wait3A_427 = arith.constant 0 : i32
      %dma_wait3A_428 = tpu.memref_slice %arg8[%add3A_421, %dma_wait3A_427] : memref<80x125xi32, #tpu.memory_space<vmem>> -> memref<1x125xi32, #tpu.memory_space<vmem>>
      %dma_wait3A_429 = tpu.memref_squeeze %dma_wait3A_428 : memref<1x125xi32, #tpu.memory_space<vmem>> -> memref<125xi32, #tpu.memory_space<vmem>>
      %dma_wait3A_430 = arith.constant 0 : i32
      %dma_wait3A_431 = arith.constant 0 : i32
      %dma_wait3A_432 = tpu.memref_slice %arg10[%dma_wait3A_430, %dma_wait3A_431] : memref<10000x128xbf16, #tpu.memory_space<vmem_shared>> -> memref<10000x128xbf16, #tpu.memory_space<vmem_shared>>
      tpu.wait_indirect_dma semaphore(%arg22 : memref<!tpu.dma_semaphore, #tpu.memory_space<semaphore_mem>>) src(%dma_wait3A_426 : memref<125x128xbf16, #tpu.memory_space<vmem>>) dst(%dma_wait3A_432 : memref<10000x128xbf16, #tpu.memory_space<vmem_shared>>)
      %add3A_433 = arith.constant 1 : i32
      %add3A_434 = arith.addi %scan3A_150, %add3A_433 : i32
      %lt3A_435 = arith.constant 10 : i32
      %lt3A_436 = arith.cmpi slt, %add3A_434, %lt3A_435 : i32
      %convert_element_type3A_437 = arith.extui %lt3A_436 : i1 to i32
      %cond3A_438 = arith.constant 0 : i32
      %cond3A_439 = arith.cmpi ne, %convert_element_type3A_437, %cond3A_438 : i32
      scf.if %cond3A_439 {
        %add3A_520 = arith.constant 8 : i32
        %add3A_521 = arith.addi %mul3A_152, %add3A_520 : i32
        %add3A_522 = arith.constant 3 : i32
        %add3A_523 = arith.addi %add3A_521, %add3A_522 : i32
        %dma_start3A_524 = arith.constant 3 : i32
        %dma_start3A_525 = arith.constant 0 : i32
        %dma_start3A_526 = arith.constant 0 : i32
        %dma_start3A_527 = tpu.memref_slice %arg9[%dma_start3A_524, %dma_start3A_525, %dma_start3A_526] : memref<8x125x128xbf16, #tpu.memory_space<vmem>> -> memref<1x125x128xbf16, #tpu.memory_space<vmem>>
        %dma_start3A_528 = tpu.memref_squeeze %dma_start3A_527 : memref<1x125x128xbf16, #tpu.memory_space<vmem>> -> memref<125x128xbf16, #tpu.memory_space<vmem>>
        %dma_start3A_529 = arith.constant 0 : i32
        %dma_start3A_530 = tpu.memref_slice %arg7[%add3A_523, %dma_start3A_529] : memref<80x125xi32, #tpu.memory_space<vmem>> -> memref<1x125xi32, #tpu.memory_space<vmem>>
        %dma_start3A_531 = tpu.memref_squeeze %dma_start3A_530 : memref<1x125xi32, #tpu.memory_space<vmem>> -> memref<125xi32, #tpu.memory_space<vmem>>
        %dma_start3A_532 = arith.constant 0 : i32
        %dma_start3A_533 = arith.constant 0 : i32
        %dma_start3A_534 = tpu.memref_slice %arg2[%dma_start3A_532, %dma_start3A_533] : memref<10000x128xbf16, #tpu.memory_space<hbm>> -> memref<10000x128xbf16, #tpu.memory_space<hbm>>
        tpu.enqueue_indirect_dma source(%dma_start3A_534 : memref<10000x128xbf16, #tpu.memory_space<hbm>>) target(%dma_start3A_528 : memref<125x128xbf16, #tpu.memory_space<vmem>>) offsets(%dma_start3A_531 : memref<125xi32, #tpu.memory_space<vmem>>) semaphore(%arg14 : memref<!tpu.dma_semaphore, #tpu.memory_space<semaphore_mem>>)
      } else {
      }
      %add3A_440 = arith.constant 4 : i32
      %add3A_441 = arith.addi %mul3A_152, %add3A_440 : i32
      %dma_wait3A_442 = arith.constant 4 : i32
      %dma_wait3A_443 = arith.constant 0 : i32
      %dma_wait3A_444 = arith.constant 0 : i32
      %dma_wait3A_445 = tpu.memref_slice %arg9[%dma_wait3A_442, %dma_wait3A_443, %dma_wait3A_444] : memref<8x125x128xbf16, #tpu.memory_space<vmem>> -> memref<1x125x128xbf16, #tpu.memory_space<vmem>>
      %dma_wait3A_446 = tpu.memref_squeeze %dma_wait3A_445 : memref<1x125x128xbf16, #tpu.memory_space<vmem>> -> memref<125x128xbf16, #tpu.memory_space<vmem>>
      %dma_wait3A_447 = arith.constant 0 : i32
      %dma_wait3A_448 = tpu.memref_slice %arg8[%add3A_441, %dma_wait3A_447] : memref<80x125xi32, #tpu.memory_space<vmem>> -> memref<1x125xi32, #tpu.memory_space<vmem>>
      %dma_wait3A_449 = tpu.memref_squeeze %dma_wait3A_448 : memref<1x125xi32, #tpu.memory_space<vmem>> -> memref<125xi32, #tpu.memory_space<vmem>>
      %dma_wait3A_450 = arith.constant 0 : i32
      %dma_wait3A_451 = arith.constant 0 : i32
      %dma_wait3A_452 = tpu.memref_slice %arg10[%dma_wait3A_450, %dma_wait3A_451] : memref<10000x128xbf16, #tpu.memory_space<vmem_shared>> -> memref<10000x128xbf16, #tpu.memory_space<vmem_shared>>
      tpu.wait_indirect_dma semaphore(%arg23 : memref<!tpu.dma_semaphore, #tpu.memory_space<semaphore_mem>>) src(%dma_wait3A_446 : memref<125x128xbf16, #tpu.memory_space<vmem>>) dst(%dma_wait3A_452 : memref<10000x128xbf16, #tpu.memory_space<vmem_shared>>)
      %add3A_453 = arith.constant 1 : i32
      %add3A_454 = arith.addi %scan3A_150, %add3A_453 : i32
      %lt3A_455 = arith.constant 10 : i32
      %lt3A_456 = arith.cmpi slt, %add3A_454, %lt3A_455 : i32
      %convert_element_type3A_457 = arith.extui %lt3A_456 : i1 to i32
      %cond3A_458 = arith.constant 0 : i32
      %cond3A_459 = arith.cmpi ne, %convert_element_type3A_457, %cond3A_458 : i32
      scf.if %cond3A_459 {
        %add3A_520 = arith.constant 8 : i32
        %add3A_521 = arith.addi %mul3A_152, %add3A_520 : i32
        %add3A_522 = arith.constant 4 : i32
        %add3A_523 = arith.addi %add3A_521, %add3A_522 : i32
        %dma_start3A_524 = arith.constant 4 : i32
        %dma_start3A_525 = arith.constant 0 : i32
        %dma_start3A_526 = arith.constant 0 : i32
        %dma_start3A_527 = tpu.memref_slice %arg9[%dma_start3A_524, %dma_start3A_525, %dma_start3A_526] : memref<8x125x128xbf16, #tpu.memory_space<vmem>> -> memref<1x125x128xbf16, #tpu.memory_space<vmem>>
        %dma_start3A_528 = tpu.memref_squeeze %dma_start3A_527 : memref<1x125x128xbf16, #tpu.memory_space<vmem>> -> memref<125x128xbf16, #tpu.memory_space<vmem>>
        %dma_start3A_529 = arith.constant 0 : i32
        %dma_start3A_530 = tpu.memref_slice %arg7[%add3A_523, %dma_start3A_529] : memref<80x125xi32, #tpu.memory_space<vmem>> -> memref<1x125xi32, #tpu.memory_space<vmem>>
        %dma_start3A_531 = tpu.memref_squeeze %dma_start3A_530 : memref<1x125xi32, #tpu.memory_space<vmem>> -> memref<125xi32, #tpu.memory_space<vmem>>
        %dma_start3A_532 = arith.constant 0 : i32
        %dma_start3A_533 = arith.constant 0 : i32
        %dma_start3A_534 = tpu.memref_slice %arg2[%dma_start3A_532, %dma_start3A_533] : memref<10000x128xbf16, #tpu.memory_space<hbm>> -> memref<10000x128xbf16, #tpu.memory_space<hbm>>
        tpu.enqueue_indirect_dma source(%dma_start3A_534 : memref<10000x128xbf16, #tpu.memory_space<hbm>>) target(%dma_start3A_528 : memref<125x128xbf16, #tpu.memory_space<vmem>>) offsets(%dma_start3A_531 : memref<125xi32, #tpu.memory_space<vmem>>) semaphore(%arg15 : memref<!tpu.dma_semaphore, #tpu.memory_space<semaphore_mem>>)
      } else {
      }
      %add3A_460 = arith.constant 5 : i32
      %add3A_461 = arith.addi %mul3A_152, %add3A_460 : i32
      %dma_wait3A_462 = arith.constant 5 : i32
      %dma_wait3A_463 = arith.constant 0 : i32
      %dma_wait3A_464 = arith.constant 0 : i32
      %dma_wait3A_465 = tpu.memref_slice %arg9[%dma_wait3A_462, %dma_wait3A_463, %dma_wait3A_464] : memref<8x125x128xbf16, #tpu.memory_space<vmem>> -> memref<1x125x128xbf16, #tpu.memory_space<vmem>>
      %dma_wait3A_466 = tpu.memref_squeeze %dma_wait3A_465 : memref<1x125x128xbf16, #tpu.memory_space<vmem>> -> memref<125x128xbf16, #tpu.memory_space<vmem>>
      %dma_wait3A_467 = arith.constant 0 : i32
      %dma_wait3A_468 = tpu.memref_slice %arg8[%add3A_461, %dma_wait3A_467] : memref<80x125xi32, #tpu.memory_space<vmem>> -> memref<1x125xi32, #tpu.memory_space<vmem>>
      %dma_wait3A_469 = tpu.memref_squeeze %dma_wait3A_468 : memref<1x125xi32, #tpu.memory_space<vmem>> -> memref<125xi32, #tpu.memory_space<vmem>>
      %dma_wait3A_470 = arith.constant 0 : i32
      %dma_wait3A_471 = arith.constant 0 : i32
      %dma_wait3A_472 = tpu.memref_slice %arg10[%dma_wait3A_470, %dma_wait3A_471] : memref<10000x128xbf16, #tpu.memory_space<vmem_shared>> -> memref<10000x128xbf16, #tpu.memory_space<vmem_shared>>
      tpu.wait_indirect_dma semaphore(%arg24 : memref<!tpu.dma_semaphore, #tpu.memory_space<semaphore_mem>>) src(%dma_wait3A_466 : memref<125x128xbf16, #tpu.memory_space<vmem>>) dst(%dma_wait3A_472 : memref<10000x128xbf16, #tpu.memory_space<vmem_shared>>)
      %add3A_473 = arith.constant 1 : i32
      %add3A_474 = arith.addi %scan3A_150, %add3A_473 : i32
      %lt3A_475 = arith.constant 10 : i32
      %lt3A_476 = arith.cmpi slt, %add3A_474, %lt3A_475 : i32
      %convert_element_type3A_477 = arith.extui %lt3A_476 : i1 to i32
      %cond3A_478 = arith.constant 0 : i32
      %cond3A_479 = arith.cmpi ne, %convert_element_type3A_477, %cond3A_478 : i32
      scf.if %cond3A_479 {
        %add3A_520 = arith.constant 8 : i32
        %add3A_521 = arith.addi %mul3A_152, %add3A_520 : i32
        %add3A_522 = arith.constant 5 : i32
        %add3A_523 = arith.addi %add3A_521, %add3A_522 : i32
        %dma_start3A_524 = arith.constant 5 : i32
        %dma_start3A_525 = arith.constant 0 : i32
        %dma_start3A_526 = arith.constant 0 : i32
        %dma_start3A_527 = tpu.memref_slice %arg9[%dma_start3A_524, %dma_start3A_525, %dma_start3A_526] : memref<8x125x128xbf16, #tpu.memory_space<vmem>> -> memref<1x125x128xbf16, #tpu.memory_space<vmem>>
        %dma_start3A_528 = tpu.memref_squeeze %dma_start3A_527 : memref<1x125x128xbf16, #tpu.memory_space<vmem>> -> memref<125x128xbf16, #tpu.memory_space<vmem>>
        %dma_start3A_529 = arith.constant 0 : i32
        %dma_start3A_530 = tpu.memref_slice %arg7[%add3A_523, %dma_start3A_529] : memref<80x125xi32, #tpu.memory_space<vmem>> -> memref<1x125xi32, #tpu.memory_space<vmem>>
        %dma_start3A_531 = tpu.memref_squeeze %dma_start3A_530 : memref<1x125xi32, #tpu.memory_space<vmem>> -> memref<125xi32, #tpu.memory_space<vmem>>
        %dma_start3A_532 = arith.constant 0 : i32
        %dma_start3A_533 = arith.constant 0 : i32
        %dma_start3A_534 = tpu.memref_slice %arg2[%dma_start3A_532, %dma_start3A_533] : memref<10000x128xbf16, #tpu.memory_space<hbm>> -> memref<10000x128xbf16, #tpu.memory_space<hbm>>
        tpu.enqueue_indirect_dma source(%dma_start3A_534 : memref<10000x128xbf16, #tpu.memory_space<hbm>>) target(%dma_start3A_528 : memref<125x128xbf16, #tpu.memory_space<vmem>>) offsets(%dma_start3A_531 : memref<125xi32, #tpu.memory_space<vmem>>) semaphore(%arg16 : memref<!tpu.dma_semaphore, #tpu.memory_space<semaphore_mem>>)
      } else {
      }
      %add3A_480 = arith.constant 6 : i32
      %add3A_481 = arith.addi %mul3A_152, %add3A_480 : i32
      %dma_wait3A_482 = arith.constant 6 : i32
      %dma_wait3A_483 = arith.constant 0 : i32
      %dma_wait3A_484 = arith.constant 0 : i32
      %dma_wait3A_485 = tpu.memref_slice %arg9[%dma_wait3A_482, %dma_wait3A_483, %dma_wait3A_484] : memref<8x125x128xbf16, #tpu.memory_space<vmem>> -> memref<1x125x128xbf16, #tpu.memory_space<vmem>>
      %dma_wait3A_486 = tpu.memref_squeeze %dma_wait3A_485 : memref<1x125x128xbf16, #tpu.memory_space<vmem>> -> memref<125x128xbf16, #tpu.memory_space<vmem>>
      %dma_wait3A_487 = arith.constant 0 : i32
      %dma_wait3A_488 = tpu.memref_slice %arg8[%add3A_481, %dma_wait3A_487] : memref<80x125xi32, #tpu.memory_space<vmem>> -> memref<1x125xi32, #tpu.memory_space<vmem>>
      %dma_wait3A_489 = tpu.memref_squeeze %dma_wait3A_488 : memref<1x125xi32, #tpu.memory_space<vmem>> -> memref<125xi32, #tpu.memory_space<vmem>>
      %dma_wait3A_490 = arith.constant 0 : i32
      %dma_wait3A_491 = arith.constant 0 : i32
      %dma_wait3A_492 = tpu.memref_slice %arg10[%dma_wait3A_490, %dma_wait3A_491] : memref<10000x128xbf16, #tpu.memory_space<vmem_shared>> -> memref<10000x128xbf16, #tpu.memory_space<vmem_shared>>
      tpu.wait_indirect_dma semaphore(%arg25 : memref<!tpu.dma_semaphore, #tpu.memory_space<semaphore_mem>>) src(%dma_wait3A_486 : memref<125x128xbf16, #tpu.memory_space<vmem>>) dst(%dma_wait3A_492 : memref<10000x128xbf16, #tpu.memory_space<vmem_shared>>)
      %add3A_493 = arith.constant 1 : i32
      %add3A_494 = arith.addi %scan3A_150, %add3A_493 : i32
      %lt3A_495 = arith.constant 10 : i32
      %lt3A_496 = arith.cmpi slt, %add3A_494, %lt3A_495 : i32
      %convert_element_type3A_497 = arith.extui %lt3A_496 : i1 to i32
      %cond3A_498 = arith.constant 0 : i32
      %cond3A_499 = arith.cmpi ne, %convert_element_type3A_497, %cond3A_498 : i32
      scf.if %cond3A_499 {
        %add3A_520 = arith.constant 8 : i32
        %add3A_521 = arith.addi %mul3A_152, %add3A_520 : i32
        %add3A_522 = arith.constant 6 : i32
        %add3A_523 = arith.addi %add3A_521, %add3A_522 : i32
        %dma_start3A_524 = arith.constant 6 : i32
        %dma_start3A_525 = arith.constant 0 : i32
        %dma_start3A_526 = arith.constant 0 : i32
        %dma_start3A_527 = tpu.memref_slice %arg9[%dma_start3A_524, %dma_start3A_525, %dma_start3A_526] : memref<8x125x128xbf16, #tpu.memory_space<vmem>> -> memref<1x125x128xbf16, #tpu.memory_space<vmem>>
        %dma_start3A_528 = tpu.memref_squeeze %dma_start3A_527 : memref<1x125x128xbf16, #tpu.memory_space<vmem>> -> memref<125x128xbf16, #tpu.memory_space<vmem>>
        %dma_start3A_529 = arith.constant 0 : i32
        %dma_start3A_530 = tpu.memref_slice %arg7[%add3A_523, %dma_start3A_529] : memref<80x125xi32, #tpu.memory_space<vmem>> -> memref<1x125xi32, #tpu.memory_space<vmem>>
        %dma_start3A_531 = tpu.memref_squeeze %dma_start3A_530 : memref<1x125xi32, #tpu.memory_space<vmem>> -> memref<125xi32, #tpu.memory_space<vmem>>
        %dma_start3A_532 = arith.constant 0 : i32
        %dma_start3A_533 = arith.constant 0 : i32
        %dma_start3A_534 = tpu.memref_slice %arg2[%dma_start3A_532, %dma_start3A_533] : memref<10000x128xbf16, #tpu.memory_space<hbm>> -> memref<10000x128xbf16, #tpu.memory_space<hbm>>
        tpu.enqueue_indirect_dma source(%dma_start3A_534 : memref<10000x128xbf16, #tpu.memory_space<hbm>>) target(%dma_start3A_528 : memref<125x128xbf16, #tpu.memory_space<vmem>>) offsets(%dma_start3A_531 : memref<125xi32, #tpu.memory_space<vmem>>) semaphore(%arg17 : memref<!tpu.dma_semaphore, #tpu.memory_space<semaphore_mem>>)
      } else {
      }
      %add3A_500 = arith.constant 7 : i32
      %add3A_501 = arith.addi %mul3A_152, %add3A_500 : i32
      %dma_wait3A_502 = arith.constant 7 : i32
      %dma_wait3A_503 = arith.constant 0 : i32
      %dma_wait3A_504 = arith.constant 0 : i32
      %dma_wait3A_505 = tpu.memref_slice %arg9[%dma_wait3A_502, %dma_wait3A_503, %dma_wait3A_504] : memref<8x125x128xbf16, #tpu.memory_space<vmem>> -> memref<1x125x128xbf16, #tpu.memory_space<vmem>>
      %dma_wait3A_506 = tpu.memref_squeeze %dma_wait3A_505 : memref<1x125x128xbf16, #tpu.memory_space<vmem>> -> memref<125x128xbf16, #tpu.memory_space<vmem>>
      %dma_wait3A_507 = arith.constant 0 : i32
      %dma_wait3A_508 = tpu.memref_slice %arg8[%add3A_501, %dma_wait3A_507] : memref<80x125xi32, #tpu.memory_space<vmem>> -> memref<1x125xi32, #tpu.memory_space<vmem>>
      %dma_wait3A_509 = tpu.memref_squeeze %dma_wait3A_508 : memref<1x125xi32, #tpu.memory_space<vmem>> -> memref<125xi32, #tpu.memory_space<vmem>>
      %dma_wait3A_510 = arith.constant 0 : i32
      %dma_wait3A_511 = arith.constant 0 : i32
      %dma_wait3A_512 = tpu.memref_slice %arg10[%dma_wait3A_510, %dma_wait3A_511] : memref<10000x128xbf16, #tpu.memory_space<vmem_shared>> -> memref<10000x128xbf16, #tpu.memory_space<vmem_shared>>
      tpu.wait_indirect_dma semaphore(%arg26 : memref<!tpu.dma_semaphore, #tpu.memory_space<semaphore_mem>>) src(%dma_wait3A_506 : memref<125x128xbf16, #tpu.memory_space<vmem>>) dst(%dma_wait3A_512 : memref<10000x128xbf16, #tpu.memory_space<vmem_shared>>)
      %add3A_513 = arith.constant 1 : i32
      %add3A_514 = arith.addi %scan3A_150, %add3A_513 : i32
      %lt3A_515 = arith.constant 10 : i32
      %lt3A_516 = arith.cmpi slt, %add3A_514, %lt3A_515 : i32
      %convert_element_type3A_517 = arith.extui %lt3A_516 : i1 to i32
      %cond3A_518 = arith.constant 0 : i32
      %cond3A_519 = arith.cmpi ne, %convert_element_type3A_517, %cond3A_518 : i32
      scf.if %cond3A_519 {
        %add3A_520 = arith.constant 8 : i32
        %add3A_521 = arith.addi %mul3A_152, %add3A_520 : i32
        %add3A_522 = arith.constant 7 : i32
        %add3A_523 = arith.addi %add3A_521, %add3A_522 : i32
        %dma_start3A_524 = arith.constant 7 : i32
        %dma_start3A_525 = arith.constant 0 : i32
        %dma_start3A_526 = arith.constant 0 : i32
        %dma_start3A_527 = tpu.memref_slice %arg9[%dma_start3A_524, %dma_start3A_525, %dma_start3A_526] : memref<8x125x128xbf16, #tpu.memory_space<vmem>> -> memref<1x125x128xbf16, #tpu.memory_space<vmem>>
        %dma_start3A_528 = tpu.memref_squeeze %dma_start3A_527 : memref<1x125x128xbf16, #tpu.memory_space<vmem>> -> memref<125x128xbf16, #tpu.memory_space<vmem>>
        %dma_start3A_529 = arith.constant 0 : i32
        %dma_start3A_530 = tpu.memref_slice %arg7[%add3A_523, %dma_start3A_529] : memref<80x125xi32, #tpu.memory_space<vmem>> -> memref<1x125xi32, #tpu.memory_space<vmem>>
        %dma_start3A_531 = tpu.memref_squeeze %dma_start3A_530 : memref<1x125xi32, #tpu.memory_space<vmem>> -> memref<125xi32, #tpu.memory_space<vmem>>
        %dma_start3A_532 = arith.constant 0 : i32
        %dma_start3A_533 = arith.constant 0 : i32
        %dma_start3A_534 = tpu.memref_slice %arg2[%dma_start3A_532, %dma_start3A_533] : memref<10000x128xbf16, #tpu.memory_space<hbm>> -> memref<10000x128xbf16, #tpu.memory_space<hbm>>
        tpu.enqueue_indirect_dma source(%dma_start3A_534 : memref<10000x128xbf16, #tpu.memory_space<hbm>>) target(%dma_start3A_528 : memref<125x128xbf16, #tpu.memory_space<vmem>>) offsets(%dma_start3A_531 : memref<125xi32, #tpu.memory_space<vmem>>) semaphore(%arg18 : memref<!tpu.dma_semaphore, #tpu.memory_space<semaphore_mem>>)
      } else {
      }
    }
    %scan3A_143 = arith.constant 10 : i32
    %barrier3A_144 = arith.constant 0 : index
    tpu.barrier barrier_id(%barrier3A_144)
    "tpu.region"() ({
      %run_scoped3A = tpu.sem_alloc : memref<!tpu.dma_semaphore, #tpu.memory_space<semaphore_mem>>
      %dma_start3A_150 = arith.constant 0 : i32
      %dma_start3A_151 = tpu.memref_slice %arg6[%arg0, %multiple_of3A, %dma_start3A_150] : memref<2x10000x128xbf16, #tpu.memory_space<hbm>> -> memref<1x624x128xbf16, #tpu.memory_space<hbm>>
      %dma_start3A_152 = tpu.memref_squeeze %dma_start3A_151 : memref<1x624x128xbf16, #tpu.memory_space<hbm>> -> memref<624x128xbf16, #tpu.memory_space<hbm>>
      %dma_start3A_153 = arith.constant 0 : i32
      %dma_start3A_154 = tpu.memref_slice %arg10[%multiple_of3A, %dma_start3A_153] : memref<10000x128xbf16, #tpu.memory_space<vmem_shared>> -> memref<624x128xbf16, #tpu.memory_space<vmem_shared>>
      tpu.enqueue_dma source(%dma_start3A_154 : memref<624x128xbf16, #tpu.memory_space<vmem_shared>>) target(%dma_start3A_152 : memref<624x128xbf16, #tpu.memory_space<hbm>>) target_semaphore(%run_scoped3A : memref<!tpu.dma_semaphore, #tpu.memory_space<semaphore_mem>>)
      %dma_wait3A_155 = arith.constant 0 : i32
      %dma_wait3A_156 = tpu.memref_slice %arg6[%arg0, %multiple_of3A, %dma_wait3A_155] : memref<2x10000x128xbf16, #tpu.memory_space<hbm>> -> memref<1x624x128xbf16, #tpu.memory_space<hbm>>
      %dma_wait3A_157 = tpu.memref_squeeze %dma_wait3A_156 : memref<1x624x128xbf16, #tpu.memory_space<hbm>> -> memref<624x128xbf16, #tpu.memory_space<hbm>>
      %dma_wait3A_158 = arith.constant 0 : i32
      %dma_wait3A_159 = tpu.memref_slice %arg10[%multiple_of3A, %dma_wait3A_158] : memref<10000x128xbf16, #tpu.memory_space<vmem_shared>> -> memref<624x128xbf16, #tpu.memory_space<vmem_shared>>
      tpu.wait_dma2 semaphore(%run_scoped3A : memref<!tpu.dma_semaphore, #tpu.memory_space<semaphore_mem>>) src(%dma_wait3A_159 : memref<624x128xbf16, #tpu.memory_space<vmem_shared>>) dst(%dma_wait3A_157 : memref<624x128xbf16, #tpu.memory_space<hbm>>)
      tpu.yield
    }) : () -> ()
    %eq3A_145 = arith.constant 15 : i32
    %eq3A_146 = arith.cmpi eq, %arg1, %eq3A_145 : i32
    %convert_element_type3A_147 = arith.extui %eq3A_146 : i1 to i32
    %cond3A_148 = arith.constant 0 : i32
    %cond3A_149 = arith.cmpi ne, %convert_element_type3A_147, %cond3A_148 : i32
    scf.if %cond3A_149 {
      "tpu.region"() ({
        %run_scoped3A = tpu.sem_alloc : memref<!tpu.dma_semaphore, #tpu.memory_space<semaphore_mem>>
        %dma_start3A_150 = arith.constant 9984 : i32
        %dma_start3A_151 = arith.constant 0 : i32
        %dma_start3A_152 = tpu.memref_slice %arg6[%arg0, %dma_start3A_150, %dma_start3A_151] : memref<2x10000x128xbf16, #tpu.memory_space<hbm>> -> memref<1x16x128xbf16, #tpu.memory_space<hbm>>
        %dma_start3A_153 = tpu.memref_squeeze %dma_start3A_152 : memref<1x16x128xbf16, #tpu.memory_space<hbm>> -> memref<16x128xbf16, #tpu.memory_space<hbm>>
        %dma_start3A_154 = arith.constant 9984 : i32
        %dma_start3A_155 = arith.constant 0 : i32
        %dma_start3A_156 = tpu.memref_slice %arg10[%dma_start3A_154, %dma_start3A_155] : memref<10000x128xbf16, #tpu.memory_space<vmem_shared>> -> memref<16x128xbf16, #tpu.memory_space<vmem_shared>>
        tpu.enqueue_dma source(%dma_start3A_156 : memref<16x128xbf16, #tpu.memory_space<vmem_shared>>) target(%dma_start3A_153 : memref<16x128xbf16, #tpu.memory_space<hbm>>) target_semaphore(%run_scoped3A : memref<!tpu.dma_semaphore, #tpu.memory_space<semaphore_mem>>)
        %dma_wait3A_157 = arith.constant 9984 : i32
        %dma_wait3A_158 = arith.constant 0 : i32
        %dma_wait3A_159 = tpu.memref_slice %arg6[%arg0, %dma_wait3A_157, %dma_wait3A_158] : memref<2x10000x128xbf16, #tpu.memory_space<hbm>> -> memref<1x16x128xbf16, #tpu.memory_space<hbm>>
        %dma_wait3A_160 = tpu.memref_squeeze %dma_wait3A_159 : memref<1x16x128xbf16, #tpu.memory_space<hbm>> -> memref<16x128xbf16, #tpu.memory_space<hbm>>
        %dma_wait3A_161 = arith.constant 9984 : i32
        %dma_wait3A_162 = arith.constant 0 : i32
        %dma_wait3A_163 = tpu.memref_slice %arg10[%dma_wait3A_161, %dma_wait3A_162] : memref<10000x128xbf16, #tpu.memory_space<vmem_shared>> -> memref<16x128xbf16, #tpu.memory_space<vmem_shared>>
        tpu.wait_dma2 semaphore(%run_scoped3A : memref<!tpu.dma_semaphore, #tpu.memory_space<semaphore_mem>>) src(%dma_wait3A_163 : memref<16x128xbf16, #tpu.memory_space<vmem_shared>>) dst(%dma_wait3A_160 : memref<16x128xbf16, #tpu.memory_space<hbm>>)
        tpu.yield
      }) : () -> ()
    } else {
    }
    return
  }
}

#map = affine_map<(d0, d1) -> (0, 0)>
#map1 = affine_map<(d0, d1) -> (0, 0, 0)>
module attributes {stable_mosaic.version = 14 : i64} {
  func.func @_seg_sum_body(%arg0: i32, %arg1: i32, %arg2: memref<10000x128xbf16, #tpu.memory_space<hbm>>, %arg3: memref<32x80x125xi32, #tpu.memory_space<hbm>>, %arg4: memref<32x80x125xi32, #tpu.memory_space<hbm>>, %arg5: memref<10000x128xbf16, #tpu.memory_space<hbm>>, %arg6: memref<2x10000x128xbf16, #tpu.memory_space<hbm>>, %arg7: memref<80x125xi32, #tpu.memory_space<vmem>>, %arg8: memref<80x125xi32, #tpu.memory_space<vmem>>, %arg9: memref<8x125x128xbf16, #tpu.memory_space<vmem>>, %arg10: memref<10000x128xbf16, #tpu.memory_space<vmem_shared>>, %arg11: memref<!tpu.dma_semaphore, #tpu.memory_space<semaphore_mem>>, %arg12: memref<!tpu.dma_semaphore, #tpu.memory_space<semaphore_mem>>, %arg13: memref<!tpu.dma_semaphore, #tpu.memory_space<semaphore_mem>>, %arg14: memref<!tpu.dma_semaphore, #tpu.memory_space<semaphore_mem>>, %arg15: memref<!tpu.dma_semaphore, #tpu.memory_space<semaphore_mem>>, %arg16: memref<!tpu.dma_semaphore, #tpu.memory_space<semaphore_mem>>, %arg17: memref<!tpu.dma_semaphore, #tpu.memory_space<semaphore_mem>>, %arg18: memref<!tpu.dma_semaphore, #tpu.memory_space<semaphore_mem>>, %arg19: memref<!tpu.dma_semaphore, #tpu.memory_space<semaphore_mem>>, %arg20: memref<!tpu.dma_semaphore, #tpu.memory_space<semaphore_mem>>, %arg21: memref<!tpu.dma_semaphore, #tpu.memory_space<semaphore_mem>>, %arg22: memref<!tpu.dma_semaphore, #tpu.memory_space<semaphore_mem>>, %arg23: memref<!tpu.dma_semaphore, #tpu.memory_space<semaphore_mem>>, %arg24: memref<!tpu.dma_semaphore, #tpu.memory_space<semaphore_mem>>, %arg25: memref<!tpu.dma_semaphore, #tpu.memory_space<semaphore_mem>>, %arg26: memref<!tpu.dma_semaphore, #tpu.memory_space<semaphore_mem>>) attributes {dimension_semantics = [#tpu.dimension_semantics<core_parallel>, #tpu.dimension_semantics<subcore_parallel>], iteration_bounds = array<i64: 2, 16>, scalar_prefetch = 0 : i64, scratch_operands = 20 : i64, tpu.core_type = #tpu.core_type<sc_vector_subcore>, window_params = [{transform_indices = #map}, {transform_indices = #map1}, {transform_indices = #map1}, {transform_indices = #map}, {transform_indices = #map1}]} {
    %mul3A = arith.constant 16 : i32
    %mul3A_0 = arith.muli %arg0, %mul3A : i32
    %add3A = arith.addi %mul3A_0, %arg1 : i32
    %mul3A_1 = arith.constant 624 : i32
    %mul3A_2 = arith.muli %arg1, %mul3A_1 : i32
    %multiple_of3A = tpu.assume_multiple %mul3A_2, 8 : i32
    %dma_start3A = arith.constant 0 : i32
    %dma_start3A_3 = tpu.memref_slice %arg10[%multiple_of3A, %dma_start3A] : memref<10000x128xbf16, #tpu.memory_space<vmem_shared>> -> memref<624x128xbf16, #tpu.memory_space<vmem_shared>>
    %dma_start3A_4 = arith.constant 0 : i32
    %dma_start3A_5 = tpu.memref_slice %arg5[%multiple_of3A, %dma_start3A_4] : memref<10000x128xbf16, #tpu.memory_space<hbm>> -> memref<624x128xbf16, #tpu.memory_space<hbm>>
    tpu.enqueue_dma source(%dma_start3A_5 : memref<624x128xbf16, #tpu.memory_space<hbm>>) target(%dma_start3A_3 : memref<624x128xbf16, #tpu.memory_space<vmem_shared>>) target_semaphore(%arg11 : memref<!tpu.dma_semaphore, #tpu.memory_space<semaphore_mem>>)
    %dma_start3A_6 = arith.constant 0 : i32
    %dma_start3A_7 = arith.constant 0 : i32
    %dma_start3A_8 = tpu.memref_slice %arg3[%add3A, %dma_start3A_6, %dma_start3A_7] : memref<32x80x125xi32, #tpu.memory_space<hbm>> -> memref<1x80x125xi32, #tpu.memory_space<hbm>>
    %dma_start3A_9 = tpu.memref_squeeze %dma_start3A_8 : memref<1x80x125xi32, #tpu.memory_space<hbm>> -> memref<80x125xi32, #tpu.memory_space<hbm>>
    %dma_start3A_10 = arith.constant 0 : i32
    %dma_start3A_11 = arith.constant 0 : i32
    %dma_start3A_12 = tpu.memref_slice %arg3[%add3A, %dma_start3A_10, %dma_start3A_11] : memref<32x80x125xi32, #tpu.memory_space<hbm>> -> memref<1x80x125xi32, #tpu.memory_space<hbm>>
    %dma_start3A_13 = tpu.memref_squeeze %dma_start3A_12 : memref<1x80x125xi32, #tpu.memory_space<hbm>> -> memref<80x125xi32, #tpu.memory_space<hbm>>
    tpu.enqueue_dma source(%dma_start3A_13 : memref<80x125xi32, #tpu.memory_space<hbm>>) target(%arg7 : memref<80x125xi32, #tpu.memory_space<vmem>>) target_semaphore(%arg12 : memref<!tpu.dma_semaphore, #tpu.memory_space<semaphore_mem>>)
    %dma_start3A_14 = arith.constant 0 : i32
    %dma_start3A_15 = arith.constant 0 : i32
    %dma_start3A_16 = tpu.memref_slice %arg4[%add3A, %dma_start3A_14, %dma_start3A_15] : memref<32x80x125xi32, #tpu.memory_space<hbm>> -> memref<1x80x125xi32, #tpu.memory_space<hbm>>
    %dma_start3A_17 = tpu.memref_squeeze %dma_start3A_16 : memref<1x80x125xi32, #tpu.memory_space<hbm>> -> memref<80x125xi32, #tpu.memory_space<hbm>>
    %dma_start3A_18 = arith.constant 0 : i32
    %dma_start3A_19 = arith.constant 0 : i32
    %dma_start3A_20 = tpu.memref_slice %arg4[%add3A, %dma_start3A_18, %dma_start3A_19] : memref<32x80x125xi32, #tpu.memory_space<hbm>> -> memref<1x80x125xi32, #tpu.memory_space<hbm>>
    %dma_start3A_21 = tpu.memref_squeeze %dma_start3A_20 : memref<1x80x125xi32, #tpu.memory_space<hbm>> -> memref<80x125xi32, #tpu.memory_space<hbm>>
    tpu.enqueue_dma source(%dma_start3A_21 : memref<80x125xi32, #tpu.memory_space<hbm>>) target(%arg8 : memref<80x125xi32, #tpu.memory_space<vmem>>) target_semaphore(%arg13 : memref<!tpu.dma_semaphore, #tpu.memory_space<semaphore_mem>>)
    %eq3A = arith.constant 15 : i32
    %eq3A_22 = arith.cmpi eq, %arg1, %eq3A : i32
    %convert_element_type3A = arith.extui %eq3A_22 : i1 to i32
    %cond3A = arith.constant 0 : i32
    %cond3A_23 = arith.cmpi ne, %convert_element_type3A, %cond3A : i32
    scf.if %cond3A_23 {
      %dma_start3A_150 = arith.constant 9984 : i32
      %dma_start3A_151 = arith.constant 0 : i32
      %dma_start3A_152 = tpu.memref_slice %arg10[%dma_start3A_150, %dma_start3A_151] : memref<10000x128xbf16, #tpu.memory_space<vmem_shared>> -> memref<16x128xbf16, #tpu.memory_space<vmem_shared>>
      %dma_start3A_153 = arith.constant 9984 : i32
      %dma_start3A_154 = arith.constant 0 : i32
      %dma_start3A_155 = tpu.memref_slice %arg5[%dma_start3A_153, %dma_start3A_154] : memref<10000x128xbf16, #tpu.memory_space<hbm>> -> memref<16x128xbf16, #tpu.memory_space<hbm>>
      tpu.enqueue_dma source(%dma_start3A_155 : memref<16x128xbf16, #tpu.memory_space<hbm>>) target(%dma_start3A_152 : memref<16x128xbf16, #tpu.memory_space<vmem_shared>>) target_semaphore(%arg14 : memref<!tpu.dma_semaphore, #tpu.memory_space<semaphore_mem>>)
      %dma_wait3A_156 = arith.constant 9984 : i32
      %dma_wait3A_157 = arith.constant 0 : i32
      %dma_wait3A_158 = tpu.memref_slice %arg10[%dma_wait3A_156, %dma_wait3A_157] : memref<10000x128xbf16, #tpu.memory_space<vmem_shared>> -> memref<16x128xbf16, #tpu.memory_space<vmem_shared>>
      %dma_wait3A_159 = arith.constant 9984 : i32
      %dma_wait3A_160 = arith.constant 0 : i32
      %dma_wait3A_161 = tpu.memref_slice %arg5[%dma_wait3A_159, %dma_wait3A_160] : memref<10000x128xbf16, #tpu.memory_space<hbm>> -> memref<16x128xbf16, #tpu.memory_space<hbm>>
      tpu.wait_dma2 semaphore(%arg14 : memref<!tpu.dma_semaphore, #tpu.memory_space<semaphore_mem>>) src(%dma_wait3A_161 : memref<16x128xbf16, #tpu.memory_space<hbm>>) dst(%dma_wait3A_158 : memref<16x128xbf16, #tpu.memory_space<vmem_shared>>)
    } else {
    }
    %dma_wait3A = arith.constant 0 : i32
    %dma_wait3A_24 = tpu.memref_slice %arg10[%multiple_of3A, %dma_wait3A] : memref<10000x128xbf16, #tpu.memory_space<vmem_shared>> -> memref<624x128xbf16, #tpu.memory_space<vmem_shared>>
    %dma_wait3A_25 = arith.constant 0 : i32
    %dma_wait3A_26 = tpu.memref_slice %arg5[%multiple_of3A, %dma_wait3A_25] : memref<10000x128xbf16, #tpu.memory_space<hbm>> -> memref<624x128xbf16, #tpu.memory_space<hbm>>
    tpu.wait_dma2 semaphore(%arg11 : memref<!tpu.dma_semaphore, #tpu.memory_space<semaphore_mem>>) src(%dma_wait3A_26 : memref<624x128xbf16, #tpu.memory_space<hbm>>) dst(%dma_wait3A_24 : memref<624x128xbf16, #tpu.memory_space<vmem_shared>>)
    %dma_wait3A_27 = arith.constant 0 : i32
    %dma_wait3A_28 = arith.constant 0 : i32
    %dma_wait3A_29 = tpu.memref_slice %arg3[%add3A, %dma_wait3A_27, %dma_wait3A_28] : memref<32x80x125xi32, #tpu.memory_space<hbm>> -> memref<1x80x125xi32, #tpu.memory_space<hbm>>
    %dma_wait3A_30 = tpu.memref_squeeze %dma_wait3A_29 : memref<1x80x125xi32, #tpu.memory_space<hbm>> -> memref<80x125xi32, #tpu.memory_space<hbm>>
    %dma_wait3A_31 = arith.constant 0 : i32
    %dma_wait3A_32 = arith.constant 0 : i32
    %dma_wait3A_33 = tpu.memref_slice %arg3[%add3A, %dma_wait3A_31, %dma_wait3A_32] : memref<32x80x125xi32, #tpu.memory_space<hbm>> -> memref<1x80x125xi32, #tpu.memory_space<hbm>>
    %dma_wait3A_34 = tpu.memref_squeeze %dma_wait3A_33 : memref<1x80x125xi32, #tpu.memory_space<hbm>> -> memref<80x125xi32, #tpu.memory_space<hbm>>
    tpu.wait_dma2 semaphore(%arg12 : memref<!tpu.dma_semaphore, #tpu.memory_space<semaphore_mem>>) src(%dma_wait3A_34 : memref<80x125xi32, #tpu.memory_space<hbm>>) dst(%arg7 : memref<80x125xi32, #tpu.memory_space<vmem>>)
    %dma_wait3A_35 = arith.constant 0 : i32
    %dma_wait3A_36 = arith.constant 0 : i32
    %dma_wait3A_37 = tpu.memref_slice %arg4[%add3A, %dma_wait3A_35, %dma_wait3A_36] : memref<32x80x125xi32, #tpu.memory_space<hbm>> -> memref<1x80x125xi32, #tpu.memory_space<hbm>>
    %dma_wait3A_38 = tpu.memref_squeeze %dma_wait3A_37 : memref<1x80x125xi32, #tpu.memory_space<hbm>> -> memref<80x125xi32, #tpu.memory_space<hbm>>
    %dma_wait3A_39 = arith.constant 0 : i32
    %dma_wait3A_40 = arith.constant 0 : i32
    %dma_wait3A_41 = tpu.memref_slice %arg4[%add3A, %dma_wait3A_39, %dma_wait3A_40] : memref<32x80x125xi32, #tpu.memory_space<hbm>> -> memref<1x80x125xi32, #tpu.memory_space<hbm>>
    %dma_wait3A_42 = tpu.memref_squeeze %dma_wait3A_41 : memref<1x80x125xi32, #tpu.memory_space<hbm>> -> memref<80x125xi32, #tpu.memory_space<hbm>>
    tpu.wait_dma2 semaphore(%arg13 : memref<!tpu.dma_semaphore, #tpu.memory_space<semaphore_mem>>) src(%dma_wait3A_42 : memref<80x125xi32, #tpu.memory_space<hbm>>) dst(%arg8 : memref<80x125xi32, #tpu.memory_space<vmem>>)
    %barrier3A = arith.constant 0 : index
    tpu.barrier barrier_id(%barrier3A)
    %dma_start3A_43 = arith.constant 0 : i32
    %dma_start3A_44 = arith.constant 0 : i32
    %dma_start3A_45 = arith.constant 0 : i32
    %dma_start3A_46 = arith.constant 0 : i32
    %dma_start3A_47 = tpu.memref_slice %arg9[%dma_start3A_44, %dma_start3A_45, %dma_start3A_46] : memref<8x125x128xbf16, #tpu.memory_space<vmem>> -> memref<1x125x128xbf16, #tpu.memory_space<vmem>>
    %dma_start3A_48 = tpu.memref_squeeze %dma_start3A_47 : memref<1x125x128xbf16, #tpu.memory_space<vmem>> -> memref<125x128xbf16, #tpu.memory_space<vmem>>
    %dma_start3A_49 = arith.constant 0 : i32
    %dma_start3A_50 = tpu.memref_slice %arg7[%dma_start3A_43, %dma_start3A_49] : memref<80x125xi32, #tpu.memory_space<vmem>> -> memref<1x125xi32, #tpu.memory_space<vmem>>
    %dma_start3A_51 = tpu.memref_squeeze %dma_start3A_50 : memref<1x125xi32, #tpu.memory_space<vmem>> -> memref<125xi32, #tpu.memory_space<vmem>>
    %dma_start3A_52 = arith.constant 0 : i32
    %dma_start3A_53 = arith.constant 0 : i32
    %dma_start3A_54 = tpu.memref_slice %arg2[%dma_start3A_52, %dma_start3A_53] : memref<10000x128xbf16, #tpu.memory_space<hbm>> -> memref<10000x128xbf16, #tpu.memory_space<hbm>>
    tpu.enqueue_indirect_dma source(%dma_start3A_54 : memref<10000x128xbf16, #tpu.memory_space<hbm>>) target(%dma_start3A_48 : memref<125x128xbf16, #tpu.memory_space<vmem>>) offsets(%dma_start3A_51 : memref<125xi32, #tpu.memory_space<vmem>>) semaphore(%arg11 : memref<!tpu.dma_semaphore, #tpu.memory_space<semaphore_mem>>)
    %dma_start3A_55 = arith.constant 1 : i32
    %dma_start3A_56 = arith.constant 1 : i32
    %dma_start3A_57 = arith.constant 0 : i32
    %dma_start3A_58 = arith.constant 0 : i32
    %dma_start3A_59 = tpu.memref_slice %arg9[%dma_start3A_56, %dma_start3A_57, %dma_start3A_58] : memref<8x125x128xbf16, #tpu.memory_space<vmem>> -> memref<1x125x128xbf16, #tpu.memory_space<vmem>>
    %dma_start3A_60 = tpu.memref_squeeze %dma_start3A_59 : memref<1x125x128xbf16, #tpu.memory_space<vmem>> -> memref<125x128xbf16, #tpu.memory_space<vmem>>
    %dma_start3A_61 = arith.constant 0 : i32
    %dma_start3A_62 = tpu.memref_slice %arg7[%dma_start3A_55, %dma_start3A_61] : memref<80x125xi32, #tpu.memory_space<vmem>> -> memref<1x125xi32, #tpu.memory_space<vmem>>
    %dma_start3A_63 = tpu.memref_squeeze %dma_start3A_62 : memref<1x125xi32, #tpu.memory_space<vmem>> -> memref<125xi32, #tpu.memory_space<vmem>>
    %dma_start3A_64 = arith.constant 0 : i32
    %dma_start3A_65 = arith.constant 0 : i32
    %dma_start3A_66 = tpu.memref_slice %arg2[%dma_start3A_64, %dma_start3A_65] : memref<10000x128xbf16, #tpu.memory_space<hbm>> -> memref<10000x128xbf16, #tpu.memory_space<hbm>>
    tpu.enqueue_indirect_dma source(%dma_start3A_66 : memref<10000x128xbf16, #tpu.memory_space<hbm>>) target(%dma_start3A_60 : memref<125x128xbf16, #tpu.memory_space<vmem>>) offsets(%dma_start3A_63 : memref<125xi32, #tpu.memory_space<vmem>>) semaphore(%arg12 : memref<!tpu.dma_semaphore, #tpu.memory_space<semaphore_mem>>)
    %dma_start3A_67 = arith.constant 2 : i32
    %dma_start3A_68 = arith.constant 2 : i32
    %dma_start3A_69 = arith.constant 0 : i32
    %dma_start3A_70 = arith.constant 0 : i32
    %dma_start3A_71 = tpu.memref_slice %arg9[%dma_start3A_68, %dma_start3A_69, %dma_start3A_70] : memref<8x125x128xbf16, #tpu.memory_space<vmem>> -> memref<1x125x128xbf16, #tpu.memory_space<vmem>>
    %dma_start3A_72 = tpu.memref_squeeze %dma_start3A_71 : memref<1x125x128xbf16, #tpu.memory_space<vmem>> -> memref<125x128xbf16, #tpu.memory_space<vmem>>
    %dma_start3A_73 = arith.constant 0 : i32
    %dma_start3A_74 = tpu.memref_slice %arg7[%dma_start3A_67, %dma_start3A_73] : memref<80x125xi32, #tpu.memory_space<vmem>> -> memref<1x125xi32, #tpu.memory_space<vmem>>
    %dma_start3A_75 = tpu.memref_squeeze %dma_start3A_74 : memref<1x125xi32, #tpu.memory_space<vmem>> -> memref<125xi32, #tpu.memory_space<vmem>>
    %dma_start3A_76 = arith.constant 0 : i32
    %dma_start3A_77 = arith.constant 0 : i32
    %dma_start3A_78 = tpu.memref_slice %arg2[%dma_start3A_76, %dma_start3A_77] : memref<10000x128xbf16, #tpu.memory_space<hbm>> -> memref<10000x128xbf16, #tpu.memory_space<hbm>>
    tpu.enqueue_indirect_dma source(%dma_start3A_78 : memref<10000x128xbf16, #tpu.memory_space<hbm>>) target(%dma_start3A_72 : memref<125x128xbf16, #tpu.memory_space<vmem>>) offsets(%dma_start3A_75 : memref<125xi32, #tpu.memory_space<vmem>>) semaphore(%arg13 : memref<!tpu.dma_semaphore, #tpu.memory_space<semaphore_mem>>)
    %dma_start3A_79 = arith.constant 3 : i32
    %dma_start3A_80 = arith.constant 3 : i32
    %dma_start3A_81 = arith.constant 0 : i32
    %dma_start3A_82 = arith.constant 0 : i32
    %dma_start3A_83 = tpu.memref_slice %arg9[%dma_start3A_80, %dma_start3A_81, %dma_start3A_82] : memref<8x125x128xbf16, #tpu.memory_space<vmem>> -> memref<1x125x128xbf16, #tpu.memory_space<vmem>>
    %dma_start3A_84 = tpu.memref_squeeze %dma_start3A_83 : memref<1x125x128xbf16, #tpu.memory_space<vmem>> -> memref<125x128xbf16, #tpu.memory_space<vmem>>
    %dma_start3A_85 = arith.constant 0 : i32
    %dma_start3A_86 = tpu.memref_slice %arg7[%dma_start3A_79, %dma_start3A_85] : memref<80x125xi32, #tpu.memory_space<vmem>> -> memref<1x125xi32, #tpu.memory_space<vmem>>
    %dma_start3A_87 = tpu.memref_squeeze %dma_start3A_86 : memref<1x125xi32, #tpu.memory_space<vmem>> -> memref<125xi32, #tpu.memory_space<vmem>>
    %dma_start3A_88 = arith.constant 0 : i32
    %dma_start3A_89 = arith.constant 0 : i32
    %dma_start3A_90 = tpu.memref_slice %arg2[%dma_start3A_88, %dma_start3A_89] : memref<10000x128xbf16, #tpu.memory_space<hbm>> -> memref<10000x128xbf16, #tpu.memory_space<hbm>>
    tpu.enqueue_indirect_dma source(%dma_start3A_90 : memref<10000x128xbf16, #tpu.memory_space<hbm>>) target(%dma_start3A_84 : memref<125x128xbf16, #tpu.memory_space<vmem>>) offsets(%dma_start3A_87 : memref<125xi32, #tpu.memory_space<vmem>>) semaphore(%arg14 : memref<!tpu.dma_semaphore, #tpu.memory_space<semaphore_mem>>)
    %dma_start3A_91 = arith.constant 4 : i32
    %dma_start3A_92 = arith.constant 4 : i32
    %dma_start3A_93 = arith.constant 0 : i32
    %dma_start3A_94 = arith.constant 0 : i32
    %dma_start3A_95 = tpu.memref_slice %arg9[%dma_start3A_92, %dma_start3A_93, %dma_start3A_94] : memref<8x125x128xbf16, #tpu.memory_space<vmem>> -> memref<1x125x128xbf16, #tpu.memory_space<vmem>>
    %dma_start3A_96 = tpu.memref_squeeze %dma_start3A_95 : memref<1x125x128xbf16, #tpu.memory_space<vmem>> -> memref<125x128xbf16, #tpu.memory_space<vmem>>
    %dma_start3A_97 = arith.constant 0 : i32
    %dma_start3A_98 = tpu.memref_slice %arg7[%dma_start3A_91, %dma_start3A_97] : memref<80x125xi32, #tpu.memory_space<vmem>> -> memref<1x125xi32, #tpu.memory_space<vmem>>
    %dma_start3A_99 = tpu.memref_squeeze %dma_start3A_98 : memref<1x125xi32, #tpu.memory_space<vmem>> -> memref<125xi32, #tpu.memory_space<vmem>>
    %dma_start3A_100 = arith.constant 0 : i32
    %dma_start3A_101 = arith.constant 0 : i32
    %dma_start3A_102 = tpu.memref_slice %arg2[%dma_start3A_100, %dma_start3A_101] : memref<10000x128xbf16, #tpu.memory_space<hbm>> -> memref<10000x128xbf16, #tpu.memory_space<hbm>>
    tpu.enqueue_indirect_dma source(%dma_start3A_102 : memref<10000x128xbf16, #tpu.memory_space<hbm>>) target(%dma_start3A_96 : memref<125x128xbf16, #tpu.memory_space<vmem>>) offsets(%dma_start3A_99 : memref<125xi32, #tpu.memory_space<vmem>>) semaphore(%arg15 : memref<!tpu.dma_semaphore, #tpu.memory_space<semaphore_mem>>)
    %dma_start3A_103 = arith.constant 5 : i32
    %dma_start3A_104 = arith.constant 5 : i32
    %dma_start3A_105 = arith.constant 0 : i32
    %dma_start3A_106 = arith.constant 0 : i32
    %dma_start3A_107 = tpu.memref_slice %arg9[%dma_start3A_104, %dma_start3A_105, %dma_start3A_106] : memref<8x125x128xbf16, #tpu.memory_space<vmem>> -> memref<1x125x128xbf16, #tpu.memory_space<vmem>>
    %dma_start3A_108 = tpu.memref_squeeze %dma_start3A_107 : memref<1x125x128xbf16, #tpu.memory_space<vmem>> -> memref<125x128xbf16, #tpu.memory_space<vmem>>
    %dma_start3A_109 = arith.constant 0 : i32
    %dma_start3A_110 = tpu.memref_slice %arg7[%dma_start3A_103, %dma_start3A_109] : memref<80x125xi32, #tpu.memory_space<vmem>> -> memref<1x125xi32, #tpu.memory_space<vmem>>
    %dma_start3A_111 = tpu.memref_squeeze %dma_start3A_110 : memref<1x125xi32, #tpu.memory_space<vmem>> -> memref<125xi32, #tpu.memory_space<vmem>>
    %dma_start3A_112 = arith.constant 0 : i32
    %dma_start3A_113 = arith.constant 0 : i32
    %dma_start3A_114 = tpu.memref_slice %arg2[%dma_start3A_112, %dma_start3A_113] : memref<10000x128xbf16, #tpu.memory_space<hbm>> -> memref<10000x128xbf16, #tpu.memory_space<hbm>>
    tpu.enqueue_indirect_dma source(%dma_start3A_114 : memref<10000x128xbf16, #tpu.memory_space<hbm>>) target(%dma_start3A_108 : memref<125x128xbf16, #tpu.memory_space<vmem>>) offsets(%dma_start3A_111 : memref<125xi32, #tpu.memory_space<vmem>>) semaphore(%arg16 : memref<!tpu.dma_semaphore, #tpu.memory_space<semaphore_mem>>)
    %dma_start3A_115 = arith.constant 6 : i32
    %dma_start3A_116 = arith.constant 6 : i32
    %dma_start3A_117 = arith.constant 0 : i32
    %dma_start3A_118 = arith.constant 0 : i32
    %dma_start3A_119 = tpu.memref_slice %arg9[%dma_start3A_116, %dma_start3A_117, %dma_start3A_118] : memref<8x125x128xbf16, #tpu.memory_space<vmem>> -> memref<1x125x128xbf16, #tpu.memory_space<vmem>>
    %dma_start3A_120 = tpu.memref_squeeze %dma_start3A_119 : memref<1x125x128xbf16, #tpu.memory_space<vmem>> -> memref<125x128xbf16, #tpu.memory_space<vmem>>
    %dma_start3A_121 = arith.constant 0 : i32
    %dma_start3A_122 = tpu.memref_slice %arg7[%dma_start3A_115, %dma_start3A_121] : memref<80x125xi32, #tpu.memory_space<vmem>> -> memref<1x125xi32, #tpu.memory_space<vmem>>
    %dma_start3A_123 = tpu.memref_squeeze %dma_start3A_122 : memref<1x125xi32, #tpu.memory_space<vmem>> -> memref<125xi32, #tpu.memory_space<vmem>>
    %dma_start3A_124 = arith.constant 0 : i32
    %dma_start3A_125 = arith.constant 0 : i32
    %dma_start3A_126 = tpu.memref_slice %arg2[%dma_start3A_124, %dma_start3A_125] : memref<10000x128xbf16, #tpu.memory_space<hbm>> -> memref<10000x128xbf16, #tpu.memory_space<hbm>>
    tpu.enqueue_indirect_dma source(%dma_start3A_126 : memref<10000x128xbf16, #tpu.memory_space<hbm>>) target(%dma_start3A_120 : memref<125x128xbf16, #tpu.memory_space<vmem>>) offsets(%dma_start3A_123 : memref<125xi32, #tpu.memory_space<vmem>>) semaphore(%arg17 : memref<!tpu.dma_semaphore, #tpu.memory_space<semaphore_mem>>)
    %dma_start3A_127 = arith.constant 7 : i32
    %dma_start3A_128 = arith.constant 7 : i32
    %dma_start3A_129 = arith.constant 0 : i32
    %dma_start3A_130 = arith.constant 0 : i32
    %dma_start3A_131 = tpu.memref_slice %arg9[%dma_start3A_128, %dma_start3A_129, %dma_start3A_130] : memref<8x125x128xbf16, #tpu.memory_space<vmem>> -> memref<1x125x128xbf16, #tpu.memory_space<vmem>>
    %dma_start3A_132 = tpu.memref_squeeze %dma_start3A_131 : memref<1x125x128xbf16, #tpu.memory_space<vmem>> -> memref<125x128xbf16, #tpu.memory_space<vmem>>
    %dma_start3A_133 = arith.constant 0 : i32
    %dma_start3A_134 = tpu.memref_slice %arg7[%dma_start3A_127, %dma_start3A_133] : memref<80x125xi32, #tpu.memory_space<vmem>> -> memref<1x125xi32, #tpu.memory_space<vmem>>
    %dma_start3A_135 = tpu.memref_squeeze %dma_start3A_134 : memref<1x125xi32, #tpu.memory_space<vmem>> -> memref<125xi32, #tpu.memory_space<vmem>>
    %dma_start3A_136 = arith.constant 0 : i32
    %dma_start3A_137 = arith.constant 0 : i32
    %dma_start3A_138 = tpu.memref_slice %arg2[%dma_start3A_136, %dma_start3A_137] : memref<10000x128xbf16, #tpu.memory_space<hbm>> -> memref<10000x128xbf16, #tpu.memory_space<hbm>>
    tpu.enqueue_indirect_dma source(%dma_start3A_138 : memref<10000x128xbf16, #tpu.memory_space<hbm>>) target(%dma_start3A_132 : memref<125x128xbf16, #tpu.memory_space<vmem>>) offsets(%dma_start3A_135 : memref<125xi32, #tpu.memory_space<vmem>>) semaphore(%arg18 : memref<!tpu.dma_semaphore, #tpu.memory_space<semaphore_mem>>)
    %scan3A = arith.constant 0 : i32
    %scan3A_139 = arith.constant 0 : i32
    %scan3A_140 = arith.constant 10 : i32
    %scan3A_141 = arith.addi %scan3A_139, %scan3A_140 : i32
    %scan3A_142 = arith.constant 1 : i32
    scf.for %scan3A_150 = %scan3A_139 to %scan3A_141 step %scan3A_142  : i32 {
      %mul3A_151 = arith.constant 8 : i32
      %mul3A_152 = arith.muli %scan3A_150, %mul3A_151 : i32
      %add3A_153 = arith.constant 0 : i32
      %add3A_154 = arith.addi %mul3A_152, %add3A_153 : i32
      %dma_wait3A_155 = arith.constant 0 : i32
      %dma_wait3A_156 = arith.constant 0 : i32
      %dma_wait3A_157 = arith.constant 0 : i32
      %dma_wait3A_158 = tpu.memref_slice %arg9[%dma_wait3A_155, %dma_wait3A_156, %dma_wait3A_157] : memref<8x125x128xbf16, #tpu.memory_space<vmem>> -> memref<1x125x128xbf16, #tpu.memory_space<vmem>>
      %dma_wait3A_159 = tpu.memref_squeeze %dma_wait3A_158 : memref<1x125x128xbf16, #tpu.memory_space<vmem>> -> memref<125x128xbf16, #tpu.memory_space<vmem>>
      %dma_wait3A_160 = arith.constant 0 : i32
      %dma_wait3A_161 = tpu.memref_slice %arg7[%add3A_154, %dma_wait3A_160] : memref<80x125xi32, #tpu.memory_space<vmem>> -> memref<1x125xi32, #tpu.memory_space<vmem>>
      %dma_wait3A_162 = tpu.memref_squeeze %dma_wait3A_161 : memref<1x125xi32, #tpu.memory_space<vmem>> -> memref<125xi32, #tpu.memory_space<vmem>>
      %dma_wait3A_163 = arith.constant 0 : i32
      %dma_wait3A_164 = arith.constant 0 : i32
      %dma_wait3A_165 = tpu.memref_slice %arg2[%dma_wait3A_163, %dma_wait3A_164] : memref<10000x128xbf16, #tpu.memory_space<hbm>> -> memref<10000x128xbf16, #tpu.memory_space<hbm>>
      tpu.wait_indirect_dma semaphore(%arg11 : memref<!tpu.dma_semaphore, #tpu.memory_space<semaphore_mem>>) src(%dma_wait3A_165 : memref<10000x128xbf16, #tpu.memory_space<hbm>>) dst(%dma_wait3A_159 : memref<125x128xbf16, #tpu.memory_space<vmem>>)
      %add3A_166 = arith.constant 0 : i32
      %add3A_167 = arith.addi %mul3A_152, %add3A_166 : i32
      %dma_start3A_168 = arith.constant 0 : i32
      %dma_start3A_169 = arith.constant 0 : i32
      %dma_start3A_170 = arith.constant 0 : i32
      %dma_start3A_171 = tpu.memref_slice %arg9[%dma_start3A_168, %dma_start3A_169, %dma_start3A_170] : memref<8x125x128xbf16, #tpu.memory_space<vmem>> -> memref<1x125x128xbf16, #tpu.memory_space<vmem>>
      %dma_start3A_172 = tpu.memref_squeeze %dma_start3A_171 : memref<1x125x128xbf16, #tpu.memory_space<vmem>> -> memref<125x128xbf16, #tpu.memory_space<vmem>>
      %dma_start3A_173 = arith.constant 0 : i32
      %dma_start3A_174 = tpu.memref_slice %arg8[%add3A_167, %dma_start3A_173] : memref<80x125xi32, #tpu.memory_space<vmem>> -> memref<1x125xi32, #tpu.memory_space<vmem>>
      %dma_start3A_175 = tpu.memref_squeeze %dma_start3A_174 : memref<1x125xi32, #tpu.memory_space<vmem>> -> memref<125xi32, #tpu.memory_space<vmem>>
      %dma_start3A_176 = arith.constant 0 : i32
      %dma_start3A_177 = arith.constant 0 : i32
      %dma_start3A_178 = tpu.memref_slice %arg10[%dma_start3A_176, %dma_start3A_177] : memref<10000x128xbf16, #tpu.memory_space<vmem_shared>> -> memref<10000x128xbf16, #tpu.memory_space<vmem_shared>>
      tpu.enqueue_indirect_dma source(%dma_start3A_172 : memref<125x128xbf16, #tpu.memory_space<vmem>>) target(%dma_start3A_178 : memref<10000x128xbf16, #tpu.memory_space<vmem_shared>>) offsets(%dma_start3A_175 : memref<125xi32, #tpu.memory_space<vmem>>) semaphore(%arg19 : memref<!tpu.dma_semaphore, #tpu.memory_space<semaphore_mem>>) {add = true}
      %add3A_179 = arith.constant 1 : i32
      %add3A_180 = arith.addi %mul3A_152, %add3A_179 : i32
      %dma_wait3A_181 = arith.constant 1 : i32
      %dma_wait3A_182 = arith.constant 0 : i32
      %dma_wait3A_183 = arith.constant 0 : i32
      %dma_wait3A_184 = tpu.memref_slice %arg9[%dma_wait3A_181, %dma_wait3A_182, %dma_wait3A_183] : memref<8x125x128xbf16, #tpu.memory_space<vmem>> -> memref<1x125x128xbf16, #tpu.memory_space<vmem>>
      %dma_wait3A_185 = tpu.memref_squeeze %dma_wait3A_184 : memref<1x125x128xbf16, #tpu.memory_space<vmem>> -> memref<125x128xbf16, #tpu.memory_space<vmem>>
      %dma_wait3A_186 = arith.constant 0 : i32
      %dma_wait3A_187 = tpu.memref_slice %arg7[%add3A_180, %dma_wait3A_186] : memref<80x125xi32, #tpu.memory_space<vmem>> -> memref<1x125xi32, #tpu.memory_space<vmem>>
      %dma_wait3A_188 = tpu.memref_squeeze %dma_wait3A_187 : memref<1x125xi32, #tpu.memory_space<vmem>> -> memref<125xi32, #tpu.memory_space<vmem>>
      %dma_wait3A_189 = arith.constant 0 : i32
      %dma_wait3A_190 = arith.constant 0 : i32
      %dma_wait3A_191 = tpu.memref_slice %arg2[%dma_wait3A_189, %dma_wait3A_190] : memref<10000x128xbf16, #tpu.memory_space<hbm>> -> memref<10000x128xbf16, #tpu.memory_space<hbm>>
      tpu.wait_indirect_dma semaphore(%arg12 : memref<!tpu.dma_semaphore, #tpu.memory_space<semaphore_mem>>) src(%dma_wait3A_191 : memref<10000x128xbf16, #tpu.memory_space<hbm>>) dst(%dma_wait3A_185 : memref<125x128xbf16, #tpu.memory_space<vmem>>)
      %add3A_192 = arith.constant 1 : i32
      %add3A_193 = arith.addi %mul3A_152, %add3A_192 : i32
      %dma_start3A_194 = arith.constant 1 : i32
      %dma_start3A_195 = arith.constant 0 : i32
      %dma_start3A_196 = arith.constant 0 : i32
      %dma_start3A_197 = tpu.memref_slice %arg9[%dma_start3A_194, %dma_start3A_195, %dma_start3A_196] : memref<8x125x128xbf16, #tpu.memory_space<vmem>> -> memref<1x125x128xbf16, #tpu.memory_space<vmem>>
      %dma_start3A_198 = tpu.memref_squeeze %dma_start3A_197 : memref<1x125x128xbf16, #tpu.memory_space<vmem>> -> memref<125x128xbf16, #tpu.memory_space<vmem>>
      %dma_start3A_199 = arith.constant 0 : i32
      %dma_start3A_200 = tpu.memref_slice %arg8[%add3A_193, %dma_start3A_199] : memref<80x125xi32, #tpu.memory_space<vmem>> -> memref<1x125xi32, #tpu.memory_space<vmem>>
      %dma_start3A_201 = tpu.memref_squeeze %dma_start3A_200 : memref<1x125xi32, #tpu.memory_space<vmem>> -> memref<125xi32, #tpu.memory_space<vmem>>
      %dma_start3A_202 = arith.constant 0 : i32
      %dma_start3A_203 = arith.constant 0 : i32
      %dma_start3A_204 = tpu.memref_slice %arg10[%dma_start3A_202, %dma_start3A_203] : memref<10000x128xbf16, #tpu.memory_space<vmem_shared>> -> memref<10000x128xbf16, #tpu.memory_space<vmem_shared>>
      tpu.enqueue_indirect_dma source(%dma_start3A_198 : memref<125x128xbf16, #tpu.memory_space<vmem>>) target(%dma_start3A_204 : memref<10000x128xbf16, #tpu.memory_space<vmem_shared>>) offsets(%dma_start3A_201 : memref<125xi32, #tpu.memory_space<vmem>>) semaphore(%arg20 : memref<!tpu.dma_semaphore, #tpu.memory_space<semaphore_mem>>) {add = true}
      %add3A_205 = arith.constant 2 : i32
      %add3A_206 = arith.addi %mul3A_152, %add3A_205 : i32
      %dma_wait3A_207 = arith.constant 2 : i32
      %dma_wait3A_208 = arith.constant 0 : i32
      %dma_wait3A_209 = arith.constant 0 : i32
      %dma_wait3A_210 = tpu.memref_slice %arg9[%dma_wait3A_207, %dma_wait3A_208, %dma_wait3A_209] : memref<8x125x128xbf16, #tpu.memory_space<vmem>> -> memref<1x125x128xbf16, #tpu.memory_space<vmem>>
      %dma_wait3A_211 = tpu.memref_squeeze %dma_wait3A_210 : memref<1x125x128xbf16, #tpu.memory_space<vmem>> -> memref<125x128xbf16, #tpu.memory_space<vmem>>
      %dma_wait3A_212 = arith.constant 0 : i32
      %dma_wait3A_213 = tpu.memref_slice %arg7[%add3A_206, %dma_wait3A_212] : memref<80x125xi32, #tpu.memory_space<vmem>> -> memref<1x125xi32, #tpu.memory_space<vmem>>
      %dma_wait3A_214 = tpu.memref_squeeze %dma_wait3A_213 : memref<1x125xi32, #tpu.memory_space<vmem>> -> memref<125xi32, #tpu.memory_space<vmem>>
      %dma_wait3A_215 = arith.constant 0 : i32
      %dma_wait3A_216 = arith.constant 0 : i32
      %dma_wait3A_217 = tpu.memref_slice %arg2[%dma_wait3A_215, %dma_wait3A_216] : memref<10000x128xbf16, #tpu.memory_space<hbm>> -> memref<10000x128xbf16, #tpu.memory_space<hbm>>
      tpu.wait_indirect_dma semaphore(%arg13 : memref<!tpu.dma_semaphore, #tpu.memory_space<semaphore_mem>>) src(%dma_wait3A_217 : memref<10000x128xbf16, #tpu.memory_space<hbm>>) dst(%dma_wait3A_211 : memref<125x128xbf16, #tpu.memory_space<vmem>>)
      %add3A_218 = arith.constant 2 : i32
      %add3A_219 = arith.addi %mul3A_152, %add3A_218 : i32
      %dma_start3A_220 = arith.constant 2 : i32
      %dma_start3A_221 = arith.constant 0 : i32
      %dma_start3A_222 = arith.constant 0 : i32
      %dma_start3A_223 = tpu.memref_slice %arg9[%dma_start3A_220, %dma_start3A_221, %dma_start3A_222] : memref<8x125x128xbf16, #tpu.memory_space<vmem>> -> memref<1x125x128xbf16, #tpu.memory_space<vmem>>
      %dma_start3A_224 = tpu.memref_squeeze %dma_start3A_223 : memref<1x125x128xbf16, #tpu.memory_space<vmem>> -> memref<125x128xbf16, #tpu.memory_space<vmem>>
      %dma_start3A_225 = arith.constant 0 : i32
      %dma_start3A_226 = tpu.memref_slice %arg8[%add3A_219, %dma_start3A_225] : memref<80x125xi32, #tpu.memory_space<vmem>> -> memref<1x125xi32, #tpu.memory_space<vmem>>
      %dma_start3A_227 = tpu.memref_squeeze %dma_start3A_226 : memref<1x125xi32, #tpu.memory_space<vmem>> -> memref<125xi32, #tpu.memory_space<vmem>>
      %dma_start3A_228 = arith.constant 0 : i32
      %dma_start3A_229 = arith.constant 0 : i32
      %dma_start3A_230 = tpu.memref_slice %arg10[%dma_start3A_228, %dma_start3A_229] : memref<10000x128xbf16, #tpu.memory_space<vmem_shared>> -> memref<10000x128xbf16, #tpu.memory_space<vmem_shared>>
      tpu.enqueue_indirect_dma source(%dma_start3A_224 : memref<125x128xbf16, #tpu.memory_space<vmem>>) target(%dma_start3A_230 : memref<10000x128xbf16, #tpu.memory_space<vmem_shared>>) offsets(%dma_start3A_227 : memref<125xi32, #tpu.memory_space<vmem>>) semaphore(%arg21 : memref<!tpu.dma_semaphore, #tpu.memory_space<semaphore_mem>>) {add = true}
      %add3A_231 = arith.constant 3 : i32
      %add3A_232 = arith.addi %mul3A_152, %add3A_231 : i32
      %dma_wait3A_233 = arith.constant 3 : i32
      %dma_wait3A_234 = arith.constant 0 : i32
      %dma_wait3A_235 = arith.constant 0 : i32
      %dma_wait3A_236 = tpu.memref_slice %arg9[%dma_wait3A_233, %dma_wait3A_234, %dma_wait3A_235] : memref<8x125x128xbf16, #tpu.memory_space<vmem>> -> memref<1x125x128xbf16, #tpu.memory_space<vmem>>
      %dma_wait3A_237 = tpu.memref_squeeze %dma_wait3A_236 : memref<1x125x128xbf16, #tpu.memory_space<vmem>> -> memref<125x128xbf16, #tpu.memory_space<vmem>>
      %dma_wait3A_238 = arith.constant 0 : i32
      %dma_wait3A_239 = tpu.memref_slice %arg7[%add3A_232, %dma_wait3A_238] : memref<80x125xi32, #tpu.memory_space<vmem>> -> memref<1x125xi32, #tpu.memory_space<vmem>>
      %dma_wait3A_240 = tpu.memref_squeeze %dma_wait3A_239 : memref<1x125xi32, #tpu.memory_space<vmem>> -> memref<125xi32, #tpu.memory_space<vmem>>
      %dma_wait3A_241 = arith.constant 0 : i32
      %dma_wait3A_242 = arith.constant 0 : i32
      %dma_wait3A_243 = tpu.memref_slice %arg2[%dma_wait3A_241, %dma_wait3A_242] : memref<10000x128xbf16, #tpu.memory_space<hbm>> -> memref<10000x128xbf16, #tpu.memory_space<hbm>>
      tpu.wait_indirect_dma semaphore(%arg14 : memref<!tpu.dma_semaphore, #tpu.memory_space<semaphore_mem>>) src(%dma_wait3A_243 : memref<10000x128xbf16, #tpu.memory_space<hbm>>) dst(%dma_wait3A_237 : memref<125x128xbf16, #tpu.memory_space<vmem>>)
      %add3A_244 = arith.constant 3 : i32
      %add3A_245 = arith.addi %mul3A_152, %add3A_244 : i32
      %dma_start3A_246 = arith.constant 3 : i32
      %dma_start3A_247 = arith.constant 0 : i32
      %dma_start3A_248 = arith.constant 0 : i32
      %dma_start3A_249 = tpu.memref_slice %arg9[%dma_start3A_246, %dma_start3A_247, %dma_start3A_248] : memref<8x125x128xbf16, #tpu.memory_space<vmem>> -> memref<1x125x128xbf16, #tpu.memory_space<vmem>>
      %dma_start3A_250 = tpu.memref_squeeze %dma_start3A_249 : memref<1x125x128xbf16, #tpu.memory_space<vmem>> -> memref<125x128xbf16, #tpu.memory_space<vmem>>
      %dma_start3A_251 = arith.constant 0 : i32
      %dma_start3A_252 = tpu.memref_slice %arg8[%add3A_245, %dma_start3A_251] : memref<80x125xi32, #tpu.memory_space<vmem>> -> memref<1x125xi32, #tpu.memory_space<vmem>>
      %dma_start3A_253 = tpu.memref_squeeze %dma_start3A_252 : memref<1x125xi32, #tpu.memory_space<vmem>> -> memref<125xi32, #tpu.memory_space<vmem>>
      %dma_start3A_254 = arith.constant 0 : i32
      %dma_start3A_255 = arith.constant 0 : i32
      %dma_start3A_256 = tpu.memref_slice %arg10[%dma_start3A_254, %dma_start3A_255] : memref<10000x128xbf16, #tpu.memory_space<vmem_shared>> -> memref<10000x128xbf16, #tpu.memory_space<vmem_shared>>
      tpu.enqueue_indirect_dma source(%dma_start3A_250 : memref<125x128xbf16, #tpu.memory_space<vmem>>) target(%dma_start3A_256 : memref<10000x128xbf16, #tpu.memory_space<vmem_shared>>) offsets(%dma_start3A_253 : memref<125xi32, #tpu.memory_space<vmem>>) semaphore(%arg22 : memref<!tpu.dma_semaphore, #tpu.memory_space<semaphore_mem>>) {add = true}
      %add3A_257 = arith.constant 4 : i32
      %add3A_258 = arith.addi %mul3A_152, %add3A_257 : i32
      %dma_wait3A_259 = arith.constant 4 : i32
      %dma_wait3A_260 = arith.constant 0 : i32
      %dma_wait3A_261 = arith.constant 0 : i32
      %dma_wait3A_262 = tpu.memref_slice %arg9[%dma_wait3A_259, %dma_wait3A_260, %dma_wait3A_261] : memref<8x125x128xbf16, #tpu.memory_space<vmem>> -> memref<1x125x128xbf16, #tpu.memory_space<vmem>>
      %dma_wait3A_263 = tpu.memref_squeeze %dma_wait3A_262 : memref<1x125x128xbf16, #tpu.memory_space<vmem>> -> memref<125x128xbf16, #tpu.memory_space<vmem>>
      %dma_wait3A_264 = arith.constant 0 : i32
      %dma_wait3A_265 = tpu.memref_slice %arg7[%add3A_258, %dma_wait3A_264] : memref<80x125xi32, #tpu.memory_space<vmem>> -> memref<1x125xi32, #tpu.memory_space<vmem>>
      %dma_wait3A_266 = tpu.memref_squeeze %dma_wait3A_265 : memref<1x125xi32, #tpu.memory_space<vmem>> -> memref<125xi32, #tpu.memory_space<vmem>>
      %dma_wait3A_267 = arith.constant 0 : i32
      %dma_wait3A_268 = arith.constant 0 : i32
      %dma_wait3A_269 = tpu.memref_slice %arg2[%dma_wait3A_267, %dma_wait3A_268] : memref<10000x128xbf16, #tpu.memory_space<hbm>> -> memref<10000x128xbf16, #tpu.memory_space<hbm>>
      tpu.wait_indirect_dma semaphore(%arg15 : memref<!tpu.dma_semaphore, #tpu.memory_space<semaphore_mem>>) src(%dma_wait3A_269 : memref<10000x128xbf16, #tpu.memory_space<hbm>>) dst(%dma_wait3A_263 : memref<125x128xbf16, #tpu.memory_space<vmem>>)
      %add3A_270 = arith.constant 4 : i32
      %add3A_271 = arith.addi %mul3A_152, %add3A_270 : i32
      %dma_start3A_272 = arith.constant 4 : i32
      %dma_start3A_273 = arith.constant 0 : i32
      %dma_start3A_274 = arith.constant 0 : i32
      %dma_start3A_275 = tpu.memref_slice %arg9[%dma_start3A_272, %dma_start3A_273, %dma_start3A_274] : memref<8x125x128xbf16, #tpu.memory_space<vmem>> -> memref<1x125x128xbf16, #tpu.memory_space<vmem>>
      %dma_start3A_276 = tpu.memref_squeeze %dma_start3A_275 : memref<1x125x128xbf16, #tpu.memory_space<vmem>> -> memref<125x128xbf16, #tpu.memory_space<vmem>>
      %dma_start3A_277 = arith.constant 0 : i32
      %dma_start3A_278 = tpu.memref_slice %arg8[%add3A_271, %dma_start3A_277] : memref<80x125xi32, #tpu.memory_space<vmem>> -> memref<1x125xi32, #tpu.memory_space<vmem>>
      %dma_start3A_279 = tpu.memref_squeeze %dma_start3A_278 : memref<1x125xi32, #tpu.memory_space<vmem>> -> memref<125xi32, #tpu.memory_space<vmem>>
      %dma_start3A_280 = arith.constant 0 : i32
      %dma_start3A_281 = arith.constant 0 : i32
      %dma_start3A_282 = tpu.memref_slice %arg10[%dma_start3A_280, %dma_start3A_281] : memref<10000x128xbf16, #tpu.memory_space<vmem_shared>> -> memref<10000x128xbf16, #tpu.memory_space<vmem_shared>>
      tpu.enqueue_indirect_dma source(%dma_start3A_276 : memref<125x128xbf16, #tpu.memory_space<vmem>>) target(%dma_start3A_282 : memref<10000x128xbf16, #tpu.memory_space<vmem_shared>>) offsets(%dma_start3A_279 : memref<125xi32, #tpu.memory_space<vmem>>) semaphore(%arg23 : memref<!tpu.dma_semaphore, #tpu.memory_space<semaphore_mem>>) {add = true}
      %add3A_283 = arith.constant 5 : i32
      %add3A_284 = arith.addi %mul3A_152, %add3A_283 : i32
      %dma_wait3A_285 = arith.constant 5 : i32
      %dma_wait3A_286 = arith.constant 0 : i32
      %dma_wait3A_287 = arith.constant 0 : i32
      %dma_wait3A_288 = tpu.memref_slice %arg9[%dma_wait3A_285, %dma_wait3A_286, %dma_wait3A_287] : memref<8x125x128xbf16, #tpu.memory_space<vmem>> -> memref<1x125x128xbf16, #tpu.memory_space<vmem>>
      %dma_wait3A_289 = tpu.memref_squeeze %dma_wait3A_288 : memref<1x125x128xbf16, #tpu.memory_space<vmem>> -> memref<125x128xbf16, #tpu.memory_space<vmem>>
      %dma_wait3A_290 = arith.constant 0 : i32
      %dma_wait3A_291 = tpu.memref_slice %arg7[%add3A_284, %dma_wait3A_290] : memref<80x125xi32, #tpu.memory_space<vmem>> -> memref<1x125xi32, #tpu.memory_space<vmem>>
      %dma_wait3A_292 = tpu.memref_squeeze %dma_wait3A_291 : memref<1x125xi32, #tpu.memory_space<vmem>> -> memref<125xi32, #tpu.memory_space<vmem>>
      %dma_wait3A_293 = arith.constant 0 : i32
      %dma_wait3A_294 = arith.constant 0 : i32
      %dma_wait3A_295 = tpu.memref_slice %arg2[%dma_wait3A_293, %dma_wait3A_294] : memref<10000x128xbf16, #tpu.memory_space<hbm>> -> memref<10000x128xbf16, #tpu.memory_space<hbm>>
      tpu.wait_indirect_dma semaphore(%arg16 : memref<!tpu.dma_semaphore, #tpu.memory_space<semaphore_mem>>) src(%dma_wait3A_295 : memref<10000x128xbf16, #tpu.memory_space<hbm>>) dst(%dma_wait3A_289 : memref<125x128xbf16, #tpu.memory_space<vmem>>)
      %add3A_296 = arith.constant 5 : i32
      %add3A_297 = arith.addi %mul3A_152, %add3A_296 : i32
      %dma_start3A_298 = arith.constant 5 : i32
      %dma_start3A_299 = arith.constant 0 : i32
      %dma_start3A_300 = arith.constant 0 : i32
      %dma_start3A_301 = tpu.memref_slice %arg9[%dma_start3A_298, %dma_start3A_299, %dma_start3A_300] : memref<8x125x128xbf16, #tpu.memory_space<vmem>> -> memref<1x125x128xbf16, #tpu.memory_space<vmem>>
      %dma_start3A_302 = tpu.memref_squeeze %dma_start3A_301 : memref<1x125x128xbf16, #tpu.memory_space<vmem>> -> memref<125x128xbf16, #tpu.memory_space<vmem>>
      %dma_start3A_303 = arith.constant 0 : i32
      %dma_start3A_304 = tpu.memref_slice %arg8[%add3A_297, %dma_start3A_303] : memref<80x125xi32, #tpu.memory_space<vmem>> -> memref<1x125xi32, #tpu.memory_space<vmem>>
      %dma_start3A_305 = tpu.memref_squeeze %dma_start3A_304 : memref<1x125xi32, #tpu.memory_space<vmem>> -> memref<125xi32, #tpu.memory_space<vmem>>
      %dma_start3A_306 = arith.constant 0 : i32
      %dma_start3A_307 = arith.constant 0 : i32
      %dma_start3A_308 = tpu.memref_slice %arg10[%dma_start3A_306, %dma_start3A_307] : memref<10000x128xbf16, #tpu.memory_space<vmem_shared>> -> memref<10000x128xbf16, #tpu.memory_space<vmem_shared>>
      tpu.enqueue_indirect_dma source(%dma_start3A_302 : memref<125x128xbf16, #tpu.memory_space<vmem>>) target(%dma_start3A_308 : memref<10000x128xbf16, #tpu.memory_space<vmem_shared>>) offsets(%dma_start3A_305 : memref<125xi32, #tpu.memory_space<vmem>>) semaphore(%arg24 : memref<!tpu.dma_semaphore, #tpu.memory_space<semaphore_mem>>) {add = true}
      %add3A_309 = arith.constant 6 : i32
      %add3A_310 = arith.addi %mul3A_152, %add3A_309 : i32
      %dma_wait3A_311 = arith.constant 6 : i32
      %dma_wait3A_312 = arith.constant 0 : i32
      %dma_wait3A_313 = arith.constant 0 : i32
      %dma_wait3A_314 = tpu.memref_slice %arg9[%dma_wait3A_311, %dma_wait3A_312, %dma_wait3A_313] : memref<8x125x128xbf16, #tpu.memory_space<vmem>> -> memref<1x125x128xbf16, #tpu.memory_space<vmem>>
      %dma_wait3A_315 = tpu.memref_squeeze %dma_wait3A_314 : memref<1x125x128xbf16, #tpu.memory_space<vmem>> -> memref<125x128xbf16, #tpu.memory_space<vmem>>
      %dma_wait3A_316 = arith.constant 0 : i32
      %dma_wait3A_317 = tpu.memref_slice %arg7[%add3A_310, %dma_wait3A_316] : memref<80x125xi32, #tpu.memory_space<vmem>> -> memref<1x125xi32, #tpu.memory_space<vmem>>
      %dma_wait3A_318 = tpu.memref_squeeze %dma_wait3A_317 : memref<1x125xi32, #tpu.memory_space<vmem>> -> memref<125xi32, #tpu.memory_space<vmem>>
      %dma_wait3A_319 = arith.constant 0 : i32
      %dma_wait3A_320 = arith.constant 0 : i32
      %dma_wait3A_321 = tpu.memref_slice %arg2[%dma_wait3A_319, %dma_wait3A_320] : memref<10000x128xbf16, #tpu.memory_space<hbm>> -> memref<10000x128xbf16, #tpu.memory_space<hbm>>
      tpu.wait_indirect_dma semaphore(%arg17 : memref<!tpu.dma_semaphore, #tpu.memory_space<semaphore_mem>>) src(%dma_wait3A_321 : memref<10000x128xbf16, #tpu.memory_space<hbm>>) dst(%dma_wait3A_315 : memref<125x128xbf16, #tpu.memory_space<vmem>>)
      %add3A_322 = arith.constant 6 : i32
      %add3A_323 = arith.addi %mul3A_152, %add3A_322 : i32
      %dma_start3A_324 = arith.constant 6 : i32
      %dma_start3A_325 = arith.constant 0 : i32
      %dma_start3A_326 = arith.constant 0 : i32
      %dma_start3A_327 = tpu.memref_slice %arg9[%dma_start3A_324, %dma_start3A_325, %dma_start3A_326] : memref<8x125x128xbf16, #tpu.memory_space<vmem>> -> memref<1x125x128xbf16, #tpu.memory_space<vmem>>
      %dma_start3A_328 = tpu.memref_squeeze %dma_start3A_327 : memref<1x125x128xbf16, #tpu.memory_space<vmem>> -> memref<125x128xbf16, #tpu.memory_space<vmem>>
      %dma_start3A_329 = arith.constant 0 : i32
      %dma_start3A_330 = tpu.memref_slice %arg8[%add3A_323, %dma_start3A_329] : memref<80x125xi32, #tpu.memory_space<vmem>> -> memref<1x125xi32, #tpu.memory_space<vmem>>
      %dma_start3A_331 = tpu.memref_squeeze %dma_start3A_330 : memref<1x125xi32, #tpu.memory_space<vmem>> -> memref<125xi32, #tpu.memory_space<vmem>>
      %dma_start3A_332 = arith.constant 0 : i32
      %dma_start3A_333 = arith.constant 0 : i32
      %dma_start3A_334 = tpu.memref_slice %arg10[%dma_start3A_332, %dma_start3A_333] : memref<10000x128xbf16, #tpu.memory_space<vmem_shared>> -> memref<10000x128xbf16, #tpu.memory_space<vmem_shared>>
      tpu.enqueue_indirect_dma source(%dma_start3A_328 : memref<125x128xbf16, #tpu.memory_space<vmem>>) target(%dma_start3A_334 : memref<10000x128xbf16, #tpu.memory_space<vmem_shared>>) offsets(%dma_start3A_331 : memref<125xi32, #tpu.memory_space<vmem>>) semaphore(%arg25 : memref<!tpu.dma_semaphore, #tpu.memory_space<semaphore_mem>>) {add = true}
      %add3A_335 = arith.constant 7 : i32
      %add3A_336 = arith.addi %mul3A_152, %add3A_335 : i32
      %dma_wait3A_337 = arith.constant 7 : i32
      %dma_wait3A_338 = arith.constant 0 : i32
      %dma_wait3A_339 = arith.constant 0 : i32
      %dma_wait3A_340 = tpu.memref_slice %arg9[%dma_wait3A_337, %dma_wait3A_338, %dma_wait3A_339] : memref<8x125x128xbf16, #tpu.memory_space<vmem>> -> memref<1x125x128xbf16, #tpu.memory_space<vmem>>
      %dma_wait3A_341 = tpu.memref_squeeze %dma_wait3A_340 : memref<1x125x128xbf16, #tpu.memory_space<vmem>> -> memref<125x128xbf16, #tpu.memory_space<vmem>>
      %dma_wait3A_342 = arith.constant 0 : i32
      %dma_wait3A_343 = tpu.memref_slice %arg7[%add3A_336, %dma_wait3A_342] : memref<80x125xi32, #tpu.memory_space<vmem>> -> memref<1x125xi32, #tpu.memory_space<vmem>>
      %dma_wait3A_344 = tpu.memref_squeeze %dma_wait3A_343 : memref<1x125xi32, #tpu.memory_space<vmem>> -> memref<125xi32, #tpu.memory_space<vmem>>
      %dma_wait3A_345 = arith.constant 0 : i32
      %dma_wait3A_346 = arith.constant 0 : i32
      %dma_wait3A_347 = tpu.memref_slice %arg2[%dma_wait3A_345, %dma_wait3A_346] : memref<10000x128xbf16, #tpu.memory_space<hbm>> -> memref<10000x128xbf16, #tpu.memory_space<hbm>>
      tpu.wait_indirect_dma semaphore(%arg18 : memref<!tpu.dma_semaphore, #tpu.memory_space<semaphore_mem>>) src(%dma_wait3A_347 : memref<10000x128xbf16, #tpu.memory_space<hbm>>) dst(%dma_wait3A_341 : memref<125x128xbf16, #tpu.memory_space<vmem>>)
      %add3A_348 = arith.constant 7 : i32
      %add3A_349 = arith.addi %mul3A_152, %add3A_348 : i32
      %dma_start3A_350 = arith.constant 7 : i32
      %dma_start3A_351 = arith.constant 0 : i32
      %dma_start3A_352 = arith.constant 0 : i32
      %dma_start3A_353 = tpu.memref_slice %arg9[%dma_start3A_350, %dma_start3A_351, %dma_start3A_352] : memref<8x125x128xbf16, #tpu.memory_space<vmem>> -> memref<1x125x128xbf16, #tpu.memory_space<vmem>>
      %dma_start3A_354 = tpu.memref_squeeze %dma_start3A_353 : memref<1x125x128xbf16, #tpu.memory_space<vmem>> -> memref<125x128xbf16, #tpu.memory_space<vmem>>
      %dma_start3A_355 = arith.constant 0 : i32
      %dma_start3A_356 = tpu.memref_slice %arg8[%add3A_349, %dma_start3A_355] : memref<80x125xi32, #tpu.memory_space<vmem>> -> memref<1x125xi32, #tpu.memory_space<vmem>>
      %dma_start3A_357 = tpu.memref_squeeze %dma_start3A_356 : memref<1x125xi32, #tpu.memory_space<vmem>> -> memref<125xi32, #tpu.memory_space<vmem>>
      %dma_start3A_358 = arith.constant 0 : i32
      %dma_start3A_359 = arith.constant 0 : i32
      %dma_start3A_360 = tpu.memref_slice %arg10[%dma_start3A_358, %dma_start3A_359] : memref<10000x128xbf16, #tpu.memory_space<vmem_shared>> -> memref<10000x128xbf16, #tpu.memory_space<vmem_shared>>
      tpu.enqueue_indirect_dma source(%dma_start3A_354 : memref<125x128xbf16, #tpu.memory_space<vmem>>) target(%dma_start3A_360 : memref<10000x128xbf16, #tpu.memory_space<vmem_shared>>) offsets(%dma_start3A_357 : memref<125xi32, #tpu.memory_space<vmem>>) semaphore(%arg26 : memref<!tpu.dma_semaphore, #tpu.memory_space<semaphore_mem>>) {add = true}
      %add3A_361 = arith.constant 0 : i32
      %add3A_362 = arith.addi %mul3A_152, %add3A_361 : i32
      %dma_wait3A_363 = arith.constant 0 : i32
      %dma_wait3A_364 = arith.constant 0 : i32
      %dma_wait3A_365 = arith.constant 0 : i32
      %dma_wait3A_366 = tpu.memref_slice %arg9[%dma_wait3A_363, %dma_wait3A_364, %dma_wait3A_365] : memref<8x125x128xbf16, #tpu.memory_space<vmem>> -> memref<1x125x128xbf16, #tpu.memory_space<vmem>>
      %dma_wait3A_367 = tpu.memref_squeeze %dma_wait3A_366 : memref<1x125x128xbf16, #tpu.memory_space<vmem>> -> memref<125x128xbf16, #tpu.memory_space<vmem>>
      %dma_wait3A_368 = arith.constant 0 : i32
      %dma_wait3A_369 = tpu.memref_slice %arg8[%add3A_362, %dma_wait3A_368] : memref<80x125xi32, #tpu.memory_space<vmem>> -> memref<1x125xi32, #tpu.memory_space<vmem>>
      %dma_wait3A_370 = tpu.memref_squeeze %dma_wait3A_369 : memref<1x125xi32, #tpu.memory_space<vmem>> -> memref<125xi32, #tpu.memory_space<vmem>>
      %dma_wait3A_371 = arith.constant 0 : i32
      %dma_wait3A_372 = arith.constant 0 : i32
      %dma_wait3A_373 = tpu.memref_slice %arg10[%dma_wait3A_371, %dma_wait3A_372] : memref<10000x128xbf16, #tpu.memory_space<vmem_shared>> -> memref<10000x128xbf16, #tpu.memory_space<vmem_shared>>
      tpu.wait_indirect_dma semaphore(%arg19 : memref<!tpu.dma_semaphore, #tpu.memory_space<semaphore_mem>>) src(%dma_wait3A_367 : memref<125x128xbf16, #tpu.memory_space<vmem>>) dst(%dma_wait3A_373 : memref<10000x128xbf16, #tpu.memory_space<vmem_shared>>)
      %add3A_374 = arith.constant 1 : i32
      %add3A_375 = arith.addi %scan3A_150, %add3A_374 : i32
      %lt3A = arith.constant 10 : i32
      %lt3A_376 = arith.cmpi slt, %add3A_375, %lt3A : i32
      %convert_element_type3A_377 = arith.extui %lt3A_376 : i1 to i32
      %cond3A_378 = arith.constant 0 : i32
      %cond3A_379 = arith.cmpi ne, %convert_element_type3A_377, %cond3A_378 : i32
      scf.if %cond3A_379 {
        %add3A_520 = arith.constant 8 : i32
        %add3A_521 = arith.addi %mul3A_152, %add3A_520 : i32
        %add3A_522 = arith.constant 0 : i32
        %add3A_523 = arith.addi %add3A_521, %add3A_522 : i32
        %dma_start3A_524 = arith.constant 0 : i32
        %dma_start3A_525 = arith.constant 0 : i32
        %dma_start3A_526 = arith.constant 0 : i32
        %dma_start3A_527 = tpu.memref_slice %arg9[%dma_start3A_524, %dma_start3A_525, %dma_start3A_526] : memref<8x125x128xbf16, #tpu.memory_space<vmem>> -> memref<1x125x128xbf16, #tpu.memory_space<vmem>>
        %dma_start3A_528 = tpu.memref_squeeze %dma_start3A_527 : memref<1x125x128xbf16, #tpu.memory_space<vmem>> -> memref<125x128xbf16, #tpu.memory_space<vmem>>
        %dma_start3A_529 = arith.constant 0 : i32
        %dma_start3A_530 = tpu.memref_slice %arg7[%add3A_523, %dma_start3A_529] : memref<80x125xi32, #tpu.memory_space<vmem>> -> memref<1x125xi32, #tpu.memory_space<vmem>>
        %dma_start3A_531 = tpu.memref_squeeze %dma_start3A_530 : memref<1x125xi32, #tpu.memory_space<vmem>> -> memref<125xi32, #tpu.memory_space<vmem>>
        %dma_start3A_532 = arith.constant 0 : i32
        %dma_start3A_533 = arith.constant 0 : i32
        %dma_start3A_534 = tpu.memref_slice %arg2[%dma_start3A_532, %dma_start3A_533] : memref<10000x128xbf16, #tpu.memory_space<hbm>> -> memref<10000x128xbf16, #tpu.memory_space<hbm>>
        tpu.enqueue_indirect_dma source(%dma_start3A_534 : memref<10000x128xbf16, #tpu.memory_space<hbm>>) target(%dma_start3A_528 : memref<125x128xbf16, #tpu.memory_space<vmem>>) offsets(%dma_start3A_531 : memref<125xi32, #tpu.memory_space<vmem>>) semaphore(%arg11 : memref<!tpu.dma_semaphore, #tpu.memory_space<semaphore_mem>>)
      } else {
      }
      %add3A_380 = arith.constant 1 : i32
      %add3A_381 = arith.addi %mul3A_152, %add3A_380 : i32
      %dma_wait3A_382 = arith.constant 1 : i32
      %dma_wait3A_383 = arith.constant 0 : i32
      %dma_wait3A_384 = arith.constant 0 : i32
      %dma_wait3A_385 = tpu.memref_slice %arg9[%dma_wait3A_382, %dma_wait3A_383, %dma_wait3A_384] : memref<8x125x128xbf16, #tpu.memory_space<vmem>> -> memref<1x125x128xbf16, #tpu.memory_space<vmem>>
      %dma_wait3A_386 = tpu.memref_squeeze %dma_wait3A_385 : memref<1x125x128xbf16, #tpu.memory_space<vmem>> -> memref<125x128xbf16, #tpu.memory_space<vmem>>
      %dma_wait3A_387 = arith.constant 0 : i32
      %dma_wait3A_388 = tpu.memref_slice %arg8[%add3A_381, %dma_wait3A_387] : memref<80x125xi32, #tpu.memory_space<vmem>> -> memref<1x125xi32, #tpu.memory_space<vmem>>
      %dma_wait3A_389 = tpu.memref_squeeze %dma_wait3A_388 : memref<1x125xi32, #tpu.memory_space<vmem>> -> memref<125xi32, #tpu.memory_space<vmem>>
      %dma_wait3A_390 = arith.constant 0 : i32
      %dma_wait3A_391 = arith.constant 0 : i32
      %dma_wait3A_392 = tpu.memref_slice %arg10[%dma_wait3A_390, %dma_wait3A_391] : memref<10000x128xbf16, #tpu.memory_space<vmem_shared>> -> memref<10000x128xbf16, #tpu.memory_space<vmem_shared>>
      tpu.wait_indirect_dma semaphore(%arg20 : memref<!tpu.dma_semaphore, #tpu.memory_space<semaphore_mem>>) src(%dma_wait3A_386 : memref<125x128xbf16, #tpu.memory_space<vmem>>) dst(%dma_wait3A_392 : memref<10000x128xbf16, #tpu.memory_space<vmem_shared>>)
      %add3A_393 = arith.constant 1 : i32
      %add3A_394 = arith.addi %scan3A_150, %add3A_393 : i32
      %lt3A_395 = arith.constant 10 : i32
      %lt3A_396 = arith.cmpi slt, %add3A_394, %lt3A_395 : i32
      %convert_element_type3A_397 = arith.extui %lt3A_396 : i1 to i32
      %cond3A_398 = arith.constant 0 : i32
      %cond3A_399 = arith.cmpi ne, %convert_element_type3A_397, %cond3A_398 : i32
      scf.if %cond3A_399 {
        %add3A_520 = arith.constant 8 : i32
        %add3A_521 = arith.addi %mul3A_152, %add3A_520 : i32
        %add3A_522 = arith.constant 1 : i32
        %add3A_523 = arith.addi %add3A_521, %add3A_522 : i32
        %dma_start3A_524 = arith.constant 1 : i32
        %dma_start3A_525 = arith.constant 0 : i32
        %dma_start3A_526 = arith.constant 0 : i32
        %dma_start3A_527 = tpu.memref_slice %arg9[%dma_start3A_524, %dma_start3A_525, %dma_start3A_526] : memref<8x125x128xbf16, #tpu.memory_space<vmem>> -> memref<1x125x128xbf16, #tpu.memory_space<vmem>>
        %dma_start3A_528 = tpu.memref_squeeze %dma_start3A_527 : memref<1x125x128xbf16, #tpu.memory_space<vmem>> -> memref<125x128xbf16, #tpu.memory_space<vmem>>
        %dma_start3A_529 = arith.constant 0 : i32
        %dma_start3A_530 = tpu.memref_slice %arg7[%add3A_523, %dma_start3A_529] : memref<80x125xi32, #tpu.memory_space<vmem>> -> memref<1x125xi32, #tpu.memory_space<vmem>>
        %dma_start3A_531 = tpu.memref_squeeze %dma_start3A_530 : memref<1x125xi32, #tpu.memory_space<vmem>> -> memref<125xi32, #tpu.memory_space<vmem>>
        %dma_start3A_532 = arith.constant 0 : i32
        %dma_start3A_533 = arith.constant 0 : i32
        %dma_start3A_534 = tpu.memref_slice %arg2[%dma_start3A_532, %dma_start3A_533] : memref<10000x128xbf16, #tpu.memory_space<hbm>> -> memref<10000x128xbf16, #tpu.memory_space<hbm>>
        tpu.enqueue_indirect_dma source(%dma_start3A_534 : memref<10000x128xbf16, #tpu.memory_space<hbm>>) target(%dma_start3A_528 : memref<125x128xbf16, #tpu.memory_space<vmem>>) offsets(%dma_start3A_531 : memref<125xi32, #tpu.memory_space<vmem>>) semaphore(%arg12 : memref<!tpu.dma_semaphore, #tpu.memory_space<semaphore_mem>>)
      } else {
      }
      %add3A_400 = arith.constant 2 : i32
      %add3A_401 = arith.addi %mul3A_152, %add3A_400 : i32
      %dma_wait3A_402 = arith.constant 2 : i32
      %dma_wait3A_403 = arith.constant 0 : i32
      %dma_wait3A_404 = arith.constant 0 : i32
      %dma_wait3A_405 = tpu.memref_slice %arg9[%dma_wait3A_402, %dma_wait3A_403, %dma_wait3A_404] : memref<8x125x128xbf16, #tpu.memory_space<vmem>> -> memref<1x125x128xbf16, #tpu.memory_space<vmem>>
      %dma_wait3A_406 = tpu.memref_squeeze %dma_wait3A_405 : memref<1x125x128xbf16, #tpu.memory_space<vmem>> -> memref<125x128xbf16, #tpu.memory_space<vmem>>
      %dma_wait3A_407 = arith.constant 0 : i32
      %dma_wait3A_408 = tpu.memref_slice %arg8[%add3A_401, %dma_wait3A_407] : memref<80x125xi32, #tpu.memory_space<vmem>> -> memref<1x125xi32, #tpu.memory_space<vmem>>
      %dma_wait3A_409 = tpu.memref_squeeze %dma_wait3A_408 : memref<1x125xi32, #tpu.memory_space<vmem>> -> memref<125xi32, #tpu.memory_space<vmem>>
      %dma_wait3A_410 = arith.constant 0 : i32
      %dma_wait3A_411 = arith.constant 0 : i32
      %dma_wait3A_412 = tpu.memref_slice %arg10[%dma_wait3A_410, %dma_wait3A_411] : memref<10000x128xbf16, #tpu.memory_space<vmem_shared>> -> memref<10000x128xbf16, #tpu.memory_space<vmem_shared>>
      tpu.wait_indirect_dma semaphore(%arg21 : memref<!tpu.dma_semaphore, #tpu.memory_space<semaphore_mem>>) src(%dma_wait3A_406 : memref<125x128xbf16, #tpu.memory_space<vmem>>) dst(%dma_wait3A_412 : memref<10000x128xbf16, #tpu.memory_space<vmem_shared>>)
      %add3A_413 = arith.constant 1 : i32
      %add3A_414 = arith.addi %scan3A_150, %add3A_413 : i32
      %lt3A_415 = arith.constant 10 : i32
      %lt3A_416 = arith.cmpi slt, %add3A_414, %lt3A_415 : i32
      %convert_element_type3A_417 = arith.extui %lt3A_416 : i1 to i32
      %cond3A_418 = arith.constant 0 : i32
      %cond3A_419 = arith.cmpi ne, %convert_element_type3A_417, %cond3A_418 : i32
      scf.if %cond3A_419 {
        %add3A_520 = arith.constant 8 : i32
        %add3A_521 = arith.addi %mul3A_152, %add3A_520 : i32
        %add3A_522 = arith.constant 2 : i32
        %add3A_523 = arith.addi %add3A_521, %add3A_522 : i32
        %dma_start3A_524 = arith.constant 2 : i32
        %dma_start3A_525 = arith.constant 0 : i32
        %dma_start3A_526 = arith.constant 0 : i32
        %dma_start3A_527 = tpu.memref_slice %arg9[%dma_start3A_524, %dma_start3A_525, %dma_start3A_526] : memref<8x125x128xbf16, #tpu.memory_space<vmem>> -> memref<1x125x128xbf16, #tpu.memory_space<vmem>>
        %dma_start3A_528 = tpu.memref_squeeze %dma_start3A_527 : memref<1x125x128xbf16, #tpu.memory_space<vmem>> -> memref<125x128xbf16, #tpu.memory_space<vmem>>
        %dma_start3A_529 = arith.constant 0 : i32
        %dma_start3A_530 = tpu.memref_slice %arg7[%add3A_523, %dma_start3A_529] : memref<80x125xi32, #tpu.memory_space<vmem>> -> memref<1x125xi32, #tpu.memory_space<vmem>>
        %dma_start3A_531 = tpu.memref_squeeze %dma_start3A_530 : memref<1x125xi32, #tpu.memory_space<vmem>> -> memref<125xi32, #tpu.memory_space<vmem>>
        %dma_start3A_532 = arith.constant 0 : i32
        %dma_start3A_533 = arith.constant 0 : i32
        %dma_start3A_534 = tpu.memref_slice %arg2[%dma_start3A_532, %dma_start3A_533] : memref<10000x128xbf16, #tpu.memory_space<hbm>> -> memref<10000x128xbf16, #tpu.memory_space<hbm>>
        tpu.enqueue_indirect_dma source(%dma_start3A_534 : memref<10000x128xbf16, #tpu.memory_space<hbm>>) target(%dma_start3A_528 : memref<125x128xbf16, #tpu.memory_space<vmem>>) offsets(%dma_start3A_531 : memref<125xi32, #tpu.memory_space<vmem>>) semaphore(%arg13 : memref<!tpu.dma_semaphore, #tpu.memory_space<semaphore_mem>>)
      } else {
      }
      %add3A_420 = arith.constant 3 : i32
      %add3A_421 = arith.addi %mul3A_152, %add3A_420 : i32
      %dma_wait3A_422 = arith.constant 3 : i32
      %dma_wait3A_423 = arith.constant 0 : i32
      %dma_wait3A_424 = arith.constant 0 : i32
      %dma_wait3A_425 = tpu.memref_slice %arg9[%dma_wait3A_422, %dma_wait3A_423, %dma_wait3A_424] : memref<8x125x128xbf16, #tpu.memory_space<vmem>> -> memref<1x125x128xbf16, #tpu.memory_space<vmem>>
      %dma_wait3A_426 = tpu.memref_squeeze %dma_wait3A_425 : memref<1x125x128xbf16, #tpu.memory_space<vmem>> -> memref<125x128xbf16, #tpu.memory_space<vmem>>
      %dma_wait3A_427 = arith.constant 0 : i32
      %dma_wait3A_428 = tpu.memref_slice %arg8[%add3A_421, %dma_wait3A_427] : memref<80x125xi32, #tpu.memory_space<vmem>> -> memref<1x125xi32, #tpu.memory_space<vmem>>
      %dma_wait3A_429 = tpu.memref_squeeze %dma_wait3A_428 : memref<1x125xi32, #tpu.memory_space<vmem>> -> memref<125xi32, #tpu.memory_space<vmem>>
      %dma_wait3A_430 = arith.constant 0 : i32
      %dma_wait3A_431 = arith.constant 0 : i32
      %dma_wait3A_432 = tpu.memref_slice %arg10[%dma_wait3A_430, %dma_wait3A_431] : memref<10000x128xbf16, #tpu.memory_space<vmem_shared>> -> memref<10000x128xbf16, #tpu.memory_space<vmem_shared>>
      tpu.wait_indirect_dma semaphore(%arg22 : memref<!tpu.dma_semaphore, #tpu.memory_space<semaphore_mem>>) src(%dma_wait3A_426 : memref<125x128xbf16, #tpu.memory_space<vmem>>) dst(%dma_wait3A_432 : memref<10000x128xbf16, #tpu.memory_space<vmem_shared>>)
      %add3A_433 = arith.constant 1 : i32
      %add3A_434 = arith.addi %scan3A_150, %add3A_433 : i32
      %lt3A_435 = arith.constant 10 : i32
      %lt3A_436 = arith.cmpi slt, %add3A_434, %lt3A_435 : i32
      %convert_element_type3A_437 = arith.extui %lt3A_436 : i1 to i32
      %cond3A_438 = arith.constant 0 : i32
      %cond3A_439 = arith.cmpi ne, %convert_element_type3A_437, %cond3A_438 : i32
      scf.if %cond3A_439 {
        %add3A_520 = arith.constant 8 : i32
        %add3A_521 = arith.addi %mul3A_152, %add3A_520 : i32
        %add3A_522 = arith.constant 3 : i32
        %add3A_523 = arith.addi %add3A_521, %add3A_522 : i32
        %dma_start3A_524 = arith.constant 3 : i32
        %dma_start3A_525 = arith.constant 0 : i32
        %dma_start3A_526 = arith.constant 0 : i32
        %dma_start3A_527 = tpu.memref_slice %arg9[%dma_start3A_524, %dma_start3A_525, %dma_start3A_526] : memref<8x125x128xbf16, #tpu.memory_space<vmem>> -> memref<1x125x128xbf16, #tpu.memory_space<vmem>>
        %dma_start3A_528 = tpu.memref_squeeze %dma_start3A_527 : memref<1x125x128xbf16, #tpu.memory_space<vmem>> -> memref<125x128xbf16, #tpu.memory_space<vmem>>
        %dma_start3A_529 = arith.constant 0 : i32
        %dma_start3A_530 = tpu.memref_slice %arg7[%add3A_523, %dma_start3A_529] : memref<80x125xi32, #tpu.memory_space<vmem>> -> memref<1x125xi32, #tpu.memory_space<vmem>>
        %dma_start3A_531 = tpu.memref_squeeze %dma_start3A_530 : memref<1x125xi32, #tpu.memory_space<vmem>> -> memref<125xi32, #tpu.memory_space<vmem>>
        %dma_start3A_532 = arith.constant 0 : i32
        %dma_start3A_533 = arith.constant 0 : i32
        %dma_start3A_534 = tpu.memref_slice %arg2[%dma_start3A_532, %dma_start3A_533] : memref<10000x128xbf16, #tpu.memory_space<hbm>> -> memref<10000x128xbf16, #tpu.memory_space<hbm>>
        tpu.enqueue_indirect_dma source(%dma_start3A_534 : memref<10000x128xbf16, #tpu.memory_space<hbm>>) target(%dma_start3A_528 : memref<125x128xbf16, #tpu.memory_space<vmem>>) offsets(%dma_start3A_531 : memref<125xi32, #tpu.memory_space<vmem>>) semaphore(%arg14 : memref<!tpu.dma_semaphore, #tpu.memory_space<semaphore_mem>>)
      } else {
      }
      %add3A_440 = arith.constant 4 : i32
      %add3A_441 = arith.addi %mul3A_152, %add3A_440 : i32
      %dma_wait3A_442 = arith.constant 4 : i32
      %dma_wait3A_443 = arith.constant 0 : i32
      %dma_wait3A_444 = arith.constant 0 : i32
      %dma_wait3A_445 = tpu.memref_slice %arg9[%dma_wait3A_442, %dma_wait3A_443, %dma_wait3A_444] : memref<8x125x128xbf16, #tpu.memory_space<vmem>> -> memref<1x125x128xbf16, #tpu.memory_space<vmem>>
      %dma_wait3A_446 = tpu.memref_squeeze %dma_wait3A_445 : memref<1x125x128xbf16, #tpu.memory_space<vmem>> -> memref<125x128xbf16, #tpu.memory_space<vmem>>
      %dma_wait3A_447 = arith.constant 0 : i32
      %dma_wait3A_448 = tpu.memref_slice %arg8[%add3A_441, %dma_wait3A_447] : memref<80x125xi32, #tpu.memory_space<vmem>> -> memref<1x125xi32, #tpu.memory_space<vmem>>
      %dma_wait3A_449 = tpu.memref_squeeze %dma_wait3A_448 : memref<1x125xi32, #tpu.memory_space<vmem>> -> memref<125xi32, #tpu.memory_space<vmem>>
      %dma_wait3A_450 = arith.constant 0 : i32
      %dma_wait3A_451 = arith.constant 0 : i32
      %dma_wait3A_452 = tpu.memref_slice %arg10[%dma_wait3A_450, %dma_wait3A_451] : memref<10000x128xbf16, #tpu.memory_space<vmem_shared>> -> memref<10000x128xbf16, #tpu.memory_space<vmem_shared>>
      tpu.wait_indirect_dma semaphore(%arg23 : memref<!tpu.dma_semaphore, #tpu.memory_space<semaphore_mem>>) src(%dma_wait3A_446 : memref<125x128xbf16, #tpu.memory_space<vmem>>) dst(%dma_wait3A_452 : memref<10000x128xbf16, #tpu.memory_space<vmem_shared>>)
      %add3A_453 = arith.constant 1 : i32
      %add3A_454 = arith.addi %scan3A_150, %add3A_453 : i32
      %lt3A_455 = arith.constant 10 : i32
      %lt3A_456 = arith.cmpi slt, %add3A_454, %lt3A_455 : i32
      %convert_element_type3A_457 = arith.extui %lt3A_456 : i1 to i32
      %cond3A_458 = arith.constant 0 : i32
      %cond3A_459 = arith.cmpi ne, %convert_element_type3A_457, %cond3A_458 : i32
      scf.if %cond3A_459 {
        %add3A_520 = arith.constant 8 : i32
        %add3A_521 = arith.addi %mul3A_152, %add3A_520 : i32
        %add3A_522 = arith.constant 4 : i32
        %add3A_523 = arith.addi %add3A_521, %add3A_522 : i32
        %dma_start3A_524 = arith.constant 4 : i32
        %dma_start3A_525 = arith.constant 0 : i32
        %dma_start3A_526 = arith.constant 0 : i32
        %dma_start3A_527 = tpu.memref_slice %arg9[%dma_start3A_524, %dma_start3A_525, %dma_start3A_526] : memref<8x125x128xbf16, #tpu.memory_space<vmem>> -> memref<1x125x128xbf16, #tpu.memory_space<vmem>>
        %dma_start3A_528 = tpu.memref_squeeze %dma_start3A_527 : memref<1x125x128xbf16, #tpu.memory_space<vmem>> -> memref<125x128xbf16, #tpu.memory_space<vmem>>
        %dma_start3A_529 = arith.constant 0 : i32
        %dma_start3A_530 = tpu.memref_slice %arg7[%add3A_523, %dma_start3A_529] : memref<80x125xi32, #tpu.memory_space<vmem>> -> memref<1x125xi32, #tpu.memory_space<vmem>>
        %dma_start3A_531 = tpu.memref_squeeze %dma_start3A_530 : memref<1x125xi32, #tpu.memory_space<vmem>> -> memref<125xi32, #tpu.memory_space<vmem>>
        %dma_start3A_532 = arith.constant 0 : i32
        %dma_start3A_533 = arith.constant 0 : i32
        %dma_start3A_534 = tpu.memref_slice %arg2[%dma_start3A_532, %dma_start3A_533] : memref<10000x128xbf16, #tpu.memory_space<hbm>> -> memref<10000x128xbf16, #tpu.memory_space<hbm>>
        tpu.enqueue_indirect_dma source(%dma_start3A_534 : memref<10000x128xbf16, #tpu.memory_space<hbm>>) target(%dma_start3A_528 : memref<125x128xbf16, #tpu.memory_space<vmem>>) offsets(%dma_start3A_531 : memref<125xi32, #tpu.memory_space<vmem>>) semaphore(%arg15 : memref<!tpu.dma_semaphore, #tpu.memory_space<semaphore_mem>>)
      } else {
      }
      %add3A_460 = arith.constant 5 : i32
      %add3A_461 = arith.addi %mul3A_152, %add3A_460 : i32
      %dma_wait3A_462 = arith.constant 5 : i32
      %dma_wait3A_463 = arith.constant 0 : i32
      %dma_wait3A_464 = arith.constant 0 : i32
      %dma_wait3A_465 = tpu.memref_slice %arg9[%dma_wait3A_462, %dma_wait3A_463, %dma_wait3A_464] : memref<8x125x128xbf16, #tpu.memory_space<vmem>> -> memref<1x125x128xbf16, #tpu.memory_space<vmem>>
      %dma_wait3A_466 = tpu.memref_squeeze %dma_wait3A_465 : memref<1x125x128xbf16, #tpu.memory_space<vmem>> -> memref<125x128xbf16, #tpu.memory_space<vmem>>
      %dma_wait3A_467 = arith.constant 0 : i32
      %dma_wait3A_468 = tpu.memref_slice %arg8[%add3A_461, %dma_wait3A_467] : memref<80x125xi32, #tpu.memory_space<vmem>> -> memref<1x125xi32, #tpu.memory_space<vmem>>
      %dma_wait3A_469 = tpu.memref_squeeze %dma_wait3A_468 : memref<1x125xi32, #tpu.memory_space<vmem>> -> memref<125xi32, #tpu.memory_space<vmem>>
      %dma_wait3A_470 = arith.constant 0 : i32
      %dma_wait3A_471 = arith.constant 0 : i32
      %dma_wait3A_472 = tpu.memref_slice %arg10[%dma_wait3A_470, %dma_wait3A_471] : memref<10000x128xbf16, #tpu.memory_space<vmem_shared>> -> memref<10000x128xbf16, #tpu.memory_space<vmem_shared>>
      tpu.wait_indirect_dma semaphore(%arg24 : memref<!tpu.dma_semaphore, #tpu.memory_space<semaphore_mem>>) src(%dma_wait3A_466 : memref<125x128xbf16, #tpu.memory_space<vmem>>) dst(%dma_wait3A_472 : memref<10000x128xbf16, #tpu.memory_space<vmem_shared>>)
      %add3A_473 = arith.constant 1 : i32
      %add3A_474 = arith.addi %scan3A_150, %add3A_473 : i32
      %lt3A_475 = arith.constant 10 : i32
      %lt3A_476 = arith.cmpi slt, %add3A_474, %lt3A_475 : i32
      %convert_element_type3A_477 = arith.extui %lt3A_476 : i1 to i32
      %cond3A_478 = arith.constant 0 : i32
      %cond3A_479 = arith.cmpi ne, %convert_element_type3A_477, %cond3A_478 : i32
      scf.if %cond3A_479 {
        %add3A_520 = arith.constant 8 : i32
        %add3A_521 = arith.addi %mul3A_152, %add3A_520 : i32
        %add3A_522 = arith.constant 5 : i32
        %add3A_523 = arith.addi %add3A_521, %add3A_522 : i32
        %dma_start3A_524 = arith.constant 5 : i32
        %dma_start3A_525 = arith.constant 0 : i32
        %dma_start3A_526 = arith.constant 0 : i32
        %dma_start3A_527 = tpu.memref_slice %arg9[%dma_start3A_524, %dma_start3A_525, %dma_start3A_526] : memref<8x125x128xbf16, #tpu.memory_space<vmem>> -> memref<1x125x128xbf16, #tpu.memory_space<vmem>>
        %dma_start3A_528 = tpu.memref_squeeze %dma_start3A_527 : memref<1x125x128xbf16, #tpu.memory_space<vmem>> -> memref<125x128xbf16, #tpu.memory_space<vmem>>
        %dma_start3A_529 = arith.constant 0 : i32
        %dma_start3A_530 = tpu.memref_slice %arg7[%add3A_523, %dma_start3A_529] : memref<80x125xi32, #tpu.memory_space<vmem>> -> memref<1x125xi32, #tpu.memory_space<vmem>>
        %dma_start3A_531 = tpu.memref_squeeze %dma_start3A_530 : memref<1x125xi32, #tpu.memory_space<vmem>> -> memref<125xi32, #tpu.memory_space<vmem>>
        %dma_start3A_532 = arith.constant 0 : i32
        %dma_start3A_533 = arith.constant 0 : i32
        %dma_start3A_534 = tpu.memref_slice %arg2[%dma_start3A_532, %dma_start3A_533] : memref<10000x128xbf16, #tpu.memory_space<hbm>> -> memref<10000x128xbf16, #tpu.memory_space<hbm>>
        tpu.enqueue_indirect_dma source(%dma_start3A_534 : memref<10000x128xbf16, #tpu.memory_space<hbm>>) target(%dma_start3A_528 : memref<125x128xbf16, #tpu.memory_space<vmem>>) offsets(%dma_start3A_531 : memref<125xi32, #tpu.memory_space<vmem>>) semaphore(%arg16 : memref<!tpu.dma_semaphore, #tpu.memory_space<semaphore_mem>>)
      } else {
      }
      %add3A_480 = arith.constant 6 : i32
      %add3A_481 = arith.addi %mul3A_152, %add3A_480 : i32
      %dma_wait3A_482 = arith.constant 6 : i32
      %dma_wait3A_483 = arith.constant 0 : i32
      %dma_wait3A_484 = arith.constant 0 : i32
      %dma_wait3A_485 = tpu.memref_slice %arg9[%dma_wait3A_482, %dma_wait3A_483, %dma_wait3A_484] : memref<8x125x128xbf16, #tpu.memory_space<vmem>> -> memref<1x125x128xbf16, #tpu.memory_space<vmem>>
      %dma_wait3A_486 = tpu.memref_squeeze %dma_wait3A_485 : memref<1x125x128xbf16, #tpu.memory_space<vmem>> -> memref<125x128xbf16, #tpu.memory_space<vmem>>
      %dma_wait3A_487 = arith.constant 0 : i32
      %dma_wait3A_488 = tpu.memref_slice %arg8[%add3A_481, %dma_wait3A_487] : memref<80x125xi32, #tpu.memory_space<vmem>> -> memref<1x125xi32, #tpu.memory_space<vmem>>
      %dma_wait3A_489 = tpu.memref_squeeze %dma_wait3A_488 : memref<1x125xi32, #tpu.memory_space<vmem>> -> memref<125xi32, #tpu.memory_space<vmem>>
      %dma_wait3A_490 = arith.constant 0 : i32
      %dma_wait3A_491 = arith.constant 0 : i32
      %dma_wait3A_492 = tpu.memref_slice %arg10[%dma_wait3A_490, %dma_wait3A_491] : memref<10000x128xbf16, #tpu.memory_space<vmem_shared>> -> memref<10000x128xbf16, #tpu.memory_space<vmem_shared>>
      tpu.wait_indirect_dma semaphore(%arg25 : memref<!tpu.dma_semaphore, #tpu.memory_space<semaphore_mem>>) src(%dma_wait3A_486 : memref<125x128xbf16, #tpu.memory_space<vmem>>) dst(%dma_wait3A_492 : memref<10000x128xbf16, #tpu.memory_space<vmem_shared>>)
      %add3A_493 = arith.constant 1 : i32
      %add3A_494 = arith.addi %scan3A_150, %add3A_493 : i32
      %lt3A_495 = arith.constant 10 : i32
      %lt3A_496 = arith.cmpi slt, %add3A_494, %lt3A_495 : i32
      %convert_element_type3A_497 = arith.extui %lt3A_496 : i1 to i32
      %cond3A_498 = arith.constant 0 : i32
      %cond3A_499 = arith.cmpi ne, %convert_element_type3A_497, %cond3A_498 : i32
      scf.if %cond3A_499 {
        %add3A_520 = arith.constant 8 : i32
        %add3A_521 = arith.addi %mul3A_152, %add3A_520 : i32
        %add3A_522 = arith.constant 6 : i32
        %add3A_523 = arith.addi %add3A_521, %add3A_522 : i32
        %dma_start3A_524 = arith.constant 6 : i32
        %dma_start3A_525 = arith.constant 0 : i32
        %dma_start3A_526 = arith.constant 0 : i32
        %dma_start3A_527 = tpu.memref_slice %arg9[%dma_start3A_524, %dma_start3A_525, %dma_start3A_526] : memref<8x125x128xbf16, #tpu.memory_space<vmem>> -> memref<1x125x128xbf16, #tpu.memory_space<vmem>>
        %dma_start3A_528 = tpu.memref_squeeze %dma_start3A_527 : memref<1x125x128xbf16, #tpu.memory_space<vmem>> -> memref<125x128xbf16, #tpu.memory_space<vmem>>
        %dma_start3A_529 = arith.constant 0 : i32
        %dma_start3A_530 = tpu.memref_slice %arg7[%add3A_523, %dma_start3A_529] : memref<80x125xi32, #tpu.memory_space<vmem>> -> memref<1x125xi32, #tpu.memory_space<vmem>>
        %dma_start3A_531 = tpu.memref_squeeze %dma_start3A_530 : memref<1x125xi32, #tpu.memory_space<vmem>> -> memref<125xi32, #tpu.memory_space<vmem>>
        %dma_start3A_532 = arith.constant 0 : i32
        %dma_start3A_533 = arith.constant 0 : i32
        %dma_start3A_534 = tpu.memref_slice %arg2[%dma_start3A_532, %dma_start3A_533] : memref<10000x128xbf16, #tpu.memory_space<hbm>> -> memref<10000x128xbf16, #tpu.memory_space<hbm>>
        tpu.enqueue_indirect_dma source(%dma_start3A_534 : memref<10000x128xbf16, #tpu.memory_space<hbm>>) target(%dma_start3A_528 : memref<125x128xbf16, #tpu.memory_space<vmem>>) offsets(%dma_start3A_531 : memref<125xi32, #tpu.memory_space<vmem>>) semaphore(%arg17 : memref<!tpu.dma_semaphore, #tpu.memory_space<semaphore_mem>>)
      } else {
      }
      %add3A_500 = arith.constant 7 : i32
      %add3A_501 = arith.addi %mul3A_152, %add3A_500 : i32
      %dma_wait3A_502 = arith.constant 7 : i32
      %dma_wait3A_503 = arith.constant 0 : i32
      %dma_wait3A_504 = arith.constant 0 : i32
      %dma_wait3A_505 = tpu.memref_slice %arg9[%dma_wait3A_502, %dma_wait3A_503, %dma_wait3A_504] : memref<8x125x128xbf16, #tpu.memory_space<vmem>> -> memref<1x125x128xbf16, #tpu.memory_space<vmem>>
      %dma_wait3A_506 = tpu.memref_squeeze %dma_wait3A_505 : memref<1x125x128xbf16, #tpu.memory_space<vmem>> -> memref<125x128xbf16, #tpu.memory_space<vmem>>
      %dma_wait3A_507 = arith.constant 0 : i32
      %dma_wait3A_508 = tpu.memref_slice %arg8[%add3A_501, %dma_wait3A_507] : memref<80x125xi32, #tpu.memory_space<vmem>> -> memref<1x125xi32, #tpu.memory_space<vmem>>
      %dma_wait3A_509 = tpu.memref_squeeze %dma_wait3A_508 : memref<1x125xi32, #tpu.memory_space<vmem>> -> memref<125xi32, #tpu.memory_space<vmem>>
      %dma_wait3A_510 = arith.constant 0 : i32
      %dma_wait3A_511 = arith.constant 0 : i32
      %dma_wait3A_512 = tpu.memref_slice %arg10[%dma_wait3A_510, %dma_wait3A_511] : memref<10000x128xbf16, #tpu.memory_space<vmem_shared>> -> memref<10000x128xbf16, #tpu.memory_space<vmem_shared>>
      tpu.wait_indirect_dma semaphore(%arg26 : memref<!tpu.dma_semaphore, #tpu.memory_space<semaphore_mem>>) src(%dma_wait3A_506 : memref<125x128xbf16, #tpu.memory_space<vmem>>) dst(%dma_wait3A_512 : memref<10000x128xbf16, #tpu.memory_space<vmem_shared>>)
      %add3A_513 = arith.constant 1 : i32
      %add3A_514 = arith.addi %scan3A_150, %add3A_513 : i32
      %lt3A_515 = arith.constant 10 : i32
      %lt3A_516 = arith.cmpi slt, %add3A_514, %lt3A_515 : i32
      %convert_element_type3A_517 = arith.extui %lt3A_516 : i1 to i32
      %cond3A_518 = arith.constant 0 : i32
      %cond3A_519 = arith.cmpi ne, %convert_element_type3A_517, %cond3A_518 : i32
      scf.if %cond3A_519 {
        %add3A_520 = arith.constant 8 : i32
        %add3A_521 = arith.addi %mul3A_152, %add3A_520 : i32
        %add3A_522 = arith.constant 7 : i32
        %add3A_523 = arith.addi %add3A_521, %add3A_522 : i32
        %dma_start3A_524 = arith.constant 7 : i32
        %dma_start3A_525 = arith.constant 0 : i32
        %dma_start3A_526 = arith.constant 0 : i32
        %dma_start3A_527 = tpu.memref_slice %arg9[%dma_start3A_524, %dma_start3A_525, %dma_start3A_526] : memref<8x125x128xbf16, #tpu.memory_space<vmem>> -> memref<1x125x128xbf16, #tpu.memory_space<vmem>>
        %dma_start3A_528 = tpu.memref_squeeze %dma_start3A_527 : memref<1x125x128xbf16, #tpu.memory_space<vmem>> -> memref<125x128xbf16, #tpu.memory_space<vmem>>
        %dma_start3A_529 = arith.constant 0 : i32
        %dma_start3A_530 = tpu.memref_slice %arg7[%add3A_523, %dma_start3A_529] : memref<80x125xi32, #tpu.memory_space<vmem>> -> memref<1x125xi32, #tpu.memory_space<vmem>>
        %dma_start3A_531 = tpu.memref_squeeze %dma_start3A_530 : memref<1x125xi32, #tpu.memory_space<vmem>> -> memref<125xi32, #tpu.memory_space<vmem>>
        %dma_start3A_532 = arith.constant 0 : i32
        %dma_start3A_533 = arith.constant 0 : i32
        %dma_start3A_534 = tpu.memref_slice %arg2[%dma_start3A_532, %dma_start3A_533] : memref<10000x128xbf16, #tpu.memory_space<hbm>> -> memref<10000x128xbf16, #tpu.memory_space<hbm>>
        tpu.enqueue_indirect_dma source(%dma_start3A_534 : memref<10000x128xbf16, #tpu.memory_space<hbm>>) target(%dma_start3A_528 : memref<125x128xbf16, #tpu.memory_space<vmem>>) offsets(%dma_start3A_531 : memref<125xi32, #tpu.memory_space<vmem>>) semaphore(%arg18 : memref<!tpu.dma_semaphore, #tpu.memory_space<semaphore_mem>>)
      } else {
      }
    }
    %scan3A_143 = arith.constant 10 : i32
    %barrier3A_144 = arith.constant 0 : index
    tpu.barrier barrier_id(%barrier3A_144)
    "tpu.region"() ({
      %run_scoped3A = tpu.sem_alloc : memref<!tpu.dma_semaphore, #tpu.memory_space<semaphore_mem>>
      %dma_start3A_150 = arith.constant 0 : i32
      %dma_start3A_151 = tpu.memref_slice %arg6[%arg0, %multiple_of3A, %dma_start3A_150] : memref<2x10000x128xbf16, #tpu.memory_space<hbm>> -> memref<1x624x128xbf16, #tpu.memory_space<hbm>>
      %dma_start3A_152 = tpu.memref_squeeze %dma_start3A_151 : memref<1x624x128xbf16, #tpu.memory_space<hbm>> -> memref<624x128xbf16, #tpu.memory_space<hbm>>
      %dma_start3A_153 = arith.constant 0 : i32
      %dma_start3A_154 = tpu.memref_slice %arg10[%multiple_of3A, %dma_start3A_153] : memref<10000x128xbf16, #tpu.memory_space<vmem_shared>> -> memref<624x128xbf16, #tpu.memory_space<vmem_shared>>
      tpu.enqueue_dma source(%dma_start3A_154 : memref<624x128xbf16, #tpu.memory_space<vmem_shared>>) target(%dma_start3A_152 : memref<624x128xbf16, #tpu.memory_space<hbm>>) target_semaphore(%run_scoped3A : memref<!tpu.dma_semaphore, #tpu.memory_space<semaphore_mem>>)
      %dma_wait3A_155 = arith.constant 0 : i32
      %dma_wait3A_156 = tpu.memref_slice %arg6[%arg0, %multiple_of3A, %dma_wait3A_155] : memref<2x10000x128xbf16, #tpu.memory_space<hbm>> -> memref<1x624x128xbf16, #tpu.memory_space<hbm>>
      %dma_wait3A_157 = tpu.memref_squeeze %dma_wait3A_156 : memref<1x624x128xbf16, #tpu.memory_space<hbm>> -> memref<624x128xbf16, #tpu.memory_space<hbm>>
      %dma_wait3A_158 = arith.constant 0 : i32
      %dma_wait3A_159 = tpu.memref_slice %arg10[%multiple_of3A, %dma_wait3A_158] : memref<10000x128xbf16, #tpu.memory_space<vmem_shared>> -> memref<624x128xbf16, #tpu.memory_space<vmem_shared>>
      tpu.wait_dma2 semaphore(%run_scoped3A : memref<!tpu.dma_semaphore, #tpu.memory_space<semaphore_mem>>) src(%dma_wait3A_159 : memref<624x128xbf16, #tpu.memory_space<vmem_shared>>) dst(%dma_wait3A_157 : memref<624x128xbf16, #tpu.memory_space<hbm>>)
      tpu.yield
    }) : () -> ()
    %eq3A_145 = arith.constant 15 : i32
    %eq3A_146 = arith.cmpi eq, %arg1, %eq3A_145 : i32
    %convert_element_type3A_147 = arith.extui %eq3A_146 : i1 to i32
    %cond3A_148 = arith.constant 0 : i32
    %cond3A_149 = arith.cmpi ne, %convert_element_type3A_147, %cond3A_148 : i32
    scf.if %cond3A_149 {
      "tpu.region"() ({
        %run_scoped3A = tpu.sem_alloc : memref<!tpu.dma_semaphore, #tpu.memory_space<semaphore_mem>>
        %dma_start3A_150 = arith.constant 9984 : i32
        %dma_start3A_151 = arith.constant 0 : i32
        %dma_start3A_152 = tpu.memref_slice %arg6[%arg0, %dma_start3A_150, %dma_start3A_151] : memref<2x10000x128xbf16, #tpu.memory_space<hbm>> -> memref<1x16x128xbf16, #tpu.memory_space<hbm>>
        %dma_start3A_153 = tpu.memref_squeeze %dma_start3A_152 : memref<1x16x128xbf16, #tpu.memory_space<hbm>> -> memref<16x128xbf16, #tpu.memory_space<hbm>>
        %dma_start3A_154 = arith.constant 9984 : i32
        %dma_start3A_155 = arith.constant 0 : i32
        %dma_start3A_156 = tpu.memref_slice %arg10[%dma_start3A_154, %dma_start3A_155] : memref<10000x128xbf16, #tpu.memory_space<vmem_shared>> -> memref<16x128xbf16, #tpu.memory_space<vmem_shared>>
        tpu.enqueue_dma source(%dma_start3A_156 : memref<16x128xbf16, #tpu.memory_space<vmem_shared>>) target(%dma_start3A_153 : memref<16x128xbf16, #tpu.memory_space<hbm>>) target_semaphore(%run_scoped3A : memref<!tpu.dma_semaphore, #tpu.memory_space<semaphore_mem>>)
        %dma_wait3A_157 = arith.constant 9984 : i32
        %dma_wait3A_158 = arith.constant 0 : i32
        %dma_wait3A_159 = tpu.memref_slice %arg6[%arg0, %dma_wait3A_157, %dma_wait3A_158] : memref<2x10000x128xbf16, #tpu.memory_space<hbm>> -> memref<1x16x128xbf16, #tpu.memory_space<hbm>>
        %dma_wait3A_160 = tpu.memref_squeeze %dma_wait3A_159 : memref<1x16x128xbf16, #tpu.memory_space<hbm>> -> memref<16x128xbf16, #tpu.memory_space<hbm>>
        %dma_wait3A_161 = arith.constant 9984 : i32
        %dma_wait3A_162 = arith.constant 0 : i32
        %dma_wait3A_163 = tpu.memref_slice %arg10[%dma_wait3A_161, %dma_wait3A_162] : memref<10000x128xbf16, #tpu.memory_space<vmem_shared>> -> memref<16x128xbf16, #tpu.memory_space<vmem_shared>>
        tpu.wait_dma2 semaphore(%run_scoped3A : memref<!tpu.dma_semaphore, #tpu.memory_space<semaphore_mem>>) src(%dma_wait3A_163 : memref<16x128xbf16, #tpu.memory_space<vmem_shared>>) dst(%dma_wait3A_160 : memref<16x128xbf16, #tpu.memory_space<hbm>>)
        tpu.yield
      }) : () -> ()
    } else {
    }
    return
  }
}

module attributes {stable_mosaic.version = 14 : i64} {
  func.func @_dense_body(%arg0: i32, %arg1: memref<1000x128xbf16, #tpu.memory_space<vmem>>, %arg2: memref<1000x128xbf16, #tpu.memory_space<vmem>>, %arg3: memref<1000x128xbf16, #tpu.memory_space<vmem>>, %arg4: memref<128x128xf32, #tpu.memory_space<vmem>>, %arg5: memref<128x128xf32, #tpu.memory_space<vmem>>, %arg6: memref<1x128xf32, #tpu.memory_space<vmem>>, %arg7: memref<1000x128xbf16, #tpu.memory_space<vmem>>) attributes {dimension_semantics = [#tpu.dimension_semantics<arbitrary>], iteration_bounds = array<i64: 10>, scalar_prefetch = 0 : i64, scratch_operands = 0 : i64, tpu.core_type = #tpu.core_type<tc>, window_params = [{transform_indices = @transform_0, window_bounds = array<i64: 1000, 128>}, {transform_indices = @transform_1, window_bounds = array<i64: 1000, 128>}, {transform_indices = @transform_2, window_bounds = array<i64: 1000, 128>}, {pipeline_mode = #tpu.pipeline_mode<synchronous>, transform_indices = @transform_3, window_bounds = array<i64: 128, 128>}, {pipeline_mode = #tpu.pipeline_mode<synchronous>, transform_indices = @transform_4, window_bounds = array<i64: 128, 128>}, {pipeline_mode = #tpu.pipeline_mode<synchronous>, transform_indices = @transform_5, window_bounds = array<i64: 1, 128>}, {transform_indices = @transform_6, window_bounds = array<i64: 1000, 128>}]} {
    %get3A = arith.constant 0 : index
    %get3A_0 = arith.constant 0 : index
    %get3A_1 = vector.load %arg1[%get3A, %get3A_0] : memref<1000x128xbf16, #tpu.memory_space<vmem>>, vector<1000x128xbf16>
    %convert_element_type3A = arith.extf %get3A_1 : vector<1000x128xbf16> to vector<1000x128xf32>
    %get3A_2 = arith.constant 0 : index
    %get3A_3 = arith.constant 0 : index
    %get3A_4 = vector.load %arg2[%get3A_2, %get3A_3] : memref<1000x128xbf16, #tpu.memory_space<vmem>>, vector<1000x128xbf16>
    %convert_element_type3A_5 = arith.extf %get3A_4 : vector<1000x128xbf16> to vector<1000x128xf32>
    %add3A = arith.addf %convert_element_type3A, %convert_element_type3A_5 : vector<1000x128xf32>
    %get3A_6 = arith.constant 0 : index
    %get3A_7 = arith.constant 0 : index
    %get3A_8 = vector.load %arg4[%get3A_6, %get3A_7] : memref<128x128xf32, #tpu.memory_space<vmem>>, vector<128x128xf32>
    %dot_general3A = arith.constant dense<0.000000e+00> : vector<1000x128xf32>
    %dot_general3A_9 = tpu.matmul %add3A, %get3A_8, %dot_general3A {dimension_numbers = #tpu.dot_dimension_numbers<[1], [0], [0], [1], [0, 0, 1, 1], [], []>, transpose_lhs_hint = false} : vector<1000x128xf32>, vector<128x128xf32>, vector<1000x128xf32> -> vector<1000x128xf32>
    %get3A_10 = arith.constant 0 : index
    %get3A_11 = arith.constant 0 : index
    %get3A_12 = vector.load %arg3[%get3A_10, %get3A_11] : memref<1000x128xbf16, #tpu.memory_space<vmem>>, vector<1000x128xbf16>
    %convert_element_type3A_13 = arith.extf %get3A_12 : vector<1000x128xbf16> to vector<1000x128xf32>
    %get3A_14 = arith.constant 0 : index
    %get3A_15 = arith.constant 0 : index
    %get3A_16 = vector.load %arg5[%get3A_14, %get3A_15] : memref<128x128xf32, #tpu.memory_space<vmem>>, vector<128x128xf32>
    %dot_general3A_17 = arith.constant dense<0.000000e+00> : vector<1000x128xf32>
    %dot_general3A_18 = tpu.matmul %convert_element_type3A_13, %get3A_16, %dot_general3A_17 {dimension_numbers = #tpu.dot_dimension_numbers<[1], [0], [0], [1], [0, 0, 1, 1], [], []>, transpose_lhs_hint = false} : vector<1000x128xf32>, vector<128x128xf32>, vector<1000x128xf32> -> vector<1000x128xf32>
    %add3A_19 = arith.addf %dot_general3A_9, %dot_general3A_18 : vector<1000x128xf32>
    %get3A_20 = arith.constant 0 : index
    %get3A_21 = arith.constant 0 : index
    %get3A_22 = vector.load %arg6[%get3A_20, %get3A_21] : memref<1x128xf32, #tpu.memory_space<vmem>>, vector<1x128xf32>
    %add3A_23 = vector.broadcast %get3A_22 : vector<1x128xf32> to vector<1000x128xf32>
    %add3A_24 = arith.addf %add3A_19, %add3A_23 : vector<1000x128xf32>
    %max3A = arith.constant 0.000000e+00 : f32
    %max3A_25 = vector.broadcast %max3A : f32 to vector<1000x128xf32>
    %max3A_26 = arith.maximumf %add3A_24, %max3A_25 : vector<1000x128xf32>
    %convert_element_type3A_27 = arith.truncf %max3A_26 : vector<1000x128xf32> to vector<1000x128xbf16>
    %swap3A = arith.constant 0 : index
    %swap3A_28 = arith.constant 0 : index
    %swap3A_29 = vector.load %arg7[%swap3A, %swap3A_28] : memref<1000x128xbf16, #tpu.memory_space<vmem>>, vector<1000x128xbf16>
    tpu.vector_store %arg7[%swap3A, %swap3A_28], %convert_element_type3A_27 {strides = array<i32>} : memref<1000x128xbf16, #tpu.memory_space<vmem>>, vector<1000x128xbf16>,
    return
  }
  func.func @transform_0(%arg0: i32) -> (i32, i32) {
    %c0_i32 = arith.constant 0 : i32
    %c0_i32_0 = arith.constant 0 : i32
    return %arg0, %c0_i32 : i32, i32
  }
  func.func @transform_1(%arg0: i32) -> (i32, i32) {
    %c0_i32 = arith.constant 0 : i32
    %c0_i32_0 = arith.constant 0 : i32
    return %arg0, %c0_i32 : i32, i32
  }
  func.func @transform_2(%arg0: i32) -> (i32, i32) {
    %c0_i32 = arith.constant 0 : i32
    %c0_i32_0 = arith.constant 0 : i32
    return %arg0, %c0_i32 : i32, i32
  }
  func.func @transform_3(%arg0: i32) -> (i32, i32) {
    %c0_i32 = arith.constant 0 : i32
    %c0_i32_0 = arith.constant 0 : i32
    %c0_i32_1 = arith.constant 0 : i32
    return %c0_i32, %c0_i32_0 : i32, i32
  }
  func.func @transform_4(%arg0: i32) -> (i32, i32) {
    %c0_i32 = arith.constant 0 : i32
    %c0_i32_0 = arith.constant 0 : i32
    %c0_i32_1 = arith.constant 0 : i32
    return %c0_i32, %c0_i32_0 : i32, i32
  }
  func.func @transform_5(%arg0: i32) -> (i32, i32) {
    %c0_i32 = arith.constant 0 : i32
    %c0_i32_0 = arith.constant 0 : i32
    %c0_i32_1 = arith.constant 0 : i32
    return %c0_i32, %c0_i32_0 : i32, i32
  }
  func.func @transform_6(%arg0: i32) -> (i32, i32) {
    %c0_i32 = arith.constant 0 : i32
    %c0_i32_0 = arith.constant 0 : i32
    return %arg0, %c0_i32 : i32, i32
  }
}

module attributes {stable_mosaic.version = 14 : i64} {
  func.func @_tail_body(%arg0: i32, %arg1: memref<1000x128xbf16, #tpu.memory_space<vmem>>, %arg2: memref<1000x128xbf16, #tpu.memory_space<vmem>>, %arg3: memref<1000x128xbf16, #tpu.memory_space<vmem>>, %arg4: memref<128x128xf32, #tpu.memory_space<vmem>>, %arg5: memref<128x128xf32, #tpu.memory_space<vmem>>, %arg6: memref<1x128xf32, #tpu.memory_space<vmem>>, %arg7: memref<1x1x1000xi32, #tpu.memory_space<vmem>>, %arg8: memref<128x2xf32, #tpu.memory_space<vmem>>, %arg9: memref<1x2xf32, #tpu.memory_space<vmem>>, %arg10: memref<64x2xf32, #tpu.memory_space<vmem>>, %arg11: memref<64x128xf32, #tpu.memory_space<vmem>>, %arg12: memref<64x128xf32, #tpu.memory_space<vmem>>) attributes {dimension_semantics = [#tpu.dimension_semantics<arbitrary>], iteration_bounds = array<i64: 10>, scalar_prefetch = 0 : i64, scratch_operands = 2 : i64, tpu.core_type = #tpu.core_type<tc>, window_params = [{transform_indices = @transform_0, window_bounds = array<i64: 1000, 128>}, {transform_indices = @transform_1, window_bounds = array<i64: 1000, 128>}, {transform_indices = @transform_2, window_bounds = array<i64: 1000, 128>}, {pipeline_mode = #tpu.pipeline_mode<synchronous>, transform_indices = @transform_3, window_bounds = array<i64: 128, 128>}, {pipeline_mode = #tpu.pipeline_mode<synchronous>, transform_indices = @transform_4, window_bounds = array<i64: 128, 128>}, {pipeline_mode = #tpu.pipeline_mode<synchronous>, transform_indices = @transform_5, window_bounds = array<i64: 1, 128>}, {transform_indices = @transform_6, window_bounds = array<i64: 1, 1, 1000>}, {pipeline_mode = #tpu.pipeline_mode<synchronous>, transform_indices = @transform_7, window_bounds = array<i64: 128, 2>}, {pipeline_mode = #tpu.pipeline_mode<synchronous>, transform_indices = @transform_8, window_bounds = array<i64: 1, 2>}, {pipeline_mode = #tpu.pipeline_mode<synchronous>, transform_indices = @transform_9, window_bounds = array<i64: 64, 2>}]} {
    %get3A = arith.constant 0 : index
    %get3A_0 = arith.constant 0 : index
    %get3A_1 = vector.load %arg1[%get3A, %get3A_0] : memref<1000x128xbf16, #tpu.memory_space<vmem>>, vector<1000x128xbf16>
    %convert_element_type3A = arith.extf %get3A_1 : vector<1000x128xbf16> to vector<1000x128xf32>
    %get3A_2 = arith.constant 0 : index
    %get3A_3 = arith.constant 0 : index
    %get3A_4 = vector.load %arg2[%get3A_2, %get3A_3] : memref<1000x128xbf16, #tpu.memory_space<vmem>>, vector<1000x128xbf16>
    %convert_element_type3A_5 = arith.extf %get3A_4 : vector<1000x128xbf16> to vector<1000x128xf32>
    %add3A = arith.addf %convert_element_type3A, %convert_element_type3A_5 : vector<1000x128xf32>
    %get3A_6 = arith.constant 0 : index
    %get3A_7 = arith.constant 0 : index
    %get3A_8 = vector.load %arg4[%get3A_6, %get3A_7] : memref<128x128xf32, #tpu.memory_space<vmem>>, vector<128x128xf32>
    %dot_general3A = arith.constant dense<0.000000e+00> : vector<1000x128xf32>
    %dot_general3A_9 = tpu.matmul %add3A, %get3A_8, %dot_general3A {dimension_numbers = #tpu.dot_dimension_numbers<[1], [0], [0], [1], [0, 0, 1, 1], [], []>, transpose_lhs_hint = false} : vector<1000x128xf32>, vector<128x128xf32>, vector<1000x128xf32> -> vector<1000x128xf32>
    %get3A_10 = arith.constant 0 : index
    %get3A_11 = arith.constant 0 : index
    %get3A_12 = vector.load %arg3[%get3A_10, %get3A_11] : memref<1000x128xbf16, #tpu.memory_space<vmem>>, vector<1000x128xbf16>
    %convert_element_type3A_13 = arith.extf %get3A_12 : vector<1000x128xbf16> to vector<1000x128xf32>
    %get3A_14 = arith.constant 0 : index
    %get3A_15 = arith.constant 0 : index
    %get3A_16 = vector.load %arg5[%get3A_14, %get3A_15] : memref<128x128xf32, #tpu.memory_space<vmem>>, vector<128x128xf32>
    %dot_general3A_17 = arith.constant dense<0.000000e+00> : vector<1000x128xf32>
    %dot_general3A_18 = tpu.matmul %convert_element_type3A_13, %get3A_16, %dot_general3A_17 {dimension_numbers = #tpu.dot_dimension_numbers<[1], [0], [0], [1], [0, 0, 1, 1], [], []>, transpose_lhs_hint = false} : vector<1000x128xf32>, vector<128x128xf32>, vector<1000x128xf32> -> vector<1000x128xf32>
    %add3A_19 = arith.addf %dot_general3A_9, %dot_general3A_18 : vector<1000x128xf32>
    %get3A_20 = arith.constant 0 : index
    %get3A_21 = arith.constant 0 : index
    %get3A_22 = vector.load %arg6[%get3A_20, %get3A_21] : memref<1x128xf32, #tpu.memory_space<vmem>>, vector<1x128xf32>
    %add3A_23 = vector.broadcast %get3A_22 : vector<1x128xf32> to vector<1000x128xf32>
    %add3A_24 = arith.addf %add3A_19, %add3A_23 : vector<1000x128xf32>
    %get3A_25 = arith.constant 0 : index
    %get3A_26 = arith.constant 0 : index
    %get3A_27 = arith.constant 0 : index
    %get3A_28 = vector.load %arg7[%get3A_25, %get3A_26, %get3A_27] : memref<1x1x1000xi32, #tpu.memory_space<vmem>>, vector<1x1x1000xi32>
    %get3A_29 = vector.shape_cast %get3A_28 : vector<1x1x1000xi32> to vector<1000xi32>
    %broadcast_in_dim3A = vector.shape_cast %get3A_29 : vector<1000xi32> to vector<1x1000xi32>
    %iota3A = tpu.iota {dimensions = array<i32: 0>} : vector<64x1000xi32>
    %eq3A = vector.broadcast %broadcast_in_dim3A : vector<1x1000xi32> to vector<64x1000xi32>
    %eq3A_30 = arith.cmpi eq, %eq3A, %iota3A : vector<64x1000xi32>
    %convert_element_type3A_31 = arith.extui %eq3A_30 : vector<64x1000xi1> to vector<64x1000xi32>
    %convert_element_type3A_32 = arith.sitofp %convert_element_type3A_31 : vector<64x1000xi32> to vector<64x1000xf32>
    %dot_general3A_33 = arith.constant dense<0.000000e+00> : vector<64x128xf32>
    %dot_general3A_34 = tpu.matmul %convert_element_type3A_32, %add3A_24, %dot_general3A_33 {dimension_numbers = #tpu.dot_dimension_numbers<[1], [0], [0], [1], [0, 0, 1, 1], [], []>, transpose_lhs_hint = false} : vector<64x1000xf32>, vector<1000x128xf32>, vector<64x128xf32> -> vector<64x128xf32>
    %broadcast_in_dim3A_35 = arith.constant 1.000000e+00 : f32
    %broadcast_in_dim3A_36 = vector.broadcast %broadcast_in_dim3A_35 : f32 to vector<1000x128xf32>
    %dot_general3A_37 = arith.constant dense<0.000000e+00> : vector<64x128xf32>
    %dot_general3A_38 = tpu.matmul %convert_element_type3A_32, %broadcast_in_dim3A_36, %dot_general3A_37 {dimension_numbers = #tpu.dot_dimension_numbers<[1], [0], [0], [1], [0, 0, 1, 1], [], []>, transpose_lhs_hint = false} : vector<64x1000xf32>, vector<1000x128xf32>, vector<64x128xf32> -> vector<64x128xf32>
    %eq3A_39 = arith.constant 0 : i32
    %eq3A_40 = arith.cmpi eq, %arg0, %eq3A_39 : i32
    %convert_element_type3A_41 = arith.extui %eq3A_40 : i1 to i32
    %cond3A = arith.constant 0 : i32
    %cond3A_42 = arith.cmpi ne, %convert_element_type3A_41, %cond3A : i32
    scf.if %cond3A_42 {
      %broadcast_in_dim3A_61 = arith.constant 0.000000e+00 : f32
      %broadcast_in_dim3A_62 = vector.broadcast %broadcast_in_dim3A_61 : f32 to vector<64x128xf32>
      %swap3A_63 = arith.constant 0 : index
      %swap3A_64 = arith.constant 0 : index
      %swap3A_65 = vector.load %arg11[%swap3A_63, %swap3A_64] : memref<64x128xf32, #tpu.memory_space<vmem>>, vector<64x128xf32>
      tpu.vector_store %arg11[%swap3A_63, %swap3A_64], %broadcast_in_dim3A_62 {strides = array<i32>} : memref<64x128xf32, #tpu.memory_space<vmem>>, vector<64x128xf32>,
      %broadcast_in_dim3A_66 = arith.constant 0.000000e+00 : f32
      %broadcast_in_dim3A_67 = vector.broadcast %broadcast_in_dim3A_66 : f32 to vector<64x128xf32>
      %swap3A_68 = arith.constant 0 : index
      %swap3A_69 = arith.constant 0 : index
      %swap3A_70 = vector.load %arg12[%swap3A_68, %swap3A_69] : memref<64x128xf32, #tpu.memory_space<vmem>>, vector<64x128xf32>
      tpu.vector_store %arg12[%swap3A_68, %swap3A_69], %broadcast_in_dim3A_67 {strides = array<i32>} : memref<64x128xf32, #tpu.memory_space<vmem>>, vector<64x128xf32>,
    } else {
    }
    %get3A_43 = arith.constant 0 : index
    %get3A_44 = arith.constant 0 : index
    %get3A_45 = vector.load %arg11[%get3A_43, %get3A_44] : memref<64x128xf32, #tpu.memory_space<vmem>>, vector<64x128xf32>
    %add3A_46 = arith.addf %get3A_45, %dot_general3A_34 : vector<64x128xf32>
    %swap3A = arith.constant 0 : index
    %swap3A_47 = arith.constant 0 : index
    %swap3A_48 = vector.load %arg11[%swap3A, %swap3A_47] : memref<64x128xf32, #tpu.memory_space<vmem>>, vector<64x128xf32>
    tpu.vector_store %arg11[%swap3A, %swap3A_47], %add3A_46 {strides = array<i32>} : memref<64x128xf32, #tpu.memory_space<vmem>>, vector<64x128xf32>,
    %get3A_49 = arith.constant 0 : index
    %get3A_50 = arith.constant 0 : index
    %get3A_51 = vector.load %arg12[%get3A_49, %get3A_50] : memref<64x128xf32, #tpu.memory_space<vmem>>, vector<64x128xf32>
    %add3A_52 = arith.addf %get3A_51, %dot_general3A_38 : vector<64x128xf32>
    %swap3A_53 = arith.constant 0 : index
    %swap3A_54 = arith.constant 0 : index
    %swap3A_55 = vector.load %arg12[%swap3A_53, %swap3A_54] : memref<64x128xf32, #tpu.memory_space<vmem>>, vector<64x128xf32>
    tpu.vector_store %arg12[%swap3A_53, %swap3A_54], %add3A_52 {strides = array<i32>} : memref<64x128xf32, #tpu.memory_space<vmem>>, vector<64x128xf32>,
    %eq3A_56 = arith.constant 9 : i32
    %eq3A_57 = arith.cmpi eq, %arg0, %eq3A_56 : i32
    %convert_element_type3A_58 = arith.extui %eq3A_57 : i1 to i32
    %cond3A_59 = arith.constant 0 : i32
    %cond3A_60 = arith.cmpi ne, %convert_element_type3A_58, %cond3A_59 : i32
    scf.if %cond3A_60 {
      %get3A_61 = arith.constant 0 : index
      %get3A_62 = arith.constant 0 : index
      %get3A_63 = vector.load %arg11[%get3A_61, %get3A_62] : memref<64x128xf32, #tpu.memory_space<vmem>>, vector<64x128xf32>
      %get3A_64 = arith.constant 0 : index
      %get3A_65 = arith.constant 0 : index
      %get3A_66 = vector.load %arg12[%get3A_64, %get3A_65] : memref<64x128xf32, #tpu.memory_space<vmem>>, vector<64x128xf32>
      %max3A = arith.constant 1.000000e+00 : f32
      %max3A_67 = vector.broadcast %max3A : f32 to vector<64x128xf32>
      %max3A_68 = arith.maximumf %get3A_66, %max3A_67 : vector<64x128xf32>
      %div3A = arith.divf %get3A_63, %max3A_68 : vector<64x128xf32>
      %get3A_69 = arith.constant 0 : index
      %get3A_70 = arith.constant 0 : index
      %get3A_71 = vector.load %arg8[%get3A_69, %get3A_70] : memref<128x2xf32, #tpu.memory_space<vmem>>, vector<128x2xf32>
      %dot_general3A_72 = arith.constant dense<0.000000e+00> : vector<64x2xf32>
      %dot_general3A_73 = tpu.matmul %div3A, %get3A_71, %dot_general3A_72 {dimension_numbers = #tpu.dot_dimension_numbers<[1], [0], [0], [1], [0, 0, 1, 1], [], []>, transpose_lhs_hint = false} : vector<64x128xf32>, vector<128x2xf32>, vector<64x2xf32> -> vector<64x2xf32>
      %get3A_74 = arith.constant 0 : index
      %get3A_75 = arith.constant 0 : index
      %get3A_76 = vector.load %arg9[%get3A_74, %get3A_75] : memref<1x2xf32, #tpu.memory_space<vmem>>, vector<1x2xf32>
      %add3A_77 = vector.broadcast %get3A_76 : vector<1x2xf32> to vector<64x2xf32>
      %add3A_78 = arith.addf %dot_general3A_73, %add3A_77 : vector<64x2xf32>
      %swap3A_79 = arith.constant 0 : index
      %swap3A_80 = arith.constant 0 : index
      %swap3A_81 = vector.load %arg10[%swap3A_79, %swap3A_80] : memref<64x2xf32, #tpu.memory_space<vmem>>, vector<64x2xf32>
      tpu.vector_store %arg10[%swap3A_79, %swap3A_80], %add3A_78 {strides = array<i32>} : memref<64x2xf32, #tpu.memory_space<vmem>>, vector<64x2xf32>,
    } else {
    }
    return
  }
  func.func @transform_0(%arg0: i32) -> (i32, i32) {
    %c0_i32 = arith.constant 0 : i32
    %c0_i32_0 = arith.constant 0 : i32
    return %arg0, %c0_i32 : i32, i32
  }
  func.func @transform_1(%arg0: i32) -> (i32, i32) {
    %c0_i32 = arith.constant 0 : i32
    %c0_i32_0 = arith.constant 0 : i32
    return %arg0, %c0_i32 : i32, i32
  }
  func.func @transform_2(%arg0: i32) -> (i32, i32) {
    %c0_i32 = arith.constant 0 : i32
    %c0_i32_0 = arith.constant 0 : i32
    return %arg0, %c0_i32 : i32, i32
  }
  func.func @transform_3(%arg0: i32) -> (i32, i32) {
    %c0_i32 = arith.constant 0 : i32
    %c0_i32_0 = arith.constant 0 : i32
    %c0_i32_1 = arith.constant 0 : i32
    return %c0_i32, %c0_i32_0 : i32, i32
  }
  func.func @transform_4(%arg0: i32) -> (i32, i32) {
    %c0_i32 = arith.constant 0 : i32
    %c0_i32_0 = arith.constant 0 : i32
    %c0_i32_1 = arith.constant 0 : i32
    return %c0_i32, %c0_i32_0 : i32, i32
  }
  func.func @transform_5(%arg0: i32) -> (i32, i32) {
    %c0_i32 = arith.constant 0 : i32
    %c0_i32_0 = arith.constant 0 : i32
    %c0_i32_1 = arith.constant 0 : i32
    return %c0_i32, %c0_i32_0 : i32, i32
  }
  func.func @transform_6(%arg0: i32) -> (i32, i32, i32) {
    %c0_i32 = arith.constant 0 : i32
    %c0_i32_0 = arith.constant 0 : i32
    %c0_i32_1 = arith.constant 0 : i32
    return %arg0, %c0_i32, %c0_i32_0 : i32, i32, i32
  }
  func.func @transform_7(%arg0: i32) -> (i32, i32) {
    %c0_i32 = arith.constant 0 : i32
    %c0_i32_0 = arith.constant 0 : i32
    %c0_i32_1 = arith.constant 0 : i32
    return %c0_i32, %c0_i32_0 : i32, i32
  }
  func.func @transform_8(%arg0: i32) -> (i32, i32) {
    %c0_i32 = arith.constant 0 : i32
    %c0_i32_0 = arith.constant 0 : i32
    %c0_i32_1 = arith.constant 0 : i32
    return %c0_i32, %c0_i32_0 : i32, i32
  }
  func.func @transform_9(%arg0: i32) -> (i32, i32) {
    %c0_i32 = arith.constant 0 : i32
    %c0_i32_0 = arith.constant 0 : i32
    %c0_i32_1 = arith.constant 0 : i32
    return %c0_i32, %c0_i32_0 : i32, i32
  }
}

</mosaic_0001>

<sc_bundles>
// kernel: kernel.11.cloned.1.call-start
scs
__scs_entry_jumppad:
0x0: {  	(pc) =	sbr.rel $0x88, $3  }
0x1: {  	(tag) =	ssettag $0x0;
	lr =	simm.s32 $0x1  }
0x2: {  	[smem:$0x3F93] =	sst lr;
	_ =	strace $0xD0000000  }
0x3: {  	_ = 	snop  }
0x4: {  	_ = 	snop  }
0x5: {  	_ = 	snop  }
0x6: {  	_ = 	snop  }
0x7: {  	_ = 	snop  }
__scs_overlays_trampoline_lowered:
0x8: {  	[smem:$0x3FA2] =	sst s0  }
0x9: {  	[smem:$0x3FA3] =	sst s1  }
0xa: {  	[smem:$0x3FA4] =	sst s2  }
0xb: {  	[smem:$0x3FA5] =	sst s3  }
0xc: {  	[smem:$0x3FA6] =	sst s4  }
0xd: {  	[smem:$0x3FA7] =	sst s5  }
0xe: {  	[smem:$0x3FA8] =	sst s6  }
0xf: {  	[smem:$0x3FA9] =	sst s7  }
0x10: {  	[smem:$0x3FAA] =	sst s8  }
0x11: {  	[smem:$0x3FAB] =	sst s9;
	s0 =	simm.s32 @!p0 $0x0  }
0x12: {  	s1 =	sld [smem:$0x3F91];
	s0 =	simm.s32 @p0 $0x1  }
0x13: {  	[smem:$0x3FAC] =	sst s0;
	s0 =	simm.s32 @!p1 $0x0  }
0x14: {  	s2 =	sld [smem:$0x3F90];
	s0 =	simm.s32 @p1 $0x1  }
0x15: {  	[smem:$0x3FAD] =	sst s0;
	s0 =	simm.s32 @!p2 $0x0  }
0x16: {  	s3 =	sld [smem:$0x3FDB];
	s0 =	simm.s32 @p2 $0x1  }
0x17: {  	s4 =	simm.s32 $0x1BF5;
	[smem:$0x3FAF] =	sst s0  }
0x18: {  	s0 =	sld [smem:$0x3F92];
	_ =	swait.ge [sflag:s4], $0x0  }
0x19: {  	s7 =	sld [smem:$0x3F93]  }
0x1a: {  	s8 =	sadd.s32 $0xFFFFE003, lr  }
0x1b: {  	s9 =	sadd.s32 $0xFFFFFEF7, lr;
	s5 =	simm.s32 $0xFFFFFFFF;
	p2 =	slt.u32 s8, $0xFFFFF086  }
0x1c: {  	p1 =	slt.u32 s9, $0xF7A;
	s5 =	simm.s32 @!p2 $0x0  }
0x1d: {  	s5 =	simm.s32 @p1 $0x1;
	p0 =	seq.s32 s7, s2  }
0x1e: {  	s7 =	smul.u32 @!p0 $0xF7A, s2;
	p2 =	seq.s32 @!p0 s5, $0x0  }
0x1f: {  	s9 =	smul.u32 $0xF7A, s1;
	s8 =	simm.s32 @!p0 $0x1BF5;
	p2 =	por !p2, p0  }
0x20: {  	[sflag:s8] =	ssyncset.s32 @!p0 $0xFFFFF086;
	s6 =	sadd.s32 @!p0 s3, s7;
	s7 =	simm.s32 @!p0 $0x108  }
0x21: {  	s3 =	sadd.s32 s3, s9;
	s6 =	sadd.s32 @!p0 $0x88, s6;
	s7 =	simm.s32 @p2 $0x1082  }
0x22: {  	[simem:s7], [sflag:s8] =	dma.local @!p0 [hbm:s6], $0xF7A  }
0x23: {  	s9 =	sor.u32 $0xD0000000, s2;
	s6 =	simm.s32 $0x108;
	_ =	swait.ge @!p0 [sflag:s8], $0x0  }
0x24: {  	s3 =	sadd.s32 $0x88, s3;
	s6 =	simm.s32 @!p1 $0x1082;
	[sflag:s4] =	ssyncset.s32 $0xFFFFF086  }
0x25: {  	[simem:s6], [sflag:s4] =	dma.local [hbm:s3], $0xF7A  }
0x26: {  	[smem:$0x3F93] =	sst s1;
	(tag) =	ssettag s2;
	_ =	strace s9  }
0x27: {  	s1 =	sld [smem:$0x3FA3]  }
0x28: {  	s2 =	sld [smem:$0x3FA4]  }
0x29: {  	s4 =	sld [smem:$0x3FA6]  }
0x2a: {  	p0 =	seq.s32 s5, $0x0;
	s5 =	sld [smem:$0x3FA7]  }
0x2b: {  	s6 =	sld [smem:$0x3FA8]  }
0x2c: {  	s7 =	sld [smem:$0x3FA9]  }
0x2d: {  	s3 =	simm.s32 $0x108;
	s8 =	sld [smem:$0x3FAA]  }
0x2e: {  	s3 =	simm.s32 @!p0 $0x1082;
	s9 =	sld [smem:$0x3FAB]  }
0x2f: {  	lr =	sadd.s32 s0, s3;
	s0 =	sld [smem:$0x3FA2]  }
0x30: {  	s3 =	sld [smem:$0x3FA5]  }
0x31: {  	[smem:$0x3FAE] =	sst s10  }
0x32: {  	s10 =	sld [smem:$0x3FAC];
	_ =	sdelay $0x3  }
0x33: {  	p0 =	seq.s32 s10, $0x1;
	s10 =	sld [smem:$0x3FAE];
	_ =	sdelay $0x3  }
0x34: {  	[smem:$0x3FAE] =	sst s10  }
0x35: {  	s10 =	sld [smem:$0x3FAD];
	_ =	sdelay $0x3  }
0x36: {  	p1 =	seq.s32 s10, $0x1;
	s10 =	sld [smem:$0x3FAE];
	_ =	sdelay $0x3  }
0x37: {  	[smem:$0x3FAE] =	sst s10  }
0x38: {  	s10 =	sld [smem:$0x3FAF]  }
0x39: {  	_ = 	snop;
	(pc) =	sbr.ind lr, $3  }
0x3a: {  	_ = 	snop  }
0x3b: {  	_ = 	snop  }
0x3c: {  	p2 =	seq.s32 s10, $0x1;
	s10 =	sld [smem:$0x3FAE]  }
0x3d: {  	_ =	shalt  }
0x3e: {  	_ =	shalt  }
0x3f: {  	_ =	shalt  }
0x40: {  	_ =	shalt  }
0x41: {  	_ =	shalt  }
0x42: {  	_ =	shalt  }
0x43: {  	_ =	shalt  }
0x44: {  	_ =	shalt  }
0x45: {  	_ =	shalt  }
0x46: {  	_ =	shalt  }
0x47: {  	_ =	shalt  }
0x48: {  	_ =	shalt  }
0x49: {  	_ =	shalt  }
0x4a: {  	_ =	shalt  }
0x4b: {  	_ =	shalt  }
0x4c: {  	_ =	shalt  }
0x4d: {  	_ =	shalt  }
0x4e: {  	_ =	shalt  }
0x4f: {  	_ =	shalt  }
0x50: {  	_ =	shalt  }
0x51: {  	_ =	shalt  }
0x52: {  	_ =	shalt  }
0x53: {  	_ =	shalt  }
0x54: {  	_ =	shalt  }
0x55: {  	_ =	shalt  }
0x56: {  	_ =	shalt  }
0x57: {  	_ =	shalt  }
0x58: {  	_ =	shalt  }
0x59: {  	_ =	shalt  }
0x5a: {  	_ =	shalt  }
0x5b: {  	_ =	shalt  }
0x5c: {  	_ =	shalt  }
0x5d: {  	_ =	shalt  }
0x5e: {  	_ =	shalt  }
0x5f: {  	_ =	shalt  }
0x60: {  	_ =	shalt  }
0x61: {  	_ =	shalt  }
0x62: {  	_ =	shalt  }
0x63: {  	_ =	shalt  }
0x64: {  	_ =	shalt  }
0x65: {  	_ =	shalt  }
0x66: {  	_ =	shalt  }
0x67: {  	_ =	shalt  }
0x68: {  	_ =	shalt  }
0x69: {  	_ =	shalt  }
0x6a: {  	_ =	shalt  }
0x6b: {  	_ =	shalt  }
0x6c: {  	_ =	shalt  }
0x6d: {  	_ =	shalt  }
0x6e: {  	_ =	shalt  }
0x6f: {  	_ =	shalt  }
0x70: {  	_ =	shalt  }
0x71: {  	_ =	shalt  }
0x72: {  	_ =	shalt  }
0x73: {  	_ =	shalt  }
0x74: {  	_ =	shalt  }
0x75: {  	_ =	shalt  }
0x76: {  	_ =	shalt  }
0x77: {  	_ =	shalt  }
0x78: {  	_ =	shalt  }
0x79: {  	_ =	shalt  }
0x7a: {  	_ =	shalt  }
0x7b: {  	_ =	shalt  }
0x7c: {  	_ =	shalt  }
0x7d: {  	_ =	shalt  }
0x7e: {  	_ =	shalt  }
0x7f: {  	_ =	shalt  }
0x80: {  	_ =	shalt  }
0x81: {  	_ =	shalt  }
0x82: {  	_ =	shalt  }
0x83: {  	_ =	shalt  }
0x84: {  	_ =	shalt  }
0x85: {  	_ =	shalt  }
0x86: {  	_ =	shalt  }
0x87: {  	_ =	shalt  }
.Lfunc_end0:
.L_simem_size_0:
called_computation.1_lowered:
.L_overlay_start_0:
0x88: {  	s2 =	sld [smem:$0x3FD9]  }
0x89: {  	s3 =	sld [smem:$0x3FFE];
	_ =	sdelay $0x1  }
0x8a: {  	s1 =	srdreg.scid  }
0x8b: {  	s0 =	sand.u32 $0x1, s1  }
0x8c: {  	s16 =	sshll.u32 s0, $0xA;
	s2 =	sadd.s32 s3, s2  }
0x8d: {  	s2 =	sadd.s32 s2, s16  }
0x8e: {  	[smem:$0x3FBA] =	sst s2  }
0x8f: {  	_ = 	snop  }
0x90: {  	(tm) =	ssettm $0x1  }
0x91: {  	s17 =	sld [smem:$0x3FFB];
	_ =	sdelay $0x3  }
0x92: {  	_ =	strace s17  }
0x93: {  	s2 =	sld [smem:$0x3FFC];
	_ =	sdelay $0x3  }
0x94: {  	_ =	strace s2  }
0x95: {  	s2 =	sld [smem:$0x3FFD];
	_ =	sdelay $0x3  }
0x96: {  	_ =	strace s2  }
0x97: {  	_ =	strace $0x8FFFFFFF  }
0x98: {  	s18 =	sld [smem:$0x3FDB];
	_ =	sdelay $0x1  }
0x99: {  	s19 =	simm.s32 $_scs_section_size  }
0x9a: {  	s4 =	simm.s32 $_size__tile_overlayer_lowered;
	s5 =	simm.s32 $_tile_overlayer_lowered  }
0x9b: {  	s22 =	simm.s32 $0x1BFF;
	s21 =	sshll.u32 s5, $0x1;
	s2 =	sadd.s32 s19, s18  }
0x9c: {  	s6 =	simm.s32 $0x0;
	s20 =	sshll.u32 s4, $0x1;
	s4 =	sadd.s32 s21, s2  }
0x9d: {  	[timem:s6], [sflag:s22] =	dma.local [hbm:s4], s20  }
0x9e: {  	_ =	swait.ge [sflag:s22], s20  }
0x9f: {  	s3 =	ssub.s32 $0x0, s20;
	[sflag:s22] =	ssyncset.done $0x0  }
0xa0: {  	[sflag:s22] =	ssyncadd.s32 s3;
	_ =	sdelay $0x1  }
0xa1: {  	s23 =	simm.s32 $0x1B8B  }
0xa2: {  	_ =	swait.ge [sflag:s23], $0x1  }
0xa3: {  	[sflag:s23] =	ssyncset.done $0x0  }
0xa4: {  	s25 =	simm.s32 $0x1B8E;
	s24 =	sld [smem:$0x3FFE];
	[sflag:s23] =	ssyncadd.s32 $0xFFFFFFFF  }
0xa5: {  	s26 =	simm.s32 $execute0_lowered;
	[smem:$0x3FD2] =	sst s25  }
0xa6: {  	s4 =	sshll.u32 s26, $0x1;
	_ =	strace $0x80000049;
	[dreg:$0x1] =	wrdreg $0xFFFFFFFF  }
0xa7: {  	s28 =	simm.s32 $_size_execute0_lowered;
	s2 =	sadd.s32 s2, s4;
	[dreg:$0x0] =	wrdreg $0x0  }
0xa8: {  	s4 =	sshll.u32 s28, $0x1;
	[dreg:$0x2] =	wrdreg s2  }
0xa9: {  	[dreg:$0x3] =	wrdreg s4  }
0xaa: {  	[dreg:$0x4] =	wrdreg $0xC0  }
0xab: {  	_ =	task [dreg:s6], $0x5FFFF  }
0xac: {  	[dreg:$0x1] =	wrdreg $0xFFFFFFFF  }
0xad: {  	[dreg:$0x0] =	wrdreg $0x60  }
0xae: {  	[dreg:$0x2] =	wrdreg s24  }
0xaf: {  	[dreg:$0x3] =	wrdreg $0x14A000  }
0xb0: {  	[dreg:$0x4] =	wrdreg $0x9  }
0xb1: {  	_ =	task.clear_ibuf [dreg:s6], $0x5FFFF;
	_ =	strace $0x90000049  }
0xb2: {  	s29 =	simm.s32 $0x9;
	_ =	strace $0x8000004B  }
0xb3: {  	_ =	swait.ge [sflag:s29], $0x1  }
0xb4: {  	[sflag:s29] =	ssyncadd.s32 $0xFFFFFFFF  }
0xb5: {  	_ =	strace $0x9000004B  }
0xb6: {  	_ =	sfence  }
0xb7: {  	s30 =	sld [smem:$0x0];
	_ =	sdelay $0x2  }
0xb8: {  	s31 =	sshll.u32 s1, $0xD;
	s1 =	sshrl.u32 s1, $0x2  }
0xb9: {  	s3 =	sand.u32 $0x4000, s31;
	s1 =	sadd.s32 s1, s30  }
0xba: {  	s0 =	sor.u32 s3, s0;
	s1 =	sshll.u32 s1, $0x11  }
0xbb: {  	s0 =	sor.u32 s1, s0  }
0xbc: {  	s0 =	sadd.s32 $0x8F2B, s0  }
0xbd: {  	[sflag:s0] =	ssyncadd.remote.s32 $0x1  }
0xbe: {  	_ =	sfence.sel $0xFFFF  }
0xbf: {  	[dreg:$0x0] =	wrdreg $0xFFFFFFFF;
	(pc) =	sbr.abs _section_cstart, $3  }
0xc0: {  	[dreg:$0x1] =	wrdreg $0xFFFFFFFF  }
0xc1: {  	_ =	task.clear_ibuf [dreg:s6], $0x2FFFF;
	_ =	strace $0x9FFFFFFF  }
0xc2: {  	(tm) =	ssettm $0x7FFFFFFF  }
0xc3: {  	_ =	shalt  }
tec
execute0_lowered:
.L_overlay_start_1:
0x0: {  	(tag) =	ssettag $0x1  }
0x1: {  	s0 =	rddreg [dreg:$0x0]  }
0x2: {  	s1 =	rddreg [dreg:$0x1];
	s2 =	srdreg.scid;
	s4 =	simm.s32 $0x0  }
0x3: {  	s10 =	stileid.u32;
	s17 =	simm.s32 $0x1;
	s18 =	simm.s32 $0x2  }
0x4: {  	s19 =	simm.s32 $0x3;
	s28 =	simm.s32 $0xADC0;
	s30 =	simm.s32 $0xCD00  }
0x5: {  	s15 =	simm.s32 $0x10B80;
	s29 =	simm.s32 $0x5;
	s31 =	simm.s32 $0x6  }
0x6: {  	s12 =	simm.s32 $0x10;
	s13 =	simm.s32 $0x0;
	s2 =	sand.u32 $0x1, s2  }
0x7: {  	[smem:$0x7FF] =	sst s4;
	s5 =	smul.u32 $0x13800, s10;
	s4 =	sadd.s32 $0x2A400, s0  }
0x8: {  	s9 =	sadd.s32 $0x3DE00, s0;
	s11 =	sshll.u32 s10, $0x6;
	p0 =	sne.s32 s10, $0xF  }
0x9: {  	s3 =	sshll.u32 s2, $0x4;
	_ =	strace $0x8000004A;
	s7 =	ssub.s32 $0x2, s2  }
0xa: {  	s2 =	smul.u32 $0x138800, s2;
	[dreg:$0x3] =	wrdreg s11;
	s21 =	sor.u32 $0x1C01, s11  }
0xb: {  	s11 =	simm.s32 $0xF;
	[dreg:$0xe] =	wrdreg s13;
	s3 =	sor.u32 s10, s3  }
0xc: {  	s6 =	sshrl.u32 s5, $0x4;
	s8 =	sshrl.u32 s7, $0x1;
	s20 =	sshrl.u32 s5, $0x1  }
0xd: {  	[dreg:$0x5] =	wrdreg s21;
	s21 =	simm.s32 $0x5000;
	s10 =	simm.s32 $0xE  }
0xe: {  	s3 =	smul.u32 $0x500, s3;
	s6 =	sadd.s32 s6, s0;
	s7 =	ssub.s32 s7, s8  }
0xf: {  	s8 =	sadd.s32 s20, s1;
	s23 =	sadd.s32 s5, s2;
	s2 =	sshrl.u32 s2, $0x4  }
0x10: {  	s5 =	sadd.s32 $0x9C000, s1;
	s20 =	simm.s32 $0x7D;
	s6 =	sadd.s32 $0x16A00, s6  }
0x11: {  	s2 =	sadd.s32 s9, s2;
	s26 =	smax.u32 s7, $0x1;
	s16 =	sshrl.u32 s8, $0x3  }
0x12: {  	s7 =	simm.s32 $0xA;
	s8 =	simm.s32 $0xB;
	[dreg:$0x4] =	wrdreg s6  }
0x13: {  	s3 =	sadd.s32 s3, s0;
	s0 =	sadd.s32 $0x2A200, s0;
	[dreg:$0xb] =	wrdreg s26  }
0x14: {  	s25 =	sadd.s32 $0x13800, s2;
	s26 =	simm.s32 $0x4;
	[dreg:$0xc] =	wrdreg s16  }
0x15: {  	s2 =	simm.s32 $0x7;
	s6 =	simm.s32 $0x9;
	[dreg:$0x8] =	wrdreg s0  }
0x16: {  	s22 =	sadd.s32 $0xCA00, s3;
	s3 =	sadd.s32 $0x2A00, s3;
	[dreg:$0xa] =	wrdreg s25  }
.Ltmp0:
0x17: {  	s25 =	simm.s32 $0x8E80;
	[dreg:$0x6] =	wrdreg s22;
	(pc) =	sbr.rel .LBB2_1-.Ltmp0, $4  }
0x18: {  	s0 =	simm.s32 $0xEC40;
	[dreg:$0x7] =	wrdreg s3;
	s3 =	sshrl.u32 s23, $0x4  }
0x19: {  	s23 =	simm.s32 $0x6F40;
	s22 =	simm.s32 $0x8;
	s24 =	sadd.s32 s9, s3  }
0x1a: {  	s3 =	sshrl.u32 @!p0 s5, $0x3;
	s9 =	simm.s32 $0xC;
	[dreg:$0x9] =	wrdreg s24  }
0x1b: {  	s5 =	simm.s32 $0xD;
	s24 =	simm.s32 $0x12AC0;
	[dreg:$0xd] =	wrdreg s3  }
.LBB2_3:
0x1c: {  	_ =	swait.ge [sflag:s7], $0x1F40  }
0x1d: {  	[sflag:s7] =	ssyncset.done $0x0  }
0x1e: {  	[sflag:s7] =	ssyncadd.s32 $0xFFFFE0C0  }
0x1f: {  	_ =	swait.ge [sflag:s8], $0x1F40  }
0x20: {  	[sflag:s8] =	ssyncset.done $0x0  }
0x21: {  	[sflag:s8] =	ssyncadd.s32 $0xFFFFE0C0  }
0x22: {  	_ =	swait.ge [sflag:s9], $0x1F40  }
0x23: {  	[sflag:s9] =	ssyncset.done $0x0  }
0x24: {  	[sflag:s9] =	ssyncadd.s32 $0xFFFFE0C0  }
0x25: {  	_ =	swait.ge [sflag:s5], $0x1F40  }
0x26: {  	[sflag:s5] =	ssyncset.done $0x0  }
0x27: {  	[sflag:s5] =	ssyncadd.s32 $0xFFFFE0C0  }
0x28: {  	_ =	swait.ge [sflag:s10], $0x1F40  }
0x29: {  	[sflag:s10] =	ssyncset.done $0x0  }
0x2a: {  	[sflag:s10] =	ssyncadd.s32 $0xFFFFE0C0  }
0x2b: {  	_ =	swait.ge [sflag:s11], $0x1F40  }
0x2c: {  	[sflag:s11] =	ssyncset.done $0x0  }
0x2d: {  	[sflag:s11] =	ssyncadd.s32 $0xFFFFE0C0  }
0x2e: {  	_ =	swait.ge [sflag:s12], $0x1F40  }
0x2f: {  	[sflag:s12] =	ssyncset.done $0x0  }
0x30: {  	[sflag:s12] =	ssyncadd.s32 $0xFFFFE0C0  }
.LBB2_5:
0x31: {  	[bflag:$0x0] =	sbarrier.arrive $0xFFFF  }
0x32: {  	s13 =	rddreg [dreg:$0x3]  }
0x33: {  	s14 =	rddreg [dreg:$0x9]  }
0x34: {  	s3 =	simm.s32 $0x11;
	s16 =	rddreg [dreg:$0xc];
	s13 =	sor.u32 $0x1C11, s13  }
0x35: {  	[hbm:s14], [sflag:s13] =	dma.local [spmem:s16], $0x1380  }
0x36: {  	_ =	swait.ge [sflag:s3], $0x1380  }
0x37: {  	[sflag:s3] =	ssyncset.done $0x0;
	s14 =	rddreg [dreg:$0xa]  }
0x38: {  	[sflag:s3] =	ssyncadd.s32 $0xFFFFEC80;
	s3 =	rddreg [dreg:$0xd]  }
0x39: {  	[hbm:s14], [sflag:s13] =	dma.local @!p0 [spmem:s3], $0x80  }
0x3a: {  	s13 =	simm.s32 @!p0 $0x11  }
0x3b: {  	_ =	swait.ge @!p0 [sflag:s13], $0x80  }
0x3c: {  	s21 =	rddreg [dreg:$0xe]  }
0x3d: {  	s14 =	rddreg [dreg:$0xb];
	s21 =	sadd.s32 $0x1, s21  }
0x3e: {  	p1 =	sne.s32 s21, s14  }
.Ltmp1:
0x3f: {  	_ = 	snop;
	(pc) =	sbr.rel @!p1 .LBB2_6-.Ltmp1, $3  }
0x40: {  	_ =	sdelay $0x1  }
0x41: {  	[sflag:s13] =	ssyncset.done @!p0 $0x0  }
0x42: {  	[sflag:s13] =	ssyncadd.s32 @!p0 $0xFFFFFF80;
	[dreg:$0xe] =	wrdreg s21;
	s21 =	simm.s32 $0x5000  }
.LBB2_1:
0x43: {  	s13 =	rddreg [dreg:$0x4]  }
0x44: {  	s14 =	rddreg [dreg:$0x5]  }
0x45: {  	[spmem:s16], [sflag:s14] =	dma.local [hbm:s13], $0x1380  }
0x46: {  	s14 =	simm.s32 $0x0;
	s13 =	rddreg [dreg:$0x6]  }
0x47: {  	[tilespmem:s14], [sflag:$0x2] =	stream.linear.gather [hbm4b:s13+s14], $0x2800, $0x38;
	[tilespmem:$0x1E640] =	vst v63  }
0x48: {  	s16 =	simm.s32 $0x2800;
	s13 =	rddreg [dreg:$0x7]  }
0x49: {  	[tilespmem:s16], [sflag:$0x3] =	stream.linear.gather [hbm4b:s13+s14], $0x2800, $0x38;
	[tilespmem:$0x1E640] =	vst v63  }
0x4a: {  	s13 =	simm.s32 @!p0 $0x1FC4;
	s16 =	rddreg [dreg:$0x8]  }
0x4b: {  	[spmem:s3], [sflag:s13] =	dma.local @!p0 [hbm:s16], $0x80  }
0x4c: {  	s13 =	simm.s32 @!p0 $0x4  }
0x4d: {  	_ =	swait.ge @!p0 [sflag:s13], $0x80  }
0x4e: {  	[sflag:s13] =	ssyncset.done @!p0 $0x0  }
0x4f: {  	[sflag:s13] =	ssyncadd.s32 @!p0 $0xFFFFFF80  }
0x50: {  	_ =	swait.ge [sflag:s17], $0x1380  }
0x51: {  	[sflag:s17] =	ssyncset.done $0x0  }
0x52: {  	[sflag:s17] =	ssyncadd.s32 $0xFFFFEC80  }
0x53: {  	_ =	swait.ge [sflag:s18], $0x2800  }
0x54: {  	[sflag:s18] =	ssyncset.done $0x0  }
0x55: {  	[sflag:s18] =	ssyncadd.s32 $0xFFFFD800  }
0x56: {  	_ =	swait.ge [sflag:s19], $0x2800  }
0x57: {  	[sflag:s19] =	ssyncset.done $0x0  }
0x58: {  	[sflag:s19] =	ssyncadd.s32 $0xFFFFD800  }
0x59: {  	[bflag:$0x0] =	sbarrier.arrive $0xFFFF  }
0x5a: {  	[tilespmem:s21], [sflag:$0x1] =	stream.indirect.gather [hbm4b:s4+s20], $0x40, s14, s20, $0xb8;
	[tilespmem:$0x1E640] =	vst v63  }
0x5b: {  	s16 =	simm.s32 $0x80  }
0x5c: {  	[tilespmem:s23], [sflag:$0x2] =	stream.indirect.gather [hbm4b:s4+s20], $0x40, s16, s20, $0xb8;
	[tilespmem:$0x1E640] =	vst v63  }
0x5d: {  	s13 =	simm.s32 $0x100  }
0x5e: {  	[tilespmem:s25], [sflag:$0x3] =	stream.indirect.gather [hbm4b:s4+s20], $0x40, s13, s20, $0xb8;
	[tilespmem:$0x1E640] =	vst v63  }
0x5f: {  	s14 =	simm.s32 $0x180  }
0x60: {  	[tilespmem:s28], [sflag:$0x4] =	stream.indirect.gather [hbm4b:s4+s20], $0x40, s14, s20, $0xb8;
	[tilespmem:$0x1E640] =	vst v63  }
0x61: {  	s16 =	simm.s32 $0x200  }
0x62: {  	[tilespmem:s30], [sflag:$0x5] =	stream.indirect.gather [hbm4b:s4+s20], $0x40, s16, s20, $0xb8;
	[tilespmem:$0x1E640] =	vst v63  }
0x63: {  	s13 =	simm.s32 $0x280  }
0x64: {  	[tilespmem:s0], [sflag:$0x6] =	stream.indirect.gather [hbm4b:s4+s20], $0x40, s13, s20, $0xb8;
	[tilespmem:$0x1E640] =	vst v63  }
0x65: {  	s14 =	simm.s32 $0x300  }
0x66: {  	[tilespmem:s15], [sflag:$0x7] =	stream.indirect.gather [hbm4b:s4+s20], $0x40, s14, s20, $0xb8;
	[tilespmem:$0x1E640] =	vst v63  }
0x67: {  	s16 =	simm.s32 $0x380;
	s13 =	simm.s32 $0x0  }
0x68: {  	[tilespmem:s24], [sflag:$0x8] =	stream.indirect.gather [hbm4b:s4+s20], $0x40, s16, s20, $0xb8;
	[tilespmem:$0x1E640] =	vst v63  }
.LBB2_2:
0x69: {  	_ =	swait.ge [sflag:s17], $0x1F40  }
0x6a: {  	s14 =	sshra.s32 s13, $0x2;
	[sflag:s17] =	ssyncset.done $0x0  }
0x6b: {  	s16 =	sadd.s32 $0x2800, s14;
	[sflag:s17] =	ssyncadd.s32 $0xFFFFE0C0  }
0x6c: {  	[spmem:s1] =	stream.indirect.scatter.add.bf16 [tilespmem:s21], [sflag:$0x9], $0x40, s16, s20, $0xb8;
	[tilespmem:$0x1E640] =	vst v63  }
0x6d: {  	_ =	swait.ge [sflag:s18], $0x1F40  }
0x6e: {  	[sflag:s18] =	ssyncset.done $0x0  }
0x6f: {  	s3 =	sadd.s32 $0x2880, s14;
	[sflag:s18] =	ssyncadd.s32 $0xFFFFE0C0  }
0x70: {  	[spmem:s1] =	stream.indirect.scatter.add.bf16 [tilespmem:s23], [sflag:$0xA], $0x40, s3, s20, $0xb8;
	[tilespmem:$0x1E640] =	vst v63  }
0x71: {  	_ =	swait.ge [sflag:s19], $0x1F40  }
0x72: {  	[sflag:s19] =	ssyncset.done $0x0  }
0x73: {  	s3 =	sadd.s32 $0x2900, s14;
	[sflag:s19] =	ssyncadd.s32 $0xFFFFE0C0  }
0x74: {  	[spmem:s1] =	stream.indirect.scatter.add.bf16 [tilespmem:s25], [sflag:$0xB], $0x40, s3, s20, $0xb8;
	[tilespmem:$0x1E640] =	vst v63  }
0x75: {  	_ =	swait.ge [sflag:s26], $0x1F40  }
0x76: {  	[sflag:s26] =	ssyncset.done $0x0  }
0x77: {  	s3 =	sadd.s32 $0x2980, s14;
	[sflag:s26] =	ssyncadd.s32 $0xFFFFE0C0  }
0x78: {  	[spmem:s1] =	stream.indirect.scatter.add.bf16 [tilespmem:s28], [sflag:$0xC], $0x40, s3, s20, $0xb8;
	[tilespmem:$0x1E640] =	vst v63  }
0x79: {  	_ =	swait.ge [sflag:s29], $0x1F40  }
0x7a: {  	[sflag:s29] =	ssyncset.done $0x0  }
0x7b: {  	s3 =	sadd.s32 $0x2A00, s14;
	[sflag:s29] =	ssyncadd.s32 $0xFFFFE0C0  }
0x7c: {  	[spmem:s1] =	stream.indirect.scatter.add.bf16 [tilespmem:s30], [sflag:$0xD], $0x40, s3, s20, $0xb8;
	[tilespmem:$0x1E640] =	vst v63  }
0x7d: {  	_ =	swait.ge [sflag:s31], $0x1F40  }
0x7e: {  	[sflag:s31] =	ssyncset.done $0x0  }
0x7f: {  	s3 =	sadd.s32 $0x2A80, s14;
	[sflag:s31] =	ssyncadd.s32 $0xFFFFE0C0  }
0x80: {  	[spmem:s1] =	stream.indirect.scatter.add.bf16 [tilespmem:s0], [sflag:$0xE], $0x40, s3, s20, $0xb8;
	[tilespmem:$0x1E640] =	vst v63  }
0x81: {  	_ =	swait.ge [sflag:s2], $0x1F40  }
0x82: {  	[sflag:s2] =	ssyncset.done $0x0  }
0x83: {  	s3 =	sadd.s32 $0x2B00, s14;
	[sflag:s2] =	ssyncadd.s32 $0xFFFFE0C0  }
0x84: {  	[spmem:s1] =	stream.indirect.scatter.add.bf16 [tilespmem:s15], [sflag:$0xF], $0x40, s3, s20, $0xb8;
	[tilespmem:$0x1E640] =	vst v63  }
0x85: {  	_ =	swait.ge [sflag:s22], $0x1F40  }
0x86: {  	p1 =	sne.s32 s13, $0x9000;
	[sflag:s22] =	ssyncset.done $0x0  }
.Ltmp2:
0x87: {  	s3 =	sadd.s32 $0x2B80, s14;
	[sflag:s22] =	ssyncadd.s32 $0xFFFFE0C0;
	(pc) =	sbr.rel @!p1 .LBB2_3-.Ltmp2, $4  }
0x88: {  	[spmem:s1] =	stream.indirect.scatter.add.bf16 [tilespmem:s24], [sflag:$0x10], $0x40, s3, s20, $0xb8;
	[tilespmem:$0x1E640] =	vst v63  }
0x89: {  	_ =	swait.ge [sflag:s6], $0x1F40  }
0x8a: {  	[sflag:s6] =	ssyncset.done $0x0  }
0x8b: {  	[sflag:s6] =	ssyncadd.s32 $0xFFFFE0C0  }
0x8c: {  	s16 =	sadd.s32 $0x400, s14  }
0x8d: {  	[tilespmem:s21], [sflag:$0x1] =	stream.indirect.gather [hbm4b:s4+s20], $0x40, s16, s20, $0xb8;
	[tilespmem:$0x1E640] =	vst v63  }
0x8e: {  	_ =	swait.ge [sflag:s7], $0x1F40  }
0x8f: {  	[sflag:s7] =	ssyncset.done $0x0  }
0x90: {  	s3 =	sadd.s32 $0x480, s14;
	[sflag:s7] =	ssyncadd.s32 $0xFFFFE0C0  }
0x91: {  	[tilespmem:s23], [sflag:$0x2] =	stream.indirect.gather [hbm4b:s4+s20], $0x40, s3, s20, $0xb8;
	[tilespmem:$0x1E640] =	vst v63  }
0x92: {  	_ =	swait.ge [sflag:s8], $0x1F40  }
0x93: {  	[sflag:s8] =	ssyncset.done $0x0  }
0x94: {  	s3 =	sadd.s32 $0x500, s14;
	[sflag:s8] =	ssyncadd.s32 $0xFFFFE0C0  }
0x95: {  	[tilespmem:s25], [sflag:$0x3] =	stream.indirect.gather [hbm4b:s4+s20], $0x40, s3, s20, $0xb8;
	[tilespmem:$0x1E640] =	vst v63  }
0x96: {  	_ =	swait.ge [sflag:s9], $0x1F40  }
0x97: {  	[sflag:s9] =	ssyncset.done $0x0  }
0x98: {  	s3 =	sadd.s32 $0x580, s14;
	[sflag:s9] =	ssyncadd.s32 $0xFFFFE0C0  }
0x99: {  	[tilespmem:s28], [sflag:$0x4] =	stream.indirect.gather [hbm4b:s4+s20], $0x40, s3, s20, $0xb8;
	[tilespmem:$0x1E640] =	vst v63  }
0x9a: {  	_ =	swait.ge [sflag:s5], $0x1F40  }
0x9b: {  	[sflag:s5] =	ssyncset.done $0x0  }
0x9c: {  	s3 =	sadd.s32 $0x600, s14;
	[sflag:s5] =	ssyncadd.s32 $0xFFFFE0C0  }
0x9d: {  	[tilespmem:s30], [sflag:$0x5] =	stream.indirect.gather [hbm4b:s4+s20], $0x40, s3, s20, $0xb8;
	[tilespmem:$0x1E640] =	vst v63  }
0x9e: {  	_ =	swait.ge [sflag:s10], $0x1F40  }
0x9f: {  	[sflag:s10] =	ssyncset.done $0x0  }
0xa0: {  	s3 =	sadd.s32 $0x680, s14;
	[sflag:s10] =	ssyncadd.s32 $0xFFFFE0C0  }
0xa1: {  	[tilespmem:s0], [sflag:$0x6] =	stream.indirect.gather [hbm4b:s4+s20], $0x40, s3, s20, $0xb8;
	[tilespmem:$0x1E640] =	vst v63  }
0xa2: {  	_ =	swait.ge [sflag:s11], $0x1F40  }
0xa3: {  	s13 =	sadd.s32 $0x1000, s13;
	[sflag:s11] =	ssyncset.done $0x0  }
0xa4: {  	p1 =	sne.s32 s13, $0xA000;
	s3 =	sadd.s32 $0x700, s14;
	[sflag:s11] =	ssyncadd.s32 $0xFFFFE0C0  }
0xa5: {  	[tilespmem:s15], [sflag:$0x7] =	stream.indirect.gather [hbm4b:s4+s20], $0x40, s3, s20, $0xb8;
	[tilespmem:$0x1E640] =	vst v63  }
.Ltmp3:
0xa6: {  	_ = 	snop;
	(pc) =	sbr.rel @p1 .LBB2_2-.Ltmp3, $4  }
.Ltmp4:
0xa7: {  	_ =	swait.ge [sflag:s12], $0x1F40;
	(pc) =	sbr.rel @!p1 .LBB2_5-.Ltmp4, $4  }
0xa8: {  	[sflag:s12] =	ssyncset.done $0x0  }
0xa9: {  	s16 =	sadd.s32 $0x780, s14;
	[sflag:s12] =	ssyncadd.s32 $0xFFFFE0C0  }
0xaa: {  	[tilespmem:s24], [sflag:$0x8] =	stream.indirect.gather [hbm4b:s4+s20], $0x40, s16, s20, $0xb8;
	[tilespmem:$0x1E640] =	vst v63  }
0xab: {  	_ = 	snop  }
.LBB2_6:
0xac: {  	_ =	sfence.sel $0x180000  }
0xad: {  	[bflag:$0x0] =	sbarrier.arrive $0xFFFF  }
0xae: {  	_ =	strace $0x9000004A  }
0xaf: {  	s0 =	stileid.u32;
	[bflag:$0x2] =	sbarrier.arrive $0xFFFF  }
0xb0: {  	p0 =	sne.s32 s0, $0x0;
	s0 =	rddreg [dreg:$0x2]  }
0xb1: {  	s0 =	sadd.s32 @!p0 $0x100000, s0  }
0xb2: {  	[sflag:s0] =	ssyncadd.tile.s32 @!p0 $0x1;
	_ =	shalt  }
.Lfunc_end2:
_tile_overlayer_lowered:
.L_overlay_start_2:
0xb3: {  	(tag) =	ssettag $0x2  }
0xb4: {  	s0 =	rddreg [dreg:$0x0];
	s2 =	stileid.u32  }
0xb5: {  	s1 =	rddreg [dreg:$0x1];
	p0 =	sne.s32 s2, $0x0  }
0xb6: {  	s3 =	rddreg [dreg:$0x2];
	[bflag:$0x3] =	sbarrier.arrive $0xFFFF;
	s2 =	simm.s32 @!p0 $0x1C11  }
0xb7: {  	[timem:s3], [sflag:s2] =	dma.local @!p0 [hbm:s0], s1  }
0xb8: {  	s0 =	simm.s32 @!p0 $0x11  }
0xb9: {  	_ =	swait.ge @!p0 [sflag:s0], s1  }
0xba: {  	s1 =	ssub.s32 @!p0 $0x0, s1;
	[sflag:s0] =	ssyncset.done @!p0 $0x0  }
0xbb: {  	[sflag:s0] =	ssyncadd.s32 @!p0 s1  }
0xbc: {  	[bflag:$0x3] =	sbarrier.arrive $0xFFFF  }
0xbd: {  	_ =	shalt  }

// kernel: kernel.14.cloned.1.call-start
scs
__scs_entry_jumppad:
0x0: {  	(pc) =	sbr.rel $0x88, $3  }
0x1: {  	(tag) =	ssettag $0x0;
	lr =	simm.s32 $0x1  }
0x2: {  	[smem:$0x3F93] =	sst lr;
	_ =	strace $0xD0000000  }
0x3: {  	_ = 	snop  }
0x4: {  	_ = 	snop  }
0x5: {  	_ = 	snop  }
0x6: {  	_ = 	snop  }
0x7: {  	_ = 	snop  }
__scs_overlays_trampoline_lowered:
0x8: {  	[smem:$0x3FA2] =	sst s0  }
0x9: {  	[smem:$0x3FA3] =	sst s1  }
0xa: {  	[smem:$0x3FA4] =	sst s2  }
0xb: {  	[smem:$0x3FA5] =	sst s3  }
0xc: {  	[smem:$0x3FA6] =	sst s4  }
0xd: {  	[smem:$0x3FA7] =	sst s5  }
0xe: {  	[smem:$0x3FA8] =	sst s6  }
0xf: {  	[smem:$0x3FA9] =	sst s7  }
0x10: {  	[smem:$0x3FAA] =	sst s8  }
0x11: {  	[smem:$0x3FAB] =	sst s9;
	s0 =	simm.s32 @!p0 $0x0  }
0x12: {  	s1 =	sld [smem:$0x3F91];
	s0 =	simm.s32 @p0 $0x1  }
0x13: {  	[smem:$0x3FAC] =	sst s0;
	s0 =	simm.s32 @!p1 $0x0  }
0x14: {  	s2 =	sld [smem:$0x3F90];
	s0 =	simm.s32 @p1 $0x1  }
0x15: {  	[smem:$0x3FAD] =	sst s0;
	s0 =	simm.s32 @!p2 $0x0  }
0x16: {  	s3 =	sld [smem:$0x3FDB];
	s0 =	simm.s32 @p2 $0x1  }
0x17: {  	s4 =	simm.s32 $0x1BF5;
	[smem:$0x3FAF] =	sst s0  }
0x18: {  	s0 =	sld [smem:$0x3F92];
	_ =	swait.ge [sflag:s4], $0x0  }
0x19: {  	s7 =	sld [smem:$0x3F93]  }
0x1a: {  	s8 =	sadd.s32 $0xFFFFE003, lr  }
0x1b: {  	s9 =	sadd.s32 $0xFFFFFEF7, lr;
	s5 =	simm.s32 $0xFFFFFFFF;
	p2 =	slt.u32 s8, $0xFFFFF086  }
0x1c: {  	p1 =	slt.u32 s9, $0xF7A;
	s5 =	simm.s32 @!p2 $0x0  }
0x1d: {  	s5 =	simm.s32 @p1 $0x1;
	p0 =	seq.s32 s7, s2  }
0x1e: {  	s7 =	smul.u32 @!p0 $0xF7A, s2;
	p2 =	seq.s32 @!p0 s5, $0x0  }
0x1f: {  	s9 =	smul.u32 $0xF7A, s1;
	s8 =	simm.s32 @!p0 $0x1BF5;
	p2 =	por !p2, p0  }
0x20: {  	[sflag:s8] =	ssyncset.s32 @!p0 $0xFFFFF086;
	s6 =	sadd.s32 @!p0 s3, s7;
	s7 =	simm.s32 @!p0 $0x108  }
0x21: {  	s3 =	sadd.s32 s3, s9;
	s6 =	sadd.s32 @!p0 $0x88, s6;
	s7 =	simm.s32 @p2 $0x1082  }
0x22: {  	[simem:s7], [sflag:s8] =	dma.local @!p0 [hbm:s6], $0xF7A  }
0x23: {  	s9 =	sor.u32 $0xD0000000, s2;
	s6 =	simm.s32 $0x108;
	_ =	swait.ge @!p0 [sflag:s8], $0x0  }
0x24: {  	s3 =	sadd.s32 $0x88, s3;
	s6 =	simm.s32 @!p1 $0x1082;
	[sflag:s4] =	ssyncset.s32 $0xFFFFF086  }
0x25: {  	[simem:s6], [sflag:s4] =	dma.local [hbm:s3], $0xF7A  }
0x26: {  	[smem:$0x3F93] =	sst s1;
	(tag) =	ssettag s2;
	_ =	strace s9  }
0x27: {  	s1 =	sld [smem:$0x3FA3]  }
0x28: {  	s2 =	sld [smem:$0x3FA4]  }
0x29: {  	s4 =	sld [smem:$0x3FA6]  }
0x2a: {  	p0 =	seq.s32 s5, $0x0;
	s5 =	sld [smem:$0x3FA7]  }
0x2b: {  	s6 =	sld [smem:$0x3FA8]  }
0x2c: {  	s7 =	sld [smem:$0x3FA9]  }
0x2d: {  	s3 =	simm.s32 $0x108;
	s8 =	sld [smem:$0x3FAA]  }
0x2e: {  	s3 =	simm.s32 @!p0 $0x1082;
	s9 =	sld [smem:$0x3FAB]  }
0x2f: {  	lr =	sadd.s32 s0, s3;
	s0 =	sld [smem:$0x3FA2]  }
0x30: {  	s3 =	sld [smem:$0x3FA5]  }
0x31: {  	[smem:$0x3FAE] =	sst s10  }
0x32: {  	s10 =	sld [smem:$0x3FAC];
	_ =	sdelay $0x3  }
0x33: {  	p0 =	seq.s32 s10, $0x1;
	s10 =	sld [smem:$0x3FAE];
	_ =	sdelay $0x3  }
0x34: {  	[smem:$0x3FAE] =	sst s10  }
0x35: {  	s10 =	sld [smem:$0x3FAD];
	_ =	sdelay $0x3  }
0x36: {  	p1 =	seq.s32 s10, $0x1;
	s10 =	sld [smem:$0x3FAE];
	_ =	sdelay $0x3  }
0x37: {  	[smem:$0x3FAE] =	sst s10  }
0x38: {  	s10 =	sld [smem:$0x3FAF]  }
0x39: {  	_ = 	snop;
	(pc) =	sbr.ind lr, $3  }
0x3a: {  	_ = 	snop  }
0x3b: {  	_ = 	snop  }
0x3c: {  	p2 =	seq.s32 s10, $0x1;
	s10 =	sld [smem:$0x3FAE]  }
0x3d: {  	_ =	shalt  }
0x3e: {  	_ =	shalt  }
0x3f: {  	_ =	shalt  }
0x40: {  	_ =	shalt  }
0x41: {  	_ =	shalt  }
0x42: {  	_ =	shalt  }
0x43: {  	_ =	shalt  }
0x44: {  	_ =	shalt  }
0x45: {  	_ =	shalt  }
0x46: {  	_ =	shalt  }
0x47: {  	_ =	shalt  }
0x48: {  	_ =	shalt  }
0x49: {  	_ =	shalt  }
0x4a: {  	_ =	shalt  }
0x4b: {  	_ =	shalt  }
0x4c: {  	_ =	shalt  }
0x4d: {  	_ =	shalt  }
0x4e: {  	_ =	shalt  }
0x4f: {  	_ =	shalt  }
0x50: {  	_ =	shalt  }
0x51: {  	_ =	shalt  }
0x52: {  	_ =	shalt  }
0x53: {  	_ =	shalt  }
0x54: {  	_ =	shalt  }
0x55: {  	_ =	shalt  }
0x56: {  	_ =	shalt  }
0x57: {  	_ =	shalt  }
0x58: {  	_ =	shalt  }
0x59: {  	_ =	shalt  }
0x5a: {  	_ =	shalt  }
0x5b: {  	_ =	shalt  }
0x5c: {  	_ =	shalt  }
0x5d: {  	_ =	shalt  }
0x5e: {  	_ =	shalt  }
0x5f: {  	_ =	shalt  }
0x60: {  	_ =	shalt  }
0x61: {  	_ =	shalt  }
0x62: {  	_ =	shalt  }
0x63: {  	_ =	shalt  }
0x64: {  	_ =	shalt  }
0x65: {  	_ =	shalt  }
0x66: {  	_ =	shalt  }
0x67: {  	_ =	shalt  }
0x68: {  	_ =	shalt  }
0x69: {  	_ =	shalt  }
0x6a: {  	_ =	shalt  }
0x6b: {  	_ =	shalt  }
0x6c: {  	_ =	shalt  }
0x6d: {  	_ =	shalt  }
0x6e: {  	_ =	shalt  }
0x6f: {  	_ =	shalt  }
0x70: {  	_ =	shalt  }
0x71: {  	_ =	shalt  }
0x72: {  	_ =	shalt  }
0x73: {  	_ =	shalt  }
0x74: {  	_ =	shalt  }
0x75: {  	_ =	shalt  }
0x76: {  	_ =	shalt  }
0x77: {  	_ =	shalt  }
0x78: {  	_ =	shalt  }
0x79: {  	_ =	shalt  }
0x7a: {  	_ =	shalt  }
0x7b: {  	_ =	shalt  }
0x7c: {  	_ =	shalt  }
0x7d: {  	_ =	shalt  }
0x7e: {  	_ =	shalt  }
0x7f: {  	_ =	shalt  }
0x80: {  	_ =	shalt  }
0x81: {  	_ =	shalt  }
0x82: {  	_ =	shalt  }
0x83: {  	_ =	shalt  }
0x84: {  	_ =	shalt  }
0x85: {  	_ =	shalt  }
0x86: {  	_ =	shalt  }
0x87: {  	_ =	shalt  }
.Lfunc_end0:
.L_simem_size_0:
called_computation.2_lowered:
.L_overlay_start_0:
0x88: {  	s2 =	sld [smem:$0x3FD9]  }
0x89: {  	s3 =	sld [smem:$0x3FFE];
	_ =	sdelay $0x1  }
0x8a: {  	s1 =	srdreg.scid  }
0x8b: {  	s0 =	sand.u32 $0x1, s1  }
0x8c: {  	s16 =	sshll.u32 s0, $0xA;
	s2 =	sadd.s32 s3, s2  }
0x8d: {  	s2 =	sadd.s32 s2, s16  }
0x8e: {  	[smem:$0x3FBA] =	sst s2  }
0x8f: {  	_ = 	snop  }
0x90: {  	(tm) =	ssettm $0x1  }
0x91: {  	s17 =	sld [smem:$0x3FFB];
	_ =	sdelay $0x3  }
0x92: {  	_ =	strace s17  }
0x93: {  	s2 =	sld [smem:$0x3FFC];
	_ =	sdelay $0x3  }
0x94: {  	_ =	strace s2  }
0x95: {  	s2 =	sld [smem:$0x3FFD];
	_ =	sdelay $0x3  }
0x96: {  	_ =	strace s2  }
0x97: {  	_ =	strace $0x8FFFFFFF  }
0x98: {  	s18 =	sld [smem:$0x3FDB];
	_ =	sdelay $0x1  }
0x99: {  	s19 =	simm.s32 $_scs_section_size  }
0x9a: {  	s4 =	simm.s32 $_size__tile_overlayer_lowered;
	s5 =	simm.s32 $_tile_overlayer_lowered  }
0x9b: {  	s22 =	simm.s32 $0x1BFF;
	s21 =	sshll.u32 s5, $0x1;
	s2 =	sadd.s32 s19, s18  }
0x9c: {  	s6 =	simm.s32 $0x0;
	s20 =	sshll.u32 s4, $0x1;
	s4 =	sadd.s32 s21, s2  }
0x9d: {  	[timem:s6], [sflag:s22] =	dma.local [hbm:s4], s20  }
0x9e: {  	_ =	swait.ge [sflag:s22], s20  }
0x9f: {  	s3 =	ssub.s32 $0x0, s20;
	[sflag:s22] =	ssyncset.done $0x0  }
0xa0: {  	[sflag:s22] =	ssyncadd.s32 s3;
	_ =	sdelay $0x1  }
0xa1: {  	s23 =	simm.s32 $0x1B8B  }
0xa2: {  	_ =	swait.ge [sflag:s23], $0x1  }
0xa3: {  	[sflag:s23] =	ssyncset.done $0x0  }
0xa4: {  	s25 =	simm.s32 $0x1B8E;
	s24 =	sld [smem:$0x3FFE];
	[sflag:s23] =	ssyncadd.s32 $0xFFFFFFFF  }
0xa5: {  	s26 =	simm.s32 $execute0_lowered;
	[smem:$0x3FD2] =	sst s25  }
0xa6: {  	s4 =	sshll.u32 s26, $0x1;
	_ =	strace $0x8000004C;
	[dreg:$0x1] =	wrdreg $0xFFFFFFFF  }
0xa7: {  	s28 =	simm.s32 $_size_execute0_lowered;
	s2 =	sadd.s32 s2, s4;
	[dreg:$0x0] =	wrdreg $0x0  }
0xa8: {  	s4 =	sshll.u32 s28, $0x1;
	[dreg:$0x2] =	wrdreg s2  }
0xa9: {  	[dreg:$0x3] =	wrdreg s4  }
0xaa: {  	[dreg:$0x4] =	wrdreg $0xC0  }
0xab: {  	_ =	task [dreg:s6], $0x5FFFF  }
0xac: {  	[dreg:$0x1] =	wrdreg $0xFFFFFFFF  }
0xad: {  	[dreg:$0x0] =	wrdreg $0x60  }
0xae: {  	[dreg:$0x2] =	wrdreg s24  }
0xaf: {  	[dreg:$0x3] =	wrdreg $0x14A000  }
0xb0: {  	[dreg:$0x4] =	wrdreg $0x9  }
0xb1: {  	_ =	task.clear_ibuf [dreg:s6], $0x5FFFF;
	_ =	strace $0x9000004C  }
0xb2: {  	s29 =	simm.s32 $0x9;
	_ =	strace $0x8000004E  }
0xb3: {  	_ =	swait.ge [sflag:s29], $0x1  }
0xb4: {  	[sflag:s29] =	ssyncadd.s32 $0xFFFFFFFF  }
0xb5: {  	_ =	strace $0x9000004E  }
0xb6: {  	_ =	sfence  }
0xb7: {  	s30 =	sld [smem:$0x0];
	_ =	sdelay $0x2  }
0xb8: {  	s31 =	sshll.u32 s1, $0xD;
	s1 =	sshrl.u32 s1, $0x2  }
0xb9: {  	s3 =	sand.u32 $0x4000, s31;
	s1 =	sadd.s32 s1, s30  }
0xba: {  	s0 =	sor.u32 s3, s0;
	s1 =	sshll.u32 s1, $0x11  }
0xbb: {  	s0 =	sor.u32 s1, s0  }
0xbc: {  	s0 =	sadd.s32 $0x8F2B, s0  }
0xbd: {  	[sflag:s0] =	ssyncadd.remote.s32 $0x1  }
0xbe: {  	_ =	sfence.sel $0xFFFF  }
0xbf: {  	[dreg:$0x0] =	wrdreg $0xFFFFFFFF;
	(pc) =	sbr.abs _section_cstart, $3  }
0xc0: {  	[dreg:$0x1] =	wrdreg $0xFFFFFFFF  }
0xc1: {  	_ =	task.clear_ibuf [dreg:s6], $0x2FFFF;
	_ =	strace $0x9FFFFFFF  }
0xc2: {  	(tm) =	ssettm $0x7FFFFFFF  }
0xc3: {  	_ =	shalt  }
tec
execute0_lowered:
.L_overlay_start_1:
0x0: {  	(tag) =	ssettag $0x1  }
0x1: {  	s0 =	rddreg [dreg:$0x0]  }
0x2: {  	s1 =	rddreg [dreg:$0x1];
	s2 =	srdreg.scid;
	s4 =	simm.s32 $0x0  }
0x3: {  	s10 =	stileid.u32;
	s17 =	simm.s32 $0x1;
	s18 =	simm.s32 $0x2  }
0x4: {  	s19 =	simm.s32 $0x3;
	s28 =	simm.s32 $0xADC0;
	s30 =	simm.s32 $0xCD00  }
0x5: {  	s15 =	simm.s32 $0x10B80;
	s29 =	simm.s32 $0x5;
	s31 =	simm.s32 $0x6  }
0x6: {  	s12 =	simm.s32 $0x10;
	s13 =	simm.s32 $0x0;
	s2 =	sand.u32 $0x1, s2  }
0x7: {  	[smem:$0x7FF] =	sst s4;
	s5 =	smul.u32 $0x13800, s10;
	s4 =	sadd.s32 $0x2A400, s0  }
0x8: {  	s9 =	sadd.s32 $0x3DE00, s0;
	s11 =	sshll.u32 s10, $0x6;
	p0 =	sne.s32 s10, $0xF  }
0x9: {  	s3 =	sshll.u32 s2, $0x4;
	_ =	strace $0x8000004D;
	s7 =	ssub.s32 $0x2, s2  }
0xa: {  	s2 =	smul.u32 $0x138800, s2;
	[dreg:$0x3] =	wrdreg s11;
	s21 =	sor.u32 $0x1C01, s11  }
0xb: {  	s11 =	simm.s32 $0xF;
	[dreg:$0xe] =	wrdreg s13;
	s3 =	sor.u32 s10, s3  }
0xc: {  	s6 =	sshrl.u32 s5, $0x4;
	s8 =	sshrl.u32 s7, $0x1;
	s20 =	sshrl.u32 s5, $0x1  }
0xd: {  	[dreg:$0x5] =	wrdreg s21;
	s21 =	simm.s32 $0x5000;
	s10 =	simm.s32 $0xE  }
0xe: {  	s3 =	smul.u32 $0x500, s3;
	s6 =	sadd.s32 s6, s0;
	s7 =	ssub.s32 s7, s8  }
0xf: {  	s8 =	sadd.s32 s20, s1;
	s23 =	sadd.s32 s5, s2;
	s2 =	sshrl.u32 s2, $0x4  }
0x10: {  	s5 =	sadd.s32 $0x9C000, s1;
	s20 =	simm.s32 $0x7D;
	s6 =	sadd.s32 $0x16A00, s6  }
0x11: {  	s2 =	sadd.s32 s9, s2;
	s26 =	smax.u32 s7, $0x1;
	s16 =	sshrl.u32 s8, $0x3  }
0x12: {  	s7 =	simm.s32 $0xA;
	s8 =	simm.s32 $0xB;
	[dreg:$0x4] =	wrdreg s6  }
0x13: {  	s3 =	sadd.s32 s3, s0;
	s0 =	sadd.s32 $0x2A200, s0;
	[dreg:$0xb] =	wrdreg s26  }
0x14: {  	s25 =	sadd.s32 $0x13800, s2;
	s26 =	simm.s32 $0x4;
	[dreg:$0xc] =	wrdreg s16  }
0x15: {  	s2 =	simm.s32 $0x7;
	s6 =	simm.s32 $0x9;
	[dreg:$0x8] =	wrdreg s0  }
0x16: {  	s22 =	sadd.s32 $0xCA00, s3;
	s3 =	sadd.s32 $0x2A00, s3;
	[dreg:$0xa] =	wrdreg s25  }
.Ltmp0:
0x17: {  	s25 =	simm.s32 $0x8E80;
	[dreg:$0x6] =	wrdreg s22;
	(pc) =	sbr.rel .LBB2_1-.Ltmp0, $4  }
0x18: {  	s0 =	simm.s32 $0xEC40;
	[dreg:$0x7] =	wrdreg s3;
	s3 =	sshrl.u32 s23, $0x4  }
0x19: {  	s23 =	simm.s32 $0x6F40;
	s22 =	simm.s32 $0x8;
	s24 =	sadd.s32 s9, s3  }
0x1a: {  	s3 =	sshrl.u32 @!p0 s5, $0x3;
	s9 =	simm.s32 $0xC;
	[dreg:$0x9] =	wrdreg s24  }
0x1b: {  	s5 =	simm.s32 $0xD;
	s24 =	simm.s32 $0x12AC0;
	[dreg:$0xd] =	wrdreg s3  }
.LBB2_3:
0x1c: {  	_ =	swait.ge [sflag:s7], $0x1F40  }
0x1d: {  	[sflag:s7] =	ssyncset.done $0x0  }
0x1e: {  	[sflag:s7] =	ssyncadd.s32 $0xFFFFE0C0  }
0x1f: {  	_ =	swait.ge [sflag:s8], $0x1F40  }
0x20: {  	[sflag:s8] =	ssyncset.done $0x0  }
0x21: {  	[sflag:s8] =	ssyncadd.s32 $0xFFFFE0C0  }
0x22: {  	_ =	swait.ge [sflag:s9], $0x1F40  }
0x23: {  	[sflag:s9] =	ssyncset.done $0x0  }
0x24: {  	[sflag:s9] =	ssyncadd.s32 $0xFFFFE0C0  }
0x25: {  	_ =	swait.ge [sflag:s5], $0x1F40  }
0x26: {  	[sflag:s5] =	ssyncset.done $0x0  }
0x27: {  	[sflag:s5] =	ssyncadd.s32 $0xFFFFE0C0  }
0x28: {  	_ =	swait.ge [sflag:s10], $0x1F40  }
0x29: {  	[sflag:s10] =	ssyncset.done $0x0  }
0x2a: {  	[sflag:s10] =	ssyncadd.s32 $0xFFFFE0C0  }
0x2b: {  	_ =	swait.ge [sflag:s11], $0x1F40  }
0x2c: {  	[sflag:s11] =	ssyncset.done $0x0  }
0x2d: {  	[sflag:s11] =	ssyncadd.s32 $0xFFFFE0C0  }
0x2e: {  	_ =	swait.ge [sflag:s12], $0x1F40  }
0x2f: {  	[sflag:s12] =	ssyncset.done $0x0  }
0x30: {  	[sflag:s12] =	ssyncadd.s32 $0xFFFFE0C0  }
.LBB2_5:
0x31: {  	[bflag:$0x0] =	sbarrier.arrive $0xFFFF  }
0x32: {  	s13 =	rddreg [dreg:$0x3]  }
0x33: {  	s14 =	rddreg [dreg:$0x9]  }
0x34: {  	s3 =	simm.s32 $0x11;
	s16 =	rddreg [dreg:$0xc];
	s13 =	sor.u32 $0x1C11, s13  }
0x35: {  	[hbm:s14], [sflag:s13] =	dma.local [spmem:s16], $0x1380  }
0x36: {  	_ =	swait.ge [sflag:s3], $0x1380  }
0x37: {  	[sflag:s3] =	ssyncset.done $0x0;
	s14 =	rddreg [dreg:$0xa]  }
0x38: {  	[sflag:s3] =	ssyncadd.s32 $0xFFFFEC80;
	s3 =	rddreg [dreg:$0xd]  }
0x39: {  	[hbm:s14], [sflag:s13] =	dma.local @!p0 [spmem:s3], $0x80  }
0x3a: {  	s13 =	simm.s32 @!p0 $0x11  }
0x3b: {  	_ =	swait.ge @!p0 [sflag:s13], $0x80  }
0x3c: {  	s21 =	rddreg [dreg:$0xe]  }
0x3d: {  	s14 =	rddreg [dreg:$0xb];
	s21 =	sadd.s32 $0x1, s21  }
0x3e: {  	p1 =	sne.s32 s21, s14  }
.Ltmp1:
0x3f: {  	_ = 	snop;
	(pc) =	sbr.rel @!p1 .LBB2_6-.Ltmp1, $3  }
0x40: {  	_ =	sdelay $0x1  }
0x41: {  	[sflag:s13] =	ssyncset.done @!p0 $0x0  }
0x42: {  	[sflag:s13] =	ssyncadd.s32 @!p0 $0xFFFFFF80;
	[dreg:$0xe] =	wrdreg s21;
	s21 =	simm.s32 $0x5000  }
.LBB2_1:
0x43: {  	s13 =	rddreg [dreg:$0x4]  }
0x44: {  	s14 =	rddreg [dreg:$0x5]  }
0x45: {  	[spmem:s16], [sflag:s14] =	dma.local [hbm:s13], $0x1380  }
0x46: {  	s14 =	simm.s32 $0x0;
	s13 =	rddreg [dreg:$0x6]  }
0x47: {  	[tilespmem:s14], [sflag:$0x2] =	stream.linear.gather [hbm4b:s13+s14], $0x2800, $0x38;
	[tilespmem:$0x1E640] =	vst v63  }
0x48: {  	s16 =	simm.s32 $0x2800;
	s13 =	rddreg [dreg:$0x7]  }
0x49: {  	[tilespmem:s16], [sflag:$0x3] =	stream.linear.gather [hbm4b:s13+s14], $0x2800, $0x38;
	[tilespmem:$0x1E640] =	vst v63  }
0x4a: {  	s13 =	simm.s32 @!p0 $0x1FC4;
	s16 =	rddreg [dreg:$0x8]  }
0x4b: {  	[spmem:s3], [sflag:s13] =	dma.local @!p0 [hbm:s16], $0x80  }
0x4c: {  	s13 =	simm.s32 @!p0 $0x4  }
0x4d: {  	_ =	swait.ge @!p0 [sflag:s13], $0x80  }
0x4e: {  	[sflag:s13] =	ssyncset.done @!p0 $0x0  }
0x4f: {  	[sflag:s13] =	ssyncadd.s32 @!p0 $0xFFFFFF80  }
0x50: {  	_ =	swait.ge [sflag:s17], $0x1380  }
0x51: {  	[sflag:s17] =	ssyncset.done $0x0  }
0x52: {  	[sflag:s17] =	ssyncadd.s32 $0xFFFFEC80  }
0x53: {  	_ =	swait.ge [sflag:s18], $0x2800  }
0x54: {  	[sflag:s18] =	ssyncset.done $0x0  }
0x55: {  	[sflag:s18] =	ssyncadd.s32 $0xFFFFD800  }
0x56: {  	_ =	swait.ge [sflag:s19], $0x2800  }
0x57: {  	[sflag:s19] =	ssyncset.done $0x0  }
0x58: {  	[sflag:s19] =	ssyncadd.s32 $0xFFFFD800  }
0x59: {  	[bflag:$0x0] =	sbarrier.arrive $0xFFFF  }
0x5a: {  	[tilespmem:s21], [sflag:$0x1] =	stream.indirect.gather [hbm4b:s4+s20], $0x40, s14, s20, $0xb8;
	[tilespmem:$0x1E640] =	vst v63  }
0x5b: {  	s16 =	simm.s32 $0x80  }
0x5c: {  	[tilespmem:s23], [sflag:$0x2] =	stream.indirect.gather [hbm4b:s4+s20], $0x40, s16, s20, $0xb8;
	[tilespmem:$0x1E640] =	vst v63  }
0x5d: {  	s13 =	simm.s32 $0x100  }
0x5e: {  	[tilespmem:s25], [sflag:$0x3] =	stream.indirect.gather [hbm4b:s4+s20], $0x40, s13, s20, $0xb8;
	[tilespmem:$0x1E640] =	vst v63  }
0x5f: {  	s14 =	simm.s32 $0x180  }
0x60: {  	[tilespmem:s28], [sflag:$0x4] =	stream.indirect.gather [hbm4b:s4+s20], $0x40, s14, s20, $0xb8;
	[tilespmem:$0x1E640] =	vst v63  }
0x61: {  	s16 =	simm.s32 $0x200  }
0x62: {  	[tilespmem:s30], [sflag:$0x5] =	stream.indirect.gather [hbm4b:s4+s20], $0x40, s16, s20, $0xb8;
	[tilespmem:$0x1E640] =	vst v63  }
0x63: {  	s13 =	simm.s32 $0x280  }
0x64: {  	[tilespmem:s0], [sflag:$0x6] =	stream.indirect.gather [hbm4b:s4+s20], $0x40, s13, s20, $0xb8;
	[tilespmem:$0x1E640] =	vst v63  }
0x65: {  	s14 =	simm.s32 $0x300  }
0x66: {  	[tilespmem:s15], [sflag:$0x7] =	stream.indirect.gather [hbm4b:s4+s20], $0x40, s14, s20, $0xb8;
	[tilespmem:$0x1E640] =	vst v63  }
0x67: {  	s16 =	simm.s32 $0x380;
	s13 =	simm.s32 $0x0  }
0x68: {  	[tilespmem:s24], [sflag:$0x8] =	stream.indirect.gather [hbm4b:s4+s20], $0x40, s16, s20, $0xb8;
	[tilespmem:$0x1E640] =	vst v63  }
.LBB2_2:
0x69: {  	_ =	swait.ge [sflag:s17], $0x1F40  }
0x6a: {  	s14 =	sshra.s32 s13, $0x2;
	[sflag:s17] =	ssyncset.done $0x0  }
0x6b: {  	s16 =	sadd.s32 $0x2800, s14;
	[sflag:s17] =	ssyncadd.s32 $0xFFFFE0C0  }
0x6c: {  	[spmem:s1] =	stream.indirect.scatter.add.bf16 [tilespmem:s21], [sflag:$0x9], $0x40, s16, s20, $0xb8;
	[tilespmem:$0x1E640] =	vst v63  }
0x6d: {  	_ =	swait.ge [sflag:s18], $0x1F40  }
0x6e: {  	[sflag:s18] =	ssyncset.done $0x0  }
0x6f: {  	s3 =	sadd.s32 $0x2880, s14;
	[sflag:s18] =	ssyncadd.s32 $0xFFFFE0C0  }
0x70: {  	[spmem:s1] =	stream.indirect.scatter.add.bf16 [tilespmem:s23], [sflag:$0xA], $0x40, s3, s20, $0xb8;
	[tilespmem:$0x1E640] =	vst v63  }
0x71: {  	_ =	swait.ge [sflag:s19], $0x1F40  }
0x72: {  	[sflag:s19] =	ssyncset.done $0x0  }
0x73: {  	s3 =	sadd.s32 $0x2900, s14;
	[sflag:s19] =	ssyncadd.s32 $0xFFFFE0C0  }
0x74: {  	[spmem:s1] =	stream.indirect.scatter.add.bf16 [tilespmem:s25], [sflag:$0xB], $0x40, s3, s20, $0xb8;
	[tilespmem:$0x1E640] =	vst v63  }
0x75: {  	_ =	swait.ge [sflag:s26], $0x1F40  }
0x76: {  	[sflag:s26] =	ssyncset.done $0x0  }
0x77: {  	s3 =	sadd.s32 $0x2980, s14;
	[sflag:s26] =	ssyncadd.s32 $0xFFFFE0C0  }
0x78: {  	[spmem:s1] =	stream.indirect.scatter.add.bf16 [tilespmem:s28], [sflag:$0xC], $0x40, s3, s20, $0xb8;
	[tilespmem:$0x1E640] =	vst v63  }
0x79: {  	_ =	swait.ge [sflag:s29], $0x1F40  }
0x7a: {  	[sflag:s29] =	ssyncset.done $0x0  }
0x7b: {  	s3 =	sadd.s32 $0x2A00, s14;
	[sflag:s29] =	ssyncadd.s32 $0xFFFFE0C0  }
0x7c: {  	[spmem:s1] =	stream.indirect.scatter.add.bf16 [tilespmem:s30], [sflag:$0xD], $0x40, s3, s20, $0xb8;
	[tilespmem:$0x1E640] =	vst v63  }
0x7d: {  	_ =	swait.ge [sflag:s31], $0x1F40  }
0x7e: {  	[sflag:s31] =	ssyncset.done $0x0  }
0x7f: {  	s3 =	sadd.s32 $0x2A80, s14;
	[sflag:s31] =	ssyncadd.s32 $0xFFFFE0C0  }
0x80: {  	[spmem:s1] =	stream.indirect.scatter.add.bf16 [tilespmem:s0], [sflag:$0xE], $0x40, s3, s20, $0xb8;
	[tilespmem:$0x1E640] =	vst v63  }
0x81: {  	_ =	swait.ge [sflag:s2], $0x1F40  }
0x82: {  	[sflag:s2] =	ssyncset.done $0x0  }
0x83: {  	s3 =	sadd.s32 $0x2B00, s14;
	[sflag:s2] =	ssyncadd.s32 $0xFFFFE0C0  }
0x84: {  	[spmem:s1] =	stream.indirect.scatter.add.bf16 [tilespmem:s15], [sflag:$0xF], $0x40, s3, s20, $0xb8;
	[tilespmem:$0x1E640] =	vst v63  }
0x85: {  	_ =	swait.ge [sflag:s22], $0x1F40  }
0x86: {  	p1 =	sne.s32 s13, $0x9000;
	[sflag:s22] =	ssyncset.done $0x0  }
.Ltmp2:
0x87: {  	s3 =	sadd.s32 $0x2B80, s14;
	[sflag:s22] =	ssyncadd.s32 $0xFFFFE0C0;
	(pc) =	sbr.rel @!p1 .LBB2_3-.Ltmp2, $4  }
0x88: {  	[spmem:s1] =	stream.indirect.scatter.add.bf16 [tilespmem:s24], [sflag:$0x10], $0x40, s3, s20, $0xb8;
	[tilespmem:$0x1E640] =	vst v63  }
0x89: {  	_ =	swait.ge [sflag:s6], $0x1F40  }
0x8a: {  	[sflag:s6] =	ssyncset.done $0x0  }
0x8b: {  	[sflag:s6] =	ssyncadd.s32 $0xFFFFE0C0  }
0x8c: {  	s16 =	sadd.s32 $0x400, s14  }
0x8d: {  	[tilespmem:s21], [sflag:$0x1] =	stream.indirect.gather [hbm4b:s4+s20], $0x40, s16, s20, $0xb8;
	[tilespmem:$0x1E640] =	vst v63  }
0x8e: {  	_ =	swait.ge [sflag:s7], $0x1F40  }
0x8f: {  	[sflag:s7] =	ssyncset.done $0x0  }
0x90: {  	s3 =	sadd.s32 $0x480, s14;
	[sflag:s7] =	ssyncadd.s32 $0xFFFFE0C0  }
0x91: {  	[tilespmem:s23], [sflag:$0x2] =	stream.indirect.gather [hbm4b:s4+s20], $0x40, s3, s20, $0xb8;
	[tilespmem:$0x1E640] =	vst v63  }
0x92: {  	_ =	swait.ge [sflag:s8], $0x1F40  }
0x93: {  	[sflag:s8] =	ssyncset.done $0x0  }
0x94: {  	s3 =	sadd.s32 $0x500, s14;
	[sflag:s8] =	ssyncadd.s32 $0xFFFFE0C0  }
0x95: {  	[tilespmem:s25], [sflag:$0x3] =	stream.indirect.gather [hbm4b:s4+s20], $0x40, s3, s20, $0xb8;
	[tilespmem:$0x1E640] =	vst v63  }
0x96: {  	_ =	swait.ge [sflag:s9], $0x1F40  }
0x97: {  	[sflag:s9] =	ssyncset.done $0x0  }
0x98: {  	s3 =	sadd.s32 $0x580, s14;
	[sflag:s9] =	ssyncadd.s32 $0xFFFFE0C0  }
0x99: {  	[tilespmem:s28], [sflag:$0x4] =	stream.indirect.gather [hbm4b:s4+s20], $0x40, s3, s20, $0xb8;
	[tilespmem:$0x1E640] =	vst v63  }
0x9a: {  	_ =	swait.ge [sflag:s5], $0x1F40  }
0x9b: {  	[sflag:s5] =	ssyncset.done $0x0  }
0x9c: {  	s3 =	sadd.s32 $0x600, s14;
	[sflag:s5] =	ssyncadd.s32 $0xFFFFE0C0  }
0x9d: {  	[tilespmem:s30], [sflag:$0x5] =	stream.indirect.gather [hbm4b:s4+s20], $0x40, s3, s20, $0xb8;
	[tilespmem:$0x1E640] =	vst v63  }
0x9e: {  	_ =	swait.ge [sflag:s10], $0x1F40  }
0x9f: {  	[sflag:s10] =	ssyncset.done $0x0  }
0xa0: {  	s3 =	sadd.s32 $0x680, s14;
	[sflag:s10] =	ssyncadd.s32 $0xFFFFE0C0  }
0xa1: {  	[tilespmem:s0], [sflag:$0x6] =	stream.indirect.gather [hbm4b:s4+s20], $0x40, s3, s20, $0xb8;
	[tilespmem:$0x1E640] =	vst v63  }
0xa2: {  	_ =	swait.ge [sflag:s11], $0x1F40  }
0xa3: {  	s13 =	sadd.s32 $0x1000, s13;
	[sflag:s11] =	ssyncset.done $0x0  }
0xa4: {  	p1 =	sne.s32 s13, $0xA000;
	s3 =	sadd.s32 $0x700, s14;
	[sflag:s11] =	ssyncadd.s32 $0xFFFFE0C0  }
0xa5: {  	[tilespmem:s15], [sflag:$0x7] =	stream.indirect.gather [hbm4b:s4+s20], $0x40, s3, s20, $0xb8;
	[tilespmem:$0x1E640] =	vst v63  }
.Ltmp3:
0xa6: {  	_ = 	snop;
	(pc) =	sbr.rel @p1 .LBB2_2-.Ltmp3, $4  }
.Ltmp4:
0xa7: {  	_ =	swait.ge [sflag:s12], $0x1F40;
	(pc) =	sbr.rel @!p1 .LBB2_5-.Ltmp4, $4  }
0xa8: {  	[sflag:s12] =	ssyncset.done $0x0  }
0xa9: {  	s16 =	sadd.s32 $0x780, s14;
	[sflag:s12] =	ssyncadd.s32 $0xFFFFE0C0  }
0xaa: {  	[tilespmem:s24], [sflag:$0x8] =	stream.indirect.gather [hbm4b:s4+s20], $0x40, s16, s20, $0xb8;
	[tilespmem:$0x1E640] =	vst v63  }
0xab: {  	_ = 	snop  }
.LBB2_6:
0xac: {  	_ =	sfence.sel $0x180000  }
0xad: {  	[bflag:$0x0] =	sbarrier.arrive $0xFFFF  }
0xae: {  	_ =	strace $0x9000004D  }
0xaf: {  	s0 =	stileid.u32;
	[bflag:$0x2] =	sbarrier.arrive $0xFFFF  }
0xb0: {  	p0 =	sne.s32 s0, $0x0;
	s0 =	rddreg [dreg:$0x2]  }
0xb1: {  	s0 =	sadd.s32 @!p0 $0x100000, s0  }
0xb2: {  	[sflag:s0] =	ssyncadd.tile.s32 @!p0 $0x1;
	_ =	shalt  }
.Lfunc_end2:
_tile_overlayer_lowered:
.L_overlay_start_2:
0xb3: {  	(tag) =	ssettag $0x2  }
0xb4: {  	s0 =	rddreg [dreg:$0x0];
	s2 =	stileid.u32  }
0xb5: {  	s1 =	rddreg [dreg:$0x1];
	p0 =	sne.s32 s2, $0x0  }
0xb6: {  	s3 =	rddreg [dreg:$0x2];
	[bflag:$0x3] =	sbarrier.arrive $0xFFFF;
	s2 =	simm.s32 @!p0 $0x1C11  }
0xb7: {  	[timem:s3], [sflag:s2] =	dma.local @!p0 [hbm:s0], s1  }
0xb8: {  	s0 =	simm.s32 @!p0 $0x11  }
0xb9: {  	_ =	swait.ge @!p0 [sflag:s0], s1  }
0xba: {  	s1 =	ssub.s32 @!p0 $0x0, s1;
	[sflag:s0] =	ssyncset.done @!p0 $0x0  }
0xbb: {  	[sflag:s0] =	ssyncadd.s32 @!p0 s1  }
0xbc: {  	[bflag:$0x3] =	sbarrier.arrive $0xFFFF  }
0xbd: {  	_ =	shalt  }

// kernel: kernel.8.cloned.1.call-start
scs
__scs_entry_jumppad:
0x0: {  	(pc) =	sbr.rel $0x88, $3  }
0x1: {  	(tag) =	ssettag $0x0;
	lr =	simm.s32 $0x1  }
0x2: {  	[smem:$0x3F93] =	sst lr;
	_ =	strace $0xD0000000  }
0x3: {  	_ = 	snop  }
0x4: {  	_ = 	snop  }
0x5: {  	_ = 	snop  }
0x6: {  	_ = 	snop  }
0x7: {  	_ = 	snop  }
__scs_overlays_trampoline_lowered:
0x8: {  	[smem:$0x3FA2] =	sst s0  }
0x9: {  	[smem:$0x3FA3] =	sst s1  }
0xa: {  	[smem:$0x3FA4] =	sst s2  }
0xb: {  	[smem:$0x3FA5] =	sst s3  }
0xc: {  	[smem:$0x3FA6] =	sst s4  }
0xd: {  	[smem:$0x3FA7] =	sst s5  }
0xe: {  	[smem:$0x3FA8] =	sst s6  }
0xf: {  	[smem:$0x3FA9] =	sst s7  }
0x10: {  	[smem:$0x3FAA] =	sst s8  }
0x11: {  	[smem:$0x3FAB] =	sst s9;
	s0 =	simm.s32 @!p0 $0x0  }
0x12: {  	s1 =	sld [smem:$0x3F91];
	s0 =	simm.s32 @p0 $0x1  }
0x13: {  	[smem:$0x3FAC] =	sst s0;
	s0 =	simm.s32 @!p1 $0x0  }
0x14: {  	s2 =	sld [smem:$0x3F90];
	s0 =	simm.s32 @p1 $0x1  }
0x15: {  	[smem:$0x3FAD] =	sst s0;
	s0 =	simm.s32 @!p2 $0x0  }
0x16: {  	s3 =	sld [smem:$0x3FDB];
	s0 =	simm.s32 @p2 $0x1  }
0x17: {  	s4 =	simm.s32 $0x1BF5;
	[smem:$0x3FAF] =	sst s0  }
0x18: {  	s0 =	sld [smem:$0x3F92];
	_ =	swait.ge [sflag:s4], $0x0  }
0x19: {  	s7 =	sld [smem:$0x3F93]  }
0x1a: {  	s8 =	sadd.s32 $0xFFFFE003, lr  }
0x1b: {  	s9 =	sadd.s32 $0xFFFFFEF7, lr;
	s5 =	simm.s32 $0xFFFFFFFF;
	p2 =	slt.u32 s8, $0xFFFFF086  }
0x1c: {  	p1 =	slt.u32 s9, $0xF7A;
	s5 =	simm.s32 @!p2 $0x0  }
0x1d: {  	s5 =	simm.s32 @p1 $0x1;
	p0 =	seq.s32 s7, s2  }
0x1e: {  	s7 =	smul.u32 @!p0 $0xF7A, s2;
	p2 =	seq.s32 @!p0 s5, $0x0  }
0x1f: {  	s9 =	smul.u32 $0xF7A, s1;
	s8 =	simm.s32 @!p0 $0x1BF5;
	p2 =	por !p2, p0  }
0x20: {  	[sflag:s8] =	ssyncset.s32 @!p0 $0xFFFFF086;
	s6 =	sadd.s32 @!p0 s3, s7;
	s7 =	simm.s32 @!p0 $0x108  }
0x21: {  	s3 =	sadd.s32 s3, s9;
	s6 =	sadd.s32 @!p0 $0x88, s6;
	s7 =	simm.s32 @p2 $0x1082  }
0x22: {  	[simem:s7], [sflag:s8] =	dma.local @!p0 [hbm:s6], $0xF7A  }
0x23: {  	s9 =	sor.u32 $0xD0000000, s2;
	s6 =	simm.s32 $0x108;
	_ =	swait.ge @!p0 [sflag:s8], $0x0  }
0x24: {  	s3 =	sadd.s32 $0x88, s3;
	s6 =	simm.s32 @!p1 $0x1082;
	[sflag:s4] =	ssyncset.s32 $0xFFFFF086  }
0x25: {  	[simem:s6], [sflag:s4] =	dma.local [hbm:s3], $0xF7A  }
0x26: {  	[smem:$0x3F93] =	sst s1;
	(tag) =	ssettag s2;
	_ =	strace s9  }
0x27: {  	s1 =	sld [smem:$0x3FA3]  }
0x28: {  	s2 =	sld [smem:$0x3FA4]  }
0x29: {  	s4 =	sld [smem:$0x3FA6]  }
0x2a: {  	p0 =	seq.s32 s5, $0x0;
	s5 =	sld [smem:$0x3FA7]  }
0x2b: {  	s6 =	sld [smem:$0x3FA8]  }
0x2c: {  	s7 =	sld [smem:$0x3FA9]  }
0x2d: {  	s3 =	simm.s32 $0x108;
	s8 =	sld [smem:$0x3FAA]  }
0x2e: {  	s3 =	simm.s32 @!p0 $0x1082;
	s9 =	sld [smem:$0x3FAB]  }
0x2f: {  	lr =	sadd.s32 s0, s3;
	s0 =	sld [smem:$0x3FA2]  }
0x30: {  	s3 =	sld [smem:$0x3FA5]  }
0x31: {  	[smem:$0x3FAE] =	sst s10  }
0x32: {  	s10 =	sld [smem:$0x3FAC];
	_ =	sdelay $0x3  }
0x33: {  	p0 =	seq.s32 s10, $0x1;
	s10 =	sld [smem:$0x3FAE];
	_ =	sdelay $0x3  }
0x34: {  	[smem:$0x3FAE] =	sst s10  }
0x35: {  	s10 =	sld [smem:$0x3FAD];
	_ =	sdelay $0x3  }
0x36: {  	p1 =	seq.s32 s10, $0x1;
	s10 =	sld [smem:$0x3FAE];
	_ =	sdelay $0x3  }
0x37: {  	[smem:$0x3FAE] =	sst s10  }
0x38: {  	s10 =	sld [smem:$0x3FAF]  }
0x39: {  	_ = 	snop;
	(pc) =	sbr.ind lr, $3  }
0x3a: {  	_ = 	snop  }
0x3b: {  	_ = 	snop  }
0x3c: {  	p2 =	seq.s32 s10, $0x1;
	s10 =	sld [smem:$0x3FAE]  }
0x3d: {  	_ =	shalt  }
0x3e: {  	_ =	shalt  }
0x3f: {  	_ =	shalt  }
0x40: {  	_ =	shalt  }
0x41: {  	_ =	shalt  }
0x42: {  	_ =	shalt  }
0x43: {  	_ =	shalt  }
0x44: {  	_ =	shalt  }
0x45: {  	_ =	shalt  }
0x46: {  	_ =	shalt  }
0x47: {  	_ =	shalt  }
0x48: {  	_ =	shalt  }
0x49: {  	_ =	shalt  }
0x4a: {  	_ =	shalt  }
0x4b: {  	_ =	shalt  }
0x4c: {  	_ =	shalt  }
0x4d: {  	_ =	shalt  }
0x4e: {  	_ =	shalt  }
0x4f: {  	_ =	shalt  }
0x50: {  	_ =	shalt  }
0x51: {  	_ =	shalt  }
0x52: {  	_ =	shalt  }
0x53: {  	_ =	shalt  }
0x54: {  	_ =	shalt  }
0x55: {  	_ =	shalt  }
0x56: {  	_ =	shalt  }
0x57: {  	_ =	shalt  }
0x58: {  	_ =	shalt  }
0x59: {  	_ =	shalt  }
0x5a: {  	_ =	shalt  }
0x5b: {  	_ =	shalt  }
0x5c: {  	_ =	shalt  }
0x5d: {  	_ =	shalt  }
0x5e: {  	_ =	shalt  }
0x5f: {  	_ =	shalt  }
0x60: {  	_ =	shalt  }
0x61: {  	_ =	shalt  }
0x62: {  	_ =	shalt  }
0x63: {  	_ =	shalt  }
0x64: {  	_ =	shalt  }
0x65: {  	_ =	shalt  }
0x66: {  	_ =	shalt  }
0x67: {  	_ =	shalt  }
0x68: {  	_ =	shalt  }
0x69: {  	_ =	shalt  }
0x6a: {  	_ =	shalt  }
0x6b: {  	_ =	shalt  }
0x6c: {  	_ =	shalt  }
0x6d: {  	_ =	shalt  }
0x6e: {  	_ =	shalt  }
0x6f: {  	_ =	shalt  }
0x70: {  	_ =	shalt  }
0x71: {  	_ =	shalt  }
0x72: {  	_ =	shalt  }
0x73: {  	_ =	shalt  }
0x74: {  	_ =	shalt  }
0x75: {  	_ =	shalt  }
0x76: {  	_ =	shalt  }
0x77: {  	_ =	shalt  }
0x78: {  	_ =	shalt  }
0x79: {  	_ =	shalt  }
0x7a: {  	_ =	shalt  }
0x7b: {  	_ =	shalt  }
0x7c: {  	_ =	shalt  }
0x7d: {  	_ =	shalt  }
0x7e: {  	_ =	shalt  }
0x7f: {  	_ =	shalt  }
0x80: {  	_ =	shalt  }
0x81: {  	_ =	shalt  }
0x82: {  	_ =	shalt  }
0x83: {  	_ =	shalt  }
0x84: {  	_ =	shalt  }
0x85: {  	_ =	shalt  }
0x86: {  	_ =	shalt  }
0x87: {  	_ =	shalt  }
.Lfunc_end0:
.L_simem_size_0:
called_computation_lowered:
.L_overlay_start_0:
0x88: {  	s2 =	sld [smem:$0x3FD9]  }
0x89: {  	s3 =	sld [smem:$0x3FFE];
	_ =	sdelay $0x1  }
0x8a: {  	s1 =	srdreg.scid  }
0x8b: {  	s0 =	sand.u32 $0x1, s1  }
0x8c: {  	s16 =	sshll.u32 s0, $0xA;
	s2 =	sadd.s32 s3, s2  }
0x8d: {  	s2 =	sadd.s32 s2, s16  }
0x8e: {  	[smem:$0x3FBA] =	sst s2  }
0x8f: {  	_ = 	snop  }
0x90: {  	(tm) =	ssettm $0x1  }
0x91: {  	s17 =	sld [smem:$0x3FFB];
	_ =	sdelay $0x3  }
0x92: {  	_ =	strace s17  }
0x93: {  	s2 =	sld [smem:$0x3FFC];
	_ =	sdelay $0x3  }
0x94: {  	_ =	strace s2  }
0x95: {  	s2 =	sld [smem:$0x3FFD];
	_ =	sdelay $0x3  }
0x96: {  	_ =	strace s2  }
0x97: {  	_ =	strace $0x8FFFFFFF  }
0x98: {  	s18 =	sld [smem:$0x3FDB];
	_ =	sdelay $0x1  }
0x99: {  	s19 =	simm.s32 $_scs_section_size  }
0x9a: {  	s4 =	simm.s32 $_size__tile_overlayer_lowered;
	s5 =	simm.s32 $_tile_overlayer_lowered  }
0x9b: {  	s22 =	simm.s32 $0x1BFF;
	s21 =	sshll.u32 s5, $0x1;
	s2 =	sadd.s32 s19, s18  }
0x9c: {  	s6 =	simm.s32 $0x0;
	s20 =	sshll.u32 s4, $0x1;
	s4 =	sadd.s32 s21, s2  }
0x9d: {  	[timem:s6], [sflag:s22] =	dma.local [hbm:s4], s20  }
0x9e: {  	_ =	swait.ge [sflag:s22], s20  }
0x9f: {  	s3 =	ssub.s32 $0x0, s20;
	[sflag:s22] =	ssyncset.done $0x0  }
0xa0: {  	[sflag:s22] =	ssyncadd.s32 s3;
	_ =	sdelay $0x1  }
0xa1: {  	s23 =	simm.s32 $0x1B8B  }
0xa2: {  	_ =	swait.ge [sflag:s23], $0x1  }
0xa3: {  	[sflag:s23] =	ssyncset.done $0x0  }
0xa4: {  	s25 =	simm.s32 $0x1B8E;
	s24 =	sld [smem:$0x3FFE];
	[sflag:s23] =	ssyncadd.s32 $0xFFFFFFFF  }
0xa5: {  	s26 =	simm.s32 $execute0_lowered;
	[smem:$0x3FD2] =	sst s25  }
0xa6: {  	s4 =	sshll.u32 s26, $0x1;
	_ =	strace $0x80000046;
	[dreg:$0x1] =	wrdreg $0xFFFFFFFF  }
0xa7: {  	s28 =	simm.s32 $_size_execute0_lowered;
	s2 =	sadd.s32 s2, s4;
	[dreg:$0x0] =	wrdreg $0x0  }
0xa8: {  	s4 =	sshll.u32 s28, $0x1;
	[dreg:$0x2] =	wrdreg s2  }
0xa9: {  	[dreg:$0x3] =	wrdreg s4  }
0xaa: {  	[dreg:$0x4] =	wrdreg $0xC0  }
0xab: {  	_ =	task [dreg:s6], $0x5FFFF  }
0xac: {  	[dreg:$0x1] =	wrdreg $0xFFFFFFFF  }
0xad: {  	[dreg:$0x0] =	wrdreg $0x60  }
0xae: {  	[dreg:$0x2] =	wrdreg s24  }
0xaf: {  	[dreg:$0x3] =	wrdreg $0x14A000  }
0xb0: {  	[dreg:$0x4] =	wrdreg $0x9  }
0xb1: {  	_ =	task.clear_ibuf [dreg:s6], $0x5FFFF;
	_ =	strace $0x90000046  }
0xb2: {  	s29 =	simm.s32 $0x9;
	_ =	strace $0x80000048  }
0xb3: {  	_ =	swait.ge [sflag:s29], $0x1  }
0xb4: {  	[sflag:s29] =	ssyncadd.s32 $0xFFFFFFFF  }
0xb5: {  	_ =	strace $0x90000048  }
0xb6: {  	_ =	sfence  }
0xb7: {  	s30 =	sld [smem:$0x0];
	_ =	sdelay $0x2  }
0xb8: {  	s31 =	sshll.u32 s1, $0xD;
	s1 =	sshrl.u32 s1, $0x2  }
0xb9: {  	s3 =	sand.u32 $0x4000, s31;
	s1 =	sadd.s32 s1, s30  }
0xba: {  	s0 =	sor.u32 s3, s0;
	s1 =	sshll.u32 s1, $0x11  }
0xbb: {  	s0 =	sor.u32 s1, s0  }
0xbc: {  	s0 =	sadd.s32 $0x8F2B, s0  }
0xbd: {  	[sflag:s0] =	ssyncadd.remote.s32 $0x1  }
0xbe: {  	_ =	sfence.sel $0xFFFF  }
0xbf: {  	[dreg:$0x0] =	wrdreg $0xFFFFFFFF;
	(pc) =	sbr.abs _section_cstart, $3  }
0xc0: {  	[dreg:$0x1] =	wrdreg $0xFFFFFFFF  }
0xc1: {  	_ =	task.clear_ibuf [dreg:s6], $0x2FFFF;
	_ =	strace $0x9FFFFFFF  }
0xc2: {  	(tm) =	ssettm $0x7FFFFFFF  }
0xc3: {  	_ =	shalt  }
tec
execute0_lowered:
.L_overlay_start_1:
0x0: {  	(tag) =	ssettag $0x1  }
0x1: {  	s0 =	rddreg [dreg:$0x0]  }
0x2: {  	s1 =	rddreg [dreg:$0x1];
	s2 =	srdreg.scid;
	s4 =	simm.s32 $0x0  }
0x3: {  	s10 =	stileid.u32;
	s17 =	simm.s32 $0x1;
	s18 =	simm.s32 $0x2  }
0x4: {  	s19 =	simm.s32 $0x3;
	s28 =	simm.s32 $0xADC0;
	s30 =	simm.s32 $0xCD00  }
0x5: {  	s15 =	simm.s32 $0x10B80;
	s29 =	simm.s32 $0x5;
	s31 =	simm.s32 $0x6  }
0x6: {  	s12 =	simm.s32 $0x10;
	s13 =	simm.s32 $0x0;
	s2 =	sand.u32 $0x1, s2  }
0x7: {  	[smem:$0x7FF] =	sst s4;
	s5 =	smul.u32 $0x13800, s10;
	s4 =	sadd.s32 $0x2A400, s0  }
0x8: {  	s9 =	sadd.s32 $0x3DE00, s0;
	s11 =	sshll.u32 s10, $0x6;
	p0 =	sne.s32 s10, $0xF  }
0x9: {  	s3 =	sshll.u32 s2, $0x4;
	_ =	strace $0x80000047;
	s7 =	ssub.s32 $0x2, s2  }
0xa: {  	s2 =	smul.u32 $0x138800, s2;
	[dreg:$0x3] =	wrdreg s11;
	s21 =	sor.u32 $0x1C01, s11  }
0xb: {  	s11 =	simm.s32 $0xF;
	[dreg:$0xe] =	wrdreg s13;
	s3 =	sor.u32 s10, s3  }
0xc: {  	s6 =	sshrl.u32 s5, $0x4;
	s8 =	sshrl.u32 s7, $0x1;
	s20 =	sshrl.u32 s5, $0x1  }
0xd: {  	[dreg:$0x5] =	wrdreg s21;
	s21 =	simm.s32 $0x5000;
	s10 =	simm.s32 $0xE  }
0xe: {  	s3 =	smul.u32 $0x500, s3;
	s6 =	sadd.s32 s6, s0;
	s7 =	ssub.s32 s7, s8  }
0xf: {  	s8 =	sadd.s32 s20, s1;
	s23 =	sadd.s32 s5, s2;
	s2 =	sshrl.u32 s2, $0x4  }
0x10: {  	s5 =	sadd.s32 $0x9C000, s1;
	s20 =	simm.s32 $0x7D;
	s6 =	sadd.s32 $0x16A00, s6  }
0x11: {  	s2 =	sadd.s32 s9, s2;
	s26 =	smax.u32 s7, $0x1;
	s16 =	sshrl.u32 s8, $0x3  }
0x12: {  	s7 =	simm.s32 $0xA;
	s8 =	simm.s32 $0xB;
	[dreg:$0x4] =	wrdreg s6  }
0x13: {  	s3 =	sadd.s32 s3, s0;
	s0 =	sadd.s32 $0x2A200, s0;
	[dreg:$0xb] =	wrdreg s26  }
0x14: {  	s25 =	sadd.s32 $0x13800, s2;
	s26 =	simm.s32 $0x4;
	[dreg:$0xc] =	wrdreg s16  }
0x15: {  	s2 =	simm.s32 $0x7;
	s6 =	simm.s32 $0x9;
	[dreg:$0x8] =	wrdreg s0  }
0x16: {  	s22 =	sadd.s32 $0xCA00, s3;
	s3 =	sadd.s32 $0x2A00, s3;
	[dreg:$0xa] =	wrdreg s25  }
.Ltmp0:
0x17: {  	s25 =	simm.s32 $0x8E80;
	[dreg:$0x6] =	wrdreg s22;
	(pc) =	sbr.rel .LBB2_1-.Ltmp0, $4  }
0x18: {  	s0 =	simm.s32 $0xEC40;
	[dreg:$0x7] =	wrdreg s3;
	s3 =	sshrl.u32 s23, $0x4  }
0x19: {  	s23 =	simm.s32 $0x6F40;
	s22 =	simm.s32 $0x8;
	s24 =	sadd.s32 s9, s3  }
0x1a: {  	s3 =	sshrl.u32 @!p0 s5, $0x3;
	s9 =	simm.s32 $0xC;
	[dreg:$0x9] =	wrdreg s24  }
0x1b: {  	s5 =	simm.s32 $0xD;
	s24 =	simm.s32 $0x12AC0;
	[dreg:$0xd] =	wrdreg s3  }
.LBB2_3:
0x1c: {  	_ =	swait.ge [sflag:s7], $0x1F40  }
0x1d: {  	[sflag:s7] =	ssyncset.done $0x0  }
0x1e: {  	[sflag:s7] =	ssyncadd.s32 $0xFFFFE0C0  }
0x1f: {  	_ =	swait.ge [sflag:s8], $0x1F40  }
0x20: {  	[sflag:s8] =	ssyncset.done $0x0  }
0x21: {  	[sflag:s8] =	ssyncadd.s32 $0xFFFFE0C0  }
0x22: {  	_ =	swait.ge [sflag:s9], $0x1F40  }
0x23: {  	[sflag:s9] =	ssyncset.done $0x0  }
0x24: {  	[sflag:s9] =	ssyncadd.s32 $0xFFFFE0C0  }
0x25: {  	_ =	swait.ge [sflag:s5], $0x1F40  }
0x26: {  	[sflag:s5] =	ssyncset.done $0x0  }
0x27: {  	[sflag:s5] =	ssyncadd.s32 $0xFFFFE0C0  }
0x28: {  	_ =	swait.ge [sflag:s10], $0x1F40  }
0x29: {  	[sflag:s10] =	ssyncset.done $0x0  }
0x2a: {  	[sflag:s10] =	ssyncadd.s32 $0xFFFFE0C0  }
0x2b: {  	_ =	swait.ge [sflag:s11], $0x1F40  }
0x2c: {  	[sflag:s11] =	ssyncset.done $0x0  }
0x2d: {  	[sflag:s11] =	ssyncadd.s32 $0xFFFFE0C0  }
0x2e: {  	_ =	swait.ge [sflag:s12], $0x1F40  }
0x2f: {  	[sflag:s12] =	ssyncset.done $0x0  }
0x30: {  	[sflag:s12] =	ssyncadd.s32 $0xFFFFE0C0  }
.LBB2_5:
0x31: {  	[bflag:$0x0] =	sbarrier.arrive $0xFFFF  }
0x32: {  	s13 =	rddreg [dreg:$0x3]  }
0x33: {  	s14 =	rddreg [dreg:$0x9]  }
0x34: {  	s3 =	simm.s32 $0x11;
	s16 =	rddreg [dreg:$0xc];
	s13 =	sor.u32 $0x1C11, s13  }
0x35: {  	[hbm:s14], [sflag:s13] =	dma.local [spmem:s16], $0x1380  }
0x36: {  	_ =	swait.ge [sflag:s3], $0x1380  }
0x37: {  	[sflag:s3] =	ssyncset.done $0x0;
	s14 =	rddreg [dreg:$0xa]  }
0x38: {  	[sflag:s3] =	ssyncadd.s32 $0xFFFFEC80;
	s3 =	rddreg [dreg:$0xd]  }
0x39: {  	[hbm:s14], [sflag:s13] =	dma.local @!p0 [spmem:s3], $0x80  }
0x3a: {  	s13 =	simm.s32 @!p0 $0x11  }
0x3b: {  	_ =	swait.ge @!p0 [sflag:s13], $0x80  }
0x3c: {  	s21 =	rddreg [dreg:$0xe]  }
0x3d: {  	s14 =	rddreg [dreg:$0xb];
	s21 =	sadd.s32 $0x1, s21  }
0x3e: {  	p1 =	sne.s32 s21, s14  }
.Ltmp1:
0x3f: {  	_ = 	snop;
	(pc) =	sbr.rel @!p1 .LBB2_6-.Ltmp1, $3  }
0x40: {  	_ =	sdelay $0x1  }
0x41: {  	[sflag:s13] =	ssyncset.done @!p0 $0x0  }
0x42: {  	[sflag:s13] =	ssyncadd.s32 @!p0 $0xFFFFFF80;
	[dreg:$0xe] =	wrdreg s21;
	s21 =	simm.s32 $0x5000  }
.LBB2_1:
0x43: {  	s13 =	rddreg [dreg:$0x4]  }
0x44: {  	s14 =	rddreg [dreg:$0x5]  }
0x45: {  	[spmem:s16], [sflag:s14] =	dma.local [hbm:s13], $0x1380  }
0x46: {  	s14 =	simm.s32 $0x0;
	s13 =	rddreg [dreg:$0x6]  }
0x47: {  	[tilespmem:s14], [sflag:$0x2] =	stream.linear.gather [hbm4b:s13+s14], $0x2800, $0x38;
	[tilespmem:$0x1E640] =	vst v63  }
0x48: {  	s16 =	simm.s32 $0x2800;
	s13 =	rddreg [dreg:$0x7]  }
0x49: {  	[tilespmem:s16], [sflag:$0x3] =	stream.linear.gather [hbm4b:s13+s14], $0x2800, $0x38;
	[tilespmem:$0x1E640] =	vst v63  }
0x4a: {  	s13 =	simm.s32 @!p0 $0x1FC4;
	s16 =	rddreg [dreg:$0x8]  }
0x4b: {  	[spmem:s3], [sflag:s13] =	dma.local @!p0 [hbm:s16], $0x80  }
0x4c: {  	s13 =	simm.s32 @!p0 $0x4  }
0x4d: {  	_ =	swait.ge @!p0 [sflag:s13], $0x80  }
0x4e: {  	[sflag:s13] =	ssyncset.done @!p0 $0x0  }
0x4f: {  	[sflag:s13] =	ssyncadd.s32 @!p0 $0xFFFFFF80  }
0x50: {  	_ =	swait.ge [sflag:s17], $0x1380  }
0x51: {  	[sflag:s17] =	ssyncset.done $0x0  }
0x52: {  	[sflag:s17] =	ssyncadd.s32 $0xFFFFEC80  }
0x53: {  	_ =	swait.ge [sflag:s18], $0x2800  }
0x54: {  	[sflag:s18] =	ssyncset.done $0x0  }
0x55: {  	[sflag:s18] =	ssyncadd.s32 $0xFFFFD800  }
0x56: {  	_ =	swait.ge [sflag:s19], $0x2800  }
0x57: {  	[sflag:s19] =	ssyncset.done $0x0  }
0x58: {  	[sflag:s19] =	ssyncadd.s32 $0xFFFFD800  }
0x59: {  	[bflag:$0x0] =	sbarrier.arrive $0xFFFF  }
0x5a: {  	[tilespmem:s21], [sflag:$0x1] =	stream.indirect.gather [hbm4b:s4+s20], $0x40, s14, s20, $0xb8;
	[tilespmem:$0x1E640] =	vst v63  }
0x5b: {  	s16 =	simm.s32 $0x80  }
0x5c: {  	[tilespmem:s23], [sflag:$0x2] =	stream.indirect.gather [hbm4b:s4+s20], $0x40, s16, s20, $0xb8;
	[tilespmem:$0x1E640] =	vst v63  }
0x5d: {  	s13 =	simm.s32 $0x100  }
0x5e: {  	[tilespmem:s25], [sflag:$0x3] =	stream.indirect.gather [hbm4b:s4+s20], $0x40, s13, s20, $0xb8;
	[tilespmem:$0x1E640] =	vst v63  }
0x5f: {  	s14 =	simm.s32 $0x180  }
0x60: {  	[tilespmem:s28], [sflag:$0x4] =	stream.indirect.gather [hbm4b:s4+s20], $0x40, s14, s20, $0xb8;
	[tilespmem:$0x1E640] =	vst v63  }
0x61: {  	s16 =	simm.s32 $0x200  }
0x62: {  	[tilespmem:s30], [sflag:$0x5] =	stream.indirect.gather [hbm4b:s4+s20], $0x40, s16, s20, $0xb8;
	[tilespmem:$0x1E640] =	vst v63  }
0x63: {  	s13 =	simm.s32 $0x280  }
0x64: {  	[tilespmem:s0], [sflag:$0x6] =	stream.indirect.gather [hbm4b:s4+s20], $0x40, s13, s20, $0xb8;
	[tilespmem:$0x1E640] =	vst v63  }
0x65: {  	s14 =	simm.s32 $0x300  }
0x66: {  	[tilespmem:s15], [sflag:$0x7] =	stream.indirect.gather [hbm4b:s4+s20], $0x40, s14, s20, $0xb8;
	[tilespmem:$0x1E640] =	vst v63  }
0x67: {  	s16 =	simm.s32 $0x380;
	s13 =	simm.s32 $0x0  }
0x68: {  	[tilespmem:s24], [sflag:$0x8] =	stream.indirect.gather [hbm4b:s4+s20], $0x40, s16, s20, $0xb8;
	[tilespmem:$0x1E640] =	vst v63  }
.LBB2_2:
0x69: {  	_ =	swait.ge [sflag:s17], $0x1F40  }
0x6a: {  	s14 =	sshra.s32 s13, $0x2;
	[sflag:s17] =	ssyncset.done $0x0  }
0x6b: {  	s16 =	sadd.s32 $0x2800, s14;
	[sflag:s17] =	ssyncadd.s32 $0xFFFFE0C0  }
0x6c: {  	[spmem:s1] =	stream.indirect.scatter.add.bf16 [tilespmem:s21], [sflag:$0x9], $0x40, s16, s20, $0xb8;
	[tilespmem:$0x1E640] =	vst v63  }
0x6d: {  	_ =	swait.ge [sflag:s18], $0x1F40  }
0x6e: {  	[sflag:s18] =	ssyncset.done $0x0  }
0x6f: {  	s3 =	sadd.s32 $0x2880, s14;
	[sflag:s18] =	ssyncadd.s32 $0xFFFFE0C0  }
0x70: {  	[spmem:s1] =	stream.indirect.scatter.add.bf16 [tilespmem:s23], [sflag:$0xA], $0x40, s3, s20, $0xb8;
	[tilespmem:$0x1E640] =	vst v63  }
0x71: {  	_ =	swait.ge [sflag:s19], $0x1F40  }
0x72: {  	[sflag:s19] =	ssyncset.done $0x0  }
0x73: {  	s3 =	sadd.s32 $0x2900, s14;
	[sflag:s19] =	ssyncadd.s32 $0xFFFFE0C0  }
0x74: {  	[spmem:s1] =	stream.indirect.scatter.add.bf16 [tilespmem:s25], [sflag:$0xB], $0x40, s3, s20, $0xb8;
	[tilespmem:$0x1E640] =	vst v63  }
0x75: {  	_ =	swait.ge [sflag:s26], $0x1F40  }
0x76: {  	[sflag:s26] =	ssyncset.done $0x0  }
0x77: {  	s3 =	sadd.s32 $0x2980, s14;
	[sflag:s26] =	ssyncadd.s32 $0xFFFFE0C0  }
0x78: {  	[spmem:s1] =	stream.indirect.scatter.add.bf16 [tilespmem:s28], [sflag:$0xC], $0x40, s3, s20, $0xb8;
	[tilespmem:$0x1E640] =	vst v63  }
0x79: {  	_ =	swait.ge [sflag:s29], $0x1F40  }
0x7a: {  	[sflag:s29] =	ssyncset.done $0x0  }
0x7b: {  	s3 =	sadd.s32 $0x2A00, s14;
	[sflag:s29] =	ssyncadd.s32 $0xFFFFE0C0  }
0x7c: {  	[spmem:s1] =	stream.indirect.scatter.add.bf16 [tilespmem:s30], [sflag:$0xD], $0x40, s3, s20, $0xb8;
	[tilespmem:$0x1E640] =	vst v63  }
0x7d: {  	_ =	swait.ge [sflag:s31], $0x1F40  }
0x7e: {  	[sflag:s31] =	ssyncset.done $0x0  }
0x7f: {  	s3 =	sadd.s32 $0x2A80, s14;
	[sflag:s31] =	ssyncadd.s32 $0xFFFFE0C0  }
0x80: {  	[spmem:s1] =	stream.indirect.scatter.add.bf16 [tilespmem:s0], [sflag:$0xE], $0x40, s3, s20, $0xb8;
	[tilespmem:$0x1E640] =	vst v63  }
0x81: {  	_ =	swait.ge [sflag:s2], $0x1F40  }
0x82: {  	[sflag:s2] =	ssyncset.done $0x0  }
0x83: {  	s3 =	sadd.s32 $0x2B00, s14;
	[sflag:s2] =	ssyncadd.s32 $0xFFFFE0C0  }
0x84: {  	[spmem:s1] =	stream.indirect.scatter.add.bf16 [tilespmem:s15], [sflag:$0xF], $0x40, s3, s20, $0xb8;
	[tilespmem:$0x1E640] =	vst v63  }
0x85: {  	_ =	swait.ge [sflag:s22], $0x1F40  }
0x86: {  	p1 =	sne.s32 s13, $0x9000;
	[sflag:s22] =	ssyncset.done $0x0  }
.Ltmp2:
0x87: {  	s3 =	sadd.s32 $0x2B80, s14;
	[sflag:s22] =	ssyncadd.s32 $0xFFFFE0C0;
	(pc) =	sbr.rel @!p1 .LBB2_3-.Ltmp2, $4  }
0x88: {  	[spmem:s1] =	stream.indirect.scatter.add.bf16 [tilespmem:s24], [sflag:$0x10], $0x40, s3, s20, $0xb8;
	[tilespmem:$0x1E640] =	vst v63  }
0x89: {  	_ =	swait.ge [sflag:s6], $0x1F40  }
0x8a: {  	[sflag:s6] =	ssyncset.done $0x0  }
0x8b: {  	[sflag:s6] =	ssyncadd.s32 $0xFFFFE0C0  }
0x8c: {  	s16 =	sadd.s32 $0x400, s14  }
0x8d: {  	[tilespmem:s21], [sflag:$0x1] =	stream.indirect.gather [hbm4b:s4+s20], $0x40, s16, s20, $0xb8;
	[tilespmem:$0x1E640] =	vst v63  }
0x8e: {  	_ =	swait.ge [sflag:s7], $0x1F40  }
0x8f: {  	[sflag:s7] =	ssyncset.done $0x0  }
0x90: {  	s3 =	sadd.s32 $0x480, s14;
	[sflag:s7] =	ssyncadd.s32 $0xFFFFE0C0  }
0x91: {  	[tilespmem:s23], [sflag:$0x2] =	stream.indirect.gather [hbm4b:s4+s20], $0x40, s3, s20, $0xb8;
	[tilespmem:$0x1E640] =	vst v63  }
0x92: {  	_ =	swait.ge [sflag:s8], $0x1F40  }
0x93: {  	[sflag:s8] =	ssyncset.done $0x0  }
0x94: {  	s3 =	sadd.s32 $0x500, s14;
	[sflag:s8] =	ssyncadd.s32 $0xFFFFE0C0  }
0x95: {  	[tilespmem:s25], [sflag:$0x3] =	stream.indirect.gather [hbm4b:s4+s20], $0x40, s3, s20, $0xb8;
	[tilespmem:$0x1E640] =	vst v63  }
0x96: {  	_ =	swait.ge [sflag:s9], $0x1F40  }
0x97: {  	[sflag:s9] =	ssyncset.done $0x0  }
0x98: {  	s3 =	sadd.s32 $0x580, s14;
	[sflag:s9] =	ssyncadd.s32 $0xFFFFE0C0  }
0x99: {  	[tilespmem:s28], [sflag:$0x4] =	stream.indirect.gather [hbm4b:s4+s20], $0x40, s3, s20, $0xb8;
	[tilespmem:$0x1E640] =	vst v63  }
0x9a: {  	_ =	swait.ge [sflag:s5], $0x1F40  }
0x9b: {  	[sflag:s5] =	ssyncset.done $0x0  }
0x9c: {  	s3 =	sadd.s32 $0x600, s14;
	[sflag:s5] =	ssyncadd.s32 $0xFFFFE0C0  }
0x9d: {  	[tilespmem:s30], [sflag:$0x5] =	stream.indirect.gather [hbm4b:s4+s20], $0x40, s3, s20, $0xb8;
	[tilespmem:$0x1E640] =	vst v63  }
0x9e: {  	_ =	swait.ge [sflag:s10], $0x1F40  }
0x9f: {  	[sflag:s10] =	ssyncset.done $0x0  }
0xa0: {  	s3 =	sadd.s32 $0x680, s14;
	[sflag:s10] =	ssyncadd.s32 $0xFFFFE0C0  }
0xa1: {  	[tilespmem:s0], [sflag:$0x6] =	stream.indirect.gather [hbm4b:s4+s20], $0x40, s3, s20, $0xb8;
	[tilespmem:$0x1E640] =	vst v63  }
0xa2: {  	_ =	swait.ge [sflag:s11], $0x1F40  }
0xa3: {  	s13 =	sadd.s32 $0x1000, s13;
	[sflag:s11] =	ssyncset.done $0x0  }
0xa4: {  	p1 =	sne.s32 s13, $0xA000;
	s3 =	sadd.s32 $0x700, s14;
	[sflag:s11] =	ssyncadd.s32 $0xFFFFE0C0  }
0xa5: {  	[tilespmem:s15], [sflag:$0x7] =	stream.indirect.gather [hbm4b:s4+s20], $0x40, s3, s20, $0xb8;
	[tilespmem:$0x1E640] =	vst v63  }
.Ltmp3:
0xa6: {  	_ = 	snop;
	(pc) =	sbr.rel @p1 .LBB2_2-.Ltmp3, $4  }
.Ltmp4:
0xa7: {  	_ =	swait.ge [sflag:s12], $0x1F40;
	(pc) =	sbr.rel @!p1 .LBB2_5-.Ltmp4, $4  }
0xa8: {  	[sflag:s12] =	ssyncset.done $0x0  }
0xa9: {  	s16 =	sadd.s32 $0x780, s14;
	[sflag:s12] =	ssyncadd.s32 $0xFFFFE0C0  }
0xaa: {  	[tilespmem:s24], [sflag:$0x8] =	stream.indirect.gather [hbm4b:s4+s20], $0x40, s16, s20, $0xb8;
	[tilespmem:$0x1E640] =	vst v63  }
0xab: {  	_ = 	snop  }
.LBB2_6:
0xac: {  	_ =	sfence.sel $0x180000  }
0xad: {  	[bflag:$0x0] =	sbarrier.arrive $0xFFFF  }
0xae: {  	_ =	strace $0x90000047  }
0xaf: {  	s0 =	stileid.u32;
	[bflag:$0x2] =	sbarrier.arrive $0xFFFF  }
0xb0: {  	p0 =	sne.s32 s0, $0x0;
	s0 =	rddreg [dreg:$0x2]  }
0xb1: {  	s0 =	sadd.s32 @!p0 $0x100000, s0  }
0xb2: {  	[sflag:s0] =	ssyncadd.tile.s32 @!p0 $0x1;
	_ =	shalt  }
.Lfunc_end2:
_tile_overlayer_lowered:
.L_overlay_start_2:
0xb3: {  	(tag) =	ssettag $0x2  }
0xb4: {  	s0 =	rddreg [dreg:$0x0];
	s2 =	stileid.u32  }
0xb5: {  	s1 =	rddreg [dreg:$0x1];
	p0 =	sne.s32 s2, $0x0  }
0xb6: {  	s3 =	rddreg [dreg:$0x2];
	[bflag:$0x3] =	sbarrier.arrive $0xFFFF;
	s2 =	simm.s32 @!p0 $0x1C11  }
0xb7: {  	[timem:s3], [sflag:s2] =	dma.local @!p0 [hbm:s0], s1  }
0xb8: {  	s0 =	simm.s32 @!p0 $0x11  }
0xb9: {  	_ =	swait.ge @!p0 [sflag:s0], s1  }
0xba: {  	s1 =	ssub.s32 @!p0 $0x0, s1;
	[sflag:s0] =	ssyncset.done @!p0 $0x0  }
0xbb: {  	[sflag:s0] =	ssyncadd.s32 @!p0 s1  }
0xbc: {  	[bflag:$0x3] =	sbarrier.arrive $0xFFFF  }
0xbd: {  	_ =	shalt  }

</sc_bundles>
